<compile_context>
chip_gen: v7x
topology: tpu7x:2x2x1
jax: 0.10.2.dev20260603
libtpu: 0.0.44.dev20260713+nightly
codegen_flags: <defaults>
</compile_context>

<pallas_src>
import functools

import jax
import jax.numpy as jnp
from jax import lax
from jax.experimental import pallas as pl
from jax.experimental.pallas import tpu as pltpu
from jax.experimental.pallas import tpu_sc as plsc

N = 10000
E = 80000
F = 128
H = 32
H2 = 64
D = 64
STEPS = 6

NC = 2
NS = 16
NW = NC * NS
CH = 128
CPW = 20
EPAD = NW * CPW * CH
NPAD = 10112
RPT = NPAD // NS
BE = 512
ECH = E // CH

_f32 = jnp.float32
_bf16 = jnp.bfloat16
_VMEM100 = pltpu.CompilerParams(vmem_limit_bytes=100 * 1024 * 1024)


def _leaky(t):
    return jnp.where(t > 0, t, 0.1 * t)


def _dotbf(a, b):
    return jax.lax.dot_general(
        a.astype(_bf16), b.astype(_bf16), (((a.ndim - 1,), (0,)), ((), ())),
        preferred_element_type=_f32)


def _b16(t):
    return t.astype(_bf16).astype(_f32)


def _pro_body(x_ref, ef_ref, pw_ref, pb_ref, w2_ref, b2_ref,
              h0_ref, nl_ref, ne_ref):
    xv = x_ref[...]
    mu = jnp.mean(xv, axis=0, keepdims=True)
    var = jnp.mean((xv - mu) ** 2, axis=0, keepdims=True)
    nx = (xv - mu) / (jnp.sqrt(var) + 1e-6)
    h0_ref[...] = jnp.maximum(_dotbf(nx, pw_ref[...]) + pb_ref[...], 0.0)
    nl_ref[...] = _leaky(_dotbf(nx, w2_ref[...]) + b2_ref[...])
    ef = ef_ref[...]
    emu = jnp.mean(ef)
    evar = jnp.mean((ef - emu) ** 2)
    ne_ref[...] = (ef - emu) / (jnp.sqrt(evar) + 1e-6)


_prologue = pl.pallas_call(
    _pro_body,
    compiler_params=_VMEM100,
    out_shape=[
        jax.ShapeDtypeStruct((N, H), _f32),
        jax.ShapeDtypeStruct((N, H), _f32),
        jax.ShapeDtypeStruct((ECH, CH), _f32),
    ])


_sc_mesh = plsc.VectorSubcoreMesh(core_axis_name="c", subcore_axis_name="s")


@functools.partial(
    pl.kernel,
    out_type=jax.ShapeDtypeStruct((EPAD, H), _f32),
    mesh=_sc_mesh,
    scratch_types=[
        pltpu.VMEM((CPW, CH), jnp.int32),
        pltpu.VMEM((CH, H), _f32),
        pltpu.SemaphoreType.DMA,
    ],
    compiler_params=pltpu.CompilerParams(use_tc_tiling_on_sc=False),
)
def _sc_gather(h_hbm, src_hbm, out_hbm, src_v, gbuf, sem):
    cid = lax.axis_index("c")
    sid = lax.axis_index("s")
    wid = cid * NS + sid
    pltpu.sync_copy(src_hbm.at[wid], src_v)

    def chunk(j, carry):
        pltpu.async_copy(h_hbm.at[src_v.at[j]], gbuf, sem).wait()
        base = (wid * CPW + j) * CH
        pltpu.sync_copy(gbuf, out_hbm.at[pl.ds(base, CH)])
        return carry

    lax.fori_loop(0, CPW, chunk, 0)


def _msg_body(ne_ref, w1_ref, b1e_ref, w2_ref, b2e_ref, hs_ref, msg_ref):
    ne16 = _b16(ne_ref[...])
    w16 = _b16(w1_ref[...])
    a = jnp.maximum(ne16 * w16 + b1e_ref[...], 0.0)
    ew = _dotbf(a, w2_ref[...]) + b2e_ref[...]
    ew16 = _b16(ew)
    hs16 = _b16(hs_ref[...])
    msg = hs16[:, 0:1] * ew16[:, 0:H]
    for i in range(1, H):
        msg = msg + hs16[:, i:i + 1] * ew16[:, i * H:(i + 1) * H]
    b = pl.program_id(0)
    rows = lax.broadcasted_iota(jnp.int32, (BE, 1), 0) + b * BE
    msg_ref[...] = jnp.where(rows < E, msg, 0.0)


_msg = pl.pallas_call(
    _msg_body,
    grid=(EPAD // BE,),
    in_specs=[
        pl.BlockSpec((BE, 1), lambda b: (b, 0)),
        pl.BlockSpec((1, H), lambda b: (0, 0)),
        pl.BlockSpec((1, H), lambda b: (0, 0)),
        pl.BlockSpec((H, H * H), lambda b: (0, 0)),
        pl.BlockSpec((1, H * H), lambda b: (0, 0)),
        pl.BlockSpec((BE, H), lambda b: (b, 0)),
    ],
    out_specs=pl.BlockSpec((BE, H), lambda b: (b, 0)),
    out_shape=jax.ShapeDtypeStruct((EPAD, H), _f32),
    compiler_params=_VMEM100)


@functools.partial(
    pl.kernel,
    out_type=jax.ShapeDtypeStruct((NC, NPAD, H), _f32),
    mesh=_sc_mesh,
    scratch_types=[
        pltpu.VMEM((CPW, CH), jnp.int32),
        pltpu.VMEM((CH, H), _f32),
        pltpu.VMEM_SHARED((NPAD, H), _f32),
        pltpu.SemaphoreType.DMA,
    ],
    compiler_params=pltpu.CompilerParams(use_tc_tiling_on_sc=False),
)
def _sc_scatter(msg_hbm, dst_hbm, z_hbm, out_hbm, dst_v, mbuf, acc, sem):
    cid = lax.axis_index("c")
    sid = lax.axis_index("s")
    wid = cid * NS + sid
    pltpu.sync_copy(z_hbm.at[pl.ds(sid * RPT, RPT)],
                    acc.at[pl.ds(sid * RPT, RPT)])
    pltpu.sync_copy(dst_hbm.at[wid], dst_v)
    plsc.subcore_barrier()

    def chunk(j, carry):
        base = (wid * CPW + j) * CH
        pltpu.sync_copy(msg_hbm.at[pl.ds(base, CH)], mbuf)
        pltpu.sync_copy(mbuf, acc.at[dst_v.at[j]], add=True)
        return carry

    lax.fori_loop(0, CPW, chunk, 0)
    plsc.subcore_barrier()
    pltpu.sync_copy(acc.at[pl.ds(sid * RPT, RPT)],
                    out_hbm.at[cid, pl.ds(sid * RPT, RPT)])


def _gru_body(part_ref, hid_ref, wih_ref, whh_ref, bih_ref, bhh_ref,
              nb_ref, h_ref):
    agg = part_ref[0, :N, :] + part_ref[1, :N, :] + nb_ref[...]
    m = jnp.maximum(agg, 0.0)
    hid = hid_ref[...]
    gi = _dotbf(m, wih_ref[...]) + bih_ref[...]
    gh = _dotbf(hid, whh_ref[...]) + bhh_ref[...]
    r = jax.nn.sigmoid(gi[:, :H] + gh[:, :H])
    z = jax.nn.sigmoid(gi[:, H:2 * H] + gh[:, H:2 * H])
    nn = jnp.tanh(gi[:, 2 * H:] + r * gh[:, 2 * H:])
    h_ref[...] = (1.0 - z) * nn + z * hid


_gru = pl.pallas_call(
    _gru_body,
    out_shape=jax.ShapeDtypeStruct((N, H), _f32),
    compiler_params=_VMEM100)


def _epi_body(h_ref, nlp_ref, hp_ref, mask_ref, dfs_ref, w1_ref, b1_ref,
              w3_ref, b3_ref, w4_ref, b4_ref, out_ref):
    mp = _leaky(h_ref[...])
    maskf = (mask_ref[...] == 1).astype(_f32)
    dsum = _dotbf(maskf, mp)
    mu = jnp.mean(dsum, axis=0, keepdims=True)
    var = jnp.mean((dsum - mu) ** 2, axis=0, keepdims=True)
    dev_sum = (dsum - mu) / (jnp.sqrt(var) + 1e-6)
    dfs = dfs_ref[...]
    dmu = jnp.mean(dfs, axis=0, keepdims=True)
    dvar = jnp.mean((dfs - dmu) ** 2, axis=0, keepdims=True)
    ndf = (dfs - dmu) / (jnp.sqrt(dvar) + 1e-6)
    dev_emb = _leaky(_dotbf(ndf, w1_ref[...]) + b1_ref[...])
    rep_l = jnp.broadcast_to(nlp_ref[...], (D, H))
    rep_e = jnp.broadcast_to(_leaky(hp_ref[...]), (D, H))
    concat = jnp.concatenate([dev_emb, rep_l, rep_e, dev_sum], axis=1)
    hh = _leaky(_dotbf(concat, w3_ref[...]) + b3_ref[...])
    out_ref[...] = _dotbf(hh, w4_ref[...]) + b4_ref[...]


_epilogue = pl.pallas_call(
    _epi_body,
    out_shape=jax.ShapeDtypeStruct((D, 1), _f32),
    compiler_params=_VMEM100)


def kernel(x, edge_feat, device_feat_state, edge_index, device_assign_state,
           pred_node, proj_W, proj_b, eW1, eb1, eW2, eb2, nn_bias, W_ih,
           W_hh, b_ih, b_hh, W1, b1, W2, b2, W3, b3, W4, b4):
    ef2 = edge_feat.reshape(ECH, CH)
    h0, nl, ne2 = _prologue(x, ef2, proj_W, proj_b.reshape(1, H),
                            W2, b2.reshape(1, H))
    pad = EPAD - E
    ne_pad = jnp.pad(ne2.reshape(-1), (0, pad)).reshape(EPAD, 1)
    src3 = jnp.pad(edge_index[0], (0, pad)).reshape(NW, CPW, CH)
    dst3 = jnp.pad(edge_index[1], (0, pad)).reshape(NW, CPW, CH)
    zeros = jnp.zeros((NPAD, H), _f32)
    eb1r = eb1.reshape(1, H)
    eb2r = eb2.reshape(1, H * H)
    bih = b_ih.reshape(1, 3 * H)
    bhh = b_hh.reshape(1, 3 * H)
    nb = nn_bias.reshape(1, H)
    h = h0
    for _ in range(STEPS):
        hs = _sc_gather(h, src3)
        msg = _msg(ne_pad, eW1, eb1r, eW2, eb2r, hs)
        part = _sc_scatter(msg, dst3, zeros)
        h = _gru(part, h, W_ih, W_hh, bih, bhh, nb)
    nlp = lax.dynamic_slice(nl, (pred_node, 0), (1, H))
    hp = lax.dynamic_slice(h, (pred_node, 0), (1, H))
    out = _epilogue(h, nlp, hp, device_assign_state, device_feat_state,
                    W1, b1.reshape(1, H), W3, b3.reshape(1, H2),
                    W4, b4.reshape(1, 1))
    return out.reshape(-1)

# --- scband reference (transcript-rebuilt; emitter-appended) ---
"""Pipeline reference for scband-device-policy-13477607375251 (READ-ONLY COPY).

The authoritative reference and input builder live on the scoring server;
editing this copy changes nothing except your own understanding.
"""

import jax, jax.numpy as jnp
import numpy as np

N = 10000
E = 80000
F = 128
H1 = 32
H2 = 64
D = 64
DF = 8
STEPS = 6


def _normalize(x):
    mean = x.mean(axis=0)
    std = x.std(axis=0)
    return (x - mean) / (std + 1e-6)


def _leaky(x):
    return jnp.where(x > 0, x, 0.1 * x)


def setup_inputs(seed: int = 0):
    key = jax.random.key(seed)
    ks = jax.random.split(key, 26)
    inp = {}
    inp["x"] = jax.random.normal(ks[0], (N, F), jnp.float32)
    inp["edge_feat"] = jax.random.normal(ks[1], (E, 1), jnp.float32)
    inp["device_feat_state"] = jax.random.normal(ks[2], (D, DF), jnp.float32)
    inp["edge_index"] = jax.random.randint(ks[3], (2, E), 0, N, dtype=jnp.int32)
    inp["device_assign_state"] = jax.random.randint(ks[4], (D, N), 0, 2, dtype=jnp.int32)
    inp["pred_node"] = 1234
    inp["proj_W"] = jax.random.normal(ks[5], (F, H1)) * (1.0 / np.sqrt(F))
    inp["proj_b"] = jnp.zeros((H1,))
    inp["eW1"] = jax.random.normal(ks[6], (1, H1)) * 0.5
    inp["eb1"] = jnp.zeros((H1,))
    inp["eW2"] = jax.random.normal(ks[7], (H1, H1 * H1)) * (1.0 / np.sqrt(H1))
    inp["eb2"] = jnp.zeros((H1 * H1,))
    inp["nn_bias"] = jnp.zeros((H1,))
    inp["W_ih"] = jax.random.normal(ks[8], (H1, 3 * H1)) * (1.0 / np.sqrt(H1))
    inp["W_hh"] = jax.random.normal(ks[9], (H1, 3 * H1)) * (1.0 / np.sqrt(H1))
    inp["b_ih"] = jnp.zeros((3 * H1,))
    inp["b_hh"] = jnp.zeros((3 * H1,))
    inp["W1"] = jax.random.normal(ks[10], (DF, H1)) * (1.0 / np.sqrt(DF))
    inp["b1"] = jnp.zeros((H1,))
    inp["W2"] = jax.random.normal(ks[11], (F, H1)) * (1.0 / np.sqrt(F))
    inp["b2"] = jnp.zeros((H1,))
    inp["W3"] = jax.random.normal(ks[12], (4 * H1, H2)) * (1.0 / np.sqrt(4 * H1))
    inp["b3"] = jnp.zeros((H2,))
    inp["W4"] = jax.random.normal(ks[13], (H2, 1)) * (1.0 / np.sqrt(H2))
    inp["b4"] = jnp.zeros((1,))
    return inp


def reference(x, edge_feat, device_feat_state, edge_index, device_assign_state, pred_node, proj_W, proj_b, eW1, eb1, eW2, eb2, nn_bias, W_ih, W_hh, b_ih, b_hh, W1, b1, W2, b2, W3, b3, W4, b4):
    # Device_Policy.forward with curr_step == 0 (MPNN branch taken)
    n_nodes = x.shape[0]
    n_edges = edge_feat.shape[0]
    h1 = proj_W.shape[1]
    ndev = device_feat_state.shape[0]
    norm_state = _normalize(x)
    norm_edge = _normalize(edge_feat)
    # MPNNGNN: project -> ReLU
    h = jax.nn.relu(norm_state @ proj_W + proj_b)
    hidden = h
    # NNConv edge network: per-edge (h1 x h1) weight matrix (edge feats constant across steps)
    ew = (jax.nn.relu(norm_edge @ eW1 + eb1) @ eW2 + eb2).reshape(n_edges, h1, h1)
    src = edge_index[0]
    dst = edge_index[1]
    for _ in range(STEPS):
        # NNConv: message m_e = h_src[e] @ W_e, sum-aggregated at dst, plus bias
        msg = jnp.einsum('ei,eio->eo', h[src], ew)
        agg = jax.ops.segment_sum(msg, dst, num_segments=n_nodes) + nn_bias
        m_t = jax.nn.relu(agg)
        # PyTorch GRU cell (gates order: r, z, n)
        gi = m_t @ W_ih + b_ih
        gh = hidden @ W_hh + b_hh
        r = jax.nn.sigmoid(gi[:, :h1] + gh[:, :h1])
        z = jax.nn.sigmoid(gi[:, h1:2 * h1] + gh[:, h1:2 * h1])
        n = jnp.tanh(gi[:, 2 * h1:] + r * gh[:, 2 * h1:])
        hidden = (1.0 - z) * n + z * hidden
        h = hidden
    mpnn_fwd = _leaky(h)
    node_latent = _leaky(norm_state @ W2 + b2)
    dev_emb = _leaky(_normalize(device_feat_state) @ W1 + b1)
    rep_latent = jnp.tile(node_latent[pred_node][None, :], (ndev, 1))
    # calculate_device_embedding_and_cnt: masked row-sum of node embeddings per device
    mask = (device_assign_state == 1).astype(jnp.float32)
    dev_sum = _normalize(mask @ mpnn_fwd)
    rep_emb = jnp.tile(mpnn_fwd[pred_node][None, :], (ndev, 1))
    concat = jnp.concatenate([dev_emb, rep_latent, rep_emb, dev_sum], axis=1)
    hh = _leaky(concat @ W3 + b3)
    return (hh @ W4 + b4).reshape(-1)

if __name__ == "__main__":
    import jax
    _d = setup_inputs()
    print(jax.jit(kernel)(*tuple(_d.values())))

</pallas_src>

<mosaic_0001>
#map = affine_map<(d0, d1) -> (0, 0)>
#map1 = affine_map<(d0, d1) -> (0, 0, 0)>
module attributes {stable_mosaic.version = 14 : i64} {
  func.func @_sc_gather(%arg0: i32, %arg1: i32, %arg2: memref<10000x32xf32, #tpu.memory_space<hbm>>, %arg3: memref<32x20x128xi32, #tpu.memory_space<hbm>>, %arg4: memref<81920x32xf32, #tpu.memory_space<hbm>>, %arg5: memref<20x128xi32, #tpu.memory_space<vmem>>, %arg6: memref<128x32xf32, #tpu.memory_space<vmem>>, %arg7: memref<!tpu.dma_semaphore, #tpu.memory_space<semaphore_mem>>) attributes {dimension_semantics = [#tpu.dimension_semantics<core_parallel>, #tpu.dimension_semantics<subcore_parallel>], iteration_bounds = array<i64: 2, 16>, scalar_prefetch = 0 : i64, scratch_operands = 3 : i64, tpu.core_type = #tpu.core_type<sc_vector_subcore>, window_params = [{transform_indices = #map}, {transform_indices = #map1}, {transform_indices = #map}]} {
    %mul3A = arith.constant 16 : i32
    %mul3A_0 = arith.muli %arg0, %mul3A : i32
    %add3A = arith.addi %mul3A_0, %arg1 : i32
    "tpu.region"() ({
      %run_scoped3A = tpu.sem_alloc : memref<!tpu.dma_semaphore, #tpu.memory_space<semaphore_mem>>
      %dma_start3A = arith.constant 0 : i32
      %dma_start3A_6 = arith.constant 0 : i32
      %dma_start3A_7 = tpu.memref_slice %arg3[%add3A, %dma_start3A, %dma_start3A_6] : memref<32x20x128xi32, #tpu.memory_space<hbm>> -> memref<1x20x128xi32, #tpu.memory_space<hbm>>
      %dma_start3A_8 = tpu.memref_squeeze %dma_start3A_7 : memref<1x20x128xi32, #tpu.memory_space<hbm>> -> memref<20x128xi32, #tpu.memory_space<hbm>>
      %dma_start3A_9 = arith.constant 0 : i32
      %dma_start3A_10 = arith.constant 0 : i32
      %dma_start3A_11 = tpu.memref_slice %arg3[%add3A, %dma_start3A_9, %dma_start3A_10] : memref<32x20x128xi32, #tpu.memory_space<hbm>> -> memref<1x20x128xi32, #tpu.memory_space<hbm>>
      %dma_start3A_12 = tpu.memref_squeeze %dma_start3A_11 : memref<1x20x128xi32, #tpu.memory_space<hbm>> -> memref<20x128xi32, #tpu.memory_space<hbm>>
      tpu.enqueue_dma source(%dma_start3A_12 : memref<20x128xi32, #tpu.memory_space<hbm>>) target(%arg5 : memref<20x128xi32, #tpu.memory_space<vmem>>) target_semaphore(%run_scoped3A : memref<!tpu.dma_semaphore, #tpu.memory_space<semaphore_mem>>)
      %dma_wait3A = arith.constant 0 : i32
      %dma_wait3A_13 = arith.constant 0 : i32
      %dma_wait3A_14 = tpu.memref_slice %arg3[%add3A, %dma_wait3A, %dma_wait3A_13] : memref<32x20x128xi32, #tpu.memory_space<hbm>> -> memref<1x20x128xi32, #tpu.memory_space<hbm>>
      %dma_wait3A_15 = tpu.memref_squeeze %dma_wait3A_14 : memref<1x20x128xi32, #tpu.memory_space<hbm>> -> memref<20x128xi32, #tpu.memory_space<hbm>>
      %dma_wait3A_16 = arith.constant 0 : i32
      %dma_wait3A_17 = arith.constant 0 : i32
      %dma_wait3A_18 = tpu.memref_slice %arg3[%add3A, %dma_wait3A_16, %dma_wait3A_17] : memref<32x20x128xi32, #tpu.memory_space<hbm>> -> memref<1x20x128xi32, #tpu.memory_space<hbm>>
      %dma_wait3A_19 = tpu.memref_squeeze %dma_wait3A_18 : memref<1x20x128xi32, #tpu.memory_space<hbm>> -> memref<20x128xi32, #tpu.memory_space<hbm>>
      tpu.wait_dma2 semaphore(%run_scoped3A : memref<!tpu.dma_semaphore, #tpu.memory_space<semaphore_mem>>) src(%dma_wait3A_19 : memref<20x128xi32, #tpu.memory_space<hbm>>) dst(%arg5 : memref<20x128xi32, #tpu.memory_space<vmem>>)
      tpu.yield
    }) : () -> ()
    %scan3A = arith.constant 0 : i32
    %scan3A_1 = arith.constant 0 : i32
    %scan3A_2 = arith.constant 20 : i32
    %scan3A_3 = arith.addi %scan3A_1, %scan3A_2 : i32
    %scan3A_4 = arith.constant 1 : i32
    scf.for %scan3A_6 = %scan3A_1 to %scan3A_3 step %scan3A_4  : i32 {
      %dma_start3A = arith.constant 0 : i32
      %dma_start3A_7 = tpu.memref_slice %arg5[%scan3A_6, %dma_start3A] : memref<20x128xi32, #tpu.memory_space<vmem>> -> memref<1x128xi32, #tpu.memory_space<vmem>>
      %dma_start3A_8 = tpu.memref_squeeze %dma_start3A_7 : memref<1x128xi32, #tpu.memory_space<vmem>> -> memref<128xi32, #tpu.memory_space<vmem>>
      %dma_start3A_9 = arith.constant 0 : i32
      %dma_start3A_10 = arith.constant 0 : i32
      %dma_start3A_11 = tpu.memref_slice %arg2[%dma_start3A_9, %dma_start3A_10] : memref<10000x32xf32, #tpu.memory_space<hbm>> -> memref<10000x32xf32, #tpu.memory_space<hbm>>
      tpu.enqueue_indirect_dma source(%dma_start3A_11 : memref<10000x32xf32, #tpu.memory_space<hbm>>) target(%arg6 : memref<128x32xf32, #tpu.memory_space<vmem>>) offsets(%dma_start3A_8 : memref<128xi32, #tpu.memory_space<vmem>>) semaphore(%arg7 : memref<!tpu.dma_semaphore, #tpu.memory_space<semaphore_mem>>)
      %dma_wait3A = arith.constant 0 : i32
      %dma_wait3A_12 = tpu.memref_slice %arg5[%scan3A_6, %dma_wait3A] : memref<20x128xi32, #tpu.memory_space<vmem>> -> memref<1x128xi32, #tpu.memory_space<vmem>>
      %dma_wait3A_13 = tpu.memref_squeeze %dma_wait3A_12 : memref<1x128xi32, #tpu.memory_space<vmem>> -> memref<128xi32, #tpu.memory_space<vmem>>
      %dma_wait3A_14 = arith.constant 0 : i32
      %dma_wait3A_15 = arith.constant 0 : i32
      %dma_wait3A_16 = tpu.memref_slice %arg2[%dma_wait3A_14, %dma_wait3A_15] : memref<10000x32xf32, #tpu.memory_space<hbm>> -> memref<10000x32xf32, #tpu.memory_space<hbm>>
      tpu.wait_indirect_dma semaphore(%arg7 : memref<!tpu.dma_semaphore, #tpu.memory_space<semaphore_mem>>) src(%dma_wait3A_16 : memref<10000x32xf32, #tpu.memory_space<hbm>>) dst(%arg6 : memref<128x32xf32, #tpu.memory_space<vmem>>)
      %mul3A_17 = arith.constant 20 : i32
      %mul3A_18 = arith.muli %add3A, %mul3A_17 : i32
      %add3A_19 = arith.addi %mul3A_18, %scan3A_6 : i32
      %mul3A_20 = arith.constant 128 : i32
      %mul3A_21 = arith.muli %add3A_19, %mul3A_20 : i32
      "tpu.region"() ({
        %run_scoped3A = tpu.sem_alloc : memref<!tpu.dma_semaphore, #tpu.memory_space<semaphore_mem>>
        %dma_start3A_22 = arith.constant 0 : i32
        %dma_start3A_23 = tpu.memref_slice %arg4[%mul3A_21, %dma_start3A_22] : memref<81920x32xf32, #tpu.memory_space<hbm>> -> memref<128x32xf32, #tpu.memory_space<hbm>>
        %dma_start3A_24 = arith.constant 0 : i32
        %dma_start3A_25 = tpu.memref_slice %arg4[%mul3A_21, %dma_start3A_24] : memref<81920x32xf32, #tpu.memory_space<hbm>> -> memref<128x32xf32, #tpu.memory_space<hbm>>
        tpu.enqueue_dma source(%arg6 : memref<128x32xf32, #tpu.memory_space<vmem>>) target(%dma_start3A_25 : memref<128x32xf32, #tpu.memory_space<hbm>>) target_semaphore(%run_scoped3A : memref<!tpu.dma_semaphore, #tpu.memory_space<semaphore_mem>>)
        %dma_wait3A_26 = arith.constant 0 : i32
        %dma_wait3A_27 = tpu.memref_slice %arg4[%mul3A_21, %dma_wait3A_26] : memref<81920x32xf32, #tpu.memory_space<hbm>> -> memref<128x32xf32, #tpu.memory_space<hbm>>
        %dma_wait3A_28 = arith.constant 0 : i32
        %dma_wait3A_29 = tpu.memref_slice %arg4[%mul3A_21, %dma_wait3A_28] : memref<81920x32xf32, #tpu.memory_space<hbm>> -> memref<128x32xf32, #tpu.memory_space<hbm>>
        tpu.wait_dma2 semaphore(%run_scoped3A : memref<!tpu.dma_semaphore, #tpu.memory_space<semaphore_mem>>) src(%arg6 : memref<128x32xf32, #tpu.memory_space<vmem>>) dst(%dma_wait3A_29 : memref<128x32xf32, #tpu.memory_space<hbm>>)
        tpu.yield
      }) : () -> ()
    }
    %scan3A_5 = arith.constant 20 : i32
    return
  }
}

#map = affine_map<(d0, d1) -> (0, 0)>
#map1 = affine_map<(d0, d1) -> (0, 0, 0)>
module attributes {stable_mosaic.version = 14 : i64} {
  func.func @_sc_scatter(%arg0: i32, %arg1: i32, %arg2: memref<81920x32xf32, #tpu.memory_space<hbm>>, %arg3: memref<32x20x128xi32, #tpu.memory_space<hbm>>, %arg4: memref<10112x32xf32, #tpu.memory_space<hbm>>, %arg5: memref<2x10112x32xf32, #tpu.memory_space<hbm>>, %arg6: memref<20x128xi32, #tpu.memory_space<vmem>>, %arg7: memref<128x32xf32, #tpu.memory_space<vmem>>, %arg8: memref<10112x32xf32, #tpu.memory_space<vmem_shared>>, %arg9: memref<!tpu.dma_semaphore, #tpu.memory_space<semaphore_mem>>) attributes {dimension_semantics = [#tpu.dimension_semantics<core_parallel>, #tpu.dimension_semantics<subcore_parallel>], iteration_bounds = array<i64: 2, 16>, scalar_prefetch = 0 : i64, scratch_operands = 4 : i64, tpu.core_type = #tpu.core_type<sc_vector_subcore>, window_params = [{transform_indices = #map}, {transform_indices = #map1}, {transform_indices = #map}, {transform_indices = #map1}]} {
    %mul3A = arith.constant 16 : i32
    %mul3A_0 = arith.muli %arg0, %mul3A : i32
    %add3A = arith.addi %mul3A_0, %arg1 : i32
    %mul3A_1 = arith.constant 632 : i32
    %mul3A_2 = arith.muli %arg1, %mul3A_1 : i32
    %mul3A_3 = arith.constant 632 : i32
    %mul3A_4 = arith.muli %arg1, %mul3A_3 : i32
    "tpu.region"() ({
      %run_scoped3A = tpu.sem_alloc : memref<!tpu.dma_semaphore, #tpu.memory_space<semaphore_mem>>
      %dma_start3A = arith.constant 0 : i32
      %dma_start3A_15 = tpu.memref_slice %arg8[%mul3A_4, %dma_start3A] : memref<10112x32xf32, #tpu.memory_space<vmem_shared>> -> memref<632x32xf32, #tpu.memory_space<vmem_shared>>
      %dma_start3A_16 = arith.constant 0 : i32
      %dma_start3A_17 = tpu.memref_slice %arg4[%mul3A_2, %dma_start3A_16] : memref<10112x32xf32, #tpu.memory_space<hbm>> -> memref<632x32xf32, #tpu.memory_space<hbm>>
      tpu.enqueue_dma source(%dma_start3A_17 : memref<632x32xf32, #tpu.memory_space<hbm>>) target(%dma_start3A_15 : memref<632x32xf32, #tpu.memory_space<vmem_shared>>) target_semaphore(%run_scoped3A : memref<!tpu.dma_semaphore, #tpu.memory_space<semaphore_mem>>)
      %dma_wait3A = arith.constant 0 : i32
      %dma_wait3A_18 = tpu.memref_slice %arg8[%mul3A_4, %dma_wait3A] : memref<10112x32xf32, #tpu.memory_space<vmem_shared>> -> memref<632x32xf32, #tpu.memory_space<vmem_shared>>
      %dma_wait3A_19 = arith.constant 0 : i32
      %dma_wait3A_20 = tpu.memref_slice %arg4[%mul3A_2, %dma_wait3A_19] : memref<10112x32xf32, #tpu.memory_space<hbm>> -> memref<632x32xf32, #tpu.memory_space<hbm>>
      tpu.wait_dma2 semaphore(%run_scoped3A : memref<!tpu.dma_semaphore, #tpu.memory_space<semaphore_mem>>) src(%dma_wait3A_20 : memref<632x32xf32, #tpu.memory_space<hbm>>) dst(%dma_wait3A_18 : memref<632x32xf32, #tpu.memory_space<vmem_shared>>)
      tpu.yield
    }) : () -> ()
    "tpu.region"() ({
      %run_scoped3A = tpu.sem_alloc : memref<!tpu.dma_semaphore, #tpu.memory_space<semaphore_mem>>
      %dma_start3A = arith.constant 0 : i32
      %dma_start3A_15 = arith.constant 0 : i32
      %dma_start3A_16 = tpu.memref_slice %arg3[%add3A, %dma_start3A, %dma_start3A_15] : memref<32x20x128xi32, #tpu.memory_space<hbm>> -> memref<1x20x128xi32, #tpu.memory_space<hbm>>
      %dma_start3A_17 = tpu.memref_squeeze %dma_start3A_16 : memref<1x20x128xi32, #tpu.memory_space<hbm>> -> memref<20x128xi32, #tpu.memory_space<hbm>>
      %dma_start3A_18 = arith.constant 0 : i32
      %dma_start3A_19 = arith.constant 0 : i32
      %dma_start3A_20 = tpu.memref_slice %arg3[%add3A, %dma_start3A_18, %dma_start3A_19] : memref<32x20x128xi32, #tpu.memory_space<hbm>> -> memref<1x20x128xi32, #tpu.memory_space<hbm>>
      %dma_start3A_21 = tpu.memref_squeeze %dma_start3A_20 : memref<1x20x128xi32, #tpu.memory_space<hbm>> -> memref<20x128xi32, #tpu.memory_space<hbm>>
      tpu.enqueue_dma source(%dma_start3A_21 : memref<20x128xi32, #tpu.memory_space<hbm>>) target(%arg6 : memref<20x128xi32, #tpu.memory_space<vmem>>) target_semaphore(%run_scoped3A : memref<!tpu.dma_semaphore, #tpu.memory_space<semaphore_mem>>)
      %dma_wait3A = arith.constant 0 : i32
      %dma_wait3A_22 = arith.constant 0 : i32
      %dma_wait3A_23 = tpu.memref_slice %arg3[%add3A, %dma_wait3A, %dma_wait3A_22] : memref<32x20x128xi32, #tpu.memory_space<hbm>> -> memref<1x20x128xi32, #tpu.memory_space<hbm>>
      %dma_wait3A_24 = tpu.memref_squeeze %dma_wait3A_23 : memref<1x20x128xi32, #tpu.memory_space<hbm>> -> memref<20x128xi32, #tpu.memory_space<hbm>>
      %dma_wait3A_25 = arith.constant 0 : i32
      %dma_wait3A_26 = arith.constant 0 : i32
      %dma_wait3A_27 = tpu.memref_slice %arg3[%add3A, %dma_wait3A_25, %dma_wait3A_26] : memref<32x20x128xi32, #tpu.memory_space<hbm>> -> memref<1x20x128xi32, #tpu.memory_space<hbm>>
      %dma_wait3A_28 = tpu.memref_squeeze %dma_wait3A_27 : memref<1x20x128xi32, #tpu.memory_space<hbm>> -> memref<20x128xi32, #tpu.memory_space<hbm>>
      tpu.wait_dma2 semaphore(%run_scoped3A : memref<!tpu.dma_semaphore, #tpu.memory_space<semaphore_mem>>) src(%dma_wait3A_28 : memref<20x128xi32, #tpu.memory_space<hbm>>) dst(%arg6 : memref<20x128xi32, #tpu.memory_space<vmem>>)
      tpu.yield
    }) : () -> ()
    %barrier3A = arith.constant 0 : index
    tpu.barrier barrier_id(%barrier3A)
    %scan3A = arith.constant 0 : i32
    %scan3A_5 = arith.constant 0 : i32
    %scan3A_6 = arith.constant 20 : i32
    %scan3A_7 = arith.addi %scan3A_5, %scan3A_6 : i32
    %scan3A_8 = arith.constant 1 : i32
    scf.for %scan3A_15 = %scan3A_5 to %scan3A_7 step %scan3A_8  : i32 {
      %mul3A_16 = arith.constant 20 : i32
      %mul3A_17 = arith.muli %add3A, %mul3A_16 : i32
      %add3A_18 = arith.addi %mul3A_17, %scan3A_15 : i32
      %mul3A_19 = arith.constant 128 : i32
      %mul3A_20 = arith.muli %add3A_18, %mul3A_19 : i32
      "tpu.region"() ({
        %run_scoped3A = tpu.sem_alloc : memref<!tpu.dma_semaphore, #tpu.memory_space<semaphore_mem>>
        %dma_start3A = arith.constant 0 : i32
        %dma_start3A_21 = tpu.memref_slice %arg2[%mul3A_20, %dma_start3A] : memref<81920x32xf32, #tpu.memory_space<hbm>> -> memref<128x32xf32, #tpu.memory_space<hbm>>
        %dma_start3A_22 = arith.constant 0 : i32
        %dma_start3A_23 = tpu.memref_slice %arg2[%mul3A_20, %dma_start3A_22] : memref<81920x32xf32, #tpu.memory_space<hbm>> -> memref<128x32xf32, #tpu.memory_space<hbm>>
        tpu.enqueue_dma source(%dma_start3A_23 : memref<128x32xf32, #tpu.memory_space<hbm>>) target(%arg7 : memref<128x32xf32, #tpu.memory_space<vmem>>) target_semaphore(%run_scoped3A : memref<!tpu.dma_semaphore, #tpu.memory_space<semaphore_mem>>)
        %dma_wait3A = arith.constant 0 : i32
        %dma_wait3A_24 = tpu.memref_slice %arg2[%mul3A_20, %dma_wait3A] : memref<81920x32xf32, #tpu.memory_space<hbm>> -> memref<128x32xf32, #tpu.memory_space<hbm>>
        %dma_wait3A_25 = arith.constant 0 : i32
        %dma_wait3A_26 = tpu.memref_slice %arg2[%mul3A_20, %dma_wait3A_25] : memref<81920x32xf32, #tpu.memory_space<hbm>> -> memref<128x32xf32, #tpu.memory_space<hbm>>
        tpu.wait_dma2 semaphore(%run_scoped3A : memref<!tpu.dma_semaphore, #tpu.memory_space<semaphore_mem>>) src(%dma_wait3A_26 : memref<128x32xf32, #tpu.memory_space<hbm>>) dst(%arg7 : memref<128x32xf32, #tpu.memory_space<vmem>>)
        tpu.yield
      }) : () -> ()
      "tpu.region"() ({
        %run_scoped3A = tpu.sem_alloc : memref<!tpu.dma_semaphore, #tpu.memory_space<semaphore_mem>>
        %dma_start3A = arith.constant 0 : i32
        %dma_start3A_21 = tpu.memref_slice %arg6[%scan3A_15, %dma_start3A] : memref<20x128xi32, #tpu.memory_space<vmem>> -> memref<1x128xi32, #tpu.memory_space<vmem>>
        %dma_start3A_22 = tpu.memref_squeeze %dma_start3A_21 : memref<1x128xi32, #tpu.memory_space<vmem>> -> memref<128xi32, #tpu.memory_space<vmem>>
        %dma_start3A_23 = arith.constant 0 : i32
        %dma_start3A_24 = arith.constant 0 : i32
        %dma_start3A_25 = tpu.memref_slice %arg8[%dma_start3A_23, %dma_start3A_24] : memref<10112x32xf32, #tpu.memory_space<vmem_shared>> -> memref<10112x32xf32, #tpu.memory_space<vmem_shared>>
        tpu.enqueue_indirect_dma source(%arg7 : memref<128x32xf32, #tpu.memory_space<vmem>>) target(%dma_start3A_25 : memref<10112x32xf32, #tpu.memory_space<vmem_shared>>) offsets(%dma_start3A_22 : memref<128xi32, #tpu.memory_space<vmem>>) semaphore(%run_scoped3A : memref<!tpu.dma_semaphore, #tpu.memory_space<semaphore_mem>>) {add = true}
        %dma_wait3A = arith.constant 0 : i32
        %dma_wait3A_26 = tpu.memref_slice %arg6[%scan3A_15, %dma_wait3A] : memref<20x128xi32, #tpu.memory_space<vmem>> -> memref<1x128xi32, #tpu.memory_space<vmem>>
        %dma_wait3A_27 = tpu.memref_squeeze %dma_wait3A_26 : memref<1x128xi32, #tpu.memory_space<vmem>> -> memref<128xi32, #tpu.memory_space<vmem>>
        %dma_wait3A_28 = arith.constant 0 : i32
        %dma_wait3A_29 = arith.constant 0 : i32
        %dma_wait3A_30 = tpu.memref_slice %arg8[%dma_wait3A_28, %dma_wait3A_29] : memref<10112x32xf32, #tpu.memory_space<vmem_shared>> -> memref<10112x32xf32, #tpu.memory_space<vmem_shared>>
        tpu.wait_indirect_dma semaphore(%run_scoped3A : memref<!tpu.dma_semaphore, #tpu.memory_space<semaphore_mem>>) src(%arg7 : memref<128x32xf32, #tpu.memory_space<vmem>>) dst(%dma_wait3A_30 : memref<10112x32xf32, #tpu.memory_space<vmem_shared>>)
        tpu.yield
      }) : () -> ()
    }
    %scan3A_9 = arith.constant 20 : i32
    %barrier3A_10 = arith.constant 0 : index
    tpu.barrier barrier_id(%barrier3A_10)
    %mul3A_11 = arith.constant 632 : i32
    %mul3A_12 = arith.muli %arg1, %mul3A_11 : i32
    %mul3A_13 = arith.constant 632 : i32
    %mul3A_14 = arith.muli %arg1, %mul3A_13 : i32
    "tpu.region"() ({
      %run_scoped3A = tpu.sem_alloc : memref<!tpu.dma_semaphore, #tpu.memory_space<semaphore_mem>>
      %dma_start3A = arith.constant 0 : i32
      %dma_start3A_15 = tpu.memref_slice %arg5[%arg0, %mul3A_14, %dma_start3A] : memref<2x10112x32xf32, #tpu.memory_space<hbm>> -> memref<1x632x32xf32, #tpu.memory_space<hbm>>
      %dma_start3A_16 = tpu.memref_squeeze %dma_start3A_15 : memref<1x632x32xf32, #tpu.memory_space<hbm>> -> memref<632x32xf32, #tpu.memory_space<hbm>>
      %dma_start3A_17 = arith.constant 0 : i32
      %dma_start3A_18 = tpu.memref_slice %arg8[%mul3A_12, %dma_start3A_17] : memref<10112x32xf32, #tpu.memory_space<vmem_shared>> -> memref<632x32xf32, #tpu.memory_space<vmem_shared>>
      tpu.enqueue_dma source(%dma_start3A_18 : memref<632x32xf32, #tpu.memory_space<vmem_shared>>) target(%dma_start3A_16 : memref<632x32xf32, #tpu.memory_space<hbm>>) target_semaphore(%run_scoped3A : memref<!tpu.dma_semaphore, #tpu.memory_space<semaphore_mem>>)
      %dma_wait3A = arith.constant 0 : i32
      %dma_wait3A_19 = tpu.memref_slice %arg5[%arg0, %mul3A_14, %dma_wait3A] : memref<2x10112x32xf32, #tpu.memory_space<hbm>> -> memref<1x632x32xf32, #tpu.memory_space<hbm>>
      %dma_wait3A_20 = tpu.memref_squeeze %dma_wait3A_19 : memref<1x632x32xf32, #tpu.memory_space<hbm>> -> memref<632x32xf32, #tpu.memory_space<hbm>>
      %dma_wait3A_21 = arith.constant 0 : i32
      %dma_wait3A_22 = tpu.memref_slice %arg8[%mul3A_12, %dma_wait3A_21] : memref<10112x32xf32, #tpu.memory_space<vmem_shared>> -> memref<632x32xf32, #tpu.memory_space<vmem_shared>>
      tpu.wait_dma2 semaphore(%run_scoped3A : memref<!tpu.dma_semaphore, #tpu.memory_space<semaphore_mem>>) src(%dma_wait3A_22 : memref<632x32xf32, #tpu.memory_space<vmem_shared>>) dst(%dma_wait3A_20 : memref<632x32xf32, #tpu.memory_space<hbm>>)
      tpu.yield
    }) : () -> ()
    return
  }
}

#map = affine_map<(d0, d1) -> (0, 0)>
#map1 = affine_map<(d0, d1) -> (0, 0, 0)>
module attributes {stable_mosaic.version = 14 : i64} {
  func.func @_sc_gather(%arg0: i32, %arg1: i32, %arg2: memref<10000x32xf32, #tpu.memory_space<hbm>>, %arg3: memref<32x20x128xi32, #tpu.memory_space<hbm>>, %arg4: memref<81920x32xf32, #tpu.memory_space<hbm>>, %arg5: memref<20x128xi32, #tpu.memory_space<vmem>>, %arg6: memref<128x32xf32, #tpu.memory_space<vmem>>, %arg7: memref<!tpu.dma_semaphore, #tpu.memory_space<semaphore_mem>>) attributes {dimension_semantics = [#tpu.dimension_semantics<core_parallel>, #tpu.dimension_semantics<subcore_parallel>], iteration_bounds = array<i64: 2, 16>, scalar_prefetch = 0 : i64, scratch_operands = 3 : i64, tpu.core_type = #tpu.core_type<sc_vector_subcore>, window_params = [{transform_indices = #map}, {transform_indices = #map1}, {transform_indices = #map}]} {
    %mul3A = arith.constant 16 : i32
    %mul3A_0 = arith.muli %arg0, %mul3A : i32
    %add3A = arith.addi %mul3A_0, %arg1 : i32
    "tpu.region"() ({
      %run_scoped3A = tpu.sem_alloc : memref<!tpu.dma_semaphore, #tpu.memory_space<semaphore_mem>>
      %dma_start3A = arith.constant 0 : i32
      %dma_start3A_6 = arith.constant 0 : i32
      %dma_start3A_7 = tpu.memref_slice %arg3[%add3A, %dma_start3A, %dma_start3A_6] : memref<32x20x128xi32, #tpu.memory_space<hbm>> -> memref<1x20x128xi32, #tpu.memory_space<hbm>>
      %dma_start3A_8 = tpu.memref_squeeze %dma_start3A_7 : memref<1x20x128xi32, #tpu.memory_space<hbm>> -> memref<20x128xi32, #tpu.memory_space<hbm>>
      %dma_start3A_9 = arith.constant 0 : i32
      %dma_start3A_10 = arith.constant 0 : i32
      %dma_start3A_11 = tpu.memref_slice %arg3[%add3A, %dma_start3A_9, %dma_start3A_10] : memref<32x20x128xi32, #tpu.memory_space<hbm>> -> memref<1x20x128xi32, #tpu.memory_space<hbm>>
      %dma_start3A_12 = tpu.memref_squeeze %dma_start3A_11 : memref<1x20x128xi32, #tpu.memory_space<hbm>> -> memref<20x128xi32, #tpu.memory_space<hbm>>
      tpu.enqueue_dma source(%dma_start3A_12 : memref<20x128xi32, #tpu.memory_space<hbm>>) target(%arg5 : memref<20x128xi32, #tpu.memory_space<vmem>>) target_semaphore(%run_scoped3A : memref<!tpu.dma_semaphore, #tpu.memory_space<semaphore_mem>>)
      %dma_wait3A = arith.constant 0 : i32
      %dma_wait3A_13 = arith.constant 0 : i32
      %dma_wait3A_14 = tpu.memref_slice %arg3[%add3A, %dma_wait3A, %dma_wait3A_13] : memref<32x20x128xi32, #tpu.memory_space<hbm>> -> memref<1x20x128xi32, #tpu.memory_space<hbm>>
      %dma_wait3A_15 = tpu.memref_squeeze %dma_wait3A_14 : memref<1x20x128xi32, #tpu.memory_space<hbm>> -> memref<20x128xi32, #tpu.memory_space<hbm>>
      %dma_wait3A_16 = arith.constant 0 : i32
      %dma_wait3A_17 = arith.constant 0 : i32
      %dma_wait3A_18 = tpu.memref_slice %arg3[%add3A, %dma_wait3A_16, %dma_wait3A_17] : memref<32x20x128xi32, #tpu.memory_space<hbm>> -> memref<1x20x128xi32, #tpu.memory_space<hbm>>
      %dma_wait3A_19 = tpu.memref_squeeze %dma_wait3A_18 : memref<1x20x128xi32, #tpu.memory_space<hbm>> -> memref<20x128xi32, #tpu.memory_space<hbm>>
      tpu.wait_dma2 semaphore(%run_scoped3A : memref<!tpu.dma_semaphore, #tpu.memory_space<semaphore_mem>>) src(%dma_wait3A_19 : memref<20x128xi32, #tpu.memory_space<hbm>>) dst(%arg5 : memref<20x128xi32, #tpu.memory_space<vmem>>)
      tpu.yield
    }) : () -> ()
    %scan3A = arith.constant 0 : i32
    %scan3A_1 = arith.constant 0 : i32
    %scan3A_2 = arith.constant 20 : i32
    %scan3A_3 = arith.addi %scan3A_1, %scan3A_2 : i32
    %scan3A_4 = arith.constant 1 : i32
    scf.for %scan3A_6 = %scan3A_1 to %scan3A_3 step %scan3A_4  : i32 {
      %dma_start3A = arith.constant 0 : i32
      %dma_start3A_7 = tpu.memref_slice %arg5[%scan3A_6, %dma_start3A] : memref<20x128xi32, #tpu.memory_space<vmem>> -> memref<1x128xi32, #tpu.memory_space<vmem>>
      %dma_start3A_8 = tpu.memref_squeeze %dma_start3A_7 : memref<1x128xi32, #tpu.memory_space<vmem>> -> memref<128xi32, #tpu.memory_space<vmem>>
      %dma_start3A_9 = arith.constant 0 : i32
      %dma_start3A_10 = arith.constant 0 : i32
      %dma_start3A_11 = tpu.memref_slice %arg2[%dma_start3A_9, %dma_start3A_10] : memref<10000x32xf32, #tpu.memory_space<hbm>> -> memref<10000x32xf32, #tpu.memory_space<hbm>>
      tpu.enqueue_indirect_dma source(%dma_start3A_11 : memref<10000x32xf32, #tpu.memory_space<hbm>>) target(%arg6 : memref<128x32xf32, #tpu.memory_space<vmem>>) offsets(%dma_start3A_8 : memref<128xi32, #tpu.memory_space<vmem>>) semaphore(%arg7 : memref<!tpu.dma_semaphore, #tpu.memory_space<semaphore_mem>>)
      %dma_wait3A = arith.constant 0 : i32
      %dma_wait3A_12 = tpu.memref_slice %arg5[%scan3A_6, %dma_wait3A] : memref<20x128xi32, #tpu.memory_space<vmem>> -> memref<1x128xi32, #tpu.memory_space<vmem>>
      %dma_wait3A_13 = tpu.memref_squeeze %dma_wait3A_12 : memref<1x128xi32, #tpu.memory_space<vmem>> -> memref<128xi32, #tpu.memory_space<vmem>>
      %dma_wait3A_14 = arith.constant 0 : i32
      %dma_wait3A_15 = arith.constant 0 : i32
      %dma_wait3A_16 = tpu.memref_slice %arg2[%dma_wait3A_14, %dma_wait3A_15] : memref<10000x32xf32, #tpu.memory_space<hbm>> -> memref<10000x32xf32, #tpu.memory_space<hbm>>
      tpu.wait_indirect_dma semaphore(%arg7 : memref<!tpu.dma_semaphore, #tpu.memory_space<semaphore_mem>>) src(%dma_wait3A_16 : memref<10000x32xf32, #tpu.memory_space<hbm>>) dst(%arg6 : memref<128x32xf32, #tpu.memory_space<vmem>>)
      %mul3A_17 = arith.constant 20 : i32
      %mul3A_18 = arith.muli %add3A, %mul3A_17 : i32
      %add3A_19 = arith.addi %mul3A_18, %scan3A_6 : i32
      %mul3A_20 = arith.constant 128 : i32
      %mul3A_21 = arith.muli %add3A_19, %mul3A_20 : i32
      "tpu.region"() ({
        %run_scoped3A = tpu.sem_alloc : memref<!tpu.dma_semaphore, #tpu.memory_space<semaphore_mem>>
        %dma_start3A_22 = arith.constant 0 : i32
        %dma_start3A_23 = tpu.memref_slice %arg4[%mul3A_21, %dma_start3A_22] : memref<81920x32xf32, #tpu.memory_space<hbm>> -> memref<128x32xf32, #tpu.memory_space<hbm>>
        %dma_start3A_24 = arith.constant 0 : i32
        %dma_start3A_25 = tpu.memref_slice %arg4[%mul3A_21, %dma_start3A_24] : memref<81920x32xf32, #tpu.memory_space<hbm>> -> memref<128x32xf32, #tpu.memory_space<hbm>>
        tpu.enqueue_dma source(%arg6 : memref<128x32xf32, #tpu.memory_space<vmem>>) target(%dma_start3A_25 : memref<128x32xf32, #tpu.memory_space<hbm>>) target_semaphore(%run_scoped3A : memref<!tpu.dma_semaphore, #tpu.memory_space<semaphore_mem>>)
        %dma_wait3A_26 = arith.constant 0 : i32
        %dma_wait3A_27 = tpu.memref_slice %arg4[%mul3A_21, %dma_wait3A_26] : memref<81920x32xf32, #tpu.memory_space<hbm>> -> memref<128x32xf32, #tpu.memory_space<hbm>>
        %dma_wait3A_28 = arith.constant 0 : i32
        %dma_wait3A_29 = tpu.memref_slice %arg4[%mul3A_21, %dma_wait3A_28] : memref<81920x32xf32, #tpu.memory_space<hbm>> -> memref<128x32xf32, #tpu.memory_space<hbm>>
        tpu.wait_dma2 semaphore(%run_scoped3A : memref<!tpu.dma_semaphore, #tpu.memory_space<semaphore_mem>>) src(%arg6 : memref<128x32xf32, #tpu.memory_space<vmem>>) dst(%dma_wait3A_29 : memref<128x32xf32, #tpu.memory_space<hbm>>)
        tpu.yield
      }) : () -> ()
    }
    %scan3A_5 = arith.constant 20 : i32
    return
  }
}

#map = affine_map<(d0, d1) -> (0, 0)>
#map1 = affine_map<(d0, d1) -> (0, 0, 0)>
module attributes {stable_mosaic.version = 14 : i64} {
  func.func @_sc_scatter(%arg0: i32, %arg1: i32, %arg2: memref<81920x32xf32, #tpu.memory_space<hbm>>, %arg3: memref<32x20x128xi32, #tpu.memory_space<hbm>>, %arg4: memref<10112x32xf32, #tpu.memory_space<hbm>>, %arg5: memref<2x10112x32xf32, #tpu.memory_space<hbm>>, %arg6: memref<20x128xi32, #tpu.memory_space<vmem>>, %arg7: memref<128x32xf32, #tpu.memory_space<vmem>>, %arg8: memref<10112x32xf32, #tpu.memory_space<vmem_shared>>, %arg9: memref<!tpu.dma_semaphore, #tpu.memory_space<semaphore_mem>>) attributes {dimension_semantics = [#tpu.dimension_semantics<core_parallel>, #tpu.dimension_semantics<subcore_parallel>], iteration_bounds = array<i64: 2, 16>, scalar_prefetch = 0 : i64, scratch_operands = 4 : i64, tpu.core_type = #tpu.core_type<sc_vector_subcore>, window_params = [{transform_indices = #map}, {transform_indices = #map1}, {transform_indices = #map}, {transform_indices = #map1}]} {
    %mul3A = arith.constant 16 : i32
    %mul3A_0 = arith.muli %arg0, %mul3A : i32
    %add3A = arith.addi %mul3A_0, %arg1 : i32
    %mul3A_1 = arith.constant 632 : i32
    %mul3A_2 = arith.muli %arg1, %mul3A_1 : i32
    %mul3A_3 = arith.constant 632 : i32
    %mul3A_4 = arith.muli %arg1, %mul3A_3 : i32
    "tpu.region"() ({
      %run_scoped3A = tpu.sem_alloc : memref<!tpu.dma_semaphore, #tpu.memory_space<semaphore_mem>>
      %dma_start3A = arith.constant 0 : i32
      %dma_start3A_15 = tpu.memref_slice %arg8[%mul3A_4, %dma_start3A] : memref<10112x32xf32, #tpu.memory_space<vmem_shared>> -> memref<632x32xf32, #tpu.memory_space<vmem_shared>>
      %dma_start3A_16 = arith.constant 0 : i32
      %dma_start3A_17 = tpu.memref_slice %arg4[%mul3A_2, %dma_start3A_16] : memref<10112x32xf32, #tpu.memory_space<hbm>> -> memref<632x32xf32, #tpu.memory_space<hbm>>
      tpu.enqueue_dma source(%dma_start3A_17 : memref<632x32xf32, #tpu.memory_space<hbm>>) target(%dma_start3A_15 : memref<632x32xf32, #tpu.memory_space<vmem_shared>>) target_semaphore(%run_scoped3A : memref<!tpu.dma_semaphore, #tpu.memory_space<semaphore_mem>>)
      %dma_wait3A = arith.constant 0 : i32
      %dma_wait3A_18 = tpu.memref_slice %arg8[%mul3A_4, %dma_wait3A] : memref<10112x32xf32, #tpu.memory_space<vmem_shared>> -> memref<632x32xf32, #tpu.memory_space<vmem_shared>>
      %dma_wait3A_19 = arith.constant 0 : i32
      %dma_wait3A_20 = tpu.memref_slice %arg4[%mul3A_2, %dma_wait3A_19] : memref<10112x32xf32, #tpu.memory_space<hbm>> -> memref<632x32xf32, #tpu.memory_space<hbm>>
      tpu.wait_dma2 semaphore(%run_scoped3A : memref<!tpu.dma_semaphore, #tpu.memory_space<semaphore_mem>>) src(%dma_wait3A_20 : memref<632x32xf32, #tpu.memory_space<hbm>>) dst(%dma_wait3A_18 : memref<632x32xf32, #tpu.memory_space<vmem_shared>>)
      tpu.yield
    }) : () -> ()
    "tpu.region"() ({
      %run_scoped3A = tpu.sem_alloc : memref<!tpu.dma_semaphore, #tpu.memory_space<semaphore_mem>>
      %dma_start3A = arith.constant 0 : i32
      %dma_start3A_15 = arith.constant 0 : i32
      %dma_start3A_16 = tpu.memref_slice %arg3[%add3A, %dma_start3A, %dma_start3A_15] : memref<32x20x128xi32, #tpu.memory_space<hbm>> -> memref<1x20x128xi32, #tpu.memory_space<hbm>>
      %dma_start3A_17 = tpu.memref_squeeze %dma_start3A_16 : memref<1x20x128xi32, #tpu.memory_space<hbm>> -> memref<20x128xi32, #tpu.memory_space<hbm>>
      %dma_start3A_18 = arith.constant 0 : i32
      %dma_start3A_19 = arith.constant 0 : i32
      %dma_start3A_20 = tpu.memref_slice %arg3[%add3A, %dma_start3A_18, %dma_start3A_19] : memref<32x20x128xi32, #tpu.memory_space<hbm>> -> memref<1x20x128xi32, #tpu.memory_space<hbm>>
      %dma_start3A_21 = tpu.memref_squeeze %dma_start3A_20 : memref<1x20x128xi32, #tpu.memory_space<hbm>> -> memref<20x128xi32, #tpu.memory_space<hbm>>
      tpu.enqueue_dma source(%dma_start3A_21 : memref<20x128xi32, #tpu.memory_space<hbm>>) target(%arg6 : memref<20x128xi32, #tpu.memory_space<vmem>>) target_semaphore(%run_scoped3A : memref<!tpu.dma_semaphore, #tpu.memory_space<semaphore_mem>>)
      %dma_wait3A = arith.constant 0 : i32
      %dma_wait3A_22 = arith.constant 0 : i32
      %dma_wait3A_23 = tpu.memref_slice %arg3[%add3A, %dma_wait3A, %dma_wait3A_22] : memref<32x20x128xi32, #tpu.memory_space<hbm>> -> memref<1x20x128xi32, #tpu.memory_space<hbm>>
      %dma_wait3A_24 = tpu.memref_squeeze %dma_wait3A_23 : memref<1x20x128xi32, #tpu.memory_space<hbm>> -> memref<20x128xi32, #tpu.memory_space<hbm>>
      %dma_wait3A_25 = arith.constant 0 : i32
      %dma_wait3A_26 = arith.constant 0 : i32
      %dma_wait3A_27 = tpu.memref_slice %arg3[%add3A, %dma_wait3A_25, %dma_wait3A_26] : memref<32x20x128xi32, #tpu.memory_space<hbm>> -> memref<1x20x128xi32, #tpu.memory_space<hbm>>
      %dma_wait3A_28 = tpu.memref_squeeze %dma_wait3A_27 : memref<1x20x128xi32, #tpu.memory_space<hbm>> -> memref<20x128xi32, #tpu.memory_space<hbm>>
      tpu.wait_dma2 semaphore(%run_scoped3A : memref<!tpu.dma_semaphore, #tpu.memory_space<semaphore_mem>>) src(%dma_wait3A_28 : memref<20x128xi32, #tpu.memory_space<hbm>>) dst(%arg6 : memref<20x128xi32, #tpu.memory_space<vmem>>)
      tpu.yield
    }) : () -> ()
    %barrier3A = arith.constant 0 : index
    tpu.barrier barrier_id(%barrier3A)
    %scan3A = arith.constant 0 : i32
    %scan3A_5 = arith.constant 0 : i32
    %scan3A_6 = arith.constant 20 : i32
    %scan3A_7 = arith.addi %scan3A_5, %scan3A_6 : i32
    %scan3A_8 = arith.constant 1 : i32
    scf.for %scan3A_15 = %scan3A_5 to %scan3A_7 step %scan3A_8  : i32 {
      %mul3A_16 = arith.constant 20 : i32
      %mul3A_17 = arith.muli %add3A, %mul3A_16 : i32
      %add3A_18 = arith.addi %mul3A_17, %scan3A_15 : i32
      %mul3A_19 = arith.constant 128 : i32
      %mul3A_20 = arith.muli %add3A_18, %mul3A_19 : i32
      "tpu.region"() ({
        %run_scoped3A = tpu.sem_alloc : memref<!tpu.dma_semaphore, #tpu.memory_space<semaphore_mem>>
        %dma_start3A = arith.constant 0 : i32
        %dma_start3A_21 = tpu.memref_slice %arg2[%mul3A_20, %dma_start3A] : memref<81920x32xf32, #tpu.memory_space<hbm>> -> memref<128x32xf32, #tpu.memory_space<hbm>>
        %dma_start3A_22 = arith.constant 0 : i32
        %dma_start3A_23 = tpu.memref_slice %arg2[%mul3A_20, %dma_start3A_22] : memref<81920x32xf32, #tpu.memory_space<hbm>> -> memref<128x32xf32, #tpu.memory_space<hbm>>
        tpu.enqueue_dma source(%dma_start3A_23 : memref<128x32xf32, #tpu.memory_space<hbm>>) target(%arg7 : memref<128x32xf32, #tpu.memory_space<vmem>>) target_semaphore(%run_scoped3A : memref<!tpu.dma_semaphore, #tpu.memory_space<semaphore_mem>>)
        %dma_wait3A = arith.constant 0 : i32
        %dma_wait3A_24 = tpu.memref_slice %arg2[%mul3A_20, %dma_wait3A] : memref<81920x32xf32, #tpu.memory_space<hbm>> -> memref<128x32xf32, #tpu.memory_space<hbm>>
        %dma_wait3A_25 = arith.constant 0 : i32
        %dma_wait3A_26 = tpu.memref_slice %arg2[%mul3A_20, %dma_wait3A_25] : memref<81920x32xf32, #tpu.memory_space<hbm>> -> memref<128x32xf32, #tpu.memory_space<hbm>>
        tpu.wait_dma2 semaphore(%run_scoped3A : memref<!tpu.dma_semaphore, #tpu.memory_space<semaphore_mem>>) src(%dma_wait3A_26 : memref<128x32xf32, #tpu.memory_space<hbm>>) dst(%arg7 : memref<128x32xf32, #tpu.memory_space<vmem>>)
        tpu.yield
      }) : () -> ()
      "tpu.region"() ({
        %run_scoped3A = tpu.sem_alloc : memref<!tpu.dma_semaphore, #tpu.memory_space<semaphore_mem>>
        %dma_start3A = arith.constant 0 : i32
        %dma_start3A_21 = tpu.memref_slice %arg6[%scan3A_15, %dma_start3A] : memref<20x128xi32, #tpu.memory_space<vmem>> -> memref<1x128xi32, #tpu.memory_space<vmem>>
        %dma_start3A_22 = tpu.memref_squeeze %dma_start3A_21 : memref<1x128xi32, #tpu.memory_space<vmem>> -> memref<128xi32, #tpu.memory_space<vmem>>
        %dma_start3A_23 = arith.constant 0 : i32
        %dma_start3A_24 = arith.constant 0 : i32
        %dma_start3A_25 = tpu.memref_slice %arg8[%dma_start3A_23, %dma_start3A_24] : memref<10112x32xf32, #tpu.memory_space<vmem_shared>> -> memref<10112x32xf32, #tpu.memory_space<vmem_shared>>
        tpu.enqueue_indirect_dma source(%arg7 : memref<128x32xf32, #tpu.memory_space<vmem>>) target(%dma_start3A_25 : memref<10112x32xf32, #tpu.memory_space<vmem_shared>>) offsets(%dma_start3A_22 : memref<128xi32, #tpu.memory_space<vmem>>) semaphore(%run_scoped3A : memref<!tpu.dma_semaphore, #tpu.memory_space<semaphore_mem>>) {add = true}
        %dma_wait3A = arith.constant 0 : i32
        %dma_wait3A_26 = tpu.memref_slice %arg6[%scan3A_15, %dma_wait3A] : memref<20x128xi32, #tpu.memory_space<vmem>> -> memref<1x128xi32, #tpu.memory_space<vmem>>
        %dma_wait3A_27 = tpu.memref_squeeze %dma_wait3A_26 : memref<1x128xi32, #tpu.memory_space<vmem>> -> memref<128xi32, #tpu.memory_space<vmem>>
        %dma_wait3A_28 = arith.constant 0 : i32
        %dma_wait3A_29 = arith.constant 0 : i32
        %dma_wait3A_30 = tpu.memref_slice %arg8[%dma_wait3A_28, %dma_wait3A_29] : memref<10112x32xf32, #tpu.memory_space<vmem_shared>> -> memref<10112x32xf32, #tpu.memory_space<vmem_shared>>
        tpu.wait_indirect_dma semaphore(%run_scoped3A : memref<!tpu.dma_semaphore, #tpu.memory_space<semaphore_mem>>) src(%arg7 : memref<128x32xf32, #tpu.memory_space<vmem>>) dst(%dma_wait3A_30 : memref<10112x32xf32, #tpu.memory_space<vmem_shared>>)
        tpu.yield
      }) : () -> ()
    }
    %scan3A_9 = arith.constant 20 : i32
    %barrier3A_10 = arith.constant 0 : index
    tpu.barrier barrier_id(%barrier3A_10)
    %mul3A_11 = arith.constant 632 : i32
    %mul3A_12 = arith.muli %arg1, %mul3A_11 : i32
    %mul3A_13 = arith.constant 632 : i32
    %mul3A_14 = arith.muli %arg1, %mul3A_13 : i32
    "tpu.region"() ({
      %run_scoped3A = tpu.sem_alloc : memref<!tpu.dma_semaphore, #tpu.memory_space<semaphore_mem>>
      %dma_start3A = arith.constant 0 : i32
      %dma_start3A_15 = tpu.memref_slice %arg5[%arg0, %mul3A_14, %dma_start3A] : memref<2x10112x32xf32, #tpu.memory_space<hbm>> -> memref<1x632x32xf32, #tpu.memory_space<hbm>>
      %dma_start3A_16 = tpu.memref_squeeze %dma_start3A_15 : memref<1x632x32xf32, #tpu.memory_space<hbm>> -> memref<632x32xf32, #tpu.memory_space<hbm>>
      %dma_start3A_17 = arith.constant 0 : i32
      %dma_start3A_18 = tpu.memref_slice %arg8[%mul3A_12, %dma_start3A_17] : memref<10112x32xf32, #tpu.memory_space<vmem_shared>> -> memref<632x32xf32, #tpu.memory_space<vmem_shared>>
      tpu.enqueue_dma source(%dma_start3A_18 : memref<632x32xf32, #tpu.memory_space<vmem_shared>>) target(%dma_start3A_16 : memref<632x32xf32, #tpu.memory_space<hbm>>) target_semaphore(%run_scoped3A : memref<!tpu.dma_semaphore, #tpu.memory_space<semaphore_mem>>)
      %dma_wait3A = arith.constant 0 : i32
      %dma_wait3A_19 = tpu.memref_slice %arg5[%arg0, %mul3A_14, %dma_wait3A] : memref<2x10112x32xf32, #tpu.memory_space<hbm>> -> memref<1x632x32xf32, #tpu.memory_space<hbm>>
      %dma_wait3A_20 = tpu.memref_squeeze %dma_wait3A_19 : memref<1x632x32xf32, #tpu.memory_space<hbm>> -> memref<632x32xf32, #tpu.memory_space<hbm>>
      %dma_wait3A_21 = arith.constant 0 : i32
      %dma_wait3A_22 = tpu.memref_slice %arg8[%mul3A_12, %dma_wait3A_21] : memref<10112x32xf32, #tpu.memory_space<vmem_shared>> -> memref<632x32xf32, #tpu.memory_space<vmem_shared>>
      tpu.wait_dma2 semaphore(%run_scoped3A : memref<!tpu.dma_semaphore, #tpu.memory_space<semaphore_mem>>) src(%dma_wait3A_22 : memref<632x32xf32, #tpu.memory_space<vmem_shared>>) dst(%dma_wait3A_20 : memref<632x32xf32, #tpu.memory_space<hbm>>)
      tpu.yield
    }) : () -> ()
    return
  }
}

#map = affine_map<(d0, d1) -> (0, 0)>
#map1 = affine_map<(d0, d1) -> (0, 0, 0)>
module attributes {stable_mosaic.version = 14 : i64} {
  func.func @_sc_gather(%arg0: i32, %arg1: i32, %arg2: memref<10000x32xf32, #tpu.memory_space<hbm>>, %arg3: memref<32x20x128xi32, #tpu.memory_space<hbm>>, %arg4: memref<81920x32xf32, #tpu.memory_space<hbm>>, %arg5: memref<20x128xi32, #tpu.memory_space<vmem>>, %arg6: memref<128x32xf32, #tpu.memory_space<vmem>>, %arg7: memref<!tpu.dma_semaphore, #tpu.memory_space<semaphore_mem>>) attributes {dimension_semantics = [#tpu.dimension_semantics<core_parallel>, #tpu.dimension_semantics<subcore_parallel>], iteration_bounds = array<i64: 2, 16>, scalar_prefetch = 0 : i64, scratch_operands = 3 : i64, tpu.core_type = #tpu.core_type<sc_vector_subcore>, window_params = [{transform_indices = #map}, {transform_indices = #map1}, {transform_indices = #map}]} {
    %mul3A = arith.constant 16 : i32
    %mul3A_0 = arith.muli %arg0, %mul3A : i32
    %add3A = arith.addi %mul3A_0, %arg1 : i32
    "tpu.region"() ({
      %run_scoped3A = tpu.sem_alloc : memref<!tpu.dma_semaphore, #tpu.memory_space<semaphore_mem>>
      %dma_start3A = arith.constant 0 : i32
      %dma_start3A_6 = arith.constant 0 : i32
      %dma_start3A_7 = tpu.memref_slice %arg3[%add3A, %dma_start3A, %dma_start3A_6] : memref<32x20x128xi32, #tpu.memory_space<hbm>> -> memref<1x20x128xi32, #tpu.memory_space<hbm>>
      %dma_start3A_8 = tpu.memref_squeeze %dma_start3A_7 : memref<1x20x128xi32, #tpu.memory_space<hbm>> -> memref<20x128xi32, #tpu.memory_space<hbm>>
      %dma_start3A_9 = arith.constant 0 : i32
      %dma_start3A_10 = arith.constant 0 : i32
      %dma_start3A_11 = tpu.memref_slice %arg3[%add3A, %dma_start3A_9, %dma_start3A_10] : memref<32x20x128xi32, #tpu.memory_space<hbm>> -> memref<1x20x128xi32, #tpu.memory_space<hbm>>
      %dma_start3A_12 = tpu.memref_squeeze %dma_start3A_11 : memref<1x20x128xi32, #tpu.memory_space<hbm>> -> memref<20x128xi32, #tpu.memory_space<hbm>>
      tpu.enqueue_dma source(%dma_start3A_12 : memref<20x128xi32, #tpu.memory_space<hbm>>) target(%arg5 : memref<20x128xi32, #tpu.memory_space<vmem>>) target_semaphore(%run_scoped3A : memref<!tpu.dma_semaphore, #tpu.memory_space<semaphore_mem>>)
      %dma_wait3A = arith.constant 0 : i32
      %dma_wait3A_13 = arith.constant 0 : i32
      %dma_wait3A_14 = tpu.memref_slice %arg3[%add3A, %dma_wait3A, %dma_wait3A_13] : memref<32x20x128xi32, #tpu.memory_space<hbm>> -> memref<1x20x128xi32, #tpu.memory_space<hbm>>
      %dma_wait3A_15 = tpu.memref_squeeze %dma_wait3A_14 : memref<1x20x128xi32, #tpu.memory_space<hbm>> -> memref<20x128xi32, #tpu.memory_space<hbm>>
      %dma_wait3A_16 = arith.constant 0 : i32
      %dma_wait3A_17 = arith.constant 0 : i32
      %dma_wait3A_18 = tpu.memref_slice %arg3[%add3A, %dma_wait3A_16, %dma_wait3A_17] : memref<32x20x128xi32, #tpu.memory_space<hbm>> -> memref<1x20x128xi32, #tpu.memory_space<hbm>>
      %dma_wait3A_19 = tpu.memref_squeeze %dma_wait3A_18 : memref<1x20x128xi32, #tpu.memory_space<hbm>> -> memref<20x128xi32, #tpu.memory_space<hbm>>
      tpu.wait_dma2 semaphore(%run_scoped3A : memref<!tpu.dma_semaphore, #tpu.memory_space<semaphore_mem>>) src(%dma_wait3A_19 : memref<20x128xi32, #tpu.memory_space<hbm>>) dst(%arg5 : memref<20x128xi32, #tpu.memory_space<vmem>>)
      tpu.yield
    }) : () -> ()
    %scan3A = arith.constant 0 : i32
    %scan3A_1 = arith.constant 0 : i32
    %scan3A_2 = arith.constant 20 : i32
    %scan3A_3 = arith.addi %scan3A_1, %scan3A_2 : i32
    %scan3A_4 = arith.constant 1 : i32
    scf.for %scan3A_6 = %scan3A_1 to %scan3A_3 step %scan3A_4  : i32 {
      %dma_start3A = arith.constant 0 : i32
      %dma_start3A_7 = tpu.memref_slice %arg5[%scan3A_6, %dma_start3A] : memref<20x128xi32, #tpu.memory_space<vmem>> -> memref<1x128xi32, #tpu.memory_space<vmem>>
      %dma_start3A_8 = tpu.memref_squeeze %dma_start3A_7 : memref<1x128xi32, #tpu.memory_space<vmem>> -> memref<128xi32, #tpu.memory_space<vmem>>
      %dma_start3A_9 = arith.constant 0 : i32
      %dma_start3A_10 = arith.constant 0 : i32
      %dma_start3A_11 = tpu.memref_slice %arg2[%dma_start3A_9, %dma_start3A_10] : memref<10000x32xf32, #tpu.memory_space<hbm>> -> memref<10000x32xf32, #tpu.memory_space<hbm>>
      tpu.enqueue_indirect_dma source(%dma_start3A_11 : memref<10000x32xf32, #tpu.memory_space<hbm>>) target(%arg6 : memref<128x32xf32, #tpu.memory_space<vmem>>) offsets(%dma_start3A_8 : memref<128xi32, #tpu.memory_space<vmem>>) semaphore(%arg7 : memref<!tpu.dma_semaphore, #tpu.memory_space<semaphore_mem>>)
      %dma_wait3A = arith.constant 0 : i32
      %dma_wait3A_12 = tpu.memref_slice %arg5[%scan3A_6, %dma_wait3A] : memref<20x128xi32, #tpu.memory_space<vmem>> -> memref<1x128xi32, #tpu.memory_space<vmem>>
      %dma_wait3A_13 = tpu.memref_squeeze %dma_wait3A_12 : memref<1x128xi32, #tpu.memory_space<vmem>> -> memref<128xi32, #tpu.memory_space<vmem>>
      %dma_wait3A_14 = arith.constant 0 : i32
      %dma_wait3A_15 = arith.constant 0 : i32
      %dma_wait3A_16 = tpu.memref_slice %arg2[%dma_wait3A_14, %dma_wait3A_15] : memref<10000x32xf32, #tpu.memory_space<hbm>> -> memref<10000x32xf32, #tpu.memory_space<hbm>>
      tpu.wait_indirect_dma semaphore(%arg7 : memref<!tpu.dma_semaphore, #tpu.memory_space<semaphore_mem>>) src(%dma_wait3A_16 : memref<10000x32xf32, #tpu.memory_space<hbm>>) dst(%arg6 : memref<128x32xf32, #tpu.memory_space<vmem>>)
      %mul3A_17 = arith.constant 20 : i32
      %mul3A_18 = arith.muli %add3A, %mul3A_17 : i32
      %add3A_19 = arith.addi %mul3A_18, %scan3A_6 : i32
      %mul3A_20 = arith.constant 128 : i32
      %mul3A_21 = arith.muli %add3A_19, %mul3A_20 : i32
      "tpu.region"() ({
        %run_scoped3A = tpu.sem_alloc : memref<!tpu.dma_semaphore, #tpu.memory_space<semaphore_mem>>
        %dma_start3A_22 = arith.constant 0 : i32
        %dma_start3A_23 = tpu.memref_slice %arg4[%mul3A_21, %dma_start3A_22] : memref<81920x32xf32, #tpu.memory_space<hbm>> -> memref<128x32xf32, #tpu.memory_space<hbm>>
        %dma_start3A_24 = arith.constant 0 : i32
        %dma_start3A_25 = tpu.memref_slice %arg4[%mul3A_21, %dma_start3A_24] : memref<81920x32xf32, #tpu.memory_space<hbm>> -> memref<128x32xf32, #tpu.memory_space<hbm>>
        tpu.enqueue_dma source(%arg6 : memref<128x32xf32, #tpu.memory_space<vmem>>) target(%dma_start3A_25 : memref<128x32xf32, #tpu.memory_space<hbm>>) target_semaphore(%run_scoped3A : memref<!tpu.dma_semaphore, #tpu.memory_space<semaphore_mem>>)
        %dma_wait3A_26 = arith.constant 0 : i32
        %dma_wait3A_27 = tpu.memref_slice %arg4[%mul3A_21, %dma_wait3A_26] : memref<81920x32xf32, #tpu.memory_space<hbm>> -> memref<128x32xf32, #tpu.memory_space<hbm>>
        %dma_wait3A_28 = arith.constant 0 : i32
        %dma_wait3A_29 = tpu.memref_slice %arg4[%mul3A_21, %dma_wait3A_28] : memref<81920x32xf32, #tpu.memory_space<hbm>> -> memref<128x32xf32, #tpu.memory_space<hbm>>
        tpu.wait_dma2 semaphore(%run_scoped3A : memref<!tpu.dma_semaphore, #tpu.memory_space<semaphore_mem>>) src(%arg6 : memref<128x32xf32, #tpu.memory_space<vmem>>) dst(%dma_wait3A_29 : memref<128x32xf32, #tpu.memory_space<hbm>>)
        tpu.yield
      }) : () -> ()
    }
    %scan3A_5 = arith.constant 20 : i32
    return
  }
}

#map = affine_map<(d0, d1) -> (0, 0)>
#map1 = affine_map<(d0, d1) -> (0, 0, 0)>
module attributes {stable_mosaic.version = 14 : i64} {
  func.func @_sc_scatter(%arg0: i32, %arg1: i32, %arg2: memref<81920x32xf32, #tpu.memory_space<hbm>>, %arg3: memref<32x20x128xi32, #tpu.memory_space<hbm>>, %arg4: memref<10112x32xf32, #tpu.memory_space<hbm>>, %arg5: memref<2x10112x32xf32, #tpu.memory_space<hbm>>, %arg6: memref<20x128xi32, #tpu.memory_space<vmem>>, %arg7: memref<128x32xf32, #tpu.memory_space<vmem>>, %arg8: memref<10112x32xf32, #tpu.memory_space<vmem_shared>>, %arg9: memref<!tpu.dma_semaphore, #tpu.memory_space<semaphore_mem>>) attributes {dimension_semantics = [#tpu.dimension_semantics<core_parallel>, #tpu.dimension_semantics<subcore_parallel>], iteration_bounds = array<i64: 2, 16>, scalar_prefetch = 0 : i64, scratch_operands = 4 : i64, tpu.core_type = #tpu.core_type<sc_vector_subcore>, window_params = [{transform_indices = #map}, {transform_indices = #map1}, {transform_indices = #map}, {transform_indices = #map1}]} {
    %mul3A = arith.constant 16 : i32
    %mul3A_0 = arith.muli %arg0, %mul3A : i32
    %add3A = arith.addi %mul3A_0, %arg1 : i32
    %mul3A_1 = arith.constant 632 : i32
    %mul3A_2 = arith.muli %arg1, %mul3A_1 : i32
    %mul3A_3 = arith.constant 632 : i32
    %mul3A_4 = arith.muli %arg1, %mul3A_3 : i32
    "tpu.region"() ({
      %run_scoped3A = tpu.sem_alloc : memref<!tpu.dma_semaphore, #tpu.memory_space<semaphore_mem>>
      %dma_start3A = arith.constant 0 : i32
      %dma_start3A_15 = tpu.memref_slice %arg8[%mul3A_4, %dma_start3A] : memref<10112x32xf32, #tpu.memory_space<vmem_shared>> -> memref<632x32xf32, #tpu.memory_space<vmem_shared>>
      %dma_start3A_16 = arith.constant 0 : i32
      %dma_start3A_17 = tpu.memref_slice %arg4[%mul3A_2, %dma_start3A_16] : memref<10112x32xf32, #tpu.memory_space<hbm>> -> memref<632x32xf32, #tpu.memory_space<hbm>>
      tpu.enqueue_dma source(%dma_start3A_17 : memref<632x32xf32, #tpu.memory_space<hbm>>) target(%dma_start3A_15 : memref<632x32xf32, #tpu.memory_space<vmem_shared>>) target_semaphore(%run_scoped3A : memref<!tpu.dma_semaphore, #tpu.memory_space<semaphore_mem>>)
      %dma_wait3A = arith.constant 0 : i32
      %dma_wait3A_18 = tpu.memref_slice %arg8[%mul3A_4, %dma_wait3A] : memref<10112x32xf32, #tpu.memory_space<vmem_shared>> -> memref<632x32xf32, #tpu.memory_space<vmem_shared>>
      %dma_wait3A_19 = arith.constant 0 : i32
      %dma_wait3A_20 = tpu.memref_slice %arg4[%mul3A_2, %dma_wait3A_19] : memref<10112x32xf32, #tpu.memory_space<hbm>> -> memref<632x32xf32, #tpu.memory_space<hbm>>
      tpu.wait_dma2 semaphore(%run_scoped3A : memref<!tpu.dma_semaphore, #tpu.memory_space<semaphore_mem>>) src(%dma_wait3A_20 : memref<632x32xf32, #tpu.memory_space<hbm>>) dst(%dma_wait3A_18 : memref<632x32xf32, #tpu.memory_space<vmem_shared>>)
      tpu.yield
    }) : () -> ()
    "tpu.region"() ({
      %run_scoped3A = tpu.sem_alloc : memref<!tpu.dma_semaphore, #tpu.memory_space<semaphore_mem>>
      %dma_start3A = arith.constant 0 : i32
      %dma_start3A_15 = arith.constant 0 : i32
      %dma_start3A_16 = tpu.memref_slice %arg3[%add3A, %dma_start3A, %dma_start3A_15] : memref<32x20x128xi32, #tpu.memory_space<hbm>> -> memref<1x20x128xi32, #tpu.memory_space<hbm>>
      %dma_start3A_17 = tpu.memref_squeeze %dma_start3A_16 : memref<1x20x128xi32, #tpu.memory_space<hbm>> -> memref<20x128xi32, #tpu.memory_space<hbm>>
      %dma_start3A_18 = arith.constant 0 : i32
      %dma_start3A_19 = arith.constant 0 : i32
      %dma_start3A_20 = tpu.memref_slice %arg3[%add3A, %dma_start3A_18, %dma_start3A_19] : memref<32x20x128xi32, #tpu.memory_space<hbm>> -> memref<1x20x128xi32, #tpu.memory_space<hbm>>
      %dma_start3A_21 = tpu.memref_squeeze %dma_start3A_20 : memref<1x20x128xi32, #tpu.memory_space<hbm>> -> memref<20x128xi32, #tpu.memory_space<hbm>>
      tpu.enqueue_dma source(%dma_start3A_21 : memref<20x128xi32, #tpu.memory_space<hbm>>) target(%arg6 : memref<20x128xi32, #tpu.memory_space<vmem>>) target_semaphore(%run_scoped3A : memref<!tpu.dma_semaphore, #tpu.memory_space<semaphore_mem>>)
      %dma_wait3A = arith.constant 0 : i32
      %dma_wait3A_22 = arith.constant 0 : i32
      %dma_wait3A_23 = tpu.memref_slice %arg3[%add3A, %dma_wait3A, %dma_wait3A_22] : memref<32x20x128xi32, #tpu.memory_space<hbm>> -> memref<1x20x128xi32, #tpu.memory_space<hbm>>
      %dma_wait3A_24 = tpu.memref_squeeze %dma_wait3A_23 : memref<1x20x128xi32, #tpu.memory_space<hbm>> -> memref<20x128xi32, #tpu.memory_space<hbm>>
      %dma_wait3A_25 = arith.constant 0 : i32
      %dma_wait3A_26 = arith.constant 0 : i32
      %dma_wait3A_27 = tpu.memref_slice %arg3[%add3A, %dma_wait3A_25, %dma_wait3A_26] : memref<32x20x128xi32, #tpu.memory_space<hbm>> -> memref<1x20x128xi32, #tpu.memory_space<hbm>>
      %dma_wait3A_28 = tpu.memref_squeeze %dma_wait3A_27 : memref<1x20x128xi32, #tpu.memory_space<hbm>> -> memref<20x128xi32, #tpu.memory_space<hbm>>
      tpu.wait_dma2 semaphore(%run_scoped3A : memref<!tpu.dma_semaphore, #tpu.memory_space<semaphore_mem>>) src(%dma_wait3A_28 : memref<20x128xi32, #tpu.memory_space<hbm>>) dst(%arg6 : memref<20x128xi32, #tpu.memory_space<vmem>>)
      tpu.yield
    }) : () -> ()
    %barrier3A = arith.constant 0 : index
    tpu.barrier barrier_id(%barrier3A)
    %scan3A = arith.constant 0 : i32
    %scan3A_5 = arith.constant 0 : i32
    %scan3A_6 = arith.constant 20 : i32
    %scan3A_7 = arith.addi %scan3A_5, %scan3A_6 : i32
    %scan3A_8 = arith.constant 1 : i32
    scf.for %scan3A_15 = %scan3A_5 to %scan3A_7 step %scan3A_8  : i32 {
      %mul3A_16 = arith.constant 20 : i32
      %mul3A_17 = arith.muli %add3A, %mul3A_16 : i32
      %add3A_18 = arith.addi %mul3A_17, %scan3A_15 : i32
      %mul3A_19 = arith.constant 128 : i32
      %mul3A_20 = arith.muli %add3A_18, %mul3A_19 : i32
      "tpu.region"() ({
        %run_scoped3A = tpu.sem_alloc : memref<!tpu.dma_semaphore, #tpu.memory_space<semaphore_mem>>
        %dma_start3A = arith.constant 0 : i32
        %dma_start3A_21 = tpu.memref_slice %arg2[%mul3A_20, %dma_start3A] : memref<81920x32xf32, #tpu.memory_space<hbm>> -> memref<128x32xf32, #tpu.memory_space<hbm>>
        %dma_start3A_22 = arith.constant 0 : i32
        %dma_start3A_23 = tpu.memref_slice %arg2[%mul3A_20, %dma_start3A_22] : memref<81920x32xf32, #tpu.memory_space<hbm>> -> memref<128x32xf32, #tpu.memory_space<hbm>>
        tpu.enqueue_dma source(%dma_start3A_23 : memref<128x32xf32, #tpu.memory_space<hbm>>) target(%arg7 : memref<128x32xf32, #tpu.memory_space<vmem>>) target_semaphore(%run_scoped3A : memref<!tpu.dma_semaphore, #tpu.memory_space<semaphore_mem>>)
        %dma_wait3A = arith.constant 0 : i32
        %dma_wait3A_24 = tpu.memref_slice %arg2[%mul3A_20, %dma_wait3A] : memref<81920x32xf32, #tpu.memory_space<hbm>> -> memref<128x32xf32, #tpu.memory_space<hbm>>
        %dma_wait3A_25 = arith.constant 0 : i32
        %dma_wait3A_26 = tpu.memref_slice %arg2[%mul3A_20, %dma_wait3A_25] : memref<81920x32xf32, #tpu.memory_space<hbm>> -> memref<128x32xf32, #tpu.memory_space<hbm>>
        tpu.wait_dma2 semaphore(%run_scoped3A : memref<!tpu.dma_semaphore, #tpu.memory_space<semaphore_mem>>) src(%dma_wait3A_26 : memref<128x32xf32, #tpu.memory_space<hbm>>) dst(%arg7 : memref<128x32xf32, #tpu.memory_space<vmem>>)
        tpu.yield
      }) : () -> ()
      "tpu.region"() ({
        %run_scoped3A = tpu.sem_alloc : memref<!tpu.dma_semaphore, #tpu.memory_space<semaphore_mem>>
        %dma_start3A = arith.constant 0 : i32
        %dma_start3A_21 = tpu.memref_slice %arg6[%scan3A_15, %dma_start3A] : memref<20x128xi32, #tpu.memory_space<vmem>> -> memref<1x128xi32, #tpu.memory_space<vmem>>
        %dma_start3A_22 = tpu.memref_squeeze %dma_start3A_21 : memref<1x128xi32, #tpu.memory_space<vmem>> -> memref<128xi32, #tpu.memory_space<vmem>>
        %dma_start3A_23 = arith.constant 0 : i32
        %dma_start3A_24 = arith.constant 0 : i32
        %dma_start3A_25 = tpu.memref_slice %arg8[%dma_start3A_23, %dma_start3A_24] : memref<10112x32xf32, #tpu.memory_space<vmem_shared>> -> memref<10112x32xf32, #tpu.memory_space<vmem_shared>>
        tpu.enqueue_indirect_dma source(%arg7 : memref<128x32xf32, #tpu.memory_space<vmem>>) target(%dma_start3A_25 : memref<10112x32xf32, #tpu.memory_space<vmem_shared>>) offsets(%dma_start3A_22 : memref<128xi32, #tpu.memory_space<vmem>>) semaphore(%run_scoped3A : memref<!tpu.dma_semaphore, #tpu.memory_space<semaphore_mem>>) {add = true}
        %dma_wait3A = arith.constant 0 : i32
        %dma_wait3A_26 = tpu.memref_slice %arg6[%scan3A_15, %dma_wait3A] : memref<20x128xi32, #tpu.memory_space<vmem>> -> memref<1x128xi32, #tpu.memory_space<vmem>>
        %dma_wait3A_27 = tpu.memref_squeeze %dma_wait3A_26 : memref<1x128xi32, #tpu.memory_space<vmem>> -> memref<128xi32, #tpu.memory_space<vmem>>
        %dma_wait3A_28 = arith.constant 0 : i32
        %dma_wait3A_29 = arith.constant 0 : i32
        %dma_wait3A_30 = tpu.memref_slice %arg8[%dma_wait3A_28, %dma_wait3A_29] : memref<10112x32xf32, #tpu.memory_space<vmem_shared>> -> memref<10112x32xf32, #tpu.memory_space<vmem_shared>>
        tpu.wait_indirect_dma semaphore(%run_scoped3A : memref<!tpu.dma_semaphore, #tpu.memory_space<semaphore_mem>>) src(%arg7 : memref<128x32xf32, #tpu.memory_space<vmem>>) dst(%dma_wait3A_30 : memref<10112x32xf32, #tpu.memory_space<vmem_shared>>)
        tpu.yield
      }) : () -> ()
    }
    %scan3A_9 = arith.constant 20 : i32
    %barrier3A_10 = arith.constant 0 : index
    tpu.barrier barrier_id(%barrier3A_10)
    %mul3A_11 = arith.constant 632 : i32
    %mul3A_12 = arith.muli %arg1, %mul3A_11 : i32
    %mul3A_13 = arith.constant 632 : i32
    %mul3A_14 = arith.muli %arg1, %mul3A_13 : i32
    "tpu.region"() ({
      %run_scoped3A = tpu.sem_alloc : memref<!tpu.dma_semaphore, #tpu.memory_space<semaphore_mem>>
      %dma_start3A = arith.constant 0 : i32
      %dma_start3A_15 = tpu.memref_slice %arg5[%arg0, %mul3A_14, %dma_start3A] : memref<2x10112x32xf32, #tpu.memory_space<hbm>> -> memref<1x632x32xf32, #tpu.memory_space<hbm>>
      %dma_start3A_16 = tpu.memref_squeeze %dma_start3A_15 : memref<1x632x32xf32, #tpu.memory_space<hbm>> -> memref<632x32xf32, #tpu.memory_space<hbm>>
      %dma_start3A_17 = arith.constant 0 : i32
      %dma_start3A_18 = tpu.memref_slice %arg8[%mul3A_12, %dma_start3A_17] : memref<10112x32xf32, #tpu.memory_space<vmem_shared>> -> memref<632x32xf32, #tpu.memory_space<vmem_shared>>
      tpu.enqueue_dma source(%dma_start3A_18 : memref<632x32xf32, #tpu.memory_space<vmem_shared>>) target(%dma_start3A_16 : memref<632x32xf32, #tpu.memory_space<hbm>>) target_semaphore(%run_scoped3A : memref<!tpu.dma_semaphore, #tpu.memory_space<semaphore_mem>>)
      %dma_wait3A = arith.constant 0 : i32
      %dma_wait3A_19 = tpu.memref_slice %arg5[%arg0, %mul3A_14, %dma_wait3A] : memref<2x10112x32xf32, #tpu.memory_space<hbm>> -> memref<1x632x32xf32, #tpu.memory_space<hbm>>
      %dma_wait3A_20 = tpu.memref_squeeze %dma_wait3A_19 : memref<1x632x32xf32, #tpu.memory_space<hbm>> -> memref<632x32xf32, #tpu.memory_space<hbm>>
      %dma_wait3A_21 = arith.constant 0 : i32
      %dma_wait3A_22 = tpu.memref_slice %arg8[%mul3A_12, %dma_wait3A_21] : memref<10112x32xf32, #tpu.memory_space<vmem_shared>> -> memref<632x32xf32, #tpu.memory_space<vmem_shared>>
      tpu.wait_dma2 semaphore(%run_scoped3A : memref<!tpu.dma_semaphore, #tpu.memory_space<semaphore_mem>>) src(%dma_wait3A_22 : memref<632x32xf32, #tpu.memory_space<vmem_shared>>) dst(%dma_wait3A_20 : memref<632x32xf32, #tpu.memory_space<hbm>>)
      tpu.yield
    }) : () -> ()
    return
  }
}

#map = affine_map<(d0, d1) -> (0, 0)>
#map1 = affine_map<(d0, d1) -> (0, 0, 0)>
module attributes {stable_mosaic.version = 14 : i64} {
  func.func @_sc_gather(%arg0: i32, %arg1: i32, %arg2: memref<10000x32xf32, #tpu.memory_space<hbm>>, %arg3: memref<32x20x128xi32, #tpu.memory_space<hbm>>, %arg4: memref<81920x32xf32, #tpu.memory_space<hbm>>, %arg5: memref<20x128xi32, #tpu.memory_space<vmem>>, %arg6: memref<128x32xf32, #tpu.memory_space<vmem>>, %arg7: memref<!tpu.dma_semaphore, #tpu.memory_space<semaphore_mem>>) attributes {dimension_semantics = [#tpu.dimension_semantics<core_parallel>, #tpu.dimension_semantics<subcore_parallel>], iteration_bounds = array<i64: 2, 16>, scalar_prefetch = 0 : i64, scratch_operands = 3 : i64, tpu.core_type = #tpu.core_type<sc_vector_subcore>, window_params = [{transform_indices = #map}, {transform_indices = #map1}, {transform_indices = #map}]} {
    %mul3A = arith.constant 16 : i32
    %mul3A_0 = arith.muli %arg0, %mul3A : i32
    %add3A = arith.addi %mul3A_0, %arg1 : i32
    "tpu.region"() ({
      %run_scoped3A = tpu.sem_alloc : memref<!tpu.dma_semaphore, #tpu.memory_space<semaphore_mem>>
      %dma_start3A = arith.constant 0 : i32
      %dma_start3A_6 = arith.constant 0 : i32
      %dma_start3A_7 = tpu.memref_slice %arg3[%add3A, %dma_start3A, %dma_start3A_6] : memref<32x20x128xi32, #tpu.memory_space<hbm>> -> memref<1x20x128xi32, #tpu.memory_space<hbm>>
      %dma_start3A_8 = tpu.memref_squeeze %dma_start3A_7 : memref<1x20x128xi32, #tpu.memory_space<hbm>> -> memref<20x128xi32, #tpu.memory_space<hbm>>
      %dma_start3A_9 = arith.constant 0 : i32
      %dma_start3A_10 = arith.constant 0 : i32
      %dma_start3A_11 = tpu.memref_slice %arg3[%add3A, %dma_start3A_9, %dma_start3A_10] : memref<32x20x128xi32, #tpu.memory_space<hbm>> -> memref<1x20x128xi32, #tpu.memory_space<hbm>>
      %dma_start3A_12 = tpu.memref_squeeze %dma_start3A_11 : memref<1x20x128xi32, #tpu.memory_space<hbm>> -> memref<20x128xi32, #tpu.memory_space<hbm>>
      tpu.enqueue_dma source(%dma_start3A_12 : memref<20x128xi32, #tpu.memory_space<hbm>>) target(%arg5 : memref<20x128xi32, #tpu.memory_space<vmem>>) target_semaphore(%run_scoped3A : memref<!tpu.dma_semaphore, #tpu.memory_space<semaphore_mem>>)
      %dma_wait3A = arith.constant 0 : i32
      %dma_wait3A_13 = arith.constant 0 : i32
      %dma_wait3A_14 = tpu.memref_slice %arg3[%add3A, %dma_wait3A, %dma_wait3A_13] : memref<32x20x128xi32, #tpu.memory_space<hbm>> -> memref<1x20x128xi32, #tpu.memory_space<hbm>>
      %dma_wait3A_15 = tpu.memref_squeeze %dma_wait3A_14 : memref<1x20x128xi32, #tpu.memory_space<hbm>> -> memref<20x128xi32, #tpu.memory_space<hbm>>
      %dma_wait3A_16 = arith.constant 0 : i32
      %dma_wait3A_17 = arith.constant 0 : i32
      %dma_wait3A_18 = tpu.memref_slice %arg3[%add3A, %dma_wait3A_16, %dma_wait3A_17] : memref<32x20x128xi32, #tpu.memory_space<hbm>> -> memref<1x20x128xi32, #tpu.memory_space<hbm>>
      %dma_wait3A_19 = tpu.memref_squeeze %dma_wait3A_18 : memref<1x20x128xi32, #tpu.memory_space<hbm>> -> memref<20x128xi32, #tpu.memory_space<hbm>>
      tpu.wait_dma2 semaphore(%run_scoped3A : memref<!tpu.dma_semaphore, #tpu.memory_space<semaphore_mem>>) src(%dma_wait3A_19 : memref<20x128xi32, #tpu.memory_space<hbm>>) dst(%arg5 : memref<20x128xi32, #tpu.memory_space<vmem>>)
      tpu.yield
    }) : () -> ()
    %scan3A = arith.constant 0 : i32
    %scan3A_1 = arith.constant 0 : i32
    %scan3A_2 = arith.constant 20 : i32
    %scan3A_3 = arith.addi %scan3A_1, %scan3A_2 : i32
    %scan3A_4 = arith.constant 1 : i32
    scf.for %scan3A_6 = %scan3A_1 to %scan3A_3 step %scan3A_4  : i32 {
      %dma_start3A = arith.constant 0 : i32
      %dma_start3A_7 = tpu.memref_slice %arg5[%scan3A_6, %dma_start3A] : memref<20x128xi32, #tpu.memory_space<vmem>> -> memref<1x128xi32, #tpu.memory_space<vmem>>
      %dma_start3A_8 = tpu.memref_squeeze %dma_start3A_7 : memref<1x128xi32, #tpu.memory_space<vmem>> -> memref<128xi32, #tpu.memory_space<vmem>>
      %dma_start3A_9 = arith.constant 0 : i32
      %dma_start3A_10 = arith.constant 0 : i32
      %dma_start3A_11 = tpu.memref_slice %arg2[%dma_start3A_9, %dma_start3A_10] : memref<10000x32xf32, #tpu.memory_space<hbm>> -> memref<10000x32xf32, #tpu.memory_space<hbm>>
      tpu.enqueue_indirect_dma source(%dma_start3A_11 : memref<10000x32xf32, #tpu.memory_space<hbm>>) target(%arg6 : memref<128x32xf32, #tpu.memory_space<vmem>>) offsets(%dma_start3A_8 : memref<128xi32, #tpu.memory_space<vmem>>) semaphore(%arg7 : memref<!tpu.dma_semaphore, #tpu.memory_space<semaphore_mem>>)
      %dma_wait3A = arith.constant 0 : i32
      %dma_wait3A_12 = tpu.memref_slice %arg5[%scan3A_6, %dma_wait3A] : memref<20x128xi32, #tpu.memory_space<vmem>> -> memref<1x128xi32, #tpu.memory_space<vmem>>
      %dma_wait3A_13 = tpu.memref_squeeze %dma_wait3A_12 : memref<1x128xi32, #tpu.memory_space<vmem>> -> memref<128xi32, #tpu.memory_space<vmem>>
      %dma_wait3A_14 = arith.constant 0 : i32
      %dma_wait3A_15 = arith.constant 0 : i32
      %dma_wait3A_16 = tpu.memref_slice %arg2[%dma_wait3A_14, %dma_wait3A_15] : memref<10000x32xf32, #tpu.memory_space<hbm>> -> memref<10000x32xf32, #tpu.memory_space<hbm>>
      tpu.wait_indirect_dma semaphore(%arg7 : memref<!tpu.dma_semaphore, #tpu.memory_space<semaphore_mem>>) src(%dma_wait3A_16 : memref<10000x32xf32, #tpu.memory_space<hbm>>) dst(%arg6 : memref<128x32xf32, #tpu.memory_space<vmem>>)
      %mul3A_17 = arith.constant 20 : i32
      %mul3A_18 = arith.muli %add3A, %mul3A_17 : i32
      %add3A_19 = arith.addi %mul3A_18, %scan3A_6 : i32
      %mul3A_20 = arith.constant 128 : i32
      %mul3A_21 = arith.muli %add3A_19, %mul3A_20 : i32
      "tpu.region"() ({
        %run_scoped3A = tpu.sem_alloc : memref<!tpu.dma_semaphore, #tpu.memory_space<semaphore_mem>>
        %dma_start3A_22 = arith.constant 0 : i32
        %dma_start3A_23 = tpu.memref_slice %arg4[%mul3A_21, %dma_start3A_22] : memref<81920x32xf32, #tpu.memory_space<hbm>> -> memref<128x32xf32, #tpu.memory_space<hbm>>
        %dma_start3A_24 = arith.constant 0 : i32
        %dma_start3A_25 = tpu.memref_slice %arg4[%mul3A_21, %dma_start3A_24] : memref<81920x32xf32, #tpu.memory_space<hbm>> -> memref<128x32xf32, #tpu.memory_space<hbm>>
        tpu.enqueue_dma source(%arg6 : memref<128x32xf32, #tpu.memory_space<vmem>>) target(%dma_start3A_25 : memref<128x32xf32, #tpu.memory_space<hbm>>) target_semaphore(%run_scoped3A : memref<!tpu.dma_semaphore, #tpu.memory_space<semaphore_mem>>)
        %dma_wait3A_26 = arith.constant 0 : i32
        %dma_wait3A_27 = tpu.memref_slice %arg4[%mul3A_21, %dma_wait3A_26] : memref<81920x32xf32, #tpu.memory_space<hbm>> -> memref<128x32xf32, #tpu.memory_space<hbm>>
        %dma_wait3A_28 = arith.constant 0 : i32
        %dma_wait3A_29 = tpu.memref_slice %arg4[%mul3A_21, %dma_wait3A_28] : memref<81920x32xf32, #tpu.memory_space<hbm>> -> memref<128x32xf32, #tpu.memory_space<hbm>>
        tpu.wait_dma2 semaphore(%run_scoped3A : memref<!tpu.dma_semaphore, #tpu.memory_space<semaphore_mem>>) src(%arg6 : memref<128x32xf32, #tpu.memory_space<vmem>>) dst(%dma_wait3A_29 : memref<128x32xf32, #tpu.memory_space<hbm>>)
        tpu.yield
      }) : () -> ()
    }
    %scan3A_5 = arith.constant 20 : i32
    return
  }
}

#map = affine_map<(d0, d1) -> (0, 0)>
#map1 = affine_map<(d0, d1) -> (0, 0, 0)>
module attributes {stable_mosaic.version = 14 : i64} {
  func.func @_sc_scatter(%arg0: i32, %arg1: i32, %arg2: memref<81920x32xf32, #tpu.memory_space<hbm>>, %arg3: memref<32x20x128xi32, #tpu.memory_space<hbm>>, %arg4: memref<10112x32xf32, #tpu.memory_space<hbm>>, %arg5: memref<2x10112x32xf32, #tpu.memory_space<hbm>>, %arg6: memref<20x128xi32, #tpu.memory_space<vmem>>, %arg7: memref<128x32xf32, #tpu.memory_space<vmem>>, %arg8: memref<10112x32xf32, #tpu.memory_space<vmem_shared>>, %arg9: memref<!tpu.dma_semaphore, #tpu.memory_space<semaphore_mem>>) attributes {dimension_semantics = [#tpu.dimension_semantics<core_parallel>, #tpu.dimension_semantics<subcore_parallel>], iteration_bounds = array<i64: 2, 16>, scalar_prefetch = 0 : i64, scratch_operands = 4 : i64, tpu.core_type = #tpu.core_type<sc_vector_subcore>, window_params = [{transform_indices = #map}, {transform_indices = #map1}, {transform_indices = #map}, {transform_indices = #map1}]} {
    %mul3A = arith.constant 16 : i32
    %mul3A_0 = arith.muli %arg0, %mul3A : i32
    %add3A = arith.addi %mul3A_0, %arg1 : i32
    %mul3A_1 = arith.constant 632 : i32
    %mul3A_2 = arith.muli %arg1, %mul3A_1 : i32
    %mul3A_3 = arith.constant 632 : i32
    %mul3A_4 = arith.muli %arg1, %mul3A_3 : i32
    "tpu.region"() ({
      %run_scoped3A = tpu.sem_alloc : memref<!tpu.dma_semaphore, #tpu.memory_space<semaphore_mem>>
      %dma_start3A = arith.constant 0 : i32
      %dma_start3A_15 = tpu.memref_slice %arg8[%mul3A_4, %dma_start3A] : memref<10112x32xf32, #tpu.memory_space<vmem_shared>> -> memref<632x32xf32, #tpu.memory_space<vmem_shared>>
      %dma_start3A_16 = arith.constant 0 : i32
      %dma_start3A_17 = tpu.memref_slice %arg4[%mul3A_2, %dma_start3A_16] : memref<10112x32xf32, #tpu.memory_space<hbm>> -> memref<632x32xf32, #tpu.memory_space<hbm>>
      tpu.enqueue_dma source(%dma_start3A_17 : memref<632x32xf32, #tpu.memory_space<hbm>>) target(%dma_start3A_15 : memref<632x32xf32, #tpu.memory_space<vmem_shared>>) target_semaphore(%run_scoped3A : memref<!tpu.dma_semaphore, #tpu.memory_space<semaphore_mem>>)
      %dma_wait3A = arith.constant 0 : i32
      %dma_wait3A_18 = tpu.memref_slice %arg8[%mul3A_4, %dma_wait3A] : memref<10112x32xf32, #tpu.memory_space<vmem_shared>> -> memref<632x32xf32, #tpu.memory_space<vmem_shared>>
      %dma_wait3A_19 = arith.constant 0 : i32
      %dma_wait3A_20 = tpu.memref_slice %arg4[%mul3A_2, %dma_wait3A_19] : memref<10112x32xf32, #tpu.memory_space<hbm>> -> memref<632x32xf32, #tpu.memory_space<hbm>>
      tpu.wait_dma2 semaphore(%run_scoped3A : memref<!tpu.dma_semaphore, #tpu.memory_space<semaphore_mem>>) src(%dma_wait3A_20 : memref<632x32xf32, #tpu.memory_space<hbm>>) dst(%dma_wait3A_18 : memref<632x32xf32, #tpu.memory_space<vmem_shared>>)
      tpu.yield
    }) : () -> ()
    "tpu.region"() ({
      %run_scoped3A = tpu.sem_alloc : memref<!tpu.dma_semaphore, #tpu.memory_space<semaphore_mem>>
      %dma_start3A = arith.constant 0 : i32
      %dma_start3A_15 = arith.constant 0 : i32
      %dma_start3A_16 = tpu.memref_slice %arg3[%add3A, %dma_start3A, %dma_start3A_15] : memref<32x20x128xi32, #tpu.memory_space<hbm>> -> memref<1x20x128xi32, #tpu.memory_space<hbm>>
      %dma_start3A_17 = tpu.memref_squeeze %dma_start3A_16 : memref<1x20x128xi32, #tpu.memory_space<hbm>> -> memref<20x128xi32, #tpu.memory_space<hbm>>
      %dma_start3A_18 = arith.constant 0 : i32
      %dma_start3A_19 = arith.constant 0 : i32
      %dma_start3A_20 = tpu.memref_slice %arg3[%add3A, %dma_start3A_18, %dma_start3A_19] : memref<32x20x128xi32, #tpu.memory_space<hbm>> -> memref<1x20x128xi32, #tpu.memory_space<hbm>>
      %dma_start3A_21 = tpu.memref_squeeze %dma_start3A_20 : memref<1x20x128xi32, #tpu.memory_space<hbm>> -> memref<20x128xi32, #tpu.memory_space<hbm>>
      tpu.enqueue_dma source(%dma_start3A_21 : memref<20x128xi32, #tpu.memory_space<hbm>>) target(%arg6 : memref<20x128xi32, #tpu.memory_space<vmem>>) target_semaphore(%run_scoped3A : memref<!tpu.dma_semaphore, #tpu.memory_space<semaphore_mem>>)
      %dma_wait3A = arith.constant 0 : i32
      %dma_wait3A_22 = arith.constant 0 : i32
      %dma_wait3A_23 = tpu.memref_slice %arg3[%add3A, %dma_wait3A, %dma_wait3A_22] : memref<32x20x128xi32, #tpu.memory_space<hbm>> -> memref<1x20x128xi32, #tpu.memory_space<hbm>>
      %dma_wait3A_24 = tpu.memref_squeeze %dma_wait3A_23 : memref<1x20x128xi32, #tpu.memory_space<hbm>> -> memref<20x128xi32, #tpu.memory_space<hbm>>
      %dma_wait3A_25 = arith.constant 0 : i32
      %dma_wait3A_26 = arith.constant 0 : i32
      %dma_wait3A_27 = tpu.memref_slice %arg3[%add3A, %dma_wait3A_25, %dma_wait3A_26] : memref<32x20x128xi32, #tpu.memory_space<hbm>> -> memref<1x20x128xi32, #tpu.memory_space<hbm>>
      %dma_wait3A_28 = tpu.memref_squeeze %dma_wait3A_27 : memref<1x20x128xi32, #tpu.memory_space<hbm>> -> memref<20x128xi32, #tpu.memory_space<hbm>>
      tpu.wait_dma2 semaphore(%run_scoped3A : memref<!tpu.dma_semaphore, #tpu.memory_space<semaphore_mem>>) src(%dma_wait3A_28 : memref<20x128xi32, #tpu.memory_space<hbm>>) dst(%arg6 : memref<20x128xi32, #tpu.memory_space<vmem>>)
      tpu.yield
    }) : () -> ()
    %barrier3A = arith.constant 0 : index
    tpu.barrier barrier_id(%barrier3A)
    %scan3A = arith.constant 0 : i32
    %scan3A_5 = arith.constant 0 : i32
    %scan3A_6 = arith.constant 20 : i32
    %scan3A_7 = arith.addi %scan3A_5, %scan3A_6 : i32
    %scan3A_8 = arith.constant 1 : i32
    scf.for %scan3A_15 = %scan3A_5 to %scan3A_7 step %scan3A_8  : i32 {
      %mul3A_16 = arith.constant 20 : i32
      %mul3A_17 = arith.muli %add3A, %mul3A_16 : i32
      %add3A_18 = arith.addi %mul3A_17, %scan3A_15 : i32
      %mul3A_19 = arith.constant 128 : i32
      %mul3A_20 = arith.muli %add3A_18, %mul3A_19 : i32
      "tpu.region"() ({
        %run_scoped3A = tpu.sem_alloc : memref<!tpu.dma_semaphore, #tpu.memory_space<semaphore_mem>>
        %dma_start3A = arith.constant 0 : i32
        %dma_start3A_21 = tpu.memref_slice %arg2[%mul3A_20, %dma_start3A] : memref<81920x32xf32, #tpu.memory_space<hbm>> -> memref<128x32xf32, #tpu.memory_space<hbm>>
        %dma_start3A_22 = arith.constant 0 : i32
        %dma_start3A_23 = tpu.memref_slice %arg2[%mul3A_20, %dma_start3A_22] : memref<81920x32xf32, #tpu.memory_space<hbm>> -> memref<128x32xf32, #tpu.memory_space<hbm>>
        tpu.enqueue_dma source(%dma_start3A_23 : memref<128x32xf32, #tpu.memory_space<hbm>>) target(%arg7 : memref<128x32xf32, #tpu.memory_space<vmem>>) target_semaphore(%run_scoped3A : memref<!tpu.dma_semaphore, #tpu.memory_space<semaphore_mem>>)
        %dma_wait3A = arith.constant 0 : i32
        %dma_wait3A_24 = tpu.memref_slice %arg2[%mul3A_20, %dma_wait3A] : memref<81920x32xf32, #tpu.memory_space<hbm>> -> memref<128x32xf32, #tpu.memory_space<hbm>>
        %dma_wait3A_25 = arith.constant 0 : i32
        %dma_wait3A_26 = tpu.memref_slice %arg2[%mul3A_20, %dma_wait3A_25] : memref<81920x32xf32, #tpu.memory_space<hbm>> -> memref<128x32xf32, #tpu.memory_space<hbm>>
        tpu.wait_dma2 semaphore(%run_scoped3A : memref<!tpu.dma_semaphore, #tpu.memory_space<semaphore_mem>>) src(%dma_wait3A_26 : memref<128x32xf32, #tpu.memory_space<hbm>>) dst(%arg7 : memref<128x32xf32, #tpu.memory_space<vmem>>)
        tpu.yield
      }) : () -> ()
      "tpu.region"() ({
        %run_scoped3A = tpu.sem_alloc : memref<!tpu.dma_semaphore, #tpu.memory_space<semaphore_mem>>
        %dma_start3A = arith.constant 0 : i32
        %dma_start3A_21 = tpu.memref_slice %arg6[%scan3A_15, %dma_start3A] : memref<20x128xi32, #tpu.memory_space<vmem>> -> memref<1x128xi32, #tpu.memory_space<vmem>>
        %dma_start3A_22 = tpu.memref_squeeze %dma_start3A_21 : memref<1x128xi32, #tpu.memory_space<vmem>> -> memref<128xi32, #tpu.memory_space<vmem>>
        %dma_start3A_23 = arith.constant 0 : i32
        %dma_start3A_24 = arith.constant 0 : i32
        %dma_start3A_25 = tpu.memref_slice %arg8[%dma_start3A_23, %dma_start3A_24] : memref<10112x32xf32, #tpu.memory_space<vmem_shared>> -> memref<10112x32xf32, #tpu.memory_space<vmem_shared>>
        tpu.enqueue_indirect_dma source(%arg7 : memref<128x32xf32, #tpu.memory_space<vmem>>) target(%dma_start3A_25 : memref<10112x32xf32, #tpu.memory_space<vmem_shared>>) offsets(%dma_start3A_22 : memref<128xi32, #tpu.memory_space<vmem>>) semaphore(%run_scoped3A : memref<!tpu.dma_semaphore, #tpu.memory_space<semaphore_mem>>) {add = true}
        %dma_wait3A = arith.constant 0 : i32
        %dma_wait3A_26 = tpu.memref_slice %arg6[%scan3A_15, %dma_wait3A] : memref<20x128xi32, #tpu.memory_space<vmem>> -> memref<1x128xi32, #tpu.memory_space<vmem>>
        %dma_wait3A_27 = tpu.memref_squeeze %dma_wait3A_26 : memref<1x128xi32, #tpu.memory_space<vmem>> -> memref<128xi32, #tpu.memory_space<vmem>>
        %dma_wait3A_28 = arith.constant 0 : i32
        %dma_wait3A_29 = arith.constant 0 : i32
        %dma_wait3A_30 = tpu.memref_slice %arg8[%dma_wait3A_28, %dma_wait3A_29] : memref<10112x32xf32, #tpu.memory_space<vmem_shared>> -> memref<10112x32xf32, #tpu.memory_space<vmem_shared>>
        tpu.wait_indirect_dma semaphore(%run_scoped3A : memref<!tpu.dma_semaphore, #tpu.memory_space<semaphore_mem>>) src(%arg7 : memref<128x32xf32, #tpu.memory_space<vmem>>) dst(%dma_wait3A_30 : memref<10112x32xf32, #tpu.memory_space<vmem_shared>>)
        tpu.yield
      }) : () -> ()
    }
    %scan3A_9 = arith.constant 20 : i32
    %barrier3A_10 = arith.constant 0 : index
    tpu.barrier barrier_id(%barrier3A_10)
    %mul3A_11 = arith.constant 632 : i32
    %mul3A_12 = arith.muli %arg1, %mul3A_11 : i32
    %mul3A_13 = arith.constant 632 : i32
    %mul3A_14 = arith.muli %arg1, %mul3A_13 : i32
    "tpu.region"() ({
      %run_scoped3A = tpu.sem_alloc : memref<!tpu.dma_semaphore, #tpu.memory_space<semaphore_mem>>
      %dma_start3A = arith.constant 0 : i32
      %dma_start3A_15 = tpu.memref_slice %arg5[%arg0, %mul3A_14, %dma_start3A] : memref<2x10112x32xf32, #tpu.memory_space<hbm>> -> memref<1x632x32xf32, #tpu.memory_space<hbm>>
      %dma_start3A_16 = tpu.memref_squeeze %dma_start3A_15 : memref<1x632x32xf32, #tpu.memory_space<hbm>> -> memref<632x32xf32, #tpu.memory_space<hbm>>
      %dma_start3A_17 = arith.constant 0 : i32
      %dma_start3A_18 = tpu.memref_slice %arg8[%mul3A_12, %dma_start3A_17] : memref<10112x32xf32, #tpu.memory_space<vmem_shared>> -> memref<632x32xf32, #tpu.memory_space<vmem_shared>>
      tpu.enqueue_dma source(%dma_start3A_18 : memref<632x32xf32, #tpu.memory_space<vmem_shared>>) target(%dma_start3A_16 : memref<632x32xf32, #tpu.memory_space<hbm>>) target_semaphore(%run_scoped3A : memref<!tpu.dma_semaphore, #tpu.memory_space<semaphore_mem>>)
      %dma_wait3A = arith.constant 0 : i32
      %dma_wait3A_19 = tpu.memref_slice %arg5[%arg0, %mul3A_14, %dma_wait3A] : memref<2x10112x32xf32, #tpu.memory_space<hbm>> -> memref<1x632x32xf32, #tpu.memory_space<hbm>>
      %dma_wait3A_20 = tpu.memref_squeeze %dma_wait3A_19 : memref<1x632x32xf32, #tpu.memory_space<hbm>> -> memref<632x32xf32, #tpu.memory_space<hbm>>
      %dma_wait3A_21 = arith.constant 0 : i32
      %dma_wait3A_22 = tpu.memref_slice %arg8[%mul3A_12, %dma_wait3A_21] : memref<10112x32xf32, #tpu.memory_space<vmem_shared>> -> memref<632x32xf32, #tpu.memory_space<vmem_shared>>
      tpu.wait_dma2 semaphore(%run_scoped3A : memref<!tpu.dma_semaphore, #tpu.memory_space<semaphore_mem>>) src(%dma_wait3A_22 : memref<632x32xf32, #tpu.memory_space<vmem_shared>>) dst(%dma_wait3A_20 : memref<632x32xf32, #tpu.memory_space<hbm>>)
      tpu.yield
    }) : () -> ()
    return
  }
}

#map = affine_map<(d0, d1) -> (0, 0)>
#map1 = affine_map<(d0, d1) -> (0, 0, 0)>
module attributes {stable_mosaic.version = 14 : i64} {
  func.func @_sc_gather(%arg0: i32, %arg1: i32, %arg2: memref<10000x32xf32, #tpu.memory_space<hbm>>, %arg3: memref<32x20x128xi32, #tpu.memory_space<hbm>>, %arg4: memref<81920x32xf32, #tpu.memory_space<hbm>>, %arg5: memref<20x128xi32, #tpu.memory_space<vmem>>, %arg6: memref<128x32xf32, #tpu.memory_space<vmem>>, %arg7: memref<!tpu.dma_semaphore, #tpu.memory_space<semaphore_mem>>) attributes {dimension_semantics = [#tpu.dimension_semantics<core_parallel>, #tpu.dimension_semantics<subcore_parallel>], iteration_bounds = array<i64: 2, 16>, scalar_prefetch = 0 : i64, scratch_operands = 3 : i64, tpu.core_type = #tpu.core_type<sc_vector_subcore>, window_params = [{transform_indices = #map}, {transform_indices = #map1}, {transform_indices = #map}]} {
    %mul3A = arith.constant 16 : i32
    %mul3A_0 = arith.muli %arg0, %mul3A : i32
    %add3A = arith.addi %mul3A_0, %arg1 : i32
    "tpu.region"() ({
      %run_scoped3A = tpu.sem_alloc : memref<!tpu.dma_semaphore, #tpu.memory_space<semaphore_mem>>
      %dma_start3A = arith.constant 0 : i32
      %dma_start3A_6 = arith.constant 0 : i32
      %dma_start3A_7 = tpu.memref_slice %arg3[%add3A, %dma_start3A, %dma_start3A_6] : memref<32x20x128xi32, #tpu.memory_space<hbm>> -> memref<1x20x128xi32, #tpu.memory_space<hbm>>
      %dma_start3A_8 = tpu.memref_squeeze %dma_start3A_7 : memref<1x20x128xi32, #tpu.memory_space<hbm>> -> memref<20x128xi32, #tpu.memory_space<hbm>>
      %dma_start3A_9 = arith.constant 0 : i32
      %dma_start3A_10 = arith.constant 0 : i32
      %dma_start3A_11 = tpu.memref_slice %arg3[%add3A, %dma_start3A_9, %dma_start3A_10] : memref<32x20x128xi32, #tpu.memory_space<hbm>> -> memref<1x20x128xi32, #tpu.memory_space<hbm>>
      %dma_start3A_12 = tpu.memref_squeeze %dma_start3A_11 : memref<1x20x128xi32, #tpu.memory_space<hbm>> -> memref<20x128xi32, #tpu.memory_space<hbm>>
      tpu.enqueue_dma source(%dma_start3A_12 : memref<20x128xi32, #tpu.memory_space<hbm>>) target(%arg5 : memref<20x128xi32, #tpu.memory_space<vmem>>) target_semaphore(%run_scoped3A : memref<!tpu.dma_semaphore, #tpu.memory_space<semaphore_mem>>)
      %dma_wait3A = arith.constant 0 : i32
      %dma_wait3A_13 = arith.constant 0 : i32
      %dma_wait3A_14 = tpu.memref_slice %arg3[%add3A, %dma_wait3A, %dma_wait3A_13] : memref<32x20x128xi32, #tpu.memory_space<hbm>> -> memref<1x20x128xi32, #tpu.memory_space<hbm>>
      %dma_wait3A_15 = tpu.memref_squeeze %dma_wait3A_14 : memref<1x20x128xi32, #tpu.memory_space<hbm>> -> memref<20x128xi32, #tpu.memory_space<hbm>>
      %dma_wait3A_16 = arith.constant 0 : i32
      %dma_wait3A_17 = arith.constant 0 : i32
      %dma_wait3A_18 = tpu.memref_slice %arg3[%add3A, %dma_wait3A_16, %dma_wait3A_17] : memref<32x20x128xi32, #tpu.memory_space<hbm>> -> memref<1x20x128xi32, #tpu.memory_space<hbm>>
      %dma_wait3A_19 = tpu.memref_squeeze %dma_wait3A_18 : memref<1x20x128xi32, #tpu.memory_space<hbm>> -> memref<20x128xi32, #tpu.memory_space<hbm>>
      tpu.wait_dma2 semaphore(%run_scoped3A : memref<!tpu.dma_semaphore, #tpu.memory_space<semaphore_mem>>) src(%dma_wait3A_19 : memref<20x128xi32, #tpu.memory_space<hbm>>) dst(%arg5 : memref<20x128xi32, #tpu.memory_space<vmem>>)
      tpu.yield
    }) : () -> ()
    %scan3A = arith.constant 0 : i32
    %scan3A_1 = arith.constant 0 : i32
    %scan3A_2 = arith.constant 20 : i32
    %scan3A_3 = arith.addi %scan3A_1, %scan3A_2 : i32
    %scan3A_4 = arith.constant 1 : i32
    scf.for %scan3A_6 = %scan3A_1 to %scan3A_3 step %scan3A_4  : i32 {
      %dma_start3A = arith.constant 0 : i32
      %dma_start3A_7 = tpu.memref_slice %arg5[%scan3A_6, %dma_start3A] : memref<20x128xi32, #tpu.memory_space<vmem>> -> memref<1x128xi32, #tpu.memory_space<vmem>>
      %dma_start3A_8 = tpu.memref_squeeze %dma_start3A_7 : memref<1x128xi32, #tpu.memory_space<vmem>> -> memref<128xi32, #tpu.memory_space<vmem>>
      %dma_start3A_9 = arith.constant 0 : i32
      %dma_start3A_10 = arith.constant 0 : i32
      %dma_start3A_11 = tpu.memref_slice %arg2[%dma_start3A_9, %dma_start3A_10] : memref<10000x32xf32, #tpu.memory_space<hbm>> -> memref<10000x32xf32, #tpu.memory_space<hbm>>
      tpu.enqueue_indirect_dma source(%dma_start3A_11 : memref<10000x32xf32, #tpu.memory_space<hbm>>) target(%arg6 : memref<128x32xf32, #tpu.memory_space<vmem>>) offsets(%dma_start3A_8 : memref<128xi32, #tpu.memory_space<vmem>>) semaphore(%arg7 : memref<!tpu.dma_semaphore, #tpu.memory_space<semaphore_mem>>)
      %dma_wait3A = arith.constant 0 : i32
      %dma_wait3A_12 = tpu.memref_slice %arg5[%scan3A_6, %dma_wait3A] : memref<20x128xi32, #tpu.memory_space<vmem>> -> memref<1x128xi32, #tpu.memory_space<vmem>>
      %dma_wait3A_13 = tpu.memref_squeeze %dma_wait3A_12 : memref<1x128xi32, #tpu.memory_space<vmem>> -> memref<128xi32, #tpu.memory_space<vmem>>
      %dma_wait3A_14 = arith.constant 0 : i32
      %dma_wait3A_15 = arith.constant 0 : i32
      %dma_wait3A_16 = tpu.memref_slice %arg2[%dma_wait3A_14, %dma_wait3A_15] : memref<10000x32xf32, #tpu.memory_space<hbm>> -> memref<10000x32xf32, #tpu.memory_space<hbm>>
      tpu.wait_indirect_dma semaphore(%arg7 : memref<!tpu.dma_semaphore, #tpu.memory_space<semaphore_mem>>) src(%dma_wait3A_16 : memref<10000x32xf32, #tpu.memory_space<hbm>>) dst(%arg6 : memref<128x32xf32, #tpu.memory_space<vmem>>)
      %mul3A_17 = arith.constant 20 : i32
      %mul3A_18 = arith.muli %add3A, %mul3A_17 : i32
      %add3A_19 = arith.addi %mul3A_18, %scan3A_6 : i32
      %mul3A_20 = arith.constant 128 : i32
      %mul3A_21 = arith.muli %add3A_19, %mul3A_20 : i32
      "tpu.region"() ({
        %run_scoped3A = tpu.sem_alloc : memref<!tpu.dma_semaphore, #tpu.memory_space<semaphore_mem>>
        %dma_start3A_22 = arith.constant 0 : i32
        %dma_start3A_23 = tpu.memref_slice %arg4[%mul3A_21, %dma_start3A_22] : memref<81920x32xf32, #tpu.memory_space<hbm>> -> memref<128x32xf32, #tpu.memory_space<hbm>>
        %dma_start3A_24 = arith.constant 0 : i32
        %dma_start3A_25 = tpu.memref_slice %arg4[%mul3A_21, %dma_start3A_24] : memref<81920x32xf32, #tpu.memory_space<hbm>> -> memref<128x32xf32, #tpu.memory_space<hbm>>
        tpu.enqueue_dma source(%arg6 : memref<128x32xf32, #tpu.memory_space<vmem>>) target(%dma_start3A_25 : memref<128x32xf32, #tpu.memory_space<hbm>>) target_semaphore(%run_scoped3A : memref<!tpu.dma_semaphore, #tpu.memory_space<semaphore_mem>>)
        %dma_wait3A_26 = arith.constant 0 : i32
        %dma_wait3A_27 = tpu.memref_slice %arg4[%mul3A_21, %dma_wait3A_26] : memref<81920x32xf32, #tpu.memory_space<hbm>> -> memref<128x32xf32, #tpu.memory_space<hbm>>
        %dma_wait3A_28 = arith.constant 0 : i32
        %dma_wait3A_29 = tpu.memref_slice %arg4[%mul3A_21, %dma_wait3A_28] : memref<81920x32xf32, #tpu.memory_space<hbm>> -> memref<128x32xf32, #tpu.memory_space<hbm>>
        tpu.wait_dma2 semaphore(%run_scoped3A : memref<!tpu.dma_semaphore, #tpu.memory_space<semaphore_mem>>) src(%arg6 : memref<128x32xf32, #tpu.memory_space<vmem>>) dst(%dma_wait3A_29 : memref<128x32xf32, #tpu.memory_space<hbm>>)
        tpu.yield
      }) : () -> ()
    }
    %scan3A_5 = arith.constant 20 : i32
    return
  }
}

#map = affine_map<(d0, d1) -> (0, 0)>
#map1 = affine_map<(d0, d1) -> (0, 0, 0)>
module attributes {stable_mosaic.version = 14 : i64} {
  func.func @_sc_scatter(%arg0: i32, %arg1: i32, %arg2: memref<81920x32xf32, #tpu.memory_space<hbm>>, %arg3: memref<32x20x128xi32, #tpu.memory_space<hbm>>, %arg4: memref<10112x32xf32, #tpu.memory_space<hbm>>, %arg5: memref<2x10112x32xf32, #tpu.memory_space<hbm>>, %arg6: memref<20x128xi32, #tpu.memory_space<vmem>>, %arg7: memref<128x32xf32, #tpu.memory_space<vmem>>, %arg8: memref<10112x32xf32, #tpu.memory_space<vmem_shared>>, %arg9: memref<!tpu.dma_semaphore, #tpu.memory_space<semaphore_mem>>) attributes {dimension_semantics = [#tpu.dimension_semantics<core_parallel>, #tpu.dimension_semantics<subcore_parallel>], iteration_bounds = array<i64: 2, 16>, scalar_prefetch = 0 : i64, scratch_operands = 4 : i64, tpu.core_type = #tpu.core_type<sc_vector_subcore>, window_params = [{transform_indices = #map}, {transform_indices = #map1}, {transform_indices = #map}, {transform_indices = #map1}]} {
    %mul3A = arith.constant 16 : i32
    %mul3A_0 = arith.muli %arg0, %mul3A : i32
    %add3A = arith.addi %mul3A_0, %arg1 : i32
    %mul3A_1 = arith.constant 632 : i32
    %mul3A_2 = arith.muli %arg1, %mul3A_1 : i32
    %mul3A_3 = arith.constant 632 : i32
    %mul3A_4 = arith.muli %arg1, %mul3A_3 : i32
    "tpu.region"() ({
      %run_scoped3A = tpu.sem_alloc : memref<!tpu.dma_semaphore, #tpu.memory_space<semaphore_mem>>
      %dma_start3A = arith.constant 0 : i32
      %dma_start3A_15 = tpu.memref_slice %arg8[%mul3A_4, %dma_start3A] : memref<10112x32xf32, #tpu.memory_space<vmem_shared>> -> memref<632x32xf32, #tpu.memory_space<vmem_shared>>
      %dma_start3A_16 = arith.constant 0 : i32
      %dma_start3A_17 = tpu.memref_slice %arg4[%mul3A_2, %dma_start3A_16] : memref<10112x32xf32, #tpu.memory_space<hbm>> -> memref<632x32xf32, #tpu.memory_space<hbm>>
      tpu.enqueue_dma source(%dma_start3A_17 : memref<632x32xf32, #tpu.memory_space<hbm>>) target(%dma_start3A_15 : memref<632x32xf32, #tpu.memory_space<vmem_shared>>) target_semaphore(%run_scoped3A : memref<!tpu.dma_semaphore, #tpu.memory_space<semaphore_mem>>)
      %dma_wait3A = arith.constant 0 : i32
      %dma_wait3A_18 = tpu.memref_slice %arg8[%mul3A_4, %dma_wait3A] : memref<10112x32xf32, #tpu.memory_space<vmem_shared>> -> memref<632x32xf32, #tpu.memory_space<vmem_shared>>
      %dma_wait3A_19 = arith.constant 0 : i32
      %dma_wait3A_20 = tpu.memref_slice %arg4[%mul3A_2, %dma_wait3A_19] : memref<10112x32xf32, #tpu.memory_space<hbm>> -> memref<632x32xf32, #tpu.memory_space<hbm>>
      tpu.wait_dma2 semaphore(%run_scoped3A : memref<!tpu.dma_semaphore, #tpu.memory_space<semaphore_mem>>) src(%dma_wait3A_20 : memref<632x32xf32, #tpu.memory_space<hbm>>) dst(%dma_wait3A_18 : memref<632x32xf32, #tpu.memory_space<vmem_shared>>)
      tpu.yield
    }) : () -> ()
    "tpu.region"() ({
      %run_scoped3A = tpu.sem_alloc : memref<!tpu.dma_semaphore, #tpu.memory_space<semaphore_mem>>
      %dma_start3A = arith.constant 0 : i32
      %dma_start3A_15 = arith.constant 0 : i32
      %dma_start3A_16 = tpu.memref_slice %arg3[%add3A, %dma_start3A, %dma_start3A_15] : memref<32x20x128xi32, #tpu.memory_space<hbm>> -> memref<1x20x128xi32, #tpu.memory_space<hbm>>
      %dma_start3A_17 = tpu.memref_squeeze %dma_start3A_16 : memref<1x20x128xi32, #tpu.memory_space<hbm>> -> memref<20x128xi32, #tpu.memory_space<hbm>>
      %dma_start3A_18 = arith.constant 0 : i32
      %dma_start3A_19 = arith.constant 0 : i32
      %dma_start3A_20 = tpu.memref_slice %arg3[%add3A, %dma_start3A_18, %dma_start3A_19] : memref<32x20x128xi32, #tpu.memory_space<hbm>> -> memref<1x20x128xi32, #tpu.memory_space<hbm>>
      %dma_start3A_21 = tpu.memref_squeeze %dma_start3A_20 : memref<1x20x128xi32, #tpu.memory_space<hbm>> -> memref<20x128xi32, #tpu.memory_space<hbm>>
      tpu.enqueue_dma source(%dma_start3A_21 : memref<20x128xi32, #tpu.memory_space<hbm>>) target(%arg6 : memref<20x128xi32, #tpu.memory_space<vmem>>) target_semaphore(%run_scoped3A : memref<!tpu.dma_semaphore, #tpu.memory_space<semaphore_mem>>)
      %dma_wait3A = arith.constant 0 : i32
      %dma_wait3A_22 = arith.constant 0 : i32
      %dma_wait3A_23 = tpu.memref_slice %arg3[%add3A, %dma_wait3A, %dma_wait3A_22] : memref<32x20x128xi32, #tpu.memory_space<hbm>> -> memref<1x20x128xi32, #tpu.memory_space<hbm>>
      %dma_wait3A_24 = tpu.memref_squeeze %dma_wait3A_23 : memref<1x20x128xi32, #tpu.memory_space<hbm>> -> memref<20x128xi32, #tpu.memory_space<hbm>>
      %dma_wait3A_25 = arith.constant 0 : i32
      %dma_wait3A_26 = arith.constant 0 : i32
      %dma_wait3A_27 = tpu.memref_slice %arg3[%add3A, %dma_wait3A_25, %dma_wait3A_26] : memref<32x20x128xi32, #tpu.memory_space<hbm>> -> memref<1x20x128xi32, #tpu.memory_space<hbm>>
      %dma_wait3A_28 = tpu.memref_squeeze %dma_wait3A_27 : memref<1x20x128xi32, #tpu.memory_space<hbm>> -> memref<20x128xi32, #tpu.memory_space<hbm>>
      tpu.wait_dma2 semaphore(%run_scoped3A : memref<!tpu.dma_semaphore, #tpu.memory_space<semaphore_mem>>) src(%dma_wait3A_28 : memref<20x128xi32, #tpu.memory_space<hbm>>) dst(%arg6 : memref<20x128xi32, #tpu.memory_space<vmem>>)
      tpu.yield
    }) : () -> ()
    %barrier3A = arith.constant 0 : index
    tpu.barrier barrier_id(%barrier3A)
    %scan3A = arith.constant 0 : i32
    %scan3A_5 = arith.constant 0 : i32
    %scan3A_6 = arith.constant 20 : i32
    %scan3A_7 = arith.addi %scan3A_5, %scan3A_6 : i32
    %scan3A_8 = arith.constant 1 : i32
    scf.for %scan3A_15 = %scan3A_5 to %scan3A_7 step %scan3A_8  : i32 {
      %mul3A_16 = arith.constant 20 : i32
      %mul3A_17 = arith.muli %add3A, %mul3A_16 : i32
      %add3A_18 = arith.addi %mul3A_17, %scan3A_15 : i32
      %mul3A_19 = arith.constant 128 : i32
      %mul3A_20 = arith.muli %add3A_18, %mul3A_19 : i32
      "tpu.region"() ({
        %run_scoped3A = tpu.sem_alloc : memref<!tpu.dma_semaphore, #tpu.memory_space<semaphore_mem>>
        %dma_start3A = arith.constant 0 : i32
        %dma_start3A_21 = tpu.memref_slice %arg2[%mul3A_20, %dma_start3A] : memref<81920x32xf32, #tpu.memory_space<hbm>> -> memref<128x32xf32, #tpu.memory_space<hbm>>
        %dma_start3A_22 = arith.constant 0 : i32
        %dma_start3A_23 = tpu.memref_slice %arg2[%mul3A_20, %dma_start3A_22] : memref<81920x32xf32, #tpu.memory_space<hbm>> -> memref<128x32xf32, #tpu.memory_space<hbm>>
        tpu.enqueue_dma source(%dma_start3A_23 : memref<128x32xf32, #tpu.memory_space<hbm>>) target(%arg7 : memref<128x32xf32, #tpu.memory_space<vmem>>) target_semaphore(%run_scoped3A : memref<!tpu.dma_semaphore, #tpu.memory_space<semaphore_mem>>)
        %dma_wait3A = arith.constant 0 : i32
        %dma_wait3A_24 = tpu.memref_slice %arg2[%mul3A_20, %dma_wait3A] : memref<81920x32xf32, #tpu.memory_space<hbm>> -> memref<128x32xf32, #tpu.memory_space<hbm>>
        %dma_wait3A_25 = arith.constant 0 : i32
        %dma_wait3A_26 = tpu.memref_slice %arg2[%mul3A_20, %dma_wait3A_25] : memref<81920x32xf32, #tpu.memory_space<hbm>> -> memref<128x32xf32, #tpu.memory_space<hbm>>
        tpu.wait_dma2 semaphore(%run_scoped3A : memref<!tpu.dma_semaphore, #tpu.memory_space<semaphore_mem>>) src(%dma_wait3A_26 : memref<128x32xf32, #tpu.memory_space<hbm>>) dst(%arg7 : memref<128x32xf32, #tpu.memory_space<vmem>>)
        tpu.yield
      }) : () -> ()
      "tpu.region"() ({
        %run_scoped3A = tpu.sem_alloc : memref<!tpu.dma_semaphore, #tpu.memory_space<semaphore_mem>>
        %dma_start3A = arith.constant 0 : i32
        %dma_start3A_21 = tpu.memref_slice %arg6[%scan3A_15, %dma_start3A] : memref<20x128xi32, #tpu.memory_space<vmem>> -> memref<1x128xi32, #tpu.memory_space<vmem>>
        %dma_start3A_22 = tpu.memref_squeeze %dma_start3A_21 : memref<1x128xi32, #tpu.memory_space<vmem>> -> memref<128xi32, #tpu.memory_space<vmem>>
        %dma_start3A_23 = arith.constant 0 : i32
        %dma_start3A_24 = arith.constant 0 : i32
        %dma_start3A_25 = tpu.memref_slice %arg8[%dma_start3A_23, %dma_start3A_24] : memref<10112x32xf32, #tpu.memory_space<vmem_shared>> -> memref<10112x32xf32, #tpu.memory_space<vmem_shared>>
        tpu.enqueue_indirect_dma source(%arg7 : memref<128x32xf32, #tpu.memory_space<vmem>>) target(%dma_start3A_25 : memref<10112x32xf32, #tpu.memory_space<vmem_shared>>) offsets(%dma_start3A_22 : memref<128xi32, #tpu.memory_space<vmem>>) semaphore(%run_scoped3A : memref<!tpu.dma_semaphore, #tpu.memory_space<semaphore_mem>>) {add = true}
        %dma_wait3A = arith.constant 0 : i32
        %dma_wait3A_26 = tpu.memref_slice %arg6[%scan3A_15, %dma_wait3A] : memref<20x128xi32, #tpu.memory_space<vmem>> -> memref<1x128xi32, #tpu.memory_space<vmem>>
        %dma_wait3A_27 = tpu.memref_squeeze %dma_wait3A_26 : memref<1x128xi32, #tpu.memory_space<vmem>> -> memref<128xi32, #tpu.memory_space<vmem>>
        %dma_wait3A_28 = arith.constant 0 : i32
        %dma_wait3A_29 = arith.constant 0 : i32
        %dma_wait3A_30 = tpu.memref_slice %arg8[%dma_wait3A_28, %dma_wait3A_29] : memref<10112x32xf32, #tpu.memory_space<vmem_shared>> -> memref<10112x32xf32, #tpu.memory_space<vmem_shared>>
        tpu.wait_indirect_dma semaphore(%run_scoped3A : memref<!tpu.dma_semaphore, #tpu.memory_space<semaphore_mem>>) src(%arg7 : memref<128x32xf32, #tpu.memory_space<vmem>>) dst(%dma_wait3A_30 : memref<10112x32xf32, #tpu.memory_space<vmem_shared>>)
        tpu.yield
      }) : () -> ()
    }
    %scan3A_9 = arith.constant 20 : i32
    %barrier3A_10 = arith.constant 0 : index
    tpu.barrier barrier_id(%barrier3A_10)
    %mul3A_11 = arith.constant 632 : i32
    %mul3A_12 = arith.muli %arg1, %mul3A_11 : i32
    %mul3A_13 = arith.constant 632 : i32
    %mul3A_14 = arith.muli %arg1, %mul3A_13 : i32
    "tpu.region"() ({
      %run_scoped3A = tpu.sem_alloc : memref<!tpu.dma_semaphore, #tpu.memory_space<semaphore_mem>>
      %dma_start3A = arith.constant 0 : i32
      %dma_start3A_15 = tpu.memref_slice %arg5[%arg0, %mul3A_14, %dma_start3A] : memref<2x10112x32xf32, #tpu.memory_space<hbm>> -> memref<1x632x32xf32, #tpu.memory_space<hbm>>
      %dma_start3A_16 = tpu.memref_squeeze %dma_start3A_15 : memref<1x632x32xf32, #tpu.memory_space<hbm>> -> memref<632x32xf32, #tpu.memory_space<hbm>>
      %dma_start3A_17 = arith.constant 0 : i32
      %dma_start3A_18 = tpu.memref_slice %arg8[%mul3A_12, %dma_start3A_17] : memref<10112x32xf32, #tpu.memory_space<vmem_shared>> -> memref<632x32xf32, #tpu.memory_space<vmem_shared>>
      tpu.enqueue_dma source(%dma_start3A_18 : memref<632x32xf32, #tpu.memory_space<vmem_shared>>) target(%dma_start3A_16 : memref<632x32xf32, #tpu.memory_space<hbm>>) target_semaphore(%run_scoped3A : memref<!tpu.dma_semaphore, #tpu.memory_space<semaphore_mem>>)
      %dma_wait3A = arith.constant 0 : i32
      %dma_wait3A_19 = tpu.memref_slice %arg5[%arg0, %mul3A_14, %dma_wait3A] : memref<2x10112x32xf32, #tpu.memory_space<hbm>> -> memref<1x632x32xf32, #tpu.memory_space<hbm>>
      %dma_wait3A_20 = tpu.memref_squeeze %dma_wait3A_19 : memref<1x632x32xf32, #tpu.memory_space<hbm>> -> memref<632x32xf32, #tpu.memory_space<hbm>>
      %dma_wait3A_21 = arith.constant 0 : i32
      %dma_wait3A_22 = tpu.memref_slice %arg8[%mul3A_12, %dma_wait3A_21] : memref<10112x32xf32, #tpu.memory_space<vmem_shared>> -> memref<632x32xf32, #tpu.memory_space<vmem_shared>>
      tpu.wait_dma2 semaphore(%run_scoped3A : memref<!tpu.dma_semaphore, #tpu.memory_space<semaphore_mem>>) src(%dma_wait3A_22 : memref<632x32xf32, #tpu.memory_space<vmem_shared>>) dst(%dma_wait3A_20 : memref<632x32xf32, #tpu.memory_space<hbm>>)
      tpu.yield
    }) : () -> ()
    return
  }
}

#map = affine_map<(d0, d1) -> (0, 0)>
#map1 = affine_map<(d0, d1) -> (0, 0, 0)>
module attributes {stable_mosaic.version = 14 : i64} {
  func.func @_sc_gather(%arg0: i32, %arg1: i32, %arg2: memref<10000x32xf32, #tpu.memory_space<hbm>>, %arg3: memref<32x20x128xi32, #tpu.memory_space<hbm>>, %arg4: memref<81920x32xf32, #tpu.memory_space<hbm>>, %arg5: memref<20x128xi32, #tpu.memory_space<vmem>>, %arg6: memref<128x32xf32, #tpu.memory_space<vmem>>, %arg7: memref<!tpu.dma_semaphore, #tpu.memory_space<semaphore_mem>>) attributes {dimension_semantics = [#tpu.dimension_semantics<core_parallel>, #tpu.dimension_semantics<subcore_parallel>], iteration_bounds = array<i64: 2, 16>, scalar_prefetch = 0 : i64, scratch_operands = 3 : i64, tpu.core_type = #tpu.core_type<sc_vector_subcore>, window_params = [{transform_indices = #map}, {transform_indices = #map1}, {transform_indices = #map}]} {
    %mul3A = arith.constant 16 : i32
    %mul3A_0 = arith.muli %arg0, %mul3A : i32
    %add3A = arith.addi %mul3A_0, %arg1 : i32
    "tpu.region"() ({
      %run_scoped3A = tpu.sem_alloc : memref<!tpu.dma_semaphore, #tpu.memory_space<semaphore_mem>>
      %dma_start3A = arith.constant 0 : i32
      %dma_start3A_6 = arith.constant 0 : i32
      %dma_start3A_7 = tpu.memref_slice %arg3[%add3A, %dma_start3A, %dma_start3A_6] : memref<32x20x128xi32, #tpu.memory_space<hbm>> -> memref<1x20x128xi32, #tpu.memory_space<hbm>>
      %dma_start3A_8 = tpu.memref_squeeze %dma_start3A_7 : memref<1x20x128xi32, #tpu.memory_space<hbm>> -> memref<20x128xi32, #tpu.memory_space<hbm>>
      %dma_start3A_9 = arith.constant 0 : i32
      %dma_start3A_10 = arith.constant 0 : i32
      %dma_start3A_11 = tpu.memref_slice %arg3[%add3A, %dma_start3A_9, %dma_start3A_10] : memref<32x20x128xi32, #tpu.memory_space<hbm>> -> memref<1x20x128xi32, #tpu.memory_space<hbm>>
      %dma_start3A_12 = tpu.memref_squeeze %dma_start3A_11 : memref<1x20x128xi32, #tpu.memory_space<hbm>> -> memref<20x128xi32, #tpu.memory_space<hbm>>
      tpu.enqueue_dma source(%dma_start3A_12 : memref<20x128xi32, #tpu.memory_space<hbm>>) target(%arg5 : memref<20x128xi32, #tpu.memory_space<vmem>>) target_semaphore(%run_scoped3A : memref<!tpu.dma_semaphore, #tpu.memory_space<semaphore_mem>>)
      %dma_wait3A = arith.constant 0 : i32
      %dma_wait3A_13 = arith.constant 0 : i32
      %dma_wait3A_14 = tpu.memref_slice %arg3[%add3A, %dma_wait3A, %dma_wait3A_13] : memref<32x20x128xi32, #tpu.memory_space<hbm>> -> memref<1x20x128xi32, #tpu.memory_space<hbm>>
      %dma_wait3A_15 = tpu.memref_squeeze %dma_wait3A_14 : memref<1x20x128xi32, #tpu.memory_space<hbm>> -> memref<20x128xi32, #tpu.memory_space<hbm>>
      %dma_wait3A_16 = arith.constant 0 : i32
      %dma_wait3A_17 = arith.constant 0 : i32
      %dma_wait3A_18 = tpu.memref_slice %arg3[%add3A, %dma_wait3A_16, %dma_wait3A_17] : memref<32x20x128xi32, #tpu.memory_space<hbm>> -> memref<1x20x128xi32, #tpu.memory_space<hbm>>
      %dma_wait3A_19 = tpu.memref_squeeze %dma_wait3A_18 : memref<1x20x128xi32, #tpu.memory_space<hbm>> -> memref<20x128xi32, #tpu.memory_space<hbm>>
      tpu.wait_dma2 semaphore(%run_scoped3A : memref<!tpu.dma_semaphore, #tpu.memory_space<semaphore_mem>>) src(%dma_wait3A_19 : memref<20x128xi32, #tpu.memory_space<hbm>>) dst(%arg5 : memref<20x128xi32, #tpu.memory_space<vmem>>)
      tpu.yield
    }) : () -> ()
    %scan3A = arith.constant 0 : i32
    %scan3A_1 = arith.constant 0 : i32
    %scan3A_2 = arith.constant 20 : i32
    %scan3A_3 = arith.addi %scan3A_1, %scan3A_2 : i32
    %scan3A_4 = arith.constant 1 : i32
    scf.for %scan3A_6 = %scan3A_1 to %scan3A_3 step %scan3A_4  : i32 {
      %dma_start3A = arith.constant 0 : i32
      %dma_start3A_7 = tpu.memref_slice %arg5[%scan3A_6, %dma_start3A] : memref<20x128xi32, #tpu.memory_space<vmem>> -> memref<1x128xi32, #tpu.memory_space<vmem>>
      %dma_start3A_8 = tpu.memref_squeeze %dma_start3A_7 : memref<1x128xi32, #tpu.memory_space<vmem>> -> memref<128xi32, #tpu.memory_space<vmem>>
      %dma_start3A_9 = arith.constant 0 : i32
      %dma_start3A_10 = arith.constant 0 : i32
      %dma_start3A_11 = tpu.memref_slice %arg2[%dma_start3A_9, %dma_start3A_10] : memref<10000x32xf32, #tpu.memory_space<hbm>> -> memref<10000x32xf32, #tpu.memory_space<hbm>>
      tpu.enqueue_indirect_dma source(%dma_start3A_11 : memref<10000x32xf32, #tpu.memory_space<hbm>>) target(%arg6 : memref<128x32xf32, #tpu.memory_space<vmem>>) offsets(%dma_start3A_8 : memref<128xi32, #tpu.memory_space<vmem>>) semaphore(%arg7 : memref<!tpu.dma_semaphore, #tpu.memory_space<semaphore_mem>>)
      %dma_wait3A = arith.constant 0 : i32
      %dma_wait3A_12 = tpu.memref_slice %arg5[%scan3A_6, %dma_wait3A] : memref<20x128xi32, #tpu.memory_space<vmem>> -> memref<1x128xi32, #tpu.memory_space<vmem>>
      %dma_wait3A_13 = tpu.memref_squeeze %dma_wait3A_12 : memref<1x128xi32, #tpu.memory_space<vmem>> -> memref<128xi32, #tpu.memory_space<vmem>>
      %dma_wait3A_14 = arith.constant 0 : i32
      %dma_wait3A_15 = arith.constant 0 : i32
      %dma_wait3A_16 = tpu.memref_slice %arg2[%dma_wait3A_14, %dma_wait3A_15] : memref<10000x32xf32, #tpu.memory_space<hbm>> -> memref<10000x32xf32, #tpu.memory_space<hbm>>
      tpu.wait_indirect_dma semaphore(%arg7 : memref<!tpu.dma_semaphore, #tpu.memory_space<semaphore_mem>>) src(%dma_wait3A_16 : memref<10000x32xf32, #tpu.memory_space<hbm>>) dst(%arg6 : memref<128x32xf32, #tpu.memory_space<vmem>>)
      %mul3A_17 = arith.constant 20 : i32
      %mul3A_18 = arith.muli %add3A, %mul3A_17 : i32
      %add3A_19 = arith.addi %mul3A_18, %scan3A_6 : i32
      %mul3A_20 = arith.constant 128 : i32
      %mul3A_21 = arith.muli %add3A_19, %mul3A_20 : i32
      "tpu.region"() ({
        %run_scoped3A = tpu.sem_alloc : memref<!tpu.dma_semaphore, #tpu.memory_space<semaphore_mem>>
        %dma_start3A_22 = arith.constant 0 : i32
        %dma_start3A_23 = tpu.memref_slice %arg4[%mul3A_21, %dma_start3A_22] : memref<81920x32xf32, #tpu.memory_space<hbm>> -> memref<128x32xf32, #tpu.memory_space<hbm>>
        %dma_start3A_24 = arith.constant 0 : i32
        %dma_start3A_25 = tpu.memref_slice %arg4[%mul3A_21, %dma_start3A_24] : memref<81920x32xf32, #tpu.memory_space<hbm>> -> memref<128x32xf32, #tpu.memory_space<hbm>>
        tpu.enqueue_dma source(%arg6 : memref<128x32xf32, #tpu.memory_space<vmem>>) target(%dma_start3A_25 : memref<128x32xf32, #tpu.memory_space<hbm>>) target_semaphore(%run_scoped3A : memref<!tpu.dma_semaphore, #tpu.memory_space<semaphore_mem>>)
        %dma_wait3A_26 = arith.constant 0 : i32
        %dma_wait3A_27 = tpu.memref_slice %arg4[%mul3A_21, %dma_wait3A_26] : memref<81920x32xf32, #tpu.memory_space<hbm>> -> memref<128x32xf32, #tpu.memory_space<hbm>>
        %dma_wait3A_28 = arith.constant 0 : i32
        %dma_wait3A_29 = tpu.memref_slice %arg4[%mul3A_21, %dma_wait3A_28] : memref<81920x32xf32, #tpu.memory_space<hbm>> -> memref<128x32xf32, #tpu.memory_space<hbm>>
        tpu.wait_dma2 semaphore(%run_scoped3A : memref<!tpu.dma_semaphore, #tpu.memory_space<semaphore_mem>>) src(%arg6 : memref<128x32xf32, #tpu.memory_space<vmem>>) dst(%dma_wait3A_29 : memref<128x32xf32, #tpu.memory_space<hbm>>)
        tpu.yield
      }) : () -> ()
    }
    %scan3A_5 = arith.constant 20 : i32
    return
  }
}

#map = affine_map<(d0, d1) -> (0, 0)>
#map1 = affine_map<(d0, d1) -> (0, 0, 0)>
module attributes {stable_mosaic.version = 14 : i64} {
  func.func @_sc_scatter(%arg0: i32, %arg1: i32, %arg2: memref<81920x32xf32, #tpu.memory_space<hbm>>, %arg3: memref<32x20x128xi32, #tpu.memory_space<hbm>>, %arg4: memref<10112x32xf32, #tpu.memory_space<hbm>>, %arg5: memref<2x10112x32xf32, #tpu.memory_space<hbm>>, %arg6: memref<20x128xi32, #tpu.memory_space<vmem>>, %arg7: memref<128x32xf32, #tpu.memory_space<vmem>>, %arg8: memref<10112x32xf32, #tpu.memory_space<vmem_shared>>, %arg9: memref<!tpu.dma_semaphore, #tpu.memory_space<semaphore_mem>>) attributes {dimension_semantics = [#tpu.dimension_semantics<core_parallel>, #tpu.dimension_semantics<subcore_parallel>], iteration_bounds = array<i64: 2, 16>, scalar_prefetch = 0 : i64, scratch_operands = 4 : i64, tpu.core_type = #tpu.core_type<sc_vector_subcore>, window_params = [{transform_indices = #map}, {transform_indices = #map1}, {transform_indices = #map}, {transform_indices = #map1}]} {
    %mul3A = arith.constant 16 : i32
    %mul3A_0 = arith.muli %arg0, %mul3A : i32
    %add3A = arith.addi %mul3A_0, %arg1 : i32
    %mul3A_1 = arith.constant 632 : i32
    %mul3A_2 = arith.muli %arg1, %mul3A_1 : i32
    %mul3A_3 = arith.constant 632 : i32
    %mul3A_4 = arith.muli %arg1, %mul3A_3 : i32
    "tpu.region"() ({
      %run_scoped3A = tpu.sem_alloc : memref<!tpu.dma_semaphore, #tpu.memory_space<semaphore_mem>>
      %dma_start3A = arith.constant 0 : i32
      %dma_start3A_15 = tpu.memref_slice %arg8[%mul3A_4, %dma_start3A] : memref<10112x32xf32, #tpu.memory_space<vmem_shared>> -> memref<632x32xf32, #tpu.memory_space<vmem_shared>>
      %dma_start3A_16 = arith.constant 0 : i32
      %dma_start3A_17 = tpu.memref_slice %arg4[%mul3A_2, %dma_start3A_16] : memref<10112x32xf32, #tpu.memory_space<hbm>> -> memref<632x32xf32, #tpu.memory_space<hbm>>
      tpu.enqueue_dma source(%dma_start3A_17 : memref<632x32xf32, #tpu.memory_space<hbm>>) target(%dma_start3A_15 : memref<632x32xf32, #tpu.memory_space<vmem_shared>>) target_semaphore(%run_scoped3A : memref<!tpu.dma_semaphore, #tpu.memory_space<semaphore_mem>>)
      %dma_wait3A = arith.constant 0 : i32
      %dma_wait3A_18 = tpu.memref_slice %arg8[%mul3A_4, %dma_wait3A] : memref<10112x32xf32, #tpu.memory_space<vmem_shared>> -> memref<632x32xf32, #tpu.memory_space<vmem_shared>>
      %dma_wait3A_19 = arith.constant 0 : i32
      %dma_wait3A_20 = tpu.memref_slice %arg4[%mul3A_2, %dma_wait3A_19] : memref<10112x32xf32, #tpu.memory_space<hbm>> -> memref<632x32xf32, #tpu.memory_space<hbm>>
      tpu.wait_dma2 semaphore(%run_scoped3A : memref<!tpu.dma_semaphore, #tpu.memory_space<semaphore_mem>>) src(%dma_wait3A_20 : memref<632x32xf32, #tpu.memory_space<hbm>>) dst(%dma_wait3A_18 : memref<632x32xf32, #tpu.memory_space<vmem_shared>>)
      tpu.yield
    }) : () -> ()
    "tpu.region"() ({
      %run_scoped3A = tpu.sem_alloc : memref<!tpu.dma_semaphore, #tpu.memory_space<semaphore_mem>>
      %dma_start3A = arith.constant 0 : i32
      %dma_start3A_15 = arith.constant 0 : i32
      %dma_start3A_16 = tpu.memref_slice %arg3[%add3A, %dma_start3A, %dma_start3A_15] : memref<32x20x128xi32, #tpu.memory_space<hbm>> -> memref<1x20x128xi32, #tpu.memory_space<hbm>>
      %dma_start3A_17 = tpu.memref_squeeze %dma_start3A_16 : memref<1x20x128xi32, #tpu.memory_space<hbm>> -> memref<20x128xi32, #tpu.memory_space<hbm>>
      %dma_start3A_18 = arith.constant 0 : i32
      %dma_start3A_19 = arith.constant 0 : i32
      %dma_start3A_20 = tpu.memref_slice %arg3[%add3A, %dma_start3A_18, %dma_start3A_19] : memref<32x20x128xi32, #tpu.memory_space<hbm>> -> memref<1x20x128xi32, #tpu.memory_space<hbm>>
      %dma_start3A_21 = tpu.memref_squeeze %dma_start3A_20 : memref<1x20x128xi32, #tpu.memory_space<hbm>> -> memref<20x128xi32, #tpu.memory_space<hbm>>
      tpu.enqueue_dma source(%dma_start3A_21 : memref<20x128xi32, #tpu.memory_space<hbm>>) target(%arg6 : memref<20x128xi32, #tpu.memory_space<vmem>>) target_semaphore(%run_scoped3A : memref<!tpu.dma_semaphore, #tpu.memory_space<semaphore_mem>>)
      %dma_wait3A = arith.constant 0 : i32
      %dma_wait3A_22 = arith.constant 0 : i32
      %dma_wait3A_23 = tpu.memref_slice %arg3[%add3A, %dma_wait3A, %dma_wait3A_22] : memref<32x20x128xi32, #tpu.memory_space<hbm>> -> memref<1x20x128xi32, #tpu.memory_space<hbm>>
      %dma_wait3A_24 = tpu.memref_squeeze %dma_wait3A_23 : memref<1x20x128xi32, #tpu.memory_space<hbm>> -> memref<20x128xi32, #tpu.memory_space<hbm>>
      %dma_wait3A_25 = arith.constant 0 : i32
      %dma_wait3A_26 = arith.constant 0 : i32
      %dma_wait3A_27 = tpu.memref_slice %arg3[%add3A, %dma_wait3A_25, %dma_wait3A_26] : memref<32x20x128xi32, #tpu.memory_space<hbm>> -> memref<1x20x128xi32, #tpu.memory_space<hbm>>
      %dma_wait3A_28 = tpu.memref_squeeze %dma_wait3A_27 : memref<1x20x128xi32, #tpu.memory_space<hbm>> -> memref<20x128xi32, #tpu.memory_space<hbm>>
      tpu.wait_dma2 semaphore(%run_scoped3A : memref<!tpu.dma_semaphore, #tpu.memory_space<semaphore_mem>>) src(%dma_wait3A_28 : memref<20x128xi32, #tpu.memory_space<hbm>>) dst(%arg6 : memref<20x128xi32, #tpu.memory_space<vmem>>)
      tpu.yield
    }) : () -> ()
    %barrier3A = arith.constant 0 : index
    tpu.barrier barrier_id(%barrier3A)
    %scan3A = arith.constant 0 : i32
    %scan3A_5 = arith.constant 0 : i32
    %scan3A_6 = arith.constant 20 : i32
    %scan3A_7 = arith.addi %scan3A_5, %scan3A_6 : i32
    %scan3A_8 = arith.constant 1 : i32
    scf.for %scan3A_15 = %scan3A_5 to %scan3A_7 step %scan3A_8  : i32 {
      %mul3A_16 = arith.constant 20 : i32
      %mul3A_17 = arith.muli %add3A, %mul3A_16 : i32
      %add3A_18 = arith.addi %mul3A_17, %scan3A_15 : i32
      %mul3A_19 = arith.constant 128 : i32
      %mul3A_20 = arith.muli %add3A_18, %mul3A_19 : i32
      "tpu.region"() ({
        %run_scoped3A = tpu.sem_alloc : memref<!tpu.dma_semaphore, #tpu.memory_space<semaphore_mem>>
        %dma_start3A = arith.constant 0 : i32
        %dma_start3A_21 = tpu.memref_slice %arg2[%mul3A_20, %dma_start3A] : memref<81920x32xf32, #tpu.memory_space<hbm>> -> memref<128x32xf32, #tpu.memory_space<hbm>>
        %dma_start3A_22 = arith.constant 0 : i32
        %dma_start3A_23 = tpu.memref_slice %arg2[%mul3A_20, %dma_start3A_22] : memref<81920x32xf32, #tpu.memory_space<hbm>> -> memref<128x32xf32, #tpu.memory_space<hbm>>
        tpu.enqueue_dma source(%dma_start3A_23 : memref<128x32xf32, #tpu.memory_space<hbm>>) target(%arg7 : memref<128x32xf32, #tpu.memory_space<vmem>>) target_semaphore(%run_scoped3A : memref<!tpu.dma_semaphore, #tpu.memory_space<semaphore_mem>>)
        %dma_wait3A = arith.constant 0 : i32
        %dma_wait3A_24 = tpu.memref_slice %arg2[%mul3A_20, %dma_wait3A] : memref<81920x32xf32, #tpu.memory_space<hbm>> -> memref<128x32xf32, #tpu.memory_space<hbm>>
        %dma_wait3A_25 = arith.constant 0 : i32
        %dma_wait3A_26 = tpu.memref_slice %arg2[%mul3A_20, %dma_wait3A_25] : memref<81920x32xf32, #tpu.memory_space<hbm>> -> memref<128x32xf32, #tpu.memory_space<hbm>>
        tpu.wait_dma2 semaphore(%run_scoped3A : memref<!tpu.dma_semaphore, #tpu.memory_space<semaphore_mem>>) src(%dma_wait3A_26 : memref<128x32xf32, #tpu.memory_space<hbm>>) dst(%arg7 : memref<128x32xf32, #tpu.memory_space<vmem>>)
        tpu.yield
      }) : () -> ()
      "tpu.region"() ({
        %run_scoped3A = tpu.sem_alloc : memref<!tpu.dma_semaphore, #tpu.memory_space<semaphore_mem>>
        %dma_start3A = arith.constant 0 : i32
        %dma_start3A_21 = tpu.memref_slice %arg6[%scan3A_15, %dma_start3A] : memref<20x128xi32, #tpu.memory_space<vmem>> -> memref<1x128xi32, #tpu.memory_space<vmem>>
        %dma_start3A_22 = tpu.memref_squeeze %dma_start3A_21 : memref<1x128xi32, #tpu.memory_space<vmem>> -> memref<128xi32, #tpu.memory_space<vmem>>
        %dma_start3A_23 = arith.constant 0 : i32
        %dma_start3A_24 = arith.constant 0 : i32
        %dma_start3A_25 = tpu.memref_slice %arg8[%dma_start3A_23, %dma_start3A_24] : memref<10112x32xf32, #tpu.memory_space<vmem_shared>> -> memref<10112x32xf32, #tpu.memory_space<vmem_shared>>
        tpu.enqueue_indirect_dma source(%arg7 : memref<128x32xf32, #tpu.memory_space<vmem>>) target(%dma_start3A_25 : memref<10112x32xf32, #tpu.memory_space<vmem_shared>>) offsets(%dma_start3A_22 : memref<128xi32, #tpu.memory_space<vmem>>) semaphore(%run_scoped3A : memref<!tpu.dma_semaphore, #tpu.memory_space<semaphore_mem>>) {add = true}
        %dma_wait3A = arith.constant 0 : i32
        %dma_wait3A_26 = tpu.memref_slice %arg6[%scan3A_15, %dma_wait3A] : memref<20x128xi32, #tpu.memory_space<vmem>> -> memref<1x128xi32, #tpu.memory_space<vmem>>
        %dma_wait3A_27 = tpu.memref_squeeze %dma_wait3A_26 : memref<1x128xi32, #tpu.memory_space<vmem>> -> memref<128xi32, #tpu.memory_space<vmem>>
        %dma_wait3A_28 = arith.constant 0 : i32
        %dma_wait3A_29 = arith.constant 0 : i32
        %dma_wait3A_30 = tpu.memref_slice %arg8[%dma_wait3A_28, %dma_wait3A_29] : memref<10112x32xf32, #tpu.memory_space<vmem_shared>> -> memref<10112x32xf32, #tpu.memory_space<vmem_shared>>
        tpu.wait_indirect_dma semaphore(%run_scoped3A : memref<!tpu.dma_semaphore, #tpu.memory_space<semaphore_mem>>) src(%arg7 : memref<128x32xf32, #tpu.memory_space<vmem>>) dst(%dma_wait3A_30 : memref<10112x32xf32, #tpu.memory_space<vmem_shared>>)
        tpu.yield
      }) : () -> ()
    }
    %scan3A_9 = arith.constant 20 : i32
    %barrier3A_10 = arith.constant 0 : index
    tpu.barrier barrier_id(%barrier3A_10)
    %mul3A_11 = arith.constant 632 : i32
    %mul3A_12 = arith.muli %arg1, %mul3A_11 : i32
    %mul3A_13 = arith.constant 632 : i32
    %mul3A_14 = arith.muli %arg1, %mul3A_13 : i32
    "tpu.region"() ({
      %run_scoped3A = tpu.sem_alloc : memref<!tpu.dma_semaphore, #tpu.memory_space<semaphore_mem>>
      %dma_start3A = arith.constant 0 : i32
      %dma_start3A_15 = tpu.memref_slice %arg5[%arg0, %mul3A_14, %dma_start3A] : memref<2x10112x32xf32, #tpu.memory_space<hbm>> -> memref<1x632x32xf32, #tpu.memory_space<hbm>>
      %dma_start3A_16 = tpu.memref_squeeze %dma_start3A_15 : memref<1x632x32xf32, #tpu.memory_space<hbm>> -> memref<632x32xf32, #tpu.memory_space<hbm>>
      %dma_start3A_17 = arith.constant 0 : i32
      %dma_start3A_18 = tpu.memref_slice %arg8[%mul3A_12, %dma_start3A_17] : memref<10112x32xf32, #tpu.memory_space<vmem_shared>> -> memref<632x32xf32, #tpu.memory_space<vmem_shared>>
      tpu.enqueue_dma source(%dma_start3A_18 : memref<632x32xf32, #tpu.memory_space<vmem_shared>>) target(%dma_start3A_16 : memref<632x32xf32, #tpu.memory_space<hbm>>) target_semaphore(%run_scoped3A : memref<!tpu.dma_semaphore, #tpu.memory_space<semaphore_mem>>)
      %dma_wait3A = arith.constant 0 : i32
      %dma_wait3A_19 = tpu.memref_slice %arg5[%arg0, %mul3A_14, %dma_wait3A] : memref<2x10112x32xf32, #tpu.memory_space<hbm>> -> memref<1x632x32xf32, #tpu.memory_space<hbm>>
      %dma_wait3A_20 = tpu.memref_squeeze %dma_wait3A_19 : memref<1x632x32xf32, #tpu.memory_space<hbm>> -> memref<632x32xf32, #tpu.memory_space<hbm>>
      %dma_wait3A_21 = arith.constant 0 : i32
      %dma_wait3A_22 = tpu.memref_slice %arg8[%mul3A_12, %dma_wait3A_21] : memref<10112x32xf32, #tpu.memory_space<vmem_shared>> -> memref<632x32xf32, #tpu.memory_space<vmem_shared>>
      tpu.wait_dma2 semaphore(%run_scoped3A : memref<!tpu.dma_semaphore, #tpu.memory_space<semaphore_mem>>) src(%dma_wait3A_22 : memref<632x32xf32, #tpu.memory_space<vmem_shared>>) dst(%dma_wait3A_20 : memref<632x32xf32, #tpu.memory_space<hbm>>)
      tpu.yield
    }) : () -> ()
    return
  }
}

module attributes {stable_mosaic.version = 14 : i64} {
  func.func @_pro_body(%arg0: memref<10000x128xf32, #tpu.memory_space<vmem>>, %arg1: memref<625x128xf32, #tpu.memory_space<vmem>>, %arg2: memref<128x32xf32, #tpu.memory_space<vmem>>, %arg3: memref<1x32xf32, #tpu.memory_space<vmem>>, %arg4: memref<128x32xf32, #tpu.memory_space<vmem>>, %arg5: memref<1x32xf32, #tpu.memory_space<vmem>>, %arg6: memref<10000x32xf32, #tpu.memory_space<vmem>>, %arg7: memref<10000x32xf32, #tpu.memory_space<vmem>>, %arg8: memref<625x128xf32, #tpu.memory_space<vmem>>) attributes {dimension_semantics = [], scalar_prefetch = 0 : i64, scratch_operands = 0 : i64, tpu.core_type = #tpu.core_type<tc>} {
    %get3A = arith.constant 0 : index
    %get3A_0 = arith.constant 0 : index
    %get3A_1 = vector.load %arg0[%get3A, %get3A_0] : memref<10000x128xf32, #tpu.memory_space<vmem>>, vector<10000x128xf32>
    %reduce_sum3A = arith.constant dense<0.000000e+00> : vector<128xf32>
    %reduce_sum3A_2 = vector.multi_reduction <add>, %get3A_1, %reduce_sum3A [0] : vector<10000x128xf32> to vector<128xf32>
    %broadcast_in_dim3A = vector.shape_cast %reduce_sum3A_2 : vector<128xf32> to vector<1x128xf32>
    %div3A = arith.constant 1.000000e+04 : f32
    %div3A_3 = vector.broadcast %div3A : f32 to vector<1x128xf32>
    %div3A_4 = arith.divf %broadcast_in_dim3A, %div3A_3 : vector<1x128xf32>
    %sub3A = vector.broadcast %div3A_4 : vector<1x128xf32> to vector<10000x128xf32>
    %sub3A_5 = arith.subf %get3A_1, %sub3A : vector<10000x128xf32>
    %integer_pow3A = arith.mulf %sub3A_5, %sub3A_5 : vector<10000x128xf32>
    %reduce_sum3A_6 = arith.constant dense<0.000000e+00> : vector<128xf32>
    %reduce_sum3A_7 = vector.multi_reduction <add>, %integer_pow3A, %reduce_sum3A_6 [0] : vector<10000x128xf32> to vector<128xf32>
    %broadcast_in_dim3A_8 = vector.shape_cast %reduce_sum3A_7 : vector<128xf32> to vector<1x128xf32>
    %div3A_9 = arith.constant 1.000000e+04 : f32
    %div3A_10 = vector.broadcast %div3A_9 : f32 to vector<1x128xf32>
    %div3A_11 = arith.divf %broadcast_in_dim3A_8, %div3A_10 : vector<1x128xf32>
    %sub3A_12 = vector.broadcast %div3A_4 : vector<1x128xf32> to vector<10000x128xf32>
    %sub3A_13 = arith.subf %get3A_1, %sub3A_12 : vector<10000x128xf32>
    %sqrt3A = math.sqrt %div3A_11 : vector<1x128xf32>
    %add3A = arith.constant 9.99999997E-7 : f32
    %add3A_14 = vector.broadcast %add3A : f32 to vector<1x128xf32>
    %add3A_15 = arith.addf %sqrt3A, %add3A_14 : vector<1x128xf32>
    %div3A_16 = vector.broadcast %add3A_15 : vector<1x128xf32> to vector<10000x128xf32>
    %div3A_17 = arith.divf %sub3A_13, %div3A_16 : vector<10000x128xf32>
    %get3A_18 = arith.constant 0 : index
    %get3A_19 = arith.constant 0 : index
    %get3A_20 = vector.load %arg2[%get3A_18, %get3A_19] : memref<128x32xf32, #tpu.memory_space<vmem>>, vector<128x32xf32>
    %convert_element_type3A = arith.truncf %div3A_17 : vector<10000x128xf32> to vector<10000x128xbf16>
    %convert_element_type3A_21 = arith.truncf %get3A_20 : vector<128x32xf32> to vector<128x32xbf16>
    %dot_general3A = arith.constant dense<0.000000e+00> : vector<10000x32xf32>
    %dot_general3A_22 = tpu.matmul %convert_element_type3A, %convert_element_type3A_21, %dot_general3A {dimension_numbers = #tpu.dot_dimension_numbers<[1], [0], [0], [1], [0, 0, 1, 1], [], []>, transpose_lhs_hint = false} : vector<10000x128xbf16>, vector<128x32xbf16>, vector<10000x32xf32> -> vector<10000x32xf32>
    %get3A_23 = arith.constant 0 : index
    %get3A_24 = arith.constant 0 : index
    %get3A_25 = vector.load %arg3[%get3A_23, %get3A_24] : memref<1x32xf32, #tpu.memory_space<vmem>>, vector<1x32xf32>
    %add3A_26 = vector.broadcast %get3A_25 : vector<1x32xf32> to vector<10000x32xf32>
    %add3A_27 = arith.addf %dot_general3A_22, %add3A_26 : vector<10000x32xf32>
    %max3A = arith.constant 0.000000e+00 : f32
    %max3A_28 = vector.broadcast %max3A : f32 to vector<10000x32xf32>
    %max3A_29 = arith.maximumf %add3A_27, %max3A_28 : vector<10000x32xf32>
    %swap3A = arith.constant 0 : index
    %swap3A_30 = arith.constant 0 : index
    %swap3A_31 = vector.load %arg6[%swap3A, %swap3A_30] : memref<10000x32xf32, #tpu.memory_space<vmem>>, vector<10000x32xf32>
    tpu.vector_store %arg6[%swap3A, %swap3A_30], %max3A_29 {strides = array<i32>} : memref<10000x32xf32, #tpu.memory_space<vmem>>, vector<10000x32xf32>,
    %get3A_32 = arith.constant 0 : index
    %get3A_33 = arith.constant 0 : index
    %get3A_34 = vector.load %arg4[%get3A_32, %get3A_33] : memref<128x32xf32, #tpu.memory_space<vmem>>, vector<128x32xf32>
    %convert_element_type3A_35 = arith.truncf %div3A_17 : vector<10000x128xf32> to vector<10000x128xbf16>
    %convert_element_type3A_36 = arith.truncf %get3A_34 : vector<128x32xf32> to vector<128x32xbf16>
    %dot_general3A_37 = arith.constant dense<0.000000e+00> : vector<10000x32xf32>
    %dot_general3A_38 = tpu.matmul %convert_element_type3A_35, %convert_element_type3A_36, %dot_general3A_37 {dimension_numbers = #tpu.dot_dimension_numbers<[1], [0], [0], [1], [0, 0, 1, 1], [], []>, transpose_lhs_hint = false} : vector<10000x128xbf16>, vector<128x32xbf16>, vector<10000x32xf32> -> vector<10000x32xf32>
    %get3A_39 = arith.constant 0 : index
    %get3A_40 = arith.constant 0 : index
    %get3A_41 = vector.load %arg5[%get3A_39, %get3A_40] : memref<1x32xf32, #tpu.memory_space<vmem>>, vector<1x32xf32>
    %add3A_42 = vector.broadcast %get3A_41 : vector<1x32xf32> to vector<10000x32xf32>
    %add3A_43 = arith.addf %dot_general3A_38, %add3A_42 : vector<10000x32xf32>
    %gt3A = arith.constant 0.000000e+00 : f32
    %gt3A_44 = vector.broadcast %gt3A : f32 to vector<10000x32xf32>
    %gt3A_45 = arith.cmpf ogt, %add3A_43, %gt3A_44 : vector<10000x32xf32>
    %mul3A = arith.constant 1.000000e-01 : f32
    %mul3A_46 = vector.broadcast %mul3A : f32 to vector<10000x32xf32>
    %mul3A_47 = arith.mulf %mul3A_46, %add3A_43 : vector<10000x32xf32>
    %select_n3A = arith.select %gt3A_45, %add3A_43, %mul3A_47 : vector<10000x32xi1>, vector<10000x32xf32>
    %swap3A_48 = arith.constant 0 : index
    %swap3A_49 = arith.constant 0 : index
    %swap3A_50 = vector.load %arg7[%swap3A_48, %swap3A_49] : memref<10000x32xf32, #tpu.memory_space<vmem>>, vector<10000x32xf32>
    tpu.vector_store %arg7[%swap3A_48, %swap3A_49], %select_n3A {strides = array<i32>} : memref<10000x32xf32, #tpu.memory_space<vmem>>, vector<10000x32xf32>,
    %get3A_51 = arith.constant 0 : index
    %get3A_52 = arith.constant 0 : index
    %get3A_53 = vector.load %arg1[%get3A_51, %get3A_52] : memref<625x128xf32, #tpu.memory_space<vmem>>, vector<625x128xf32>
    %reduce_sum3A_54 = vector.shape_cast %get3A_53 : vector<625x128xf32> to vector<1x625x128xf32>
    %reduce_sum3A_55 = arith.constant dense<0.000000e+00> : vector<1xf32>
    %reduce_sum3A_56 = vector.multi_reduction <add>, %reduce_sum3A_54, %reduce_sum3A_55 [1, 2] : vector<1x625x128xf32> to vector<1xf32>
    %reduce_sum3A_57 = vector.shape_cast %reduce_sum3A_56 : vector<1xf32> to vector<1x1x1xf32>
    %reduce_sum3A_58 = vector.extract %reduce_sum3A_57[0, 0, 0] : f32 from vector<1x1x1xf32>
    %div3A_59 = arith.constant 8.000000e+04 : f32
    %div3A_60 = arith.divf %reduce_sum3A_58, %div3A_59 : f32
    %sub3A_61 = vector.broadcast %div3A_60 : f32 to vector<625x128xf32>
    %sub3A_62 = arith.subf %get3A_53, %sub3A_61 : vector<625x128xf32>
    %integer_pow3A_63 = arith.mulf %sub3A_62, %sub3A_62 : vector<625x128xf32>
    %reduce_sum3A_64 = vector.shape_cast %integer_pow3A_63 : vector<625x128xf32> to vector<1x625x128xf32>
    %reduce_sum3A_65 = arith.constant dense<0.000000e+00> : vector<1xf32>
    %reduce_sum3A_66 = vector.multi_reduction <add>, %reduce_sum3A_64, %reduce_sum3A_65 [1, 2] : vector<1x625x128xf32> to vector<1xf32>
    %reduce_sum3A_67 = vector.shape_cast %reduce_sum3A_66 : vector<1xf32> to vector<1x1x1xf32>
    %reduce_sum3A_68 = vector.extract %reduce_sum3A_67[0, 0, 0] : f32 from vector<1x1x1xf32>
    %div3A_69 = arith.constant 8.000000e+04 : f32
    %div3A_70 = arith.divf %reduce_sum3A_68, %div3A_69 : f32
    %sub3A_71 = vector.broadcast %div3A_60 : f32 to vector<625x128xf32>
    %sub3A_72 = arith.subf %get3A_53, %sub3A_71 : vector<625x128xf32>
    %sqrt3A_73 = math.sqrt %div3A_70 : f32
    %add3A_74 = arith.constant 9.99999997E-7 : f32
    %add3A_75 = arith.addf %sqrt3A_73, %add3A_74 : f32
    %div3A_76 = vector.broadcast %add3A_75 : f32 to vector<625x128xf32>
    %div3A_77 = arith.divf %sub3A_72, %div3A_76 : vector<625x128xf32>
    %swap3A_78 = arith.constant 0 : index
    %swap3A_79 = arith.constant 0 : index
    %swap3A_80 = vector.load %arg8[%swap3A_78, %swap3A_79] : memref<625x128xf32, #tpu.memory_space<vmem>>, vector<625x128xf32>
    tpu.vector_store %arg8[%swap3A_78, %swap3A_79], %div3A_77 {strides = array<i32>} : memref<625x128xf32, #tpu.memory_space<vmem>>, vector<625x128xf32>,
    return
  }
}

module attributes {stable_mosaic.version = 14 : i64} {
  func.func @_msg_body(%arg0: i32, %arg1: memref<512x1xf32, #tpu.memory_space<vmem>>, %arg2: memref<1x32xf32, #tpu.memory_space<vmem>>, %arg3: memref<1x32xf32, #tpu.memory_space<vmem>>, %arg4: memref<32x1024xf32, #tpu.memory_space<vmem>>, %arg5: memref<1x1024xf32, #tpu.memory_space<vmem>>, %arg6: memref<512x32xf32, #tpu.memory_space<vmem>>, %arg7: memref<512x32xf32, #tpu.memory_space<vmem>>) attributes {dimension_semantics = [#tpu.dimension_semantics<arbitrary>], iteration_bounds = array<i64: 160>, scalar_prefetch = 0 : i64, scratch_operands = 0 : i64, tpu.core_type = #tpu.core_type<tc>, window_params = [{transform_indices = @transform_0, window_bounds = array<i64: 512, 1>}, {pipeline_mode = #tpu.pipeline_mode<synchronous>, transform_indices = @transform_1, window_bounds = array<i64: 1, 32>}, {pipeline_mode = #tpu.pipeline_mode<synchronous>, transform_indices = @transform_2, window_bounds = array<i64: 1, 32>}, {pipeline_mode = #tpu.pipeline_mode<synchronous>, transform_indices = @transform_3, window_bounds = array<i64: 32, 1024>}, {pipeline_mode = #tpu.pipeline_mode<synchronous>, transform_indices = @transform_4, window_bounds = array<i64: 1, 1024>}, {transform_indices = @transform_5, window_bounds = array<i64: 512, 32>}, {transform_indices = @transform_6, window_bounds = array<i64: 512, 32>}]} {
    %get3A = arith.constant 0 : index
    %get3A_0 = arith.constant 0 : index
    %get3A_1 = vector.load %arg1[%get3A, %get3A_0] : memref<512x1xf32, #tpu.memory_space<vmem>>, vector<512x1xf32>
    %convert_element_type3A = arith.truncf %get3A_1 : vector<512x1xf32> to vector<512x1xbf16>
    %convert_element_type3A_2 = arith.extf %convert_element_type3A : vector<512x1xbf16> to vector<512x1xf32>
    %get3A_3 = arith.constant 0 : index
    %get3A_4 = arith.constant 0 : index
    %get3A_5 = vector.load %arg2[%get3A_3, %get3A_4] : memref<1x32xf32, #tpu.memory_space<vmem>>, vector<1x32xf32>
    %convert_element_type3A_6 = arith.truncf %get3A_5 : vector<1x32xf32> to vector<1x32xbf16>
    %convert_element_type3A_7 = arith.extf %convert_element_type3A_6 : vector<1x32xbf16> to vector<1x32xf32>
    %mul3A = vector.broadcast %convert_element_type3A_2 : vector<512x1xf32> to vector<512x32xf32>
    %mul3A_8 = vector.broadcast %convert_element_type3A_7 : vector<1x32xf32> to vector<512x32xf32>
    %mul3A_9 = arith.mulf %mul3A, %mul3A_8 : vector<512x32xf32>
    %get3A_10 = arith.constant 0 : index
    %get3A_11 = arith.constant 0 : index
    %get3A_12 = vector.load %arg3[%get3A_10, %get3A_11] : memref<1x32xf32, #tpu.memory_space<vmem>>, vector<1x32xf32>
    %add3A = vector.broadcast %get3A_12 : vector<1x32xf32> to vector<512x32xf32>
    %add3A_13 = arith.addf %mul3A_9, %add3A : vector<512x32xf32>
    %max3A = arith.constant 0.000000e+00 : f32
    %max3A_14 = vector.broadcast %max3A : f32 to vector<512x32xf32>
    %max3A_15 = arith.maximumf %add3A_13, %max3A_14 : vector<512x32xf32>
    %get3A_16 = arith.constant 0 : index
    %get3A_17 = arith.constant 0 : index
    %get3A_18 = vector.load %arg4[%get3A_16, %get3A_17] : memref<32x1024xf32, #tpu.memory_space<vmem>>, vector<32x1024xf32>
    %convert_element_type3A_19 = arith.truncf %max3A_15 : vector<512x32xf32> to vector<512x32xbf16>
    %convert_element_type3A_20 = arith.truncf %get3A_18 : vector<32x1024xf32> to vector<32x1024xbf16>
    %dot_general3A = arith.constant dense<0.000000e+00> : vector<512x1024xf32>
    %dot_general3A_21 = tpu.matmul %convert_element_type3A_19, %convert_element_type3A_20, %dot_general3A {dimension_numbers = #tpu.dot_dimension_numbers<[1], [0], [0], [1], [0, 0, 1, 1], [], []>, transpose_lhs_hint = false} : vector<512x32xbf16>, vector<32x1024xbf16>, vector<512x1024xf32> -> vector<512x1024xf32>
    %get3A_22 = arith.constant 0 : index
    %get3A_23 = arith.constant 0 : index
    %get3A_24 = vector.load %arg5[%get3A_22, %get3A_23] : memref<1x1024xf32, #tpu.memory_space<vmem>>, vector<1x1024xf32>
    %add3A_25 = vector.broadcast %get3A_24 : vector<1x1024xf32> to vector<512x1024xf32>
    %add3A_26 = arith.addf %dot_general3A_21, %add3A_25 : vector<512x1024xf32>
    %convert_element_type3A_27 = arith.truncf %add3A_26 : vector<512x1024xf32> to vector<512x1024xbf16>
    %convert_element_type3A_28 = arith.extf %convert_element_type3A_27 : vector<512x1024xbf16> to vector<512x1024xf32>
    %get3A_29 = arith.constant 0 : index
    %get3A_30 = arith.constant 0 : index
    %get3A_31 = vector.load %arg6[%get3A_29, %get3A_30] : memref<512x32xf32, #tpu.memory_space<vmem>>, vector<512x32xf32>
    %convert_element_type3A_32 = arith.truncf %get3A_31 : vector<512x32xf32> to vector<512x32xbf16>
    %convert_element_type3A_33 = arith.extf %convert_element_type3A_32 : vector<512x32xbf16> to vector<512x32xf32>
    %slice3A = vector.extract_strided_slice %convert_element_type3A_33 {offsets = [0, 0], sizes = [512, 1], strides = [1, 1]} : vector<512x32xf32> to vector<512x1xf32>
    %slice3A_34 = vector.extract_strided_slice %convert_element_type3A_28 {offsets = [0, 0], sizes = [512, 32], strides = [1, 1]} : vector<512x1024xf32> to vector<512x32xf32>
    %mul3A_35 = vector.broadcast %slice3A : vector<512x1xf32> to vector<512x32xf32>
    %mul3A_36 = arith.mulf %mul3A_35, %slice3A_34 : vector<512x32xf32>
    %slice3A_37 = vector.extract_strided_slice %convert_element_type3A_33 {offsets = [0, 1], sizes = [512, 1], strides = [1, 1]} : vector<512x32xf32> to vector<512x1xf32>
    %slice3A_38 = vector.extract_strided_slice %convert_element_type3A_28 {offsets = [0, 32], sizes = [512, 32], strides = [1, 1]} : vector<512x1024xf32> to vector<512x32xf32>
    %mul3A_39 = vector.broadcast %slice3A_37 : vector<512x1xf32> to vector<512x32xf32>
    %mul3A_40 = arith.mulf %mul3A_39, %slice3A_38 : vector<512x32xf32>
    %add3A_41 = arith.addf %mul3A_36, %mul3A_40 : vector<512x32xf32>
    %slice3A_42 = vector.extract_strided_slice %convert_element_type3A_33 {offsets = [0, 2], sizes = [512, 1], strides = [1, 1]} : vector<512x32xf32> to vector<512x1xf32>
    %slice3A_43 = vector.extract_strided_slice %convert_element_type3A_28 {offsets = [0, 64], sizes = [512, 32], strides = [1, 1]} : vector<512x1024xf32> to vector<512x32xf32>
    %mul3A_44 = vector.broadcast %slice3A_42 : vector<512x1xf32> to vector<512x32xf32>
    %mul3A_45 = arith.mulf %mul3A_44, %slice3A_43 : vector<512x32xf32>
    %add3A_46 = arith.addf %add3A_41, %mul3A_45 : vector<512x32xf32>
    %slice3A_47 = vector.extract_strided_slice %convert_element_type3A_33 {offsets = [0, 3], sizes = [512, 1], strides = [1, 1]} : vector<512x32xf32> to vector<512x1xf32>
    %slice3A_48 = vector.extract_strided_slice %convert_element_type3A_28 {offsets = [0, 96], sizes = [512, 32], strides = [1, 1]} : vector<512x1024xf32> to vector<512x32xf32>
    %mul3A_49 = vector.broadcast %slice3A_47 : vector<512x1xf32> to vector<512x32xf32>
    %mul3A_50 = arith.mulf %mul3A_49, %slice3A_48 : vector<512x32xf32>
    %add3A_51 = arith.addf %add3A_46, %mul3A_50 : vector<512x32xf32>
    %slice3A_52 = vector.extract_strided_slice %convert_element_type3A_33 {offsets = [0, 4], sizes = [512, 1], strides = [1, 1]} : vector<512x32xf32> to vector<512x1xf32>
    %slice3A_53 = vector.extract_strided_slice %convert_element_type3A_28 {offsets = [0, 128], sizes = [512, 32], strides = [1, 1]} : vector<512x1024xf32> to vector<512x32xf32>
    %mul3A_54 = vector.broadcast %slice3A_52 : vector<512x1xf32> to vector<512x32xf32>
    %mul3A_55 = arith.mulf %mul3A_54, %slice3A_53 : vector<512x32xf32>
    %add3A_56 = arith.addf %add3A_51, %mul3A_55 : vector<512x32xf32>
    %slice3A_57 = vector.extract_strided_slice %convert_element_type3A_33 {offsets = [0, 5], sizes = [512, 1], strides = [1, 1]} : vector<512x32xf32> to vector<512x1xf32>
    %slice3A_58 = vector.extract_strided_slice %convert_element_type3A_28 {offsets = [0, 160], sizes = [512, 32], strides = [1, 1]} : vector<512x1024xf32> to vector<512x32xf32>
    %mul3A_59 = vector.broadcast %slice3A_57 : vector<512x1xf32> to vector<512x32xf32>
    %mul3A_60 = arith.mulf %mul3A_59, %slice3A_58 : vector<512x32xf32>
    %add3A_61 = arith.addf %add3A_56, %mul3A_60 : vector<512x32xf32>
    %slice3A_62 = vector.extract_strided_slice %convert_element_type3A_33 {offsets = [0, 6], sizes = [512, 1], strides = [1, 1]} : vector<512x32xf32> to vector<512x1xf32>
    %slice3A_63 = vector.extract_strided_slice %convert_element_type3A_28 {offsets = [0, 192], sizes = [512, 32], strides = [1, 1]} : vector<512x1024xf32> to vector<512x32xf32>
    %mul3A_64 = vector.broadcast %slice3A_62 : vector<512x1xf32> to vector<512x32xf32>
    %mul3A_65 = arith.mulf %mul3A_64, %slice3A_63 : vector<512x32xf32>
    %add3A_66 = arith.addf %add3A_61, %mul3A_65 : vector<512x32xf32>
    %slice3A_67 = vector.extract_strided_slice %convert_element_type3A_33 {offsets = [0, 7], sizes = [512, 1], strides = [1, 1]} : vector<512x32xf32> to vector<512x1xf32>
    %slice3A_68 = vector.extract_strided_slice %convert_element_type3A_28 {offsets = [0, 224], sizes = [512, 32], strides = [1, 1]} : vector<512x1024xf32> to vector<512x32xf32>
    %mul3A_69 = vector.broadcast %slice3A_67 : vector<512x1xf32> to vector<512x32xf32>
    %mul3A_70 = arith.mulf %mul3A_69, %slice3A_68 : vector<512x32xf32>
    %add3A_71 = arith.addf %add3A_66, %mul3A_70 : vector<512x32xf32>
    %slice3A_72 = vector.extract_strided_slice %convert_element_type3A_33 {offsets = [0, 8], sizes = [512, 1], strides = [1, 1]} : vector<512x32xf32> to vector<512x1xf32>
    %slice3A_73 = vector.extract_strided_slice %convert_element_type3A_28 {offsets = [0, 256], sizes = [512, 32], strides = [1, 1]} : vector<512x1024xf32> to vector<512x32xf32>
    %mul3A_74 = vector.broadcast %slice3A_72 : vector<512x1xf32> to vector<512x32xf32>
    %mul3A_75 = arith.mulf %mul3A_74, %slice3A_73 : vector<512x32xf32>
    %add3A_76 = arith.addf %add3A_71, %mul3A_75 : vector<512x32xf32>
    %slice3A_77 = vector.extract_strided_slice %convert_element_type3A_33 {offsets = [0, 9], sizes = [512, 1], strides = [1, 1]} : vector<512x32xf32> to vector<512x1xf32>
    %slice3A_78 = vector.extract_strided_slice %convert_element_type3A_28 {offsets = [0, 288], sizes = [512, 32], strides = [1, 1]} : vector<512x1024xf32> to vector<512x32xf32>
    %mul3A_79 = vector.broadcast %slice3A_77 : vector<512x1xf32> to vector<512x32xf32>
    %mul3A_80 = arith.mulf %mul3A_79, %slice3A_78 : vector<512x32xf32>
    %add3A_81 = arith.addf %add3A_76, %mul3A_80 : vector<512x32xf32>
    %slice3A_82 = vector.extract_strided_slice %convert_element_type3A_33 {offsets = [0, 10], sizes = [512, 1], strides = [1, 1]} : vector<512x32xf32> to vector<512x1xf32>
    %slice3A_83 = vector.extract_strided_slice %convert_element_type3A_28 {offsets = [0, 320], sizes = [512, 32], strides = [1, 1]} : vector<512x1024xf32> to vector<512x32xf32>
    %mul3A_84 = vector.broadcast %slice3A_82 : vector<512x1xf32> to vector<512x32xf32>
    %mul3A_85 = arith.mulf %mul3A_84, %slice3A_83 : vector<512x32xf32>
    %add3A_86 = arith.addf %add3A_81, %mul3A_85 : vector<512x32xf32>
    %slice3A_87 = vector.extract_strided_slice %convert_element_type3A_33 {offsets = [0, 11], sizes = [512, 1], strides = [1, 1]} : vector<512x32xf32> to vector<512x1xf32>
    %slice3A_88 = vector.extract_strided_slice %convert_element_type3A_28 {offsets = [0, 352], sizes = [512, 32], strides = [1, 1]} : vector<512x1024xf32> to vector<512x32xf32>
    %mul3A_89 = vector.broadcast %slice3A_87 : vector<512x1xf32> to vector<512x32xf32>
    %mul3A_90 = arith.mulf %mul3A_89, %slice3A_88 : vector<512x32xf32>
    %add3A_91 = arith.addf %add3A_86, %mul3A_90 : vector<512x32xf32>
    %slice3A_92 = vector.extract_strided_slice %convert_element_type3A_33 {offsets = [0, 12], sizes = [512, 1], strides = [1, 1]} : vector<512x32xf32> to vector<512x1xf32>
    %slice3A_93 = vector.extract_strided_slice %convert_element_type3A_28 {offsets = [0, 384], sizes = [512, 32], strides = [1, 1]} : vector<512x1024xf32> to vector<512x32xf32>
    %mul3A_94 = vector.broadcast %slice3A_92 : vector<512x1xf32> to vector<512x32xf32>
    %mul3A_95 = arith.mulf %mul3A_94, %slice3A_93 : vector<512x32xf32>
    %add3A_96 = arith.addf %add3A_91, %mul3A_95 : vector<512x32xf32>
    %slice3A_97 = vector.extract_strided_slice %convert_element_type3A_33 {offsets = [0, 13], sizes = [512, 1], strides = [1, 1]} : vector<512x32xf32> to vector<512x1xf32>
    %slice3A_98 = vector.extract_strided_slice %convert_element_type3A_28 {offsets = [0, 416], sizes = [512, 32], strides = [1, 1]} : vector<512x1024xf32> to vector<512x32xf32>
    %mul3A_99 = vector.broadcast %slice3A_97 : vector<512x1xf32> to vector<512x32xf32>
    %mul3A_100 = arith.mulf %mul3A_99, %slice3A_98 : vector<512x32xf32>
    %add3A_101 = arith.addf %add3A_96, %mul3A_100 : vector<512x32xf32>
    %slice3A_102 = vector.extract_strided_slice %convert_element_type3A_33 {offsets = [0, 14], sizes = [512, 1], strides = [1, 1]} : vector<512x32xf32> to vector<512x1xf32>
    %slice3A_103 = vector.extract_strided_slice %convert_element_type3A_28 {offsets = [0, 448], sizes = [512, 32], strides = [1, 1]} : vector<512x1024xf32> to vector<512x32xf32>
    %mul3A_104 = vector.broadcast %slice3A_102 : vector<512x1xf32> to vector<512x32xf32>
    %mul3A_105 = arith.mulf %mul3A_104, %slice3A_103 : vector<512x32xf32>
    %add3A_106 = arith.addf %add3A_101, %mul3A_105 : vector<512x32xf32>
    %slice3A_107 = vector.extract_strided_slice %convert_element_type3A_33 {offsets = [0, 15], sizes = [512, 1], strides = [1, 1]} : vector<512x32xf32> to vector<512x1xf32>
    %slice3A_108 = vector.extract_strided_slice %convert_element_type3A_28 {offsets = [0, 480], sizes = [512, 32], strides = [1, 1]} : vector<512x1024xf32> to vector<512x32xf32>
    %mul3A_109 = vector.broadcast %slice3A_107 : vector<512x1xf32> to vector<512x32xf32>
    %mul3A_110 = arith.mulf %mul3A_109, %slice3A_108 : vector<512x32xf32>
    %add3A_111 = arith.addf %add3A_106, %mul3A_110 : vector<512x32xf32>
    %slice3A_112 = vector.extract_strided_slice %convert_element_type3A_33 {offsets = [0, 16], sizes = [512, 1], strides = [1, 1]} : vector<512x32xf32> to vector<512x1xf32>
    %slice3A_113 = vector.extract_strided_slice %convert_element_type3A_28 {offsets = [0, 512], sizes = [512, 32], strides = [1, 1]} : vector<512x1024xf32> to vector<512x32xf32>
    %mul3A_114 = vector.broadcast %slice3A_112 : vector<512x1xf32> to vector<512x32xf32>
    %mul3A_115 = arith.mulf %mul3A_114, %slice3A_113 : vector<512x32xf32>
    %add3A_116 = arith.addf %add3A_111, %mul3A_115 : vector<512x32xf32>
    %slice3A_117 = vector.extract_strided_slice %convert_element_type3A_33 {offsets = [0, 17], sizes = [512, 1], strides = [1, 1]} : vector<512x32xf32> to vector<512x1xf32>
    %slice3A_118 = vector.extract_strided_slice %convert_element_type3A_28 {offsets = [0, 544], sizes = [512, 32], strides = [1, 1]} : vector<512x1024xf32> to vector<512x32xf32>
    %mul3A_119 = vector.broadcast %slice3A_117 : vector<512x1xf32> to vector<512x32xf32>
    %mul3A_120 = arith.mulf %mul3A_119, %slice3A_118 : vector<512x32xf32>
    %add3A_121 = arith.addf %add3A_116, %mul3A_120 : vector<512x32xf32>
    %slice3A_122 = vector.extract_strided_slice %convert_element_type3A_33 {offsets = [0, 18], sizes = [512, 1], strides = [1, 1]} : vector<512x32xf32> to vector<512x1xf32>
    %slice3A_123 = vector.extract_strided_slice %convert_element_type3A_28 {offsets = [0, 576], sizes = [512, 32], strides = [1, 1]} : vector<512x1024xf32> to vector<512x32xf32>
    %mul3A_124 = vector.broadcast %slice3A_122 : vector<512x1xf32> to vector<512x32xf32>
    %mul3A_125 = arith.mulf %mul3A_124, %slice3A_123 : vector<512x32xf32>
    %add3A_126 = arith.addf %add3A_121, %mul3A_125 : vector<512x32xf32>
    %slice3A_127 = vector.extract_strided_slice %convert_element_type3A_33 {offsets = [0, 19], sizes = [512, 1], strides = [1, 1]} : vector<512x32xf32> to vector<512x1xf32>
    %slice3A_128 = vector.extract_strided_slice %convert_element_type3A_28 {offsets = [0, 608], sizes = [512, 32], strides = [1, 1]} : vector<512x1024xf32> to vector<512x32xf32>
    %mul3A_129 = vector.broadcast %slice3A_127 : vector<512x1xf32> to vector<512x32xf32>
    %mul3A_130 = arith.mulf %mul3A_129, %slice3A_128 : vector<512x32xf32>
    %add3A_131 = arith.addf %add3A_126, %mul3A_130 : vector<512x32xf32>
    %slice3A_132 = vector.extract_strided_slice %convert_element_type3A_33 {offsets = [0, 20], sizes = [512, 1], strides = [1, 1]} : vector<512x32xf32> to vector<512x1xf32>
    %slice3A_133 = vector.extract_strided_slice %convert_element_type3A_28 {offsets = [0, 640], sizes = [512, 32], strides = [1, 1]} : vector<512x1024xf32> to vector<512x32xf32>
    %mul3A_134 = vector.broadcast %slice3A_132 : vector<512x1xf32> to vector<512x32xf32>
    %mul3A_135 = arith.mulf %mul3A_134, %slice3A_133 : vector<512x32xf32>
    %add3A_136 = arith.addf %add3A_131, %mul3A_135 : vector<512x32xf32>
    %slice3A_137 = vector.extract_strided_slice %convert_element_type3A_33 {offsets = [0, 21], sizes = [512, 1], strides = [1, 1]} : vector<512x32xf32> to vector<512x1xf32>
    %slice3A_138 = vector.extract_strided_slice %convert_element_type3A_28 {offsets = [0, 672], sizes = [512, 32], strides = [1, 1]} : vector<512x1024xf32> to vector<512x32xf32>
    %mul3A_139 = vector.broadcast %slice3A_137 : vector<512x1xf32> to vector<512x32xf32>
    %mul3A_140 = arith.mulf %mul3A_139, %slice3A_138 : vector<512x32xf32>
    %add3A_141 = arith.addf %add3A_136, %mul3A_140 : vector<512x32xf32>
    %slice3A_142 = vector.extract_strided_slice %convert_element_type3A_33 {offsets = [0, 22], sizes = [512, 1], strides = [1, 1]} : vector<512x32xf32> to vector<512x1xf32>
    %slice3A_143 = vector.extract_strided_slice %convert_element_type3A_28 {offsets = [0, 704], sizes = [512, 32], strides = [1, 1]} : vector<512x1024xf32> to vector<512x32xf32>
    %mul3A_144 = vector.broadcast %slice3A_142 : vector<512x1xf32> to vector<512x32xf32>
    %mul3A_145 = arith.mulf %mul3A_144, %slice3A_143 : vector<512x32xf32>
    %add3A_146 = arith.addf %add3A_141, %mul3A_145 : vector<512x32xf32>
    %slice3A_147 = vector.extract_strided_slice %convert_element_type3A_33 {offsets = [0, 23], sizes = [512, 1], strides = [1, 1]} : vector<512x32xf32> to vector<512x1xf32>
    %slice3A_148 = vector.extract_strided_slice %convert_element_type3A_28 {offsets = [0, 736], sizes = [512, 32], strides = [1, 1]} : vector<512x1024xf32> to vector<512x32xf32>
    %mul3A_149 = vector.broadcast %slice3A_147 : vector<512x1xf32> to vector<512x32xf32>
    %mul3A_150 = arith.mulf %mul3A_149, %slice3A_148 : vector<512x32xf32>
    %add3A_151 = arith.addf %add3A_146, %mul3A_150 : vector<512x32xf32>
    %slice3A_152 = vector.extract_strided_slice %convert_element_type3A_33 {offsets = [0, 24], sizes = [512, 1], strides = [1, 1]} : vector<512x32xf32> to vector<512x1xf32>
    %slice3A_153 = vector.extract_strided_slice %convert_element_type3A_28 {offsets = [0, 768], sizes = [512, 32], strides = [1, 1]} : vector<512x1024xf32> to vector<512x32xf32>
    %mul3A_154 = vector.broadcast %slice3A_152 : vector<512x1xf32> to vector<512x32xf32>
    %mul3A_155 = arith.mulf %mul3A_154, %slice3A_153 : vector<512x32xf32>
    %add3A_156 = arith.addf %add3A_151, %mul3A_155 : vector<512x32xf32>
    %slice3A_157 = vector.extract_strided_slice %convert_element_type3A_33 {offsets = [0, 25], sizes = [512, 1], strides = [1, 1]} : vector<512x32xf32> to vector<512x1xf32>
    %slice3A_158 = vector.extract_strided_slice %convert_element_type3A_28 {offsets = [0, 800], sizes = [512, 32], strides = [1, 1]} : vector<512x1024xf32> to vector<512x32xf32>
    %mul3A_159 = vector.broadcast %slice3A_157 : vector<512x1xf32> to vector<512x32xf32>
    %mul3A_160 = arith.mulf %mul3A_159, %slice3A_158 : vector<512x32xf32>
    %add3A_161 = arith.addf %add3A_156, %mul3A_160 : vector<512x32xf32>
    %slice3A_162 = vector.extract_strided_slice %convert_element_type3A_33 {offsets = [0, 26], sizes = [512, 1], strides = [1, 1]} : vector<512x32xf32> to vector<512x1xf32>
    %slice3A_163 = vector.extract_strided_slice %convert_element_type3A_28 {offsets = [0, 832], sizes = [512, 32], strides = [1, 1]} : vector<512x1024xf32> to vector<512x32xf32>
    %mul3A_164 = vector.broadcast %slice3A_162 : vector<512x1xf32> to vector<512x32xf32>
    %mul3A_165 = arith.mulf %mul3A_164, %slice3A_163 : vector<512x32xf32>
    %add3A_166 = arith.addf %add3A_161, %mul3A_165 : vector<512x32xf32>
    %slice3A_167 = vector.extract_strided_slice %convert_element_type3A_33 {offsets = [0, 27], sizes = [512, 1], strides = [1, 1]} : vector<512x32xf32> to vector<512x1xf32>
    %slice3A_168 = vector.extract_strided_slice %convert_element_type3A_28 {offsets = [0, 864], sizes = [512, 32], strides = [1, 1]} : vector<512x1024xf32> to vector<512x32xf32>
    %mul3A_169 = vector.broadcast %slice3A_167 : vector<512x1xf32> to vector<512x32xf32>
    %mul3A_170 = arith.mulf %mul3A_169, %slice3A_168 : vector<512x32xf32>
    %add3A_171 = arith.addf %add3A_166, %mul3A_170 : vector<512x32xf32>
    %slice3A_172 = vector.extract_strided_slice %convert_element_type3A_33 {offsets = [0, 28], sizes = [512, 1], strides = [1, 1]} : vector<512x32xf32> to vector<512x1xf32>
    %slice3A_173 = vector.extract_strided_slice %convert_element_type3A_28 {offsets = [0, 896], sizes = [512, 32], strides = [1, 1]} : vector<512x1024xf32> to vector<512x32xf32>
    %mul3A_174 = vector.broadcast %slice3A_172 : vector<512x1xf32> to vector<512x32xf32>
    %mul3A_175 = arith.mulf %mul3A_174, %slice3A_173 : vector<512x32xf32>
    %add3A_176 = arith.addf %add3A_171, %mul3A_175 : vector<512x32xf32>
    %slice3A_177 = vector.extract_strided_slice %convert_element_type3A_33 {offsets = [0, 29], sizes = [512, 1], strides = [1, 1]} : vector<512x32xf32> to vector<512x1xf32>
    %slice3A_178 = vector.extract_strided_slice %convert_element_type3A_28 {offsets = [0, 928], sizes = [512, 32], strides = [1, 1]} : vector<512x1024xf32> to vector<512x32xf32>
    %mul3A_179 = vector.broadcast %slice3A_177 : vector<512x1xf32> to vector<512x32xf32>
    %mul3A_180 = arith.mulf %mul3A_179, %slice3A_178 : vector<512x32xf32>
    %add3A_181 = arith.addf %add3A_176, %mul3A_180 : vector<512x32xf32>
    %slice3A_182 = vector.extract_strided_slice %convert_element_type3A_33 {offsets = [0, 30], sizes = [512, 1], strides = [1, 1]} : vector<512x32xf32> to vector<512x1xf32>
    %slice3A_183 = vector.extract_strided_slice %convert_element_type3A_28 {offsets = [0, 960], sizes = [512, 32], strides = [1, 1]} : vector<512x1024xf32> to vector<512x32xf32>
    %mul3A_184 = vector.broadcast %slice3A_182 : vector<512x1xf32> to vector<512x32xf32>
    %mul3A_185 = arith.mulf %mul3A_184, %slice3A_183 : vector<512x32xf32>
    %add3A_186 = arith.addf %add3A_181, %mul3A_185 : vector<512x32xf32>
    %slice3A_187 = vector.extract_strided_slice %convert_element_type3A_33 {offsets = [0, 31], sizes = [512, 1], strides = [1, 1]} : vector<512x32xf32> to vector<512x1xf32>
    %slice3A_188 = vector.extract_strided_slice %convert_element_type3A_28 {offsets = [0, 992], sizes = [512, 32], strides = [1, 1]} : vector<512x1024xf32> to vector<512x32xf32>
    %mul3A_189 = vector.broadcast %slice3A_187 : vector<512x1xf32> to vector<512x32xf32>
    %mul3A_190 = arith.mulf %mul3A_189, %slice3A_188 : vector<512x32xf32>
    %add3A_191 = arith.addf %add3A_186, %mul3A_190 : vector<512x32xf32>
    %iota3A = tpu.iota {dimensions = array<i32: 0>} : vector<512x1xi32>
    %mul3A_192 = arith.constant 512 : i32
    %mul3A_193 = arith.muli %arg0, %mul3A_192 : i32
    %add3A_194 = vector.broadcast %mul3A_193 : i32 to vector<512x1xi32>
    %add3A_195 = arith.addi %iota3A, %add3A_194 : vector<512x1xi32>
    %lt3A = arith.constant 80000 : i32
    %lt3A_196 = vector.broadcast %lt3A : i32 to vector<512x1xi32>
    %lt3A_197 = arith.cmpi slt, %add3A_195, %lt3A_196 : vector<512x1xi32>
    %jit3A = arith.constant 0.000000e+00 : f32
    %broadcast_in_dim3A = vector.shape_cast %lt3A_197 : vector<512x1xi1> to vector<512x1xi1>
    %broadcast_in_dim3A_198 = vector.broadcast %broadcast_in_dim3A : vector<512x1xi1> to vector<512x32xi1>
    %broadcast_in_dim3A_199 = vector.broadcast %jit3A : f32 to vector<512x32xf32>
    %select_n3A = arith.select %broadcast_in_dim3A_198, %add3A_191, %broadcast_in_dim3A_199 : vector<512x32xi1>, vector<512x32xf32>
    %swap3A = arith.constant 0 : index
    %swap3A_200 = arith.constant 0 : index
    %swap3A_201 = vector.load %arg7[%swap3A, %swap3A_200] : memref<512x32xf32, #tpu.memory_space<vmem>>, vector<512x32xf32>
    tpu.vector_store %arg7[%swap3A, %swap3A_200], %select_n3A {strides = array<i32>} : memref<512x32xf32, #tpu.memory_space<vmem>>, vector<512x32xf32>,
    return
  }
  func.func @transform_0(%arg0: i32) -> (i32, i32) {
    %c0_i32 = arith.constant 0 : i32
    %c0_i32_0 = arith.constant 0 : i32
    return %arg0, %c0_i32 : i32, i32
  }
  func.func @transform_1(%arg0: i32) -> (i32, i32) {
    %c0_i32 = arith.constant 0 : i32
    %c0_i32_0 = arith.constant 0 : i32
    %c0_i32_1 = arith.constant 0 : i32
    return %c0_i32, %c0_i32_0 : i32, i32
  }
  func.func @transform_2(%arg0: i32) -> (i32, i32) {
    %c0_i32 = arith.constant 0 : i32
    %c0_i32_0 = arith.constant 0 : i32
    %c0_i32_1 = arith.constant 0 : i32
    return %c0_i32, %c0_i32_0 : i32, i32
  }
  func.func @transform_3(%arg0: i32) -> (i32, i32) {
    %c0_i32 = arith.constant 0 : i32
    %c0_i32_0 = arith.constant 0 : i32
    %c0_i32_1 = arith.constant 0 : i32
    return %c0_i32, %c0_i32_0 : i32, i32
  }
  func.func @transform_4(%arg0: i32) -> (i32, i32) {
    %c0_i32 = arith.constant 0 : i32
    %c0_i32_0 = arith.constant 0 : i32
    %c0_i32_1 = arith.constant 0 : i32
    return %c0_i32, %c0_i32_0 : i32, i32
  }
  func.func @transform_5(%arg0: i32) -> (i32, i32) {
    %c0_i32 = arith.constant 0 : i32
    %c0_i32_0 = arith.constant 0 : i32
    return %arg0, %c0_i32 : i32, i32
  }
  func.func @transform_6(%arg0: i32) -> (i32, i32) {
    %c0_i32 = arith.constant 0 : i32
    %c0_i32_0 = arith.constant 0 : i32
    return %arg0, %c0_i32 : i32, i32
  }
}

module attributes {stable_mosaic.version = 14 : i64} {
  func.func @_gru_body(%arg0: memref<2x10112x32xf32, #tpu.memory_space<vmem>>, %arg1: memref<10000x32xf32, #tpu.memory_space<vmem>>, %arg2: memref<32x96xf32, #tpu.memory_space<vmem>>, %arg3: memref<32x96xf32, #tpu.memory_space<vmem>>, %arg4: memref<1x96xf32, #tpu.memory_space<vmem>>, %arg5: memref<1x96xf32, #tpu.memory_space<vmem>>, %arg6: memref<1x32xf32, #tpu.memory_space<vmem>>, %arg7: memref<10000x32xf32, #tpu.memory_space<vmem>>) attributes {dimension_semantics = [], scalar_prefetch = 0 : i64, scratch_operands = 0 : i64, tpu.core_type = #tpu.core_type<tc>} {
    %get3A = arith.constant 0 : index
    %get3A_0 = arith.constant 0 : index
    %get3A_1 = arith.constant 0 : index
    %get3A_2 = vector.load %arg0[%get3A, %get3A_0, %get3A_1] : memref<2x10112x32xf32, #tpu.memory_space<vmem>>, vector<1x10000x32xf32>
    %get3A_3 = vector.shape_cast %get3A_2 : vector<1x10000x32xf32> to vector<10000x32xf32>
    %get3A_4 = arith.constant 1 : index
    %get3A_5 = arith.constant 0 : index
    %get3A_6 = arith.constant 0 : index
    %get3A_7 = vector.load %arg0[%get3A_4, %get3A_5, %get3A_6] : memref<2x10112x32xf32, #tpu.memory_space<vmem>>, vector<1x10000x32xf32>
    %get3A_8 = vector.shape_cast %get3A_7 : vector<1x10000x32xf32> to vector<10000x32xf32>
    %add3A = arith.addf %get3A_3, %get3A_8 : vector<10000x32xf32>
    %get3A_9 = arith.constant 0 : index
    %get3A_10 = arith.constant 0 : index
    %get3A_11 = vector.load %arg6[%get3A_9, %get3A_10] : memref<1x32xf32, #tpu.memory_space<vmem>>, vector<1x32xf32>
    %add3A_12 = vector.broadcast %get3A_11 : vector<1x32xf32> to vector<10000x32xf32>
    %add3A_13 = arith.addf %add3A, %add3A_12 : vector<10000x32xf32>
    %max3A = arith.constant 0.000000e+00 : f32
    %max3A_14 = vector.broadcast %max3A : f32 to vector<10000x32xf32>
    %max3A_15 = arith.maximumf %add3A_13, %max3A_14 : vector<10000x32xf32>
    %get3A_16 = arith.constant 0 : index
    %get3A_17 = arith.constant 0 : index
    %get3A_18 = vector.load %arg1[%get3A_16, %get3A_17] : memref<10000x32xf32, #tpu.memory_space<vmem>>, vector<10000x32xf32>
    %get3A_19 = arith.constant 0 : index
    %get3A_20 = arith.constant 0 : index
    %get3A_21 = vector.load %arg2[%get3A_19, %get3A_20] : memref<32x96xf32, #tpu.memory_space<vmem>>, vector<32x96xf32>
    %convert_element_type3A = arith.truncf %max3A_15 : vector<10000x32xf32> to vector<10000x32xbf16>
    %convert_element_type3A_22 = arith.truncf %get3A_21 : vector<32x96xf32> to vector<32x96xbf16>
    %dot_general3A = arith.constant dense<0.000000e+00> : vector<10000x96xf32>
    %dot_general3A_23 = tpu.matmul %convert_element_type3A, %convert_element_type3A_22, %dot_general3A {dimension_numbers = #tpu.dot_dimension_numbers<[1], [0], [0], [1], [0, 0, 1, 1], [], []>, transpose_lhs_hint = false} : vector<10000x32xbf16>, vector<32x96xbf16>, vector<10000x96xf32> -> vector<10000x96xf32>
    %get3A_24 = arith.constant 0 : index
    %get3A_25 = arith.constant 0 : index
    %get3A_26 = vector.load %arg4[%get3A_24, %get3A_25] : memref<1x96xf32, #tpu.memory_space<vmem>>, vector<1x96xf32>
    %add3A_27 = vector.broadcast %get3A_26 : vector<1x96xf32> to vector<10000x96xf32>
    %add3A_28 = arith.addf %dot_general3A_23, %add3A_27 : vector<10000x96xf32>
    %get3A_29 = arith.constant 0 : index
    %get3A_30 = arith.constant 0 : index
    %get3A_31 = vector.load %arg3[%get3A_29, %get3A_30] : memref<32x96xf32, #tpu.memory_space<vmem>>, vector<32x96xf32>
    %convert_element_type3A_32 = arith.truncf %get3A_18 : vector<10000x32xf32> to vector<10000x32xbf16>
    %convert_element_type3A_33 = arith.truncf %get3A_31 : vector<32x96xf32> to vector<32x96xbf16>
    %dot_general3A_34 = arith.constant dense<0.000000e+00> : vector<10000x96xf32>
    %dot_general3A_35 = tpu.matmul %convert_element_type3A_32, %convert_element_type3A_33, %dot_general3A_34 {dimension_numbers = #tpu.dot_dimension_numbers<[1], [0], [0], [1], [0, 0, 1, 1], [], []>, transpose_lhs_hint = false} : vector<10000x32xbf16>, vector<32x96xbf16>, vector<10000x96xf32> -> vector<10000x96xf32>
    %get3A_36 = arith.constant 0 : index
    %get3A_37 = arith.constant 0 : index
    %get3A_38 = vector.load %arg5[%get3A_36, %get3A_37] : memref<1x96xf32, #tpu.memory_space<vmem>>, vector<1x96xf32>
    %add3A_39 = vector.broadcast %get3A_38 : vector<1x96xf32> to vector<10000x96xf32>
    %add3A_40 = arith.addf %dot_general3A_35, %add3A_39 : vector<10000x96xf32>
    %slice3A = vector.extract_strided_slice %add3A_28 {offsets = [0, 0], sizes = [10000, 32], strides = [1, 1]} : vector<10000x96xf32> to vector<10000x32xf32>
    %slice3A_41 = vector.extract_strided_slice %add3A_40 {offsets = [0, 0], sizes = [10000, 32], strides = [1, 1]} : vector<10000x96xf32> to vector<10000x32xf32>
    %add3A_42 = arith.addf %slice3A, %slice3A_41 : vector<10000x32xf32>
    %logistic3A = arith.negf %add3A_42 : vector<10000x32xf32>
    %logistic3A_43 = math.exp %logistic3A : vector<10000x32xf32>
    %logistic3A_44 = arith.constant 1.000000e+00 : f32
    %logistic3A_45 = vector.broadcast %logistic3A_44 : f32 to vector<10000x32xf32>
    %logistic3A_46 = arith.addf %logistic3A_45, %logistic3A_43 : vector<10000x32xf32>
    %logistic3A_47 = arith.divf %logistic3A_45, %logistic3A_46 : vector<10000x32xf32>
    %slice3A_48 = vector.extract_strided_slice %add3A_28 {offsets = [0, 32], sizes = [10000, 32], strides = [1, 1]} : vector<10000x96xf32> to vector<10000x32xf32>
    %slice3A_49 = vector.extract_strided_slice %add3A_40 {offsets = [0, 32], sizes = [10000, 32], strides = [1, 1]} : vector<10000x96xf32> to vector<10000x32xf32>
    %add3A_50 = arith.addf %slice3A_48, %slice3A_49 : vector<10000x32xf32>
    %logistic3A_51 = arith.negf %add3A_50 : vector<10000x32xf32>
    %logistic3A_52 = math.exp %logistic3A_51 : vector<10000x32xf32>
    %logistic3A_53 = arith.constant 1.000000e+00 : f32
    %logistic3A_54 = vector.broadcast %logistic3A_53 : f32 to vector<10000x32xf32>
    %logistic3A_55 = arith.addf %logistic3A_54, %logistic3A_52 : vector<10000x32xf32>
    %logistic3A_56 = arith.divf %logistic3A_54, %logistic3A_55 : vector<10000x32xf32>
    %slice3A_57 = vector.extract_strided_slice %add3A_28 {offsets = [0, 64], sizes = [10000, 32], strides = [1, 1]} : vector<10000x96xf32> to vector<10000x32xf32>
    %slice3A_58 = vector.extract_strided_slice %add3A_40 {offsets = [0, 64], sizes = [10000, 32], strides = [1, 1]} : vector<10000x96xf32> to vector<10000x32xf32>
    %mul3A = arith.mulf %logistic3A_47, %slice3A_58 : vector<10000x32xf32>
    %add3A_59 = arith.addf %slice3A_57, %mul3A : vector<10000x32xf32>
    %tanh3A = math.tanh %add3A_59 : vector<10000x32xf32>
    %sub3A = arith.constant 1.000000e+00 : f32
    %sub3A_60 = vector.broadcast %sub3A : f32 to vector<10000x32xf32>
    %sub3A_61 = arith.subf %sub3A_60, %logistic3A_56 : vector<10000x32xf32>
    %mul3A_62 = arith.mulf %sub3A_61, %tanh3A : vector<10000x32xf32>
    %mul3A_63 = arith.mulf %logistic3A_56, %get3A_18 : vector<10000x32xf32>
    %add3A_64 = arith.addf %mul3A_62, %mul3A_63 : vector<10000x32xf32>
    %swap3A = arith.constant 0 : index
    %swap3A_65 = arith.constant 0 : index
    %swap3A_66 = vector.load %arg7[%swap3A, %swap3A_65] : memref<10000x32xf32, #tpu.memory_space<vmem>>, vector<10000x32xf32>
    tpu.vector_store %arg7[%swap3A, %swap3A_65], %add3A_64 {strides = array<i32>} : memref<10000x32xf32, #tpu.memory_space<vmem>>, vector<10000x32xf32>,
    return
  }
}

module attributes {stable_mosaic.version = 14 : i64} {
  func.func @_epi_body(%arg0: memref<10000x32xf32, #tpu.memory_space<vmem>>, %arg1: memref<1x32xf32, #tpu.memory_space<vmem>>, %arg2: memref<1x32xf32, #tpu.memory_space<vmem>>, %arg3: memref<64x10000xi32, #tpu.memory_space<vmem>>, %arg4: memref<64x8xf32, #tpu.memory_space<vmem>>, %arg5: memref<8x32xf32, #tpu.memory_space<vmem>>, %arg6: memref<1x32xf32, #tpu.memory_space<vmem>>, %arg7: memref<128x64xf32, #tpu.memory_space<vmem>>, %arg8: memref<1x64xf32, #tpu.memory_space<vmem>>, %arg9: memref<64x1xf32, #tpu.memory_space<vmem>>, %arg10: memref<1x1xf32, #tpu.memory_space<vmem>>, %arg11: memref<64x1xf32, #tpu.memory_space<vmem>>) attributes {dimension_semantics = [], scalar_prefetch = 0 : i64, scratch_operands = 0 : i64, tpu.core_type = #tpu.core_type<tc>} {
    %get3A = arith.constant 0 : index
    %get3A_0 = arith.constant 0 : index
    %get3A_1 = vector.load %arg0[%get3A, %get3A_0] : memref<10000x32xf32, #tpu.memory_space<vmem>>, vector<10000x32xf32>
    %gt3A = arith.constant 0.000000e+00 : f32
    %gt3A_2 = vector.broadcast %gt3A : f32 to vector<10000x32xf32>
    %gt3A_3 = arith.cmpf ogt, %get3A_1, %gt3A_2 : vector<10000x32xf32>
    %mul3A = arith.constant 1.000000e-01 : f32
    %mul3A_4 = vector.broadcast %mul3A : f32 to vector<10000x32xf32>
    %mul3A_5 = arith.mulf %mul3A_4, %get3A_1 : vector<10000x32xf32>
    %select_n3A = arith.select %gt3A_3, %get3A_1, %mul3A_5 : vector<10000x32xi1>, vector<10000x32xf32>
    %get3A_6 = arith.constant 0 : index
    %get3A_7 = arith.constant 0 : index
    %get3A_8 = vector.load %arg3[%get3A_6, %get3A_7] : memref<64x10000xi32, #tpu.memory_space<vmem>>, vector<64x10000xi32>
    %eq3A = arith.constant 1 : i32
    %eq3A_9 = vector.broadcast %eq3A : i32 to vector<64x10000xi32>
    %eq3A_10 = arith.cmpi eq, %get3A_8, %eq3A_9 : vector<64x10000xi32>
    %convert_element_type3A = arith.extui %eq3A_10 : vector<64x10000xi1> to vector<64x10000xi32>
    %convert_element_type3A_11 = arith.sitofp %convert_element_type3A : vector<64x10000xi32> to vector<64x10000xf32>
    %convert_element_type3A_12 = arith.truncf %convert_element_type3A_11 : vector<64x10000xf32> to vector<64x10000xbf16>
    %convert_element_type3A_13 = arith.truncf %select_n3A : vector<10000x32xf32> to vector<10000x32xbf16>
    %dot_general3A = arith.constant dense<0.000000e+00> : vector<64x32xf32>
    %dot_general3A_14 = tpu.matmul %convert_element_type3A_12, %convert_element_type3A_13, %dot_general3A {dimension_numbers = #tpu.dot_dimension_numbers<[1], [0], [0], [1], [0, 0, 1, 1], [], []>, transpose_lhs_hint = false} : vector<64x10000xbf16>, vector<10000x32xbf16>, vector<64x32xf32> -> vector<64x32xf32>
    %reduce_sum3A = arith.constant dense<0.000000e+00> : vector<32xf32>
    %reduce_sum3A_15 = vector.multi_reduction <add>, %dot_general3A_14, %reduce_sum3A [0] : vector<64x32xf32> to vector<32xf32>
    %broadcast_in_dim3A = vector.shape_cast %reduce_sum3A_15 : vector<32xf32> to vector<1x32xf32>
    %div3A = arith.constant 6.400000e+01 : f32
    %div3A_16 = vector.broadcast %div3A : f32 to vector<1x32xf32>
    %div3A_17 = arith.divf %broadcast_in_dim3A, %div3A_16 : vector<1x32xf32>
    %sub3A = vector.broadcast %div3A_17 : vector<1x32xf32> to vector<64x32xf32>
    %sub3A_18 = arith.subf %dot_general3A_14, %sub3A : vector<64x32xf32>
    %integer_pow3A = arith.mulf %sub3A_18, %sub3A_18 : vector<64x32xf32>
    %reduce_sum3A_19 = arith.constant dense<0.000000e+00> : vector<32xf32>
    %reduce_sum3A_20 = vector.multi_reduction <add>, %integer_pow3A, %reduce_sum3A_19 [0] : vector<64x32xf32> to vector<32xf32>
    %broadcast_in_dim3A_21 = vector.shape_cast %reduce_sum3A_20 : vector<32xf32> to vector<1x32xf32>
    %div3A_22 = arith.constant 6.400000e+01 : f32
    %div3A_23 = vector.broadcast %div3A_22 : f32 to vector<1x32xf32>
    %div3A_24 = arith.divf %broadcast_in_dim3A_21, %div3A_23 : vector<1x32xf32>
    %sub3A_25 = vector.broadcast %div3A_17 : vector<1x32xf32> to vector<64x32xf32>
    %sub3A_26 = arith.subf %dot_general3A_14, %sub3A_25 : vector<64x32xf32>
    %sqrt3A = math.sqrt %div3A_24 : vector<1x32xf32>
    %add3A = arith.constant 9.99999997E-7 : f32
    %add3A_27 = vector.broadcast %add3A : f32 to vector<1x32xf32>
    %add3A_28 = arith.addf %sqrt3A, %add3A_27 : vector<1x32xf32>
    %div3A_29 = vector.broadcast %add3A_28 : vector<1x32xf32> to vector<64x32xf32>
    %div3A_30 = arith.divf %sub3A_26, %div3A_29 : vector<64x32xf32>
    %get3A_31 = arith.constant 0 : index
    %get3A_32 = arith.constant 0 : index
    %get3A_33 = vector.load %arg4[%get3A_31, %get3A_32] : memref<64x8xf32, #tpu.memory_space<vmem>>, vector<64x8xf32>
    %reduce_sum3A_34 = arith.constant dense<0.000000e+00> : vector<8xf32>
    %reduce_sum3A_35 = vector.multi_reduction <add>, %get3A_33, %reduce_sum3A_34 [0] : vector<64x8xf32> to vector<8xf32>
    %broadcast_in_dim3A_36 = vector.shape_cast %reduce_sum3A_35 : vector<8xf32> to vector<1x8xf32>
    %div3A_37 = arith.constant 6.400000e+01 : f32
    %div3A_38 = vector.broadcast %div3A_37 : f32 to vector<1x8xf32>
    %div3A_39 = arith.divf %broadcast_in_dim3A_36, %div3A_38 : vector<1x8xf32>
    %sub3A_40 = vector.broadcast %div3A_39 : vector<1x8xf32> to vector<64x8xf32>
    %sub3A_41 = arith.subf %get3A_33, %sub3A_40 : vector<64x8xf32>
    %integer_pow3A_42 = arith.mulf %sub3A_41, %sub3A_41 : vector<64x8xf32>
    %reduce_sum3A_43 = arith.constant dense<0.000000e+00> : vector<8xf32>
    %reduce_sum3A_44 = vector.multi_reduction <add>, %integer_pow3A_42, %reduce_sum3A_43 [0] : vector<64x8xf32> to vector<8xf32>
    %broadcast_in_dim3A_45 = vector.shape_cast %reduce_sum3A_44 : vector<8xf32> to vector<1x8xf32>
    %div3A_46 = arith.constant 6.400000e+01 : f32
    %div3A_47 = vector.broadcast %div3A_46 : f32 to vector<1x8xf32>
    %div3A_48 = arith.divf %broadcast_in_dim3A_45, %div3A_47 : vector<1x8xf32>
    %sub3A_49 = vector.broadcast %div3A_39 : vector<1x8xf32> to vector<64x8xf32>
    %sub3A_50 = arith.subf %get3A_33, %sub3A_49 : vector<64x8xf32>
    %sqrt3A_51 = math.sqrt %div3A_48 : vector<1x8xf32>
    %add3A_52 = arith.constant 9.99999997E-7 : f32
    %add3A_53 = vector.broadcast %add3A_52 : f32 to vector<1x8xf32>
    %add3A_54 = arith.addf %sqrt3A_51, %add3A_53 : vector<1x8xf32>
    %div3A_55 = vector.broadcast %add3A_54 : vector<1x8xf32> to vector<64x8xf32>
    %div3A_56 = arith.divf %sub3A_50, %div3A_55 : vector<64x8xf32>
    %get3A_57 = arith.constant 0 : index
    %get3A_58 = arith.constant 0 : index
    %get3A_59 = vector.load %arg5[%get3A_57, %get3A_58] : memref<8x32xf32, #tpu.memory_space<vmem>>, vector<8x32xf32>
    %convert_element_type3A_60 = arith.truncf %div3A_56 : vector<64x8xf32> to vector<64x8xbf16>
    %convert_element_type3A_61 = arith.truncf %get3A_59 : vector<8x32xf32> to vector<8x32xbf16>
    %dot_general3A_62 = arith.constant dense<0.000000e+00> : vector<64x32xf32>
    %dot_general3A_63 = tpu.matmul %convert_element_type3A_60, %convert_element_type3A_61, %dot_general3A_62 {dimension_numbers = #tpu.dot_dimension_numbers<[1], [0], [0], [1], [0, 0, 1, 1], [], []>, transpose_lhs_hint = false} : vector<64x8xbf16>, vector<8x32xbf16>, vector<64x32xf32> -> vector<64x32xf32>
    %get3A_64 = arith.constant 0 : index
    %get3A_65 = arith.constant 0 : index
    %get3A_66 = vector.load %arg6[%get3A_64, %get3A_65] : memref<1x32xf32, #tpu.memory_space<vmem>>, vector<1x32xf32>
    %add3A_67 = vector.broadcast %get3A_66 : vector<1x32xf32> to vector<64x32xf32>
    %add3A_68 = arith.addf %dot_general3A_63, %add3A_67 : vector<64x32xf32>
    %gt3A_69 = arith.constant 0.000000e+00 : f32
    %gt3A_70 = vector.broadcast %gt3A_69 : f32 to vector<64x32xf32>
    %gt3A_71 = arith.cmpf ogt, %add3A_68, %gt3A_70 : vector<64x32xf32>
    %mul3A_72 = arith.constant 1.000000e-01 : f32
    %mul3A_73 = vector.broadcast %mul3A_72 : f32 to vector<64x32xf32>
    %mul3A_74 = arith.mulf %mul3A_73, %add3A_68 : vector<64x32xf32>
    %select_n3A_75 = arith.select %gt3A_71, %add3A_68, %mul3A_74 : vector<64x32xi1>, vector<64x32xf32>
    %get3A_76 = arith.constant 0 : index
    %get3A_77 = arith.constant 0 : index
    %get3A_78 = vector.load %arg1[%get3A_76, %get3A_77] : memref<1x32xf32, #tpu.memory_space<vmem>>, vector<1x32xf32>
    %broadcast_in_dim3A_79 = vector.shape_cast %get3A_78 : vector<1x32xf32> to vector<1x32xf32>
    %broadcast_in_dim3A_80 = vector.broadcast %broadcast_in_dim3A_79 : vector<1x32xf32> to vector<64x32xf32>
    %get3A_81 = arith.constant 0 : index
    %get3A_82 = arith.constant 0 : index
    %get3A_83 = vector.load %arg2[%get3A_81, %get3A_82] : memref<1x32xf32, #tpu.memory_space<vmem>>, vector<1x32xf32>
    %gt3A_84 = arith.constant 0.000000e+00 : f32
    %gt3A_85 = vector.broadcast %gt3A_84 : f32 to vector<1x32xf32>
    %gt3A_86 = arith.cmpf ogt, %get3A_83, %gt3A_85 : vector<1x32xf32>
    %mul3A_87 = arith.constant 1.000000e-01 : f32
    %mul3A_88 = vector.broadcast %mul3A_87 : f32 to vector<1x32xf32>
    %mul3A_89 = arith.mulf %mul3A_88, %get3A_83 : vector<1x32xf32>
    %select_n3A_90 = arith.select %gt3A_86, %get3A_83, %mul3A_89 : vector<1x32xi1>, vector<1x32xf32>
    %broadcast_in_dim3A_91 = vector.shape_cast %select_n3A_90 : vector<1x32xf32> to vector<1x32xf32>
    %broadcast_in_dim3A_92 = vector.broadcast %broadcast_in_dim3A_91 : vector<1x32xf32> to vector<64x32xf32>
    %concatenate3A = tpu.concatenate %select_n3A_75, %broadcast_in_dim3A_80, %broadcast_in_dim3A_92, %div3A_30 in 1 : vector<64x32xf32>, vector<64x32xf32>, vector<64x32xf32>, vector<64x32xf32> -> vector<64x128xf32>
    %get3A_93 = arith.constant 0 : index
    %get3A_94 = arith.constant 0 : index
    %get3A_95 = vector.load %arg7[%get3A_93, %get3A_94] : memref<128x64xf32, #tpu.memory_space<vmem>>, vector<128x64xf32>
    %convert_element_type3A_96 = arith.truncf %concatenate3A : vector<64x128xf32> to vector<64x128xbf16>
    %convert_element_type3A_97 = arith.truncf %get3A_95 : vector<128x64xf32> to vector<128x64xbf16>
    %dot_general3A_98 = arith.constant dense<0.000000e+00> : vector<64x64xf32>
    %dot_general3A_99 = tpu.matmul %convert_element_type3A_96, %convert_element_type3A_97, %dot_general3A_98 {dimension_numbers = #tpu.dot_dimension_numbers<[1], [0], [0], [1], [0, 0, 1, 1], [], []>, transpose_lhs_hint = false} : vector<64x128xbf16>, vector<128x64xbf16>, vector<64x64xf32> -> vector<64x64xf32>
    %get3A_100 = arith.constant 0 : index
    %get3A_101 = arith.constant 0 : index
    %get3A_102 = vector.load %arg8[%get3A_100, %get3A_101] : memref<1x64xf32, #tpu.memory_space<vmem>>, vector<1x64xf32>
    %add3A_103 = vector.broadcast %get3A_102 : vector<1x64xf32> to vector<64x64xf32>
    %add3A_104 = arith.addf %dot_general3A_99, %add3A_103 : vector<64x64xf32>
    %gt3A_105 = arith.constant 0.000000e+00 : f32
    %gt3A_106 = vector.broadcast %gt3A_105 : f32 to vector<64x64xf32>
    %gt3A_107 = arith.cmpf ogt, %add3A_104, %gt3A_106 : vector<64x64xf32>
    %mul3A_108 = arith.constant 1.000000e-01 : f32
    %mul3A_109 = vector.broadcast %mul3A_108 : f32 to vector<64x64xf32>
    %mul3A_110 = arith.mulf %mul3A_109, %add3A_104 : vector<64x64xf32>
    %select_n3A_111 = arith.select %gt3A_107, %add3A_104, %mul3A_110 : vector<64x64xi1>, vector<64x64xf32>
    %get3A_112 = arith.constant 0 : index
    %get3A_113 = arith.constant 0 : index
    %get3A_114 = vector.load %arg9[%get3A_112, %get3A_113] : memref<64x1xf32, #tpu.memory_space<vmem>>, vector<64x1xf32>
    %convert_element_type3A_115 = arith.truncf %select_n3A_111 : vector<64x64xf32> to vector<64x64xbf16>
    %convert_element_type3A_116 = arith.truncf %get3A_114 : vector<64x1xf32> to vector<64x1xbf16>
    %dot_general3A_117 = arith.constant dense<0.000000e+00> : vector<64x1xf32>
    %dot_general3A_118 = tpu.matmul %convert_element_type3A_115, %convert_element_type3A_116, %dot_general3A_117 {dimension_numbers = #tpu.dot_dimension_numbers<[1], [0], [0], [1], [0, 0, 1, 1], [], []>, transpose_lhs_hint = false} : vector<64x64xbf16>, vector<64x1xbf16>, vector<64x1xf32> -> vector<64x1xf32>
    %get3A_119 = arith.constant 0 : index
    %get3A_120 = arith.constant 0 : index
    %get3A_121 = vector.load %arg10[%get3A_119, %get3A_120] : memref<1x1xf32, #tpu.memory_space<vmem>>, vector<1x1xf32>
    %add3A_122 = vector.broadcast %get3A_121 : vector<1x1xf32> to vector<64x1xf32>
    %add3A_123 = arith.addf %dot_general3A_118, %add3A_122 : vector<64x1xf32>
    %swap3A = arith.constant 0 : index
    %swap3A_124 = arith.constant 0 : index
    %swap3A_125 = vector.load %arg11[%swap3A, %swap3A_124] : memref<64x1xf32, #tpu.memory_space<vmem>>, vector<64x1xf32>
    tpu.vector_store %arg11[%swap3A, %swap3A_124], %add3A_123 {strides = array<i32>} : memref<64x1xf32, #tpu.memory_space<vmem>>, vector<64x1xf32>,
    return
  }
}

</mosaic_0001>

<sc_bundles>
// kernel: kernel.28.cloned.1.call-start
scs
__scs_entry_jumppad:
0x0: {  	(pc) =	sbr.rel $0x88, $3  }
0x1: {  	(tag) =	ssettag $0x0;
	lr =	simm.s32 $0x1  }
0x2: {  	[smem:$0x3F88] =	sst lr;
	_ =	strace $0xD0000000  }
0x3: {  	_ = 	snop  }
0x4: {  	_ = 	snop  }
0x5: {  	_ = 	snop  }
0x6: {  	_ = 	snop  }
0x7: {  	_ = 	snop  }
__scs_overlays_trampoline_lowered:
0x8: {  	[smem:$0x3F97] =	sst s0  }
0x9: {  	[smem:$0x3F98] =	sst s1  }
0xa: {  	[smem:$0x3F99] =	sst s2  }
0xb: {  	[smem:$0x3F9A] =	sst s3  }
0xc: {  	[smem:$0x3F9B] =	sst s4  }
0xd: {  	[smem:$0x3F9C] =	sst s5  }
0xe: {  	[smem:$0x3F9D] =	sst s6  }
0xf: {  	[smem:$0x3F9E] =	sst s7  }
0x10: {  	[smem:$0x3F9F] =	sst s8  }
0x11: {  	[smem:$0x3FA0] =	sst s9;
	s0 =	simm.s32 @!p0 $0x0  }
0x12: {  	s1 =	sld [smem:$0x3F86];
	s0 =	simm.s32 @p0 $0x1  }
0x13: {  	[smem:$0x3FA1] =	sst s0;
	s0 =	simm.s32 @!p1 $0x0  }
0x14: {  	s2 =	sld [smem:$0x3F85];
	s0 =	simm.s32 @p1 $0x1  }
0x15: {  	[smem:$0x3FA2] =	sst s0;
	s0 =	simm.s32 @!p2 $0x0  }
0x16: {  	s3 =	sld [smem:$0x3FDB];
	s0 =	simm.s32 @p2 $0x1  }
0x17: {  	s4 =	simm.s32 $0x1BF5;
	[smem:$0x3FA4] =	sst s0  }
0x18: {  	s0 =	sld [smem:$0x3F87];
	_ =	swait.ge [sflag:s4], $0x0  }
0x19: {  	s7 =	sld [smem:$0x3F88]  }
0x1a: {  	s8 =	sadd.s32 $0xFFFFE003, lr  }
0x1b: {  	s9 =	sadd.s32 $0xFFFFFEF7, lr;
	s5 =	simm.s32 $0xFFFFFFFF;
	p2 =	slt.u32 s8, $0xFFFFF086  }
0x1c: {  	p1 =	slt.u32 s9, $0xF7A;
	s5 =	simm.s32 @!p2 $0x0  }
0x1d: {  	s5 =	simm.s32 @p1 $0x1;
	p0 =	seq.s32 s7, s2  }
0x1e: {  	s7 =	smul.u32 @!p0 $0xF7A, s2;
	p2 =	seq.s32 @!p0 s5, $0x0  }
0x1f: {  	s9 =	smul.u32 $0xF7A, s1;
	s8 =	simm.s32 @!p0 $0x1BF5;
	p2 =	por !p2, p0  }
0x20: {  	[sflag:s8] =	ssyncset.s32 @!p0 $0xFFFFF086;
	s6 =	sadd.s32 @!p0 s3, s7;
	s7 =	simm.s32 @!p0 $0x108  }
0x21: {  	s3 =	sadd.s32 s3, s9;
	s6 =	sadd.s32 @!p0 $0x88, s6;
	s7 =	simm.s32 @p2 $0x1082  }
0x22: {  	[simem:s7], [sflag:s8] =	dma.local @!p0 [hbm:s6], $0xF7A  }
0x23: {  	s9 =	sor.u32 $0xD0000000, s2;
	s6 =	simm.s32 $0x108;
	_ =	swait.ge @!p0 [sflag:s8], $0x0  }
0x24: {  	s3 =	sadd.s32 $0x88, s3;
	s6 =	simm.s32 @!p1 $0x1082;
	[sflag:s4] =	ssyncset.s32 $0xFFFFF086  }
0x25: {  	[simem:s6], [sflag:s4] =	dma.local [hbm:s3], $0xF7A  }
0x26: {  	[smem:$0x3F88] =	sst s1;
	(tag) =	ssettag s2;
	_ =	strace s9  }
0x27: {  	s1 =	sld [smem:$0x3F98]  }
0x28: {  	s2 =	sld [smem:$0x3F99]  }
0x29: {  	s4 =	sld [smem:$0x3F9B]  }
0x2a: {  	p0 =	seq.s32 s5, $0x0;
	s5 =	sld [smem:$0x3F9C]  }
0x2b: {  	s6 =	sld [smem:$0x3F9D]  }
0x2c: {  	s7 =	sld [smem:$0x3F9E]  }
0x2d: {  	s3 =	simm.s32 $0x108;
	s8 =	sld [smem:$0x3F9F]  }
0x2e: {  	s3 =	simm.s32 @!p0 $0x1082;
	s9 =	sld [smem:$0x3FA0]  }
0x2f: {  	lr =	sadd.s32 s0, s3;
	s0 =	sld [smem:$0x3F97]  }
0x30: {  	s3 =	sld [smem:$0x3F9A]  }
0x31: {  	[smem:$0x3FA3] =	sst s10  }
0x32: {  	s10 =	sld [smem:$0x3FA1];
	_ =	sdelay $0x3  }
0x33: {  	p0 =	seq.s32 s10, $0x1;
	s10 =	sld [smem:$0x3FA3];
	_ =	sdelay $0x3  }
0x34: {  	[smem:$0x3FA3] =	sst s10  }
0x35: {  	s10 =	sld [smem:$0x3FA2];
	_ =	sdelay $0x3  }
0x36: {  	p1 =	seq.s32 s10, $0x1;
	s10 =	sld [smem:$0x3FA3];
	_ =	sdelay $0x3  }
0x37: {  	[smem:$0x3FA3] =	sst s10  }
0x38: {  	s10 =	sld [smem:$0x3FA4]  }
0x39: {  	_ = 	snop;
	(pc) =	sbr.ind lr, $3  }
0x3a: {  	_ = 	snop  }
0x3b: {  	_ = 	snop  }
0x3c: {  	p2 =	seq.s32 s10, $0x1;
	s10 =	sld [smem:$0x3FA3]  }
0x3d: {  	_ =	shalt  }
0x3e: {  	_ =	shalt  }
0x3f: {  	_ =	shalt  }
0x40: {  	_ =	shalt  }
0x41: {  	_ =	shalt  }
0x42: {  	_ =	shalt  }
0x43: {  	_ =	shalt  }
0x44: {  	_ =	shalt  }
0x45: {  	_ =	shalt  }
0x46: {  	_ =	shalt  }
0x47: {  	_ =	shalt  }
0x48: {  	_ =	shalt  }
0x49: {  	_ =	shalt  }
0x4a: {  	_ =	shalt  }
0x4b: {  	_ =	shalt  }
0x4c: {  	_ =	shalt  }
0x4d: {  	_ =	shalt  }
0x4e: {  	_ =	shalt  }
0x4f: {  	_ =	shalt  }
0x50: {  	_ =	shalt  }
0x51: {  	_ =	shalt  }
0x52: {  	_ =	shalt  }
0x53: {  	_ =	shalt  }
0x54: {  	_ =	shalt  }
0x55: {  	_ =	shalt  }
0x56: {  	_ =	shalt  }
0x57: {  	_ =	shalt  }
0x58: {  	_ =	shalt  }
0x59: {  	_ =	shalt  }
0x5a: {  	_ =	shalt  }
0x5b: {  	_ =	shalt  }
0x5c: {  	_ =	shalt  }
0x5d: {  	_ =	shalt  }
0x5e: {  	_ =	shalt  }
0x5f: {  	_ =	shalt  }
0x60: {  	_ =	shalt  }
0x61: {  	_ =	shalt  }
0x62: {  	_ =	shalt  }
0x63: {  	_ =	shalt  }
0x64: {  	_ =	shalt  }
0x65: {  	_ =	shalt  }
0x66: {  	_ =	shalt  }
0x67: {  	_ =	shalt  }
0x68: {  	_ =	shalt  }
0x69: {  	_ =	shalt  }
0x6a: {  	_ =	shalt  }
0x6b: {  	_ =	shalt  }
0x6c: {  	_ =	shalt  }
0x6d: {  	_ =	shalt  }
0x6e: {  	_ =	shalt  }
0x6f: {  	_ =	shalt  }
0x70: {  	_ =	shalt  }
0x71: {  	_ =	shalt  }
0x72: {  	_ =	shalt  }
0x73: {  	_ =	shalt  }
0x74: {  	_ =	shalt  }
0x75: {  	_ =	shalt  }
0x76: {  	_ =	shalt  }
0x77: {  	_ =	shalt  }
0x78: {  	_ =	shalt  }
0x79: {  	_ =	shalt  }
0x7a: {  	_ =	shalt  }
0x7b: {  	_ =	shalt  }
0x7c: {  	_ =	shalt  }
0x7d: {  	_ =	shalt  }
0x7e: {  	_ =	shalt  }
0x7f: {  	_ =	shalt  }
0x80: {  	_ =	shalt  }
0x81: {  	_ =	shalt  }
0x82: {  	_ =	shalt  }
0x83: {  	_ =	shalt  }
0x84: {  	_ =	shalt  }
0x85: {  	_ =	shalt  }
0x86: {  	_ =	shalt  }
0x87: {  	_ =	shalt  }
.Lfunc_end0:
.L_simem_size_0:
called_computation_lowered:
.L_overlay_start_0:
0x88: {  	s2 =	sld [smem:$0x3FD9]  }
0x89: {  	s3 =	sld [smem:$0x3FFE];
	_ =	sdelay $0x1  }
0x8a: {  	s1 =	srdreg.scid  }
0x8b: {  	s0 =	sand.u32 $0x1, s1  }
0x8c: {  	s16 =	sshll.u32 s0, $0xA;
	s2 =	sadd.s32 s3, s2  }
0x8d: {  	s2 =	sadd.s32 s2, s16  }
0x8e: {  	[smem:$0x3FAF] =	sst s2  }
0x8f: {  	_ = 	snop  }
0x90: {  	(tm) =	ssettm $0x1  }
0x91: {  	s17 =	sld [smem:$0x3FFB];
	_ =	sdelay $0x3  }
0x92: {  	_ =	strace s17  }
0x93: {  	s2 =	sld [smem:$0x3FFC];
	_ =	sdelay $0x3  }
0x94: {  	_ =	strace s2  }
0x95: {  	s2 =	sld [smem:$0x3FFD];
	_ =	sdelay $0x3  }
0x96: {  	_ =	strace s2  }
0x97: {  	_ =	strace $0x8FFFFFFF  }
0x98: {  	s18 =	sld [smem:$0x3FDB];
	_ =	sdelay $0x1  }
0x99: {  	s19 =	simm.s32 $_scs_section_size  }
0x9a: {  	s4 =	simm.s32 $_size__tile_overlayer_lowered;
	s5 =	simm.s32 $_tile_overlayer_lowered  }
0x9b: {  	s22 =	simm.s32 $0x1BFF;
	s21 =	sshll.u32 s5, $0x1;
	s2 =	sadd.s32 s19, s18  }
0x9c: {  	s6 =	simm.s32 $0x0;
	s20 =	sshll.u32 s4, $0x1;
	s4 =	sadd.s32 s21, s2  }
0x9d: {  	[timem:s6], [sflag:s22] =	dma.local [hbm:s4], s20  }
0x9e: {  	_ =	swait.ge [sflag:s22], s20  }
0x9f: {  	s3 =	ssub.s32 $0x0, s20;
	[sflag:s22] =	ssyncset.done $0x0  }
0xa0: {  	[sflag:s22] =	ssyncadd.s32 s3;
	_ =	sdelay $0x1  }
0xa1: {  	s23 =	simm.s32 $0x1B8B  }
0xa2: {  	_ =	swait.ge [sflag:s23], $0x1  }
0xa3: {  	[sflag:s23] =	ssyncset.done $0x0  }
0xa4: {  	s25 =	simm.s32 $0x1B8E;
	s24 =	sld [smem:$0x3FFE];
	[sflag:s23] =	ssyncadd.s32 $0xFFFFFFFF  }
0xa5: {  	s26 =	simm.s32 $execute0_lowered;
	[smem:$0x3FD2] =	sst s25  }
0xa6: {  	s4 =	sshll.u32 s26, $0x1;
	_ =	strace $0x80000046;
	[dreg:$0x1] =	wrdreg $0xFFFFFFFF  }
0xa7: {  	s28 =	simm.s32 $_size_execute0_lowered;
	s2 =	sadd.s32 s2, s4;
	[dreg:$0x0] =	wrdreg $0x0  }
0xa8: {  	s4 =	sshll.u32 s28, $0x1;
	[dreg:$0x2] =	wrdreg s2  }
0xa9: {  	[dreg:$0x3] =	wrdreg s4  }
0xaa: {  	[dreg:$0x4] =	wrdreg $0xC0  }
0xab: {  	_ =	task [dreg:s6], $0x5FFFF  }
0xac: {  	[dreg:$0x1] =	wrdreg $0xFFFFFFFF  }
0xad: {  	[dreg:$0x0] =	wrdreg $0x60  }
0xae: {  	[dreg:$0x2] =	wrdreg s24  }
0xaf: {  	[dreg:$0x3] =	wrdreg $0x9  }
0xb0: {  	_ =	task.clear_ibuf [dreg:s6], $0x4FFFF;
	_ =	strace $0x90000046  }
0xb1: {  	s29 =	simm.s32 $0x9;
	_ =	strace $0x80000048  }
0xb2: {  	_ =	swait.ge [sflag:s29], $0x1  }
0xb3: {  	[sflag:s29] =	ssyncadd.s32 $0xFFFFFFFF  }
0xb4: {  	_ =	strace $0x90000048  }
0xb5: {  	_ =	sfence  }
0xb6: {  	s30 =	sld [smem:$0x0];
	_ =	sdelay $0x2  }
0xb7: {  	s31 =	sshll.u32 s1, $0xD;
	s1 =	sshrl.u32 s1, $0x2  }
0xb8: {  	s3 =	sand.u32 $0x4000, s31;
	s1 =	sadd.s32 s1, s30  }
0xb9: {  	s0 =	sor.u32 s3, s0;
	s1 =	sshll.u32 s1, $0x11  }
0xba: {  	s0 =	sor.u32 s1, s0  }
0xbb: {  	s0 =	sadd.s32 $0x8F2B, s0  }
0xbc: {  	[sflag:s0] =	ssyncadd.remote.s32 $0x1  }
0xbd: {  	_ =	sfence.sel $0xFFFF  }
0xbe: {  	[dreg:$0x0] =	wrdreg $0xFFFFFFFF;
	(pc) =	sbr.abs _section_cstart, $3  }
0xbf: {  	[dreg:$0x1] =	wrdreg $0xFFFFFFFF  }
0xc0: {  	_ =	task.clear_ibuf [dreg:s6], $0x2FFFF;
	_ =	strace $0x9FFFFFFF  }
0xc1: {  	(tm) =	ssettm $0x7FFFFFFF  }
tec
execute0_lowered:
.L_overlay_start_1:
0x0: {  	(tag) =	ssettag $0x1  }
0x1: {  	s0 =	srdreg.scid  }
0x2: {  	s4 =	rddreg [dreg:$0x0];
	s1 =	stileid.u32;
	s2 =	simm.s32 $0x0  }
0x3: {  	s10 =	simm.s32 $0x1;
	s3 =	sand.u32 $0x1, s0;
	s0 =	rddreg [dreg:$0x1]  }
0x4: {  	s11 =	simm.s32 $0x0;
	[smem:$0x7FF] =	sst s2;
	s9 =	smul.u32 $0x2800, s1  }
0x5: {  	s5 =	sshll.u32 s3, $0x4;
	_ =	strace $0x80000047;
	s6 =	smul.u32 $0x28000, s3  }
0x6: {  	s7 =	ssub.s32 $0x2, s3;
	s3 =	sadd.s32 $0x5BE00, s4;
	s5 =	sor.u32 s1, s5  }
0x7: {  	s8 =	sshrl.u32 s7, $0x1;
	s5 =	smul.u32 $0x140, s5;
	s6 =	sadd.s32 s6, s4  }
0x8: {  	s7 =	ssub.s32 s7, s8;
	s8 =	simm.s32 $0x80;
	s6 =	sadd.s32 s9, s6  }
0x9: {  	s9 =	simm.s32 $0xA00;
	s5 =	sadd.s32 s5, s4;
	s6 =	sadd.s32 $0x65C00, s6  }
0xa: {  	s4 =	sadd.s32 $0x7A00, s5;
	s5 =	smax.u32 s7, $0x1;
	s7 =	simm.s32 $0x2  }
.LBB2_1:
0xb: {  	[tilespmem:s2], [sflag:$0x2] =	stream.linear.gather [hbm4b:s4+s2], $0xA00, $0x38;
	[tilespmem:$0x1A00] =	vst v63  }
0xc: {  	_ =	swait.ge [sflag:s7], $0xA00  }
0xd: {  	[sflag:s7] =	ssyncset.done $0x0  }
0xe: {  	s12 =	simm.s32 $0x0;
	[sflag:s7] =	ssyncadd.s32 $0xFFFFF600  }
0xf: {  	[tilespmem:s9], [sflag:$0x1] =	stream.indirect.gather [hbm4b:s3+s8], $0x20, s12, s8, $0xb8;
	[tilespmem:$0x1A00] =	vst v63  }
0x10: {  	_ =	swait.ge [sflag:s10], $0x1000  }
0x11: {  	[sflag:s10] =	ssyncset.done $0x0  }
0x12: {  	s31 =	sadd.s32 $0x0, s6;
	[sflag:s10] =	ssyncadd.s32 $0xFFFFF000  }
0x13: {  	[hbm4b:s31+s2] =	stream.linear.scatter [tilespmem:s9], [sflag:$0x2], $0x1000, $0x38;
	[tilespmem:$0x1A00] =	vst v63  }
0x14: {  	_ =	swait.ge [sflag:s7], $0x1000  }
0x15: {  	s13 =	simm.s32 $0x400;
	s12 =	simm.s32 $0x200;
	[sflag:s7] =	ssyncset.done $0x0  }
.LBB2_2:
0x16: {  	s14 =	sshra.s32 s12, $0x2  }
0x17: {  	[sflag:s7] =	ssyncadd.s32 $0xFFFFF000;
	s15 =	smov.u32 s13;
	s16 =	sadd.s32 $0x200, s13  }
0x18: {  	[tilespmem:s9], [sflag:$0x1] =	stream.indirect.gather [hbm4b:s3+s8], $0x20, s14, s8, $0xb8;
	[tilespmem:$0x1A00] =	vst v63  }
0x19: {  	p0 =	sne.s32 s13, $0x2600;
	_ =	swait.ge [sflag:s10], $0x1000  }
.Ltmp0:
0x1a: {  	[sflag:s10] =	ssyncset.done $0x0;
	(pc) =	sbr.rel @p0 .LBB2_2-.Ltmp0, $4  }
0x1b: {  	s13 =	sadd.s32 s12, s6;
	s12 =	smov.u32 s15;
	[sflag:s10] =	ssyncadd.s32 $0xFFFFF000  }
0x1c: {  	[hbm4b:s13+s2] =	stream.linear.scatter [tilespmem:s9], [sflag:$0x2], $0x1000, $0x38;
	[tilespmem:$0x1A00] =	vst v63  }
0x1d: {  	_ =	swait.ge [sflag:s7], $0x1000  }
0x1e: {  	s13 =	smov.u32 s16;
	[sflag:s7] =	ssyncset.done $0x0  }
0x1f: {  	s13 =	sshra.s32 s12, $0x2;
	[sflag:s7] =	ssyncadd.s32 $0xFFFFF000  }
0x20: {  	[tilespmem:s9], [sflag:$0x1] =	stream.indirect.gather [hbm4b:s3+s8], $0x20, s13, s8, $0xb8;
	[tilespmem:$0x1A00] =	vst v63  }
0x21: {  	s11 =	sadd.s32 $0x1, s11;
	_ =	swait.ge [sflag:s10], $0x1000  }
0x22: {  	p0 =	sne.s32 s11, s5;
	[sflag:s10] =	ssyncset.done $0x0  }
.Ltmp1:
0x23: {  	s31 =	sadd.s32 s12, s6;
	[sflag:s10] =	ssyncadd.s32 $0xFFFFF000;
	(pc) =	sbr.rel @p0 .LBB2_1-.Ltmp1, $4  }
0x24: {  	[hbm4b:s31+s2] =	stream.linear.scatter [tilespmem:s9], [sflag:$0x2], $0x1000, $0x38;
	[tilespmem:$0x1A00] =	vst v63  }
0x25: {  	_ =	swait.ge [sflag:s7], $0x1000  }
0x26: {  	[sflag:s7] =	ssyncset.done $0x0  }
0x27: {  	[sflag:s7] =	ssyncadd.s32 $0xFFFFF000  }
0x28: {  	_ =	sfence.sel $0x180000  }
0x29: {  	[bflag:$0x0] =	sbarrier.arrive $0xFFFF  }
0x2a: {  	p0 =	sne.s32 s1, $0x0;
	_ =	strace $0x90000047  }
0x2b: {  	s0 =	sadd.s32 @!p0 $0x100000, s0;
	[bflag:$0x2] =	sbarrier.arrive $0xFFFF  }
0x2c: {  	[sflag:s0] =	ssyncadd.tile.s32 @!p0 $0x1;
	_ =	shalt  }
.Lfunc_end2:
_tile_overlayer_lowered:
.L_overlay_start_2:
0x2d: {  	(tag) =	ssettag $0x2  }
0x2e: {  	s0 =	rddreg [dreg:$0x0];
	s2 =	stileid.u32  }
0x2f: {  	s1 =	rddreg [dreg:$0x1];
	p0 =	sne.s32 s2, $0x0  }
0x30: {  	s3 =	rddreg [dreg:$0x2];
	[bflag:$0x3] =	sbarrier.arrive $0xFFFF;
	s2 =	simm.s32 @!p0 $0x1C02  }
0x31: {  	[timem:s3], [sflag:s2] =	dma.local @!p0 [hbm:s0], s1  }
0x32: {  	s0 =	simm.s32 @!p0 $0x2  }
0x33: {  	_ =	swait.ge @!p0 [sflag:s0], s1  }
0x34: {  	s1 =	ssub.s32 @!p0 $0x0, s1;
	[sflag:s0] =	ssyncset.done @!p0 $0x0  }
0x35: {  	[sflag:s0] =	ssyncadd.s32 @!p0 s1  }
0x36: {  	[bflag:$0x3] =	sbarrier.arrive $0xFFFF  }
0x37: {  	_ =	shalt  }

// kernel: kernel.31.cloned.1.call-start
scs
__scs_entry_jumppad:
0x0: {  	(pc) =	sbr.rel $0x88, $3  }
0x1: {  	(tag) =	ssettag $0x0;
	lr =	simm.s32 $0x1  }
0x2: {  	[smem:$0x3F88] =	sst lr;
	_ =	strace $0xD0000000  }
0x3: {  	_ = 	snop  }
0x4: {  	_ = 	snop  }
0x5: {  	_ = 	snop  }
0x6: {  	_ = 	snop  }
0x7: {  	_ = 	snop  }
__scs_overlays_trampoline_lowered:
0x8: {  	[smem:$0x3F97] =	sst s0  }
0x9: {  	[smem:$0x3F98] =	sst s1  }
0xa: {  	[smem:$0x3F99] =	sst s2  }
0xb: {  	[smem:$0x3F9A] =	sst s3  }
0xc: {  	[smem:$0x3F9B] =	sst s4  }
0xd: {  	[smem:$0x3F9C] =	sst s5  }
0xe: {  	[smem:$0x3F9D] =	sst s6  }
0xf: {  	[smem:$0x3F9E] =	sst s7  }
0x10: {  	[smem:$0x3F9F] =	sst s8  }
0x11: {  	[smem:$0x3FA0] =	sst s9;
	s0 =	simm.s32 @!p0 $0x0  }
0x12: {  	s1 =	sld [smem:$0x3F86];
	s0 =	simm.s32 @p0 $0x1  }
0x13: {  	[smem:$0x3FA1] =	sst s0;
	s0 =	simm.s32 @!p1 $0x0  }
0x14: {  	s2 =	sld [smem:$0x3F85];
	s0 =	simm.s32 @p1 $0x1  }
0x15: {  	[smem:$0x3FA2] =	sst s0;
	s0 =	simm.s32 @!p2 $0x0  }
0x16: {  	s3 =	sld [smem:$0x3FDB];
	s0 =	simm.s32 @p2 $0x1  }
0x17: {  	s4 =	simm.s32 $0x1BF5;
	[smem:$0x3FA4] =	sst s0  }
0x18: {  	s0 =	sld [smem:$0x3F87];
	_ =	swait.ge [sflag:s4], $0x0  }
0x19: {  	s7 =	sld [smem:$0x3F88]  }
0x1a: {  	s8 =	sadd.s32 $0xFFFFE003, lr  }
0x1b: {  	s9 =	sadd.s32 $0xFFFFFEF7, lr;
	s5 =	simm.s32 $0xFFFFFFFF;
	p2 =	slt.u32 s8, $0xFFFFF086  }
0x1c: {  	p1 =	slt.u32 s9, $0xF7A;
	s5 =	simm.s32 @!p2 $0x0  }
0x1d: {  	s5 =	simm.s32 @p1 $0x1;
	p0 =	seq.s32 s7, s2  }
0x1e: {  	s7 =	smul.u32 @!p0 $0xF7A, s2;
	p2 =	seq.s32 @!p0 s5, $0x0  }
0x1f: {  	s9 =	smul.u32 $0xF7A, s1;
	s8 =	simm.s32 @!p0 $0x1BF5;
	p2 =	por !p2, p0  }
0x20: {  	[sflag:s8] =	ssyncset.s32 @!p0 $0xFFFFF086;
	s6 =	sadd.s32 @!p0 s3, s7;
	s7 =	simm.s32 @!p0 $0x108  }
0x21: {  	s3 =	sadd.s32 s3, s9;
	s6 =	sadd.s32 @!p0 $0x88, s6;
	s7 =	simm.s32 @p2 $0x1082  }
0x22: {  	[simem:s7], [sflag:s8] =	dma.local @!p0 [hbm:s6], $0xF7A  }
0x23: {  	s9 =	sor.u32 $0xD0000000, s2;
	s6 =	simm.s32 $0x108;
	_ =	swait.ge @!p0 [sflag:s8], $0x0  }
0x24: {  	s3 =	sadd.s32 $0x88, s3;
	s6 =	simm.s32 @!p1 $0x1082;
	[sflag:s4] =	ssyncset.s32 $0xFFFFF086  }
0x25: {  	[simem:s6], [sflag:s4] =	dma.local [hbm:s3], $0xF7A  }
0x26: {  	[smem:$0x3F88] =	sst s1;
	(tag) =	ssettag s2;
	_ =	strace s9  }
0x27: {  	s1 =	sld [smem:$0x3F98]  }
0x28: {  	s2 =	sld [smem:$0x3F99]  }
0x29: {  	s4 =	sld [smem:$0x3F9B]  }
0x2a: {  	p0 =	seq.s32 s5, $0x0;
	s5 =	sld [smem:$0x3F9C]  }
0x2b: {  	s6 =	sld [smem:$0x3F9D]  }
0x2c: {  	s7 =	sld [smem:$0x3F9E]  }
0x2d: {  	s3 =	simm.s32 $0x108;
	s8 =	sld [smem:$0x3F9F]  }
0x2e: {  	s3 =	simm.s32 @!p0 $0x1082;
	s9 =	sld [smem:$0x3FA0]  }
0x2f: {  	lr =	sadd.s32 s0, s3;
	s0 =	sld [smem:$0x3F97]  }
0x30: {  	s3 =	sld [smem:$0x3F9A]  }
0x31: {  	[smem:$0x3FA3] =	sst s10  }
0x32: {  	s10 =	sld [smem:$0x3FA1];
	_ =	sdelay $0x3  }
0x33: {  	p0 =	seq.s32 s10, $0x1;
	s10 =	sld [smem:$0x3FA3];
	_ =	sdelay $0x3  }
0x34: {  	[smem:$0x3FA3] =	sst s10  }
0x35: {  	s10 =	sld [smem:$0x3FA2];
	_ =	sdelay $0x3  }
0x36: {  	p1 =	seq.s32 s10, $0x1;
	s10 =	sld [smem:$0x3FA3];
	_ =	sdelay $0x3  }
0x37: {  	[smem:$0x3FA3] =	sst s10  }
0x38: {  	s10 =	sld [smem:$0x3FA4]  }
0x39: {  	_ = 	snop;
	(pc) =	sbr.ind lr, $3  }
0x3a: {  	_ = 	snop  }
0x3b: {  	_ = 	snop  }
0x3c: {  	p2 =	seq.s32 s10, $0x1;
	s10 =	sld [smem:$0x3FA3]  }
0x3d: {  	_ =	shalt  }
0x3e: {  	_ =	shalt  }
0x3f: {  	_ =	shalt  }
0x40: {  	_ =	shalt  }
0x41: {  	_ =	shalt  }
0x42: {  	_ =	shalt  }
0x43: {  	_ =	shalt  }
0x44: {  	_ =	shalt  }
0x45: {  	_ =	shalt  }
0x46: {  	_ =	shalt  }
0x47: {  	_ =	shalt  }
0x48: {  	_ =	shalt  }
0x49: {  	_ =	shalt  }
0x4a: {  	_ =	shalt  }
0x4b: {  	_ =	shalt  }
0x4c: {  	_ =	shalt  }
0x4d: {  	_ =	shalt  }
0x4e: {  	_ =	shalt  }
0x4f: {  	_ =	shalt  }
0x50: {  	_ =	shalt  }
0x51: {  	_ =	shalt  }
0x52: {  	_ =	shalt  }
0x53: {  	_ =	shalt  }
0x54: {  	_ =	shalt  }
0x55: {  	_ =	shalt  }
0x56: {  	_ =	shalt  }
0x57: {  	_ =	shalt  }
0x58: {  	_ =	shalt  }
0x59: {  	_ =	shalt  }
0x5a: {  	_ =	shalt  }
0x5b: {  	_ =	shalt  }
0x5c: {  	_ =	shalt  }
0x5d: {  	_ =	shalt  }
0x5e: {  	_ =	shalt  }
0x5f: {  	_ =	shalt  }
0x60: {  	_ =	shalt  }
0x61: {  	_ =	shalt  }
0x62: {  	_ =	shalt  }
0x63: {  	_ =	shalt  }
0x64: {  	_ =	shalt  }
0x65: {  	_ =	shalt  }
0x66: {  	_ =	shalt  }
0x67: {  	_ =	shalt  }
0x68: {  	_ =	shalt  }
0x69: {  	_ =	shalt  }
0x6a: {  	_ =	shalt  }
0x6b: {  	_ =	shalt  }
0x6c: {  	_ =	shalt  }
0x6d: {  	_ =	shalt  }
0x6e: {  	_ =	shalt  }
0x6f: {  	_ =	shalt  }
0x70: {  	_ =	shalt  }
0x71: {  	_ =	shalt  }
0x72: {  	_ =	shalt  }
0x73: {  	_ =	shalt  }
0x74: {  	_ =	shalt  }
0x75: {  	_ =	shalt  }
0x76: {  	_ =	shalt  }
0x77: {  	_ =	shalt  }
0x78: {  	_ =	shalt  }
0x79: {  	_ =	shalt  }
0x7a: {  	_ =	shalt  }
0x7b: {  	_ =	shalt  }
0x7c: {  	_ =	shalt  }
0x7d: {  	_ =	shalt  }
0x7e: {  	_ =	shalt  }
0x7f: {  	_ =	shalt  }
0x80: {  	_ =	shalt  }
0x81: {  	_ =	shalt  }
0x82: {  	_ =	shalt  }
0x83: {  	_ =	shalt  }
0x84: {  	_ =	shalt  }
0x85: {  	_ =	shalt  }
0x86: {  	_ =	shalt  }
0x87: {  	_ =	shalt  }
.Lfunc_end0:
.L_simem_size_0:
called_computation.1_lowered:
.L_overlay_start_0:
0x88: {  	s2 =	sld [smem:$0x3FD9]  }
0x89: {  	s3 =	sld [smem:$0x3FFE];
	_ =	sdelay $0x1  }
0x8a: {  	s1 =	srdreg.scid  }
0x8b: {  	s0 =	sand.u32 $0x1, s1  }
0x8c: {  	s16 =	sshll.u32 s0, $0xA;
	s2 =	sadd.s32 s3, s2  }
0x8d: {  	s2 =	sadd.s32 s2, s16  }
0x8e: {  	[smem:$0x3FAF] =	sst s2  }
0x8f: {  	_ = 	snop  }
0x90: {  	(tm) =	ssettm $0x1  }
0x91: {  	s17 =	sld [smem:$0x3FFB];
	_ =	sdelay $0x3  }
0x92: {  	_ =	strace s17  }
0x93: {  	s2 =	sld [smem:$0x3FFC];
	_ =	sdelay $0x3  }
0x94: {  	_ =	strace s2  }
0x95: {  	s2 =	sld [smem:$0x3FFD];
	_ =	sdelay $0x3  }
0x96: {  	_ =	strace s2  }
0x97: {  	_ =	strace $0x8FFFFFFF  }
0x98: {  	s18 =	sld [smem:$0x3FDB];
	_ =	sdelay $0x1  }
0x99: {  	s19 =	simm.s32 $_scs_section_size  }
0x9a: {  	s4 =	simm.s32 $_size__tile_overlayer_lowered;
	s5 =	simm.s32 $_tile_overlayer_lowered  }
0x9b: {  	s22 =	simm.s32 $0x1BFF;
	s21 =	sshll.u32 s5, $0x1;
	s2 =	sadd.s32 s19, s18  }
0x9c: {  	s6 =	simm.s32 $0x0;
	s20 =	sshll.u32 s4, $0x1;
	s4 =	sadd.s32 s21, s2  }
0x9d: {  	[timem:s6], [sflag:s22] =	dma.local [hbm:s4], s20  }
0x9e: {  	_ =	swait.ge [sflag:s22], s20  }
0x9f: {  	s3 =	ssub.s32 $0x0, s20;
	[sflag:s22] =	ssyncset.done $0x0  }
0xa0: {  	[sflag:s22] =	ssyncadd.s32 s3;
	_ =	sdelay $0x1  }
0xa1: {  	s23 =	simm.s32 $0x1B8B  }
0xa2: {  	_ =	swait.ge [sflag:s23], $0x1  }
0xa3: {  	[sflag:s23] =	ssyncset.done $0x0  }
0xa4: {  	s25 =	simm.s32 $0x1B8E;
	s24 =	sld [smem:$0x3FFE];
	[sflag:s23] =	ssyncadd.s32 $0xFFFFFFFF  }
0xa5: {  	s26 =	simm.s32 $execute0_lowered;
	[smem:$0x3FD2] =	sst s25  }
0xa6: {  	s4 =	sshll.u32 s26, $0x1;
	_ =	strace $0x80000049;
	[dreg:$0x1] =	wrdreg $0xFFFFFFFF  }
0xa7: {  	s28 =	simm.s32 $_size_execute0_lowered;
	s2 =	sadd.s32 s2, s4;
	[dreg:$0x0] =	wrdreg $0x0  }
0xa8: {  	s4 =	sshll.u32 s28, $0x1;
	[dreg:$0x2] =	wrdreg s2  }
0xa9: {  	[dreg:$0x3] =	wrdreg s4  }
0xaa: {  	[dreg:$0x4] =	wrdreg $0xC0  }
0xab: {  	_ =	task [dreg:s6], $0x5FFFF  }
0xac: {  	[dreg:$0x1] =	wrdreg $0xFFFFFFFF  }
0xad: {  	[dreg:$0x0] =	wrdreg $0x60  }
0xae: {  	[dreg:$0x2] =	wrdreg s24  }
0xaf: {  	[dreg:$0x3] =	wrdreg $0x1A000  }
0xb0: {  	[dreg:$0x4] =	wrdreg $0x9  }
0xb1: {  	_ =	task.clear_ibuf [dreg:s6], $0x5FFFF;
	_ =	strace $0x90000049  }
0xb2: {  	s29 =	simm.s32 $0x9;
	_ =	strace $0x8000004B  }
0xb3: {  	_ =	swait.ge [sflag:s29], $0x1  }
0xb4: {  	[sflag:s29] =	ssyncadd.s32 $0xFFFFFFFF  }
0xb5: {  	_ =	strace $0x9000004B  }
0xb6: {  	_ =	sfence  }
0xb7: {  	s30 =	sld [smem:$0x0];
	_ =	sdelay $0x2  }
0xb8: {  	s31 =	sshll.u32 s1, $0xD;
	s1 =	sshrl.u32 s1, $0x2  }
0xb9: {  	s3 =	sand.u32 $0x4000, s31;
	s1 =	sadd.s32 s1, s30  }
0xba: {  	s0 =	sor.u32 s3, s0;
	s1 =	sshll.u32 s1, $0x11  }
0xbb: {  	s0 =	sor.u32 s1, s0  }
0xbc: {  	s0 =	sadd.s32 $0x8F2B, s0  }
0xbd: {  	[sflag:s0] =	ssyncadd.remote.s32 $0x1  }
0xbe: {  	_ =	sfence.sel $0xFFFF  }
0xbf: {  	[dreg:$0x0] =	wrdreg $0xFFFFFFFF;
	(pc) =	sbr.abs _section_cstart, $3  }
0xc0: {  	[dreg:$0x1] =	wrdreg $0xFFFFFFFF  }
0xc1: {  	_ =	task.clear_ibuf [dreg:s6], $0x2FFFF;
	_ =	strace $0x9FFFFFFF  }
0xc2: {  	(tm) =	ssettm $0x7FFFFFFF  }
0xc3: {  	_ =	shalt  }
tec
execute0_lowered:
.L_overlay_start_1:
0x0: {  	(tag) =	ssettag $0x1  }
0x1: {  	s0 =	srdreg.scid;
	s5 =	rddreg [dreg:$0x0]  }
0x2: {  	s2 =	rddreg [dreg:$0x1];
	s4 =	sand.u32 $0x1, s0  }
0x3: {  	s3 =	simm.s32 $0x0;
	s0 =	stileid.u32;
	s6 =	smul.u32 $0x28000, s4  }
0x4: {  	s14 =	simm.s32 $0x0;
	[smem:$0x7FF] =	sst s3;
	s8 =	smul.u32 $0x4F00, s0  }
0x5: {  	s1 =	sshll.u32 s4, $0x4;
	s9 =	smul.u32 $0x4F000, s4;
	s4 =	ssub.s32 $0x2, s4  }
0x6: {  	s30 =	sshll.u32 s0, $0x6;
	s13 =	smul.u32 $0x2800, s0;
	s1 =	sor.u32 s0, s1  }
0x7: {  	s11 =	sshrl.u32 s4, $0x1;
	s7 =	smul.u32 $0x140, s1;
	s1 =	rddreg [dreg:$0x2]  }
0x8: {  	_ =	strace $0x8000004A;
	s10 =	sadd.s32 s6, s5;
	s28 =	sadd.s32 s8, s9  }
0x9: {  	s29 =	sshrl.u32 s8, $0x3;
	s11 =	ssub.s32 s4, s11;
	s12 =	sadd.s32 s8, s2  }
0xa: {  	s9 =	sadd.s32 s29, s5;
	s8 =	smax.u32 s11, $0x1;
	s31 =	sadd.s32 s13, s10  }
0xb: {  	s10 =	sshrl.u32 s12, $0x3;
	s11 =	simm.s32 $0x1;
	s12 =	simm.s32 $0xA00  }
0xc: {  	s13 =	simm.s32 $0x80;
	s26 =	sadd.s32 s7, s5;
	s7 =	sshrl.u32 s28, $0x3  }
0xd: {  	s4 =	sadd.s32 $0xABE00, s9;
	s9 =	sadd.s32 $0x5BE00, s31;
	s7 =	sadd.s32 s7, s5  }
0xe: {  	s5 =	sor.u32 $0x1C01, s30;
	s6 =	sadd.s32 $0xA200, s26;
	s7 =	sadd.s32 $0x1F5C00, s7  }
.LBB2_1:
0xf: {  	[spmem:s10], [sflag:s5] =	dma.local [hbm:s4], $0x9E0  }
0x10: {  	_ =	swait.ge [sflag:s11], $0x9E0  }
0x11: {  	[sflag:s11] =	ssyncset.done $0x0  }
0x12: {  	[sflag:s11] =	ssyncadd.s32 $0xFFFFF620  }
0x13: {  	[tilespmem:s3], [sflag:$0x1] =	stream.linear.gather [hbm4b:s6+s3], $0xA00, $0x38;
	[tilespmem:$0x6900] =	vst v63  }
0x14: {  	_ =	swait.ge [sflag:s11], $0xA00  }
0x15: {  	[sflag:s11] =	ssyncset.done $0x0  }
0x16: {  	[sflag:s11] =	ssyncadd.s32 $0xFFFFF600  }
0x17: {  	s15 =	sadd.s32 $0x0, s9;
	[bflag:$0x0] =	sbarrier.arrive $0xFFFF  }
0x18: {  	[tilespmem:s12], [sflag:$0x1] =	stream.linear.gather [hbm4b:s15+s3], $0x1000, $0x38;
	[tilespmem:$0x6900] =	vst v63  }
0x19: {  	_ =	swait.ge [sflag:s11], $0x1000  }
0x1a: {  	[sflag:s11] =	ssyncset.done $0x0  }
0x1b: {  	s31 =	simm.s32 $0x0;
	[sflag:s11] =	ssyncadd.s32 $0xFFFFF000  }
0x1c: {  	[spmem:s2] =	stream.indirect.scatter.add.f32 [tilespmem:s12], [sflag:$0x1], $0x20, s31, s13, $0xb8;
	[tilespmem:$0x6900] =	vst v63  }
0x1d: {  	_ =	swait.ge [sflag:s11], $0x1000  }
0x1e: {  	s16 =	simm.s32 $0x400;
	s15 =	simm.s32 $0x200;
	[sflag:s11] =	ssyncset.done $0x0  }
.LBB2_2:
0x1f: {  	s17 =	sadd.s32 s15, s9  }
0x20: {  	[sflag:s11] =	ssyncadd.s32 $0xFFFFF000;
	s18 =	smov.u32 s16;
	s19 =	sadd.s32 $0x200, s16  }
0x21: {  	[tilespmem:s12], [sflag:$0x1] =	stream.linear.gather [hbm4b:s17+s3], $0x1000, $0x38;
	[tilespmem:$0x6900] =	vst v63  }
0x22: {  	p0 =	sne.s32 s16, $0x2600;
	_ =	swait.ge [sflag:s11], $0x1000  }
.Ltmp0:
0x23: {  	[sflag:s11] =	ssyncset.done $0x0;
	(pc) =	sbr.rel @p0 .LBB2_2-.Ltmp0, $4  }
0x24: {  	s16 =	sshra.s32 s15, $0x2;
	s15 =	smov.u32 s18;
	[sflag:s11] =	ssyncadd.s32 $0xFFFFF000  }
0x25: {  	[spmem:s2] =	stream.indirect.scatter.add.f32 [tilespmem:s12], [sflag:$0x1], $0x20, s16, s13, $0xb8;
	[tilespmem:$0x6900] =	vst v63  }
0x26: {  	_ =	swait.ge [sflag:s11], $0x1000  }
0x27: {  	s16 =	smov.u32 s19;
	[sflag:s11] =	ssyncset.done $0x0  }
0x28: {  	s16 =	sadd.s32 s15, s9;
	[sflag:s11] =	ssyncadd.s32 $0xFFFFF000  }
0x29: {  	[tilespmem:s12], [sflag:$0x1] =	stream.linear.gather [hbm4b:s16+s3], $0x1000, $0x38;
	[tilespmem:$0x6900] =	vst v63  }
0x2a: {  	_ =	swait.ge [sflag:s11], $0x1000  }
0x2b: {  	[sflag:s11] =	ssyncset.done $0x0  }
0x2c: {  	s31 =	sshra.s32 s15, $0x2;
	[sflag:s11] =	ssyncadd.s32 $0xFFFFF000  }
0x2d: {  	[spmem:s2] =	stream.indirect.scatter.add.f32 [tilespmem:s12], [sflag:$0x1], $0x20, s31, s13, $0xb8;
	[tilespmem:$0x6900] =	vst v63  }
0x2e: {  	_ =	swait.ge [sflag:s11], $0x1000  }
0x2f: {  	s14 =	sadd.s32 $0x1, s14;
	[sflag:s11] =	ssyncset.done $0x0  }
0x30: {  	p0 =	sne.s32 s14, s8;
	[sflag:s11] =	ssyncadd.s32 $0xFFFFF000  }
.Ltmp1:
0x31: {  	[bflag:$0x0] =	sbarrier.arrive $0xFFFF;
	(pc) =	sbr.rel @p0 .LBB2_1-.Ltmp1, $4  }
0x32: {  	[hbm:s7], [sflag:s5] =	dma.local [spmem:s10], $0x9E0  }
0x33: {  	_ =	swait.ge [sflag:s11], $0x9E0  }
0x34: {  	[sflag:s11] =	ssyncset.done $0x0  }
0x35: {  	[sflag:s11] =	ssyncadd.s32 $0xFFFFF620  }
0x36: {  	_ =	sfence.sel $0x180000  }
0x37: {  	[bflag:$0x0] =	sbarrier.arrive $0xFFFF  }
0x38: {  	p0 =	sne.s32 s0, $0x0;
	_ =	strace $0x9000004A  }
0x39: {  	s0 =	sadd.s32 @!p0 $0x100000, s1;
	[bflag:$0x2] =	sbarrier.arrive $0xFFFF  }
0x3a: {  	[sflag:s0] =	ssyncadd.tile.s32 @!p0 $0x1;
	_ =	shalt  }
.Lfunc_end2:
_tile_overlayer_lowered:
.L_overlay_start_2:
0x3b: {  	(tag) =	ssettag $0x2  }
0x3c: {  	s0 =	rddreg [dreg:$0x0];
	s2 =	stileid.u32  }
0x3d: {  	s1 =	rddreg [dreg:$0x1];
	p0 =	sne.s32 s2, $0x0  }
0x3e: {  	s3 =	rddreg [dreg:$0x2];
	[bflag:$0x3] =	sbarrier.arrive $0xFFFF;
	s2 =	simm.s32 @!p0 $0x1C01  }
0x3f: {  	[timem:s3], [sflag:s2] =	dma.local @!p0 [hbm:s0], s1  }
0x40: {  	s0 =	simm.s32 @!p0 $0x1  }
0x41: {  	_ =	swait.ge @!p0 [sflag:s0], s1  }
0x42: {  	s1 =	ssub.s32 @!p0 $0x0, s1;
	[sflag:s0] =	ssyncset.done @!p0 $0x0  }
0x43: {  	[sflag:s0] =	ssyncadd.s32 @!p0 s1  }
0x44: {  	[bflag:$0x3] =	sbarrier.arrive $0xFFFF  }
0x45: {  	_ =	shalt  }

// kernel: kernel.34.cloned.1.call-start
scs
__scs_entry_jumppad:
0x0: {  	(pc) =	sbr.rel $0x88, $3  }
0x1: {  	(tag) =	ssettag $0x0;
	lr =	simm.s32 $0x1  }
0x2: {  	[smem:$0x3F88] =	sst lr;
	_ =	strace $0xD0000000  }
0x3: {  	_ = 	snop  }
0x4: {  	_ = 	snop  }
0x5: {  	_ = 	snop  }
0x6: {  	_ = 	snop  }
0x7: {  	_ = 	snop  }
__scs_overlays_trampoline_lowered:
0x8: {  	[smem:$0x3F97] =	sst s0  }
0x9: {  	[smem:$0x3F98] =	sst s1  }
0xa: {  	[smem:$0x3F99] =	sst s2  }
0xb: {  	[smem:$0x3F9A] =	sst s3  }
0xc: {  	[smem:$0x3F9B] =	sst s4  }
0xd: {  	[smem:$0x3F9C] =	sst s5  }
0xe: {  	[smem:$0x3F9D] =	sst s6  }
0xf: {  	[smem:$0x3F9E] =	sst s7  }
0x10: {  	[smem:$0x3F9F] =	sst s8  }
0x11: {  	[smem:$0x3FA0] =	sst s9;
	s0 =	simm.s32 @!p0 $0x0  }
0x12: {  	s1 =	sld [smem:$0x3F86];
	s0 =	simm.s32 @p0 $0x1  }
0x13: {  	[smem:$0x3FA1] =	sst s0;
	s0 =	simm.s32 @!p1 $0x0  }
0x14: {  	s2 =	sld [smem:$0x3F85];
	s0 =	simm.s32 @p1 $0x1  }
0x15: {  	[smem:$0x3FA2] =	sst s0;
	s0 =	simm.s32 @!p2 $0x0  }
0x16: {  	s3 =	sld [smem:$0x3FDB];
	s0 =	simm.s32 @p2 $0x1  }
0x17: {  	s4 =	simm.s32 $0x1BF5;
	[smem:$0x3FA4] =	sst s0  }
0x18: {  	s0 =	sld [smem:$0x3F87];
	_ =	swait.ge [sflag:s4], $0x0  }
0x19: {  	s7 =	sld [smem:$0x3F88]  }
0x1a: {  	s8 =	sadd.s32 $0xFFFFE003, lr  }
0x1b: {  	s9 =	sadd.s32 $0xFFFFFEF7, lr;
	s5 =	simm.s32 $0xFFFFFFFF;
	p2 =	slt.u32 s8, $0xFFFFF086  }
0x1c: {  	p1 =	slt.u32 s9, $0xF7A;
	s5 =	simm.s32 @!p2 $0x0  }
0x1d: {  	s5 =	simm.s32 @p1 $0x1;
	p0 =	seq.s32 s7, s2  }
0x1e: {  	s7 =	smul.u32 @!p0 $0xF7A, s2;
	p2 =	seq.s32 @!p0 s5, $0x0  }
0x1f: {  	s9 =	smul.u32 $0xF7A, s1;
	s8 =	simm.s32 @!p0 $0x1BF5;
	p2 =	por !p2, p0  }
0x20: {  	[sflag:s8] =	ssyncset.s32 @!p0 $0xFFFFF086;
	s6 =	sadd.s32 @!p0 s3, s7;
	s7 =	simm.s32 @!p0 $0x108  }
0x21: {  	s3 =	sadd.s32 s3, s9;
	s6 =	sadd.s32 @!p0 $0x88, s6;
	s7 =	simm.s32 @p2 $0x1082  }
0x22: {  	[simem:s7], [sflag:s8] =	dma.local @!p0 [hbm:s6], $0xF7A  }
0x23: {  	s9 =	sor.u32 $0xD0000000, s2;
	s6 =	simm.s32 $0x108;
	_ =	swait.ge @!p0 [sflag:s8], $0x0  }
0x24: {  	s3 =	sadd.s32 $0x88, s3;
	s6 =	simm.s32 @!p1 $0x1082;
	[sflag:s4] =	ssyncset.s32 $0xFFFFF086  }
0x25: {  	[simem:s6], [sflag:s4] =	dma.local [hbm:s3], $0xF7A  }
0x26: {  	[smem:$0x3F88] =	sst s1;
	(tag) =	ssettag s2;
	_ =	strace s9  }
0x27: {  	s1 =	sld [smem:$0x3F98]  }
0x28: {  	s2 =	sld [smem:$0x3F99]  }
0x29: {  	s4 =	sld [smem:$0x3F9B]  }
0x2a: {  	p0 =	seq.s32 s5, $0x0;
	s5 =	sld [smem:$0x3F9C]  }
0x2b: {  	s6 =	sld [smem:$0x3F9D]  }
0x2c: {  	s7 =	sld [smem:$0x3F9E]  }
0x2d: {  	s3 =	simm.s32 $0x108;
	s8 =	sld [smem:$0x3F9F]  }
0x2e: {  	s3 =	simm.s32 @!p0 $0x1082;
	s9 =	sld [smem:$0x3FA0]  }
0x2f: {  	lr =	sadd.s32 s0, s3;
	s0 =	sld [smem:$0x3F97]  }
0x30: {  	s3 =	sld [smem:$0x3F9A]  }
0x31: {  	[smem:$0x3FA3] =	sst s10  }
0x32: {  	s10 =	sld [smem:$0x3FA1];
	_ =	sdelay $0x3  }
0x33: {  	p0 =	seq.s32 s10, $0x1;
	s10 =	sld [smem:$0x3FA3];
	_ =	sdelay $0x3  }
0x34: {  	[smem:$0x3FA3] =	sst s10  }
0x35: {  	s10 =	sld [smem:$0x3FA2];
	_ =	sdelay $0x3  }
0x36: {  	p1 =	seq.s32 s10, $0x1;
	s10 =	sld [smem:$0x3FA3];
	_ =	sdelay $0x3  }
0x37: {  	[smem:$0x3FA3] =	sst s10  }
0x38: {  	s10 =	sld [smem:$0x3FA4]  }
0x39: {  	_ = 	snop;
	(pc) =	sbr.ind lr, $3  }
0x3a: {  	_ = 	snop  }
0x3b: {  	_ = 	snop  }
0x3c: {  	p2 =	seq.s32 s10, $0x1;
	s10 =	sld [smem:$0x3FA3]  }
0x3d: {  	_ =	shalt  }
0x3e: {  	_ =	shalt  }
0x3f: {  	_ =	shalt  }
0x40: {  	_ =	shalt  }
0x41: {  	_ =	shalt  }
0x42: {  	_ =	shalt  }
0x43: {  	_ =	shalt  }
0x44: {  	_ =	shalt  }
0x45: {  	_ =	shalt  }
0x46: {  	_ =	shalt  }
0x47: {  	_ =	shalt  }
0x48: {  	_ =	shalt  }
0x49: {  	_ =	shalt  }
0x4a: {  	_ =	shalt  }
0x4b: {  	_ =	shalt  }
0x4c: {  	_ =	shalt  }
0x4d: {  	_ =	shalt  }
0x4e: {  	_ =	shalt  }
0x4f: {  	_ =	shalt  }
0x50: {  	_ =	shalt  }
0x51: {  	_ =	shalt  }
0x52: {  	_ =	shalt  }
0x53: {  	_ =	shalt  }
0x54: {  	_ =	shalt  }
0x55: {  	_ =	shalt  }
0x56: {  	_ =	shalt  }
0x57: {  	_ =	shalt  }
0x58: {  	_ =	shalt  }
0x59: {  	_ =	shalt  }
0x5a: {  	_ =	shalt  }
0x5b: {  	_ =	shalt  }
0x5c: {  	_ =	shalt  }
0x5d: {  	_ =	shalt  }
0x5e: {  	_ =	shalt  }
0x5f: {  	_ =	shalt  }
0x60: {  	_ =	shalt  }
0x61: {  	_ =	shalt  }
0x62: {  	_ =	shalt  }
0x63: {  	_ =	shalt  }
0x64: {  	_ =	shalt  }
0x65: {  	_ =	shalt  }
0x66: {  	_ =	shalt  }
0x67: {  	_ =	shalt  }
0x68: {  	_ =	shalt  }
0x69: {  	_ =	shalt  }
0x6a: {  	_ =	shalt  }
0x6b: {  	_ =	shalt  }
0x6c: {  	_ =	shalt  }
0x6d: {  	_ =	shalt  }
0x6e: {  	_ =	shalt  }
0x6f: {  	_ =	shalt  }
0x70: {  	_ =	shalt  }
0x71: {  	_ =	shalt  }
0x72: {  	_ =	shalt  }
0x73: {  	_ =	shalt  }
0x74: {  	_ =	shalt  }
0x75: {  	_ =	shalt  }
0x76: {  	_ =	shalt  }
0x77: {  	_ =	shalt  }
0x78: {  	_ =	shalt  }
0x79: {  	_ =	shalt  }
0x7a: {  	_ =	shalt  }
0x7b: {  	_ =	shalt  }
0x7c: {  	_ =	shalt  }
0x7d: {  	_ =	shalt  }
0x7e: {  	_ =	shalt  }
0x7f: {  	_ =	shalt  }
0x80: {  	_ =	shalt  }
0x81: {  	_ =	shalt  }
0x82: {  	_ =	shalt  }
0x83: {  	_ =	shalt  }
0x84: {  	_ =	shalt  }
0x85: {  	_ =	shalt  }
0x86: {  	_ =	shalt  }
0x87: {  	_ =	shalt  }
.Lfunc_end0:
.L_simem_size_0:
called_computation.2_lowered:
.L_overlay_start_0:
0x88: {  	s2 =	sld [smem:$0x3FD9]  }
0x89: {  	s3 =	sld [smem:$0x3FFE];
	_ =	sdelay $0x1  }
0x8a: {  	s1 =	srdreg.scid  }
0x8b: {  	s0 =	sand.u32 $0x1, s1  }
0x8c: {  	s16 =	sshll.u32 s0, $0xA;
	s2 =	sadd.s32 s3, s2  }
0x8d: {  	s2 =	sadd.s32 s2, s16  }
0x8e: {  	[smem:$0x3FAF] =	sst s2  }
0x8f: {  	_ = 	snop  }
0x90: {  	(tm) =	ssettm $0x1  }
0x91: {  	s17 =	sld [smem:$0x3FFB];
	_ =	sdelay $0x3  }
0x92: {  	_ =	strace s17  }
0x93: {  	s2 =	sld [smem:$0x3FFC];
	_ =	sdelay $0x3  }
0x94: {  	_ =	strace s2  }
0x95: {  	s2 =	sld [smem:$0x3FFD];
	_ =	sdelay $0x3  }
0x96: {  	_ =	strace s2  }
0x97: {  	_ =	strace $0x8FFFFFFF  }
0x98: {  	s18 =	sld [smem:$0x3FDB];
	_ =	sdelay $0x1  }
0x99: {  	s19 =	simm.s32 $_scs_section_size  }
0x9a: {  	s4 =	simm.s32 $_size__tile_overlayer_lowered;
	s5 =	simm.s32 $_tile_overlayer_lowered  }
0x9b: {  	s22 =	simm.s32 $0x1BFF;
	s21 =	sshll.u32 s5, $0x1;
	s2 =	sadd.s32 s19, s18  }
0x9c: {  	s6 =	simm.s32 $0x0;
	s20 =	sshll.u32 s4, $0x1;
	s4 =	sadd.s32 s21, s2  }
0x9d: {  	[timem:s6], [sflag:s22] =	dma.local [hbm:s4], s20  }
0x9e: {  	_ =	swait.ge [sflag:s22], s20  }
0x9f: {  	s3 =	ssub.s32 $0x0, s20;
	[sflag:s22] =	ssyncset.done $0x0  }
0xa0: {  	[sflag:s22] =	ssyncadd.s32 s3;
	_ =	sdelay $0x1  }
0xa1: {  	s23 =	simm.s32 $0x1B8B  }
0xa2: {  	_ =	swait.ge [sflag:s23], $0x1  }
0xa3: {  	[sflag:s23] =	ssyncset.done $0x0  }
0xa4: {  	s25 =	simm.s32 $0x1B8E;
	s24 =	sld [smem:$0x3FFE];
	[sflag:s23] =	ssyncadd.s32 $0xFFFFFFFF  }
0xa5: {  	s26 =	simm.s32 $execute0_lowered;
	[smem:$0x3FD2] =	sst s25  }
0xa6: {  	s4 =	sshll.u32 s26, $0x1;
	_ =	strace $0x8000004C;
	[dreg:$0x1] =	wrdreg $0xFFFFFFFF  }
0xa7: {  	s28 =	simm.s32 $_size_execute0_lowered;
	s2 =	sadd.s32 s2, s4;
	[dreg:$0x0] =	wrdreg $0x0  }
0xa8: {  	s4 =	sshll.u32 s28, $0x1;
	[dreg:$0x2] =	wrdreg s2  }
0xa9: {  	[dreg:$0x3] =	wrdreg s4  }
0xaa: {  	[dreg:$0x4] =	wrdreg $0xC0  }
0xab: {  	_ =	task [dreg:s6], $0x5FFFF  }
0xac: {  	[dreg:$0x1] =	wrdreg $0xFFFFFFFF  }
0xad: {  	[dreg:$0x0] =	wrdreg $0x60  }
0xae: {  	[dreg:$0x2] =	wrdreg s24  }
0xaf: {  	[dreg:$0x3] =	wrdreg $0x9  }
0xb0: {  	_ =	task.clear_ibuf [dreg:s6], $0x4FFFF;
	_ =	strace $0x9000004C  }
0xb1: {  	s29 =	simm.s32 $0x9;
	_ =	strace $0x8000004E  }
0xb2: {  	_ =	swait.ge [sflag:s29], $0x1  }
0xb3: {  	[sflag:s29] =	ssyncadd.s32 $0xFFFFFFFF  }
0xb4: {  	_ =	strace $0x9000004E  }
0xb5: {  	_ =	sfence  }
0xb6: {  	s30 =	sld [smem:$0x0];
	_ =	sdelay $0x2  }
0xb7: {  	s31 =	sshll.u32 s1, $0xD;
	s1 =	sshrl.u32 s1, $0x2  }
0xb8: {  	s3 =	sand.u32 $0x4000, s31;
	s1 =	sadd.s32 s1, s30  }
0xb9: {  	s0 =	sor.u32 s3, s0;
	s1 =	sshll.u32 s1, $0x11  }
0xba: {  	s0 =	sor.u32 s1, s0  }
0xbb: {  	s0 =	sadd.s32 $0x8F2B, s0  }
0xbc: {  	[sflag:s0] =	ssyncadd.remote.s32 $0x1  }
0xbd: {  	_ =	sfence.sel $0xFFFF  }
0xbe: {  	[dreg:$0x0] =	wrdreg $0xFFFFFFFF;
	(pc) =	sbr.abs _section_cstart, $3  }
0xbf: {  	[dreg:$0x1] =	wrdreg $0xFFFFFFFF  }
0xc0: {  	_ =	task.clear_ibuf [dreg:s6], $0x2FFFF;
	_ =	strace $0x9FFFFFFF  }
0xc1: {  	(tm) =	ssettm $0x7FFFFFFF  }
tec
execute0_lowered:
.L_overlay_start_1:
0x0: {  	(tag) =	ssettag $0x1  }
0x1: {  	s0 =	srdreg.scid  }
0x2: {  	s4 =	rddreg [dreg:$0x0];
	s1 =	stileid.u32;
	s2 =	simm.s32 $0x0  }
0x3: {  	s10 =	simm.s32 $0x1;
	s3 =	sand.u32 $0x1, s0;
	s0 =	rddreg [dreg:$0x1]  }
0x4: {  	s11 =	simm.s32 $0x0;
	[smem:$0x7FF] =	sst s2;
	s9 =	smul.u32 $0x2800, s1  }
0x5: {  	s5 =	sshll.u32 s3, $0x4;
	_ =	strace $0x8000004D;
	s6 =	smul.u32 $0x28000, s3  }
0x6: {  	s7 =	ssub.s32 $0x2, s3;
	s3 =	sadd.s32 $0xCA00, s4;
	s5 =	sor.u32 s1, s5  }
0x7: {  	s8 =	sshrl.u32 s7, $0x1;
	s5 =	smul.u32 $0x140, s5;
	s6 =	sadd.s32 s6, s4  }
0x8: {  	s7 =	ssub.s32 s7, s8;
	s8 =	simm.s32 $0x80;
	s6 =	sadd.s32 s9, s6  }
0x9: {  	s9 =	simm.s32 $0xA00;
	s5 =	sadd.s32 s5, s4;
	s6 =	sadd.s32 $0x5BE00, s6  }
0xa: {  	s4 =	sadd.s32 $0x7A00, s5;
	s5 =	smax.u32 s7, $0x1;
	s7 =	simm.s32 $0x2  }
.LBB2_1:
0xb: {  	[tilespmem:s2], [sflag:$0x2] =	stream.linear.gather [hbm4b:s4+s2], $0xA00, $0x38;
	[tilespmem:$0x1A00] =	vst v63  }
0xc: {  	_ =	swait.ge [sflag:s7], $0xA00  }
0xd: {  	[sflag:s7] =	ssyncset.done $0x0  }
0xe: {  	s12 =	simm.s32 $0x0;
	[sflag:s7] =	ssyncadd.s32 $0xFFFFF600  }
0xf: {  	[tilespmem:s9], [sflag:$0x1] =	stream.indirect.gather [hbm4b:s3+s8], $0x20, s12, s8, $0xb8;
	[tilespmem:$0x1A00] =	vst v63  }
0x10: {  	_ =	swait.ge [sflag:s10], $0x1000  }
0x11: {  	[sflag:s10] =	ssyncset.done $0x0  }
0x12: {  	s31 =	sadd.s32 $0x0, s6;
	[sflag:s10] =	ssyncadd.s32 $0xFFFFF000  }
0x13: {  	[hbm4b:s31+s2] =	stream.linear.scatter [tilespmem:s9], [sflag:$0x2], $0x1000, $0x38;
	[tilespmem:$0x1A00] =	vst v63  }
0x14: {  	_ =	swait.ge [sflag:s7], $0x1000  }
0x15: {  	s13 =	simm.s32 $0x400;
	s12 =	simm.s32 $0x200;
	[sflag:s7] =	ssyncset.done $0x0  }
.LBB2_2:
0x16: {  	s14 =	sshra.s32 s12, $0x2  }
0x17: {  	[sflag:s7] =	ssyncadd.s32 $0xFFFFF000;
	s15 =	smov.u32 s13;
	s16 =	sadd.s32 $0x200, s13  }
0x18: {  	[tilespmem:s9], [sflag:$0x1] =	stream.indirect.gather [hbm4b:s3+s8], $0x20, s14, s8, $0xb8;
	[tilespmem:$0x1A00] =	vst v63  }
0x19: {  	p0 =	sne.s32 s13, $0x2600;
	_ =	swait.ge [sflag:s10], $0x1000  }
.Ltmp0:
0x1a: {  	[sflag:s10] =	ssyncset.done $0x0;
	(pc) =	sbr.rel @p0 .LBB2_2-.Ltmp0, $4  }
0x1b: {  	s13 =	sadd.s32 s12, s6;
	s12 =	smov.u32 s15;
	[sflag:s10] =	ssyncadd.s32 $0xFFFFF000  }
0x1c: {  	[hbm4b:s13+s2] =	stream.linear.scatter [tilespmem:s9], [sflag:$0x2], $0x1000, $0x38;
	[tilespmem:$0x1A00] =	vst v63  }
0x1d: {  	_ =	swait.ge [sflag:s7], $0x1000  }
0x1e: {  	s13 =	smov.u32 s16;
	[sflag:s7] =	ssyncset.done $0x0  }
0x1f: {  	s13 =	sshra.s32 s12, $0x2;
	[sflag:s7] =	ssyncadd.s32 $0xFFFFF000  }
0x20: {  	[tilespmem:s9], [sflag:$0x1] =	stream.indirect.gather [hbm4b:s3+s8], $0x20, s13, s8, $0xb8;
	[tilespmem:$0x1A00] =	vst v63  }
0x21: {  	s11 =	sadd.s32 $0x1, s11;
	_ =	swait.ge [sflag:s10], $0x1000  }
0x22: {  	p0 =	sne.s32 s11, s5;
	[sflag:s10] =	ssyncset.done $0x0  }
.Ltmp1:
0x23: {  	s31 =	sadd.s32 s12, s6;
	[sflag:s10] =	ssyncadd.s32 $0xFFFFF000;
	(pc) =	sbr.rel @p0 .LBB2_1-.Ltmp1, $4  }
0x24: {  	[hbm4b:s31+s2] =	stream.linear.scatter [tilespmem:s9], [sflag:$0x2], $0x1000, $0x38;
	[tilespmem:$0x1A00] =	vst v63  }
0x25: {  	_ =	swait.ge [sflag:s7], $0x1000  }
0x26: {  	[sflag:s7] =	ssyncset.done $0x0  }
0x27: {  	[sflag:s7] =	ssyncadd.s32 $0xFFFFF000  }
0x28: {  	_ =	sfence.sel $0x180000  }
0x29: {  	[bflag:$0x0] =	sbarrier.arrive $0xFFFF  }
0x2a: {  	p0 =	sne.s32 s1, $0x0;
	_ =	strace $0x9000004D  }
0x2b: {  	s0 =	sadd.s32 @!p0 $0x100000, s0;
	[bflag:$0x2] =	sbarrier.arrive $0xFFFF  }
0x2c: {  	[sflag:s0] =	ssyncadd.tile.s32 @!p0 $0x1;
	_ =	shalt  }
.Lfunc_end2:
_tile_overlayer_lowered:
.L_overlay_start_2:
0x2d: {  	(tag) =	ssettag $0x2  }
0x2e: {  	s0 =	rddreg [dreg:$0x0];
	s2 =	stileid.u32  }
0x2f: {  	s1 =	rddreg [dreg:$0x1];
	p0 =	sne.s32 s2, $0x0  }
0x30: {  	s3 =	rddreg [dreg:$0x2];
	[bflag:$0x3] =	sbarrier.arrive $0xFFFF;
	s2 =	simm.s32 @!p0 $0x1C02  }
0x31: {  	[timem:s3], [sflag:s2] =	dma.local @!p0 [hbm:s0], s1  }
0x32: {  	s0 =	simm.s32 @!p0 $0x2  }
0x33: {  	_ =	swait.ge @!p0 [sflag:s0], s1  }
0x34: {  	s1 =	ssub.s32 @!p0 $0x0, s1;
	[sflag:s0] =	ssyncset.done @!p0 $0x0  }
0x35: {  	[sflag:s0] =	ssyncadd.s32 @!p0 s1  }
0x36: {  	[bflag:$0x3] =	sbarrier.arrive $0xFFFF  }
0x37: {  	_ =	shalt  }

// kernel: kernel.37.cloned.1.call-start
scs
__scs_entry_jumppad:
0x0: {  	(pc) =	sbr.rel $0x88, $3  }
0x1: {  	(tag) =	ssettag $0x0;
	lr =	simm.s32 $0x1  }
0x2: {  	[smem:$0x3F88] =	sst lr;
	_ =	strace $0xD0000000  }
0x3: {  	_ = 	snop  }
0x4: {  	_ = 	snop  }
0x5: {  	_ = 	snop  }
0x6: {  	_ = 	snop  }
0x7: {  	_ = 	snop  }
__scs_overlays_trampoline_lowered:
0x8: {  	[smem:$0x3F97] =	sst s0  }
0x9: {  	[smem:$0x3F98] =	sst s1  }
0xa: {  	[smem:$0x3F99] =	sst s2  }
0xb: {  	[smem:$0x3F9A] =	sst s3  }
0xc: {  	[smem:$0x3F9B] =	sst s4  }
0xd: {  	[smem:$0x3F9C] =	sst s5  }
0xe: {  	[smem:$0x3F9D] =	sst s6  }
0xf: {  	[smem:$0x3F9E] =	sst s7  }
0x10: {  	[smem:$0x3F9F] =	sst s8  }
0x11: {  	[smem:$0x3FA0] =	sst s9;
	s0 =	simm.s32 @!p0 $0x0  }
0x12: {  	s1 =	sld [smem:$0x3F86];
	s0 =	simm.s32 @p0 $0x1  }
0x13: {  	[smem:$0x3FA1] =	sst s0;
	s0 =	simm.s32 @!p1 $0x0  }
0x14: {  	s2 =	sld [smem:$0x3F85];
	s0 =	simm.s32 @p1 $0x1  }
0x15: {  	[smem:$0x3FA2] =	sst s0;
	s0 =	simm.s32 @!p2 $0x0  }
0x16: {  	s3 =	sld [smem:$0x3FDB];
	s0 =	simm.s32 @p2 $0x1  }
0x17: {  	s4 =	simm.s32 $0x1BF5;
	[smem:$0x3FA4] =	sst s0  }
0x18: {  	s0 =	sld [smem:$0x3F87];
	_ =	swait.ge [sflag:s4], $0x0  }
0x19: {  	s7 =	sld [smem:$0x3F88]  }
0x1a: {  	s8 =	sadd.s32 $0xFFFFE003, lr  }
0x1b: {  	s9 =	sadd.s32 $0xFFFFFEF7, lr;
	s5 =	simm.s32 $0xFFFFFFFF;
	p2 =	slt.u32 s8, $0xFFFFF086  }
0x1c: {  	p1 =	slt.u32 s9, $0xF7A;
	s5 =	simm.s32 @!p2 $0x0  }
0x1d: {  	s5 =	simm.s32 @p1 $0x1;
	p0 =	seq.s32 s7, s2  }
0x1e: {  	s7 =	smul.u32 @!p0 $0xF7A, s2;
	p2 =	seq.s32 @!p0 s5, $0x0  }
0x1f: {  	s9 =	smul.u32 $0xF7A, s1;
	s8 =	simm.s32 @!p0 $0x1BF5;
	p2 =	por !p2, p0  }
0x20: {  	[sflag:s8] =	ssyncset.s32 @!p0 $0xFFFFF086;
	s6 =	sadd.s32 @!p0 s3, s7;
	s7 =	simm.s32 @!p0 $0x108  }
0x21: {  	s3 =	sadd.s32 s3, s9;
	s6 =	sadd.s32 @!p0 $0x88, s6;
	s7 =	simm.s32 @p2 $0x1082  }
0x22: {  	[simem:s7], [sflag:s8] =	dma.local @!p0 [hbm:s6], $0xF7A  }
0x23: {  	s9 =	sor.u32 $0xD0000000, s2;
	s6 =	simm.s32 $0x108;
	_ =	swait.ge @!p0 [sflag:s8], $0x0  }
0x24: {  	s3 =	sadd.s32 $0x88, s3;
	s6 =	simm.s32 @!p1 $0x1082;
	[sflag:s4] =	ssyncset.s32 $0xFFFFF086  }
0x25: {  	[simem:s6], [sflag:s4] =	dma.local [hbm:s3], $0xF7A  }
0x26: {  	[smem:$0x3F88] =	sst s1;
	(tag) =	ssettag s2;
	_ =	strace s9  }
0x27: {  	s1 =	sld [smem:$0x3F98]  }
0x28: {  	s2 =	sld [smem:$0x3F99]  }
0x29: {  	s4 =	sld [smem:$0x3F9B]  }
0x2a: {  	p0 =	seq.s32 s5, $0x0;
	s5 =	sld [smem:$0x3F9C]  }
0x2b: {  	s6 =	sld [smem:$0x3F9D]  }
0x2c: {  	s7 =	sld [smem:$0x3F9E]  }
0x2d: {  	s3 =	simm.s32 $0x108;
	s8 =	sld [smem:$0x3F9F]  }
0x2e: {  	s3 =	simm.s32 @!p0 $0x1082;
	s9 =	sld [smem:$0x3FA0]  }
0x2f: {  	lr =	sadd.s32 s0, s3;
	s0 =	sld [smem:$0x3F97]  }
0x30: {  	s3 =	sld [smem:$0x3F9A]  }
0x31: {  	[smem:$0x3FA3] =	sst s10  }
0x32: {  	s10 =	sld [smem:$0x3FA1];
	_ =	sdelay $0x3  }
0x33: {  	p0 =	seq.s32 s10, $0x1;
	s10 =	sld [smem:$0x3FA3];
	_ =	sdelay $0x3  }
0x34: {  	[smem:$0x3FA3] =	sst s10  }
0x35: {  	s10 =	sld [smem:$0x3FA2];
	_ =	sdelay $0x3  }
0x36: {  	p1 =	seq.s32 s10, $0x1;
	s10 =	sld [smem:$0x3FA3];
	_ =	sdelay $0x3  }
0x37: {  	[smem:$0x3FA3] =	sst s10  }
0x38: {  	s10 =	sld [smem:$0x3FA4]  }
0x39: {  	_ = 	snop;
	(pc) =	sbr.ind lr, $3  }
0x3a: {  	_ = 	snop  }
0x3b: {  	_ = 	snop  }
0x3c: {  	p2 =	seq.s32 s10, $0x1;
	s10 =	sld [smem:$0x3FA3]  }
0x3d: {  	_ =	shalt  }
0x3e: {  	_ =	shalt  }
0x3f: {  	_ =	shalt  }
0x40: {  	_ =	shalt  }
0x41: {  	_ =	shalt  }
0x42: {  	_ =	shalt  }
0x43: {  	_ =	shalt  }
0x44: {  	_ =	shalt  }
0x45: {  	_ =	shalt  }
0x46: {  	_ =	shalt  }
0x47: {  	_ =	shalt  }
0x48: {  	_ =	shalt  }
0x49: {  	_ =	shalt  }
0x4a: {  	_ =	shalt  }
0x4b: {  	_ =	shalt  }
0x4c: {  	_ =	shalt  }
0x4d: {  	_ =	shalt  }
0x4e: {  	_ =	shalt  }
0x4f: {  	_ =	shalt  }
0x50: {  	_ =	shalt  }
0x51: {  	_ =	shalt  }
0x52: {  	_ =	shalt  }
0x53: {  	_ =	shalt  }
0x54: {  	_ =	shalt  }
0x55: {  	_ =	shalt  }
0x56: {  	_ =	shalt  }
0x57: {  	_ =	shalt  }
0x58: {  	_ =	shalt  }
0x59: {  	_ =	shalt  }
0x5a: {  	_ =	shalt  }
0x5b: {  	_ =	shalt  }
0x5c: {  	_ =	shalt  }
0x5d: {  	_ =	shalt  }
0x5e: {  	_ =	shalt  }
0x5f: {  	_ =	shalt  }
0x60: {  	_ =	shalt  }
0x61: {  	_ =	shalt  }
0x62: {  	_ =	shalt  }
0x63: {  	_ =	shalt  }
0x64: {  	_ =	shalt  }
0x65: {  	_ =	shalt  }
0x66: {  	_ =	shalt  }
0x67: {  	_ =	shalt  }
0x68: {  	_ =	shalt  }
0x69: {  	_ =	shalt  }
0x6a: {  	_ =	shalt  }
0x6b: {  	_ =	shalt  }
0x6c: {  	_ =	shalt  }
0x6d: {  	_ =	shalt  }
0x6e: {  	_ =	shalt  }
0x6f: {  	_ =	shalt  }
0x70: {  	_ =	shalt  }
0x71: {  	_ =	shalt  }
0x72: {  	_ =	shalt  }
0x73: {  	_ =	shalt  }
0x74: {  	_ =	shalt  }
0x75: {  	_ =	shalt  }
0x76: {  	_ =	shalt  }
0x77: {  	_ =	shalt  }
0x78: {  	_ =	shalt  }
0x79: {  	_ =	shalt  }
0x7a: {  	_ =	shalt  }
0x7b: {  	_ =	shalt  }
0x7c: {  	_ =	shalt  }
0x7d: {  	_ =	shalt  }
0x7e: {  	_ =	shalt  }
0x7f: {  	_ =	shalt  }
0x80: {  	_ =	shalt  }
0x81: {  	_ =	shalt  }
0x82: {  	_ =	shalt  }
0x83: {  	_ =	shalt  }
0x84: {  	_ =	shalt  }
0x85: {  	_ =	shalt  }
0x86: {  	_ =	shalt  }
0x87: {  	_ =	shalt  }
.Lfunc_end0:
.L_simem_size_0:
called_computation.3_lowered:
.L_overlay_start_0:
0x88: {  	s2 =	sld [smem:$0x3FD9]  }
0x89: {  	s3 =	sld [smem:$0x3FFE];
	_ =	sdelay $0x1  }
0x8a: {  	s1 =	srdreg.scid  }
0x8b: {  	s0 =	sand.u32 $0x1, s1  }
0x8c: {  	s16 =	sshll.u32 s0, $0xA;
	s2 =	sadd.s32 s3, s2  }
0x8d: {  	s2 =	sadd.s32 s2, s16  }
0x8e: {  	[smem:$0x3FAF] =	sst s2  }
0x8f: {  	_ = 	snop  }
0x90: {  	(tm) =	ssettm $0x1  }
0x91: {  	s17 =	sld [smem:$0x3FFB];
	_ =	sdelay $0x3  }
0x92: {  	_ =	strace s17  }
0x93: {  	s2 =	sld [smem:$0x3FFC];
	_ =	sdelay $0x3  }
0x94: {  	_ =	strace s2  }
0x95: {  	s2 =	sld [smem:$0x3FFD];
	_ =	sdelay $0x3  }
0x96: {  	_ =	strace s2  }
0x97: {  	_ =	strace $0x8FFFFFFF  }
0x98: {  	s18 =	sld [smem:$0x3FDB];
	_ =	sdelay $0x1  }
0x99: {  	s19 =	simm.s32 $_scs_section_size  }
0x9a: {  	s4 =	simm.s32 $_size__tile_overlayer_lowered;
	s5 =	simm.s32 $_tile_overlayer_lowered  }
0x9b: {  	s22 =	simm.s32 $0x1BFF;
	s21 =	sshll.u32 s5, $0x1;
	s2 =	sadd.s32 s19, s18  }
0x9c: {  	s6 =	simm.s32 $0x0;
	s20 =	sshll.u32 s4, $0x1;
	s4 =	sadd.s32 s21, s2  }
0x9d: {  	[timem:s6], [sflag:s22] =	dma.local [hbm:s4], s20  }
0x9e: {  	_ =	swait.ge [sflag:s22], s20  }
0x9f: {  	s3 =	ssub.s32 $0x0, s20;
	[sflag:s22] =	ssyncset.done $0x0  }
0xa0: {  	[sflag:s22] =	ssyncadd.s32 s3;
	_ =	sdelay $0x1  }
0xa1: {  	s23 =	simm.s32 $0x1B8B  }
0xa2: {  	_ =	swait.ge [sflag:s23], $0x1  }
0xa3: {  	[sflag:s23] =	ssyncset.done $0x0  }
0xa4: {  	s25 =	simm.s32 $0x1B8E;
	s24 =	sld [smem:$0x3FFE];
	[sflag:s23] =	ssyncadd.s32 $0xFFFFFFFF  }
0xa5: {  	s26 =	simm.s32 $execute0_lowered;
	[smem:$0x3FD2] =	sst s25  }
0xa6: {  	s4 =	sshll.u32 s26, $0x1;
	_ =	strace $0x8000004F;
	[dreg:$0x1] =	wrdreg $0xFFFFFFFF  }
0xa7: {  	s28 =	simm.s32 $_size_execute0_lowered;
	s2 =	sadd.s32 s2, s4;
	[dreg:$0x0] =	wrdreg $0x0  }
0xa8: {  	s4 =	sshll.u32 s28, $0x1;
	[dreg:$0x2] =	wrdreg s2  }
0xa9: {  	[dreg:$0x3] =	wrdreg s4  }
0xaa: {  	[dreg:$0x4] =	wrdreg $0xC0  }
0xab: {  	_ =	task [dreg:s6], $0x5FFFF  }
0xac: {  	[dreg:$0x1] =	wrdreg $0xFFFFFFFF  }
0xad: {  	[dreg:$0x0] =	wrdreg $0x60  }
0xae: {  	[dreg:$0x2] =	wrdreg s24  }
0xaf: {  	[dreg:$0x3] =	wrdreg $0x1A000  }
0xb0: {  	[dreg:$0x4] =	wrdreg $0x9  }
0xb1: {  	_ =	task.clear_ibuf [dreg:s6], $0x5FFFF;
	_ =	strace $0x9000004F  }
0xb2: {  	s29 =	simm.s32 $0x9;
	_ =	strace $0x80000051  }
0xb3: {  	_ =	swait.ge [sflag:s29], $0x1  }
0xb4: {  	[sflag:s29] =	ssyncadd.s32 $0xFFFFFFFF  }
0xb5: {  	_ =	strace $0x90000051  }
0xb6: {  	_ =	sfence  }
0xb7: {  	s30 =	sld [smem:$0x0];
	_ =	sdelay $0x2  }
0xb8: {  	s31 =	sshll.u32 s1, $0xD;
	s1 =	sshrl.u32 s1, $0x2  }
0xb9: {  	s3 =	sand.u32 $0x4000, s31;
	s1 =	sadd.s32 s1, s30  }
0xba: {  	s0 =	sor.u32 s3, s0;
	s1 =	sshll.u32 s1, $0x11  }
0xbb: {  	s0 =	sor.u32 s1, s0  }
0xbc: {  	s0 =	sadd.s32 $0x8F2B, s0  }
0xbd: {  	[sflag:s0] =	ssyncadd.remote.s32 $0x1  }
0xbe: {  	_ =	sfence.sel $0xFFFF  }
0xbf: {  	[dreg:$0x0] =	wrdreg $0xFFFFFFFF;
	(pc) =	sbr.abs _section_cstart, $3  }
0xc0: {  	[dreg:$0x1] =	wrdreg $0xFFFFFFFF  }
0xc1: {  	_ =	task.clear_ibuf [dreg:s6], $0x2FFFF;
	_ =	strace $0x9FFFFFFF  }
0xc2: {  	(tm) =	ssettm $0x7FFFFFFF  }
0xc3: {  	_ =	shalt  }
tec
execute0_lowered:
.L_overlay_start_1:
0x0: {  	(tag) =	ssettag $0x1  }
0x1: {  	s0 =	srdreg.scid;
	s5 =	rddreg [dreg:$0x0]  }
0x2: {  	s2 =	rddreg [dreg:$0x1];
	s4 =	sand.u32 $0x1, s0  }
0x3: {  	s3 =	simm.s32 $0x0;
	s0 =	stileid.u32;
	s6 =	smul.u32 $0x28000, s4  }
0x4: {  	s14 =	simm.s32 $0x0;
	[smem:$0x7FF] =	sst s3;
	s8 =	smul.u32 $0x4F00, s0  }
0x5: {  	s1 =	sshll.u32 s4, $0x4;
	s9 =	smul.u32 $0x4F000, s4;
	s4 =	ssub.s32 $0x2, s4  }
0x6: {  	s30 =	sshll.u32 s0, $0x6;
	s13 =	smul.u32 $0x2800, s0;
	s1 =	sor.u32 s0, s1  }
0x7: {  	s11 =	sshrl.u32 s4, $0x1;
	s7 =	smul.u32 $0x140, s1;
	s1 =	rddreg [dreg:$0x2]  }
0x8: {  	_ =	strace $0x80000050;
	s10 =	sadd.s32 s6, s5;
	s28 =	sadd.s32 s8, s9  }
0x9: {  	s29 =	sshrl.u32 s8, $0x3;
	s11 =	ssub.s32 s4, s11;
	s12 =	sadd.s32 s8, s2  }
0xa: {  	s9 =	sadd.s32 s29, s5;
	s8 =	smax.u32 s11, $0x1;
	s31 =	sadd.s32 s13, s10  }
0xb: {  	s10 =	sshrl.u32 s12, $0x3;
	s11 =	simm.s32 $0x1;
	s12 =	simm.s32 $0xA00  }
0xc: {  	s13 =	simm.s32 $0x80;
	s26 =	sadd.s32 s7, s5;
	s7 =	sshrl.u32 s28, $0x3  }
0xd: {  	s4 =	sadd.s32 $0xABE00, s9;
	s9 =	sadd.s32 $0x5BE00, s31;
	s7 =	sadd.s32 s7, s5  }
0xe: {  	s5 =	sor.u32 $0x1C01, s30;
	s6 =	sadd.s32 $0xA200, s26;
	s7 =	sadd.s32 $0xCA00, s7  }
.LBB2_1:
0xf: {  	[spmem:s10], [sflag:s5] =	dma.local [hbm:s4], $0x9E0  }
0x10: {  	_ =	swait.ge [sflag:s11], $0x9E0  }
0x11: {  	[sflag:s11] =	ssyncset.done $0x0  }
0x12: {  	[sflag:s11] =	ssyncadd.s32 $0xFFFFF620  }
0x13: {  	[tilespmem:s3], [sflag:$0x1] =	stream.linear.gather [hbm4b:s6+s3], $0xA00, $0x38;
	[tilespmem:$0x6900] =	vst v63  }
0x14: {  	_ =	swait.ge [sflag:s11], $0xA00  }
0x15: {  	[sflag:s11] =	ssyncset.done $0x0  }
0x16: {  	[sflag:s11] =	ssyncadd.s32 $0xFFFFF600  }
0x17: {  	s15 =	sadd.s32 $0x0, s9;
	[bflag:$0x0] =	sbarrier.arrive $0xFFFF  }
0x18: {  	[tilespmem:s12], [sflag:$0x1] =	stream.linear.gather [hbm4b:s15+s3], $0x1000, $0x38;
	[tilespmem:$0x6900] =	vst v63  }
0x19: {  	_ =	swait.ge [sflag:s11], $0x1000  }
0x1a: {  	[sflag:s11] =	ssyncset.done $0x0  }
0x1b: {  	s31 =	simm.s32 $0x0;
	[sflag:s11] =	ssyncadd.s32 $0xFFFFF000  }
0x1c: {  	[spmem:s2] =	stream.indirect.scatter.add.f32 [tilespmem:s12], [sflag:$0x1], $0x20, s31, s13, $0xb8;
	[tilespmem:$0x6900] =	vst v63  }
0x1d: {  	_ =	swait.ge [sflag:s11], $0x1000  }
0x1e: {  	s16 =	simm.s32 $0x400;
	s15 =	simm.s32 $0x200;
	[sflag:s11] =	ssyncset.done $0x0  }
.LBB2_2:
0x1f: {  	s17 =	sadd.s32 s15, s9  }
0x20: {  	[sflag:s11] =	ssyncadd.s32 $0xFFFFF000;
	s18 =	smov.u32 s16;
	s19 =	sadd.s32 $0x200, s16  }
0x21: {  	[tilespmem:s12], [sflag:$0x1] =	stream.linear.gather [hbm4b:s17+s3], $0x1000, $0x38;
	[tilespmem:$0x6900] =	vst v63  }
0x22: {  	p0 =	sne.s32 s16, $0x2600;
	_ =	swait.ge [sflag:s11], $0x1000  }
.Ltmp0:
0x23: {  	[sflag:s11] =	ssyncset.done $0x0;
	(pc) =	sbr.rel @p0 .LBB2_2-.Ltmp0, $4  }
0x24: {  	s16 =	sshra.s32 s15, $0x2;
	s15 =	smov.u32 s18;
	[sflag:s11] =	ssyncadd.s32 $0xFFFFF000  }
0x25: {  	[spmem:s2] =	stream.indirect.scatter.add.f32 [tilespmem:s12], [sflag:$0x1], $0x20, s16, s13, $0xb8;
	[tilespmem:$0x6900] =	vst v63  }
0x26: {  	_ =	swait.ge [sflag:s11], $0x1000  }
0x27: {  	s16 =	smov.u32 s19;
	[sflag:s11] =	ssyncset.done $0x0  }
0x28: {  	s16 =	sadd.s32 s15, s9;
	[sflag:s11] =	ssyncadd.s32 $0xFFFFF000  }
0x29: {  	[tilespmem:s12], [sflag:$0x1] =	stream.linear.gather [hbm4b:s16+s3], $0x1000, $0x38;
	[tilespmem:$0x6900] =	vst v63  }
0x2a: {  	_ =	swait.ge [sflag:s11], $0x1000  }
0x2b: {  	[sflag:s11] =	ssyncset.done $0x0  }
0x2c: {  	s31 =	sshra.s32 s15, $0x2;
	[sflag:s11] =	ssyncadd.s32 $0xFFFFF000  }
0x2d: {  	[spmem:s2] =	stream.indirect.scatter.add.f32 [tilespmem:s12], [sflag:$0x1], $0x20, s31, s13, $0xb8;
	[tilespmem:$0x6900] =	vst v63  }
0x2e: {  	_ =	swait.ge [sflag:s11], $0x1000  }
0x2f: {  	s14 =	sadd.s32 $0x1, s14;
	[sflag:s11] =	ssyncset.done $0x0  }
0x30: {  	p0 =	sne.s32 s14, s8;
	[sflag:s11] =	ssyncadd.s32 $0xFFFFF000  }
.Ltmp1:
0x31: {  	[bflag:$0x0] =	sbarrier.arrive $0xFFFF;
	(pc) =	sbr.rel @p0 .LBB2_1-.Ltmp1, $4  }
0x32: {  	[hbm:s7], [sflag:s5] =	dma.local [spmem:s10], $0x9E0  }
0x33: {  	_ =	swait.ge [sflag:s11], $0x9E0  }
0x34: {  	[sflag:s11] =	ssyncset.done $0x0  }
0x35: {  	[sflag:s11] =	ssyncadd.s32 $0xFFFFF620  }
0x36: {  	_ =	sfence.sel $0x180000  }
0x37: {  	[bflag:$0x0] =	sbarrier.arrive $0xFFFF  }
0x38: {  	p0 =	sne.s32 s0, $0x0;
	_ =	strace $0x90000050  }
0x39: {  	s0 =	sadd.s32 @!p0 $0x100000, s1;
	[bflag:$0x2] =	sbarrier.arrive $0xFFFF  }
0x3a: {  	[sflag:s0] =	ssyncadd.tile.s32 @!p0 $0x1;
	_ =	shalt  }
.Lfunc_end2:
_tile_overlayer_lowered:
.L_overlay_start_2:
0x3b: {  	(tag) =	ssettag $0x2  }
0x3c: {  	s0 =	rddreg [dreg:$0x0];
	s2 =	stileid.u32  }
0x3d: {  	s1 =	rddreg [dreg:$0x1];
	p0 =	sne.s32 s2, $0x0  }
0x3e: {  	s3 =	rddreg [dreg:$0x2];
	[bflag:$0x3] =	sbarrier.arrive $0xFFFF;
	s2 =	simm.s32 @!p0 $0x1C01  }
0x3f: {  	[timem:s3], [sflag:s2] =	dma.local @!p0 [hbm:s0], s1  }
0x40: {  	s0 =	simm.s32 @!p0 $0x1  }
0x41: {  	_ =	swait.ge @!p0 [sflag:s0], s1  }
0x42: {  	s1 =	ssub.s32 @!p0 $0x0, s1;
	[sflag:s0] =	ssyncset.done @!p0 $0x0  }
0x43: {  	[sflag:s0] =	ssyncadd.s32 @!p0 s1  }
0x44: {  	[bflag:$0x3] =	sbarrier.arrive $0xFFFF  }
0x45: {  	_ =	shalt  }

// kernel: kernel.40.cloned.1.call-start
scs
__scs_entry_jumppad:
0x0: {  	(pc) =	sbr.rel $0x88, $3  }
0x1: {  	(tag) =	ssettag $0x0;
	lr =	simm.s32 $0x1  }
0x2: {  	[smem:$0x3F88] =	sst lr;
	_ =	strace $0xD0000000  }
0x3: {  	_ = 	snop  }
0x4: {  	_ = 	snop  }
0x5: {  	_ = 	snop  }
0x6: {  	_ = 	snop  }
0x7: {  	_ = 	snop  }
__scs_overlays_trampoline_lowered:
0x8: {  	[smem:$0x3F97] =	sst s0  }
0x9: {  	[smem:$0x3F98] =	sst s1  }
0xa: {  	[smem:$0x3F99] =	sst s2  }
0xb: {  	[smem:$0x3F9A] =	sst s3  }
0xc: {  	[smem:$0x3F9B] =	sst s4  }
0xd: {  	[smem:$0x3F9C] =	sst s5  }
0xe: {  	[smem:$0x3F9D] =	sst s6  }
0xf: {  	[smem:$0x3F9E] =	sst s7  }
0x10: {  	[smem:$0x3F9F] =	sst s8  }
0x11: {  	[smem:$0x3FA0] =	sst s9;
	s0 =	simm.s32 @!p0 $0x0  }
0x12: {  	s1 =	sld [smem:$0x3F86];
	s0 =	simm.s32 @p0 $0x1  }
0x13: {  	[smem:$0x3FA1] =	sst s0;
	s0 =	simm.s32 @!p1 $0x0  }
0x14: {  	s2 =	sld [smem:$0x3F85];
	s0 =	simm.s32 @p1 $0x1  }
0x15: {  	[smem:$0x3FA2] =	sst s0;
	s0 =	simm.s32 @!p2 $0x0  }
0x16: {  	s3 =	sld [smem:$0x3FDB];
	s0 =	simm.s32 @p2 $0x1  }
0x17: {  	s4 =	simm.s32 $0x1BF5;
	[smem:$0x3FA4] =	sst s0  }
0x18: {  	s0 =	sld [smem:$0x3F87];
	_ =	swait.ge [sflag:s4], $0x0  }
0x19: {  	s7 =	sld [smem:$0x3F88]  }
0x1a: {  	s8 =	sadd.s32 $0xFFFFE003, lr  }
0x1b: {  	s9 =	sadd.s32 $0xFFFFFEF7, lr;
	s5 =	simm.s32 $0xFFFFFFFF;
	p2 =	slt.u32 s8, $0xFFFFF086  }
0x1c: {  	p1 =	slt.u32 s9, $0xF7A;
	s5 =	simm.s32 @!p2 $0x0  }
0x1d: {  	s5 =	simm.s32 @p1 $0x1;
	p0 =	seq.s32 s7, s2  }
0x1e: {  	s7 =	smul.u32 @!p0 $0xF7A, s2;
	p2 =	seq.s32 @!p0 s5, $0x0  }
0x1f: {  	s9 =	smul.u32 $0xF7A, s1;
	s8 =	simm.s32 @!p0 $0x1BF5;
	p2 =	por !p2, p0  }
0x20: {  	[sflag:s8] =	ssyncset.s32 @!p0 $0xFFFFF086;
	s6 =	sadd.s32 @!p0 s3, s7;
	s7 =	simm.s32 @!p0 $0x108  }
0x21: {  	s3 =	sadd.s32 s3, s9;
	s6 =	sadd.s32 @!p0 $0x88, s6;
	s7 =	simm.s32 @p2 $0x1082  }
0x22: {  	[simem:s7], [sflag:s8] =	dma.local @!p0 [hbm:s6], $0xF7A  }
0x23: {  	s9 =	sor.u32 $0xD0000000, s2;
	s6 =	simm.s32 $0x108;
	_ =	swait.ge @!p0 [sflag:s8], $0x0  }
0x24: {  	s3 =	sadd.s32 $0x88, s3;
	s6 =	simm.s32 @!p1 $0x1082;
	[sflag:s4] =	ssyncset.s32 $0xFFFFF086  }
0x25: {  	[simem:s6], [sflag:s4] =	dma.local [hbm:s3], $0xF7A  }
0x26: {  	[smem:$0x3F88] =	sst s1;
	(tag) =	ssettag s2;
	_ =	strace s9  }
0x27: {  	s1 =	sld [smem:$0x3F98]  }
0x28: {  	s2 =	sld [smem:$0x3F99]  }
0x29: {  	s4 =	sld [smem:$0x3F9B]  }
0x2a: {  	p0 =	seq.s32 s5, $0x0;
	s5 =	sld [smem:$0x3F9C]  }
0x2b: {  	s6 =	sld [smem:$0x3F9D]  }
0x2c: {  	s7 =	sld [smem:$0x3F9E]  }
0x2d: {  	s3 =	simm.s32 $0x108;
	s8 =	sld [smem:$0x3F9F]  }
0x2e: {  	s3 =	simm.s32 @!p0 $0x1082;
	s9 =	sld [smem:$0x3FA0]  }
0x2f: {  	lr =	sadd.s32 s0, s3;
	s0 =	sld [smem:$0x3F97]  }
0x30: {  	s3 =	sld [smem:$0x3F9A]  }
0x31: {  	[smem:$0x3FA3] =	sst s10  }
0x32: {  	s10 =	sld [smem:$0x3FA1];
	_ =	sdelay $0x3  }
0x33: {  	p0 =	seq.s32 s10, $0x1;
	s10 =	sld [smem:$0x3FA3];
	_ =	sdelay $0x3  }
0x34: {  	[smem:$0x3FA3] =	sst s10  }
0x35: {  	s10 =	sld [smem:$0x3FA2];
	_ =	sdelay $0x3  }
0x36: {  	p1 =	seq.s32 s10, $0x1;
	s10 =	sld [smem:$0x3FA3];
	_ =	sdelay $0x3  }
0x37: {  	[smem:$0x3FA3] =	sst s10  }
0x38: {  	s10 =	sld [smem:$0x3FA4]  }
0x39: {  	_ = 	snop;
	(pc) =	sbr.ind lr, $3  }
0x3a: {  	_ = 	snop  }
0x3b: {  	_ = 	snop  }
0x3c: {  	p2 =	seq.s32 s10, $0x1;
	s10 =	sld [smem:$0x3FA3]  }
0x3d: {  	_ =	shalt  }
0x3e: {  	_ =	shalt  }
0x3f: {  	_ =	shalt  }
0x40: {  	_ =	shalt  }
0x41: {  	_ =	shalt  }
0x42: {  	_ =	shalt  }
0x43: {  	_ =	shalt  }
0x44: {  	_ =	shalt  }
0x45: {  	_ =	shalt  }
0x46: {  	_ =	shalt  }
0x47: {  	_ =	shalt  }
0x48: {  	_ =	shalt  }
0x49: {  	_ =	shalt  }
0x4a: {  	_ =	shalt  }
0x4b: {  	_ =	shalt  }
0x4c: {  	_ =	shalt  }
0x4d: {  	_ =	shalt  }
0x4e: {  	_ =	shalt  }
0x4f: {  	_ =	shalt  }
0x50: {  	_ =	shalt  }
0x51: {  	_ =	shalt  }
0x52: {  	_ =	shalt  }
0x53: {  	_ =	shalt  }
0x54: {  	_ =	shalt  }
0x55: {  	_ =	shalt  }
0x56: {  	_ =	shalt  }
0x57: {  	_ =	shalt  }
0x58: {  	_ =	shalt  }
0x59: {  	_ =	shalt  }
0x5a: {  	_ =	shalt  }
0x5b: {  	_ =	shalt  }
0x5c: {  	_ =	shalt  }
0x5d: {  	_ =	shalt  }
0x5e: {  	_ =	shalt  }
0x5f: {  	_ =	shalt  }
0x60: {  	_ =	shalt  }
0x61: {  	_ =	shalt  }
0x62: {  	_ =	shalt  }
0x63: {  	_ =	shalt  }
0x64: {  	_ =	shalt  }
0x65: {  	_ =	shalt  }
0x66: {  	_ =	shalt  }
0x67: {  	_ =	shalt  }
0x68: {  	_ =	shalt  }
0x69: {  	_ =	shalt  }
0x6a: {  	_ =	shalt  }
0x6b: {  	_ =	shalt  }
0x6c: {  	_ =	shalt  }
0x6d: {  	_ =	shalt  }
0x6e: {  	_ =	shalt  }
0x6f: {  	_ =	shalt  }
0x70: {  	_ =	shalt  }
0x71: {  	_ =	shalt  }
0x72: {  	_ =	shalt  }
0x73: {  	_ =	shalt  }
0x74: {  	_ =	shalt  }
0x75: {  	_ =	shalt  }
0x76: {  	_ =	shalt  }
0x77: {  	_ =	shalt  }
0x78: {  	_ =	shalt  }
0x79: {  	_ =	shalt  }
0x7a: {  	_ =	shalt  }
0x7b: {  	_ =	shalt  }
0x7c: {  	_ =	shalt  }
0x7d: {  	_ =	shalt  }
0x7e: {  	_ =	shalt  }
0x7f: {  	_ =	shalt  }
0x80: {  	_ =	shalt  }
0x81: {  	_ =	shalt  }
0x82: {  	_ =	shalt  }
0x83: {  	_ =	shalt  }
0x84: {  	_ =	shalt  }
0x85: {  	_ =	shalt  }
0x86: {  	_ =	shalt  }
0x87: {  	_ =	shalt  }
.Lfunc_end0:
.L_simem_size_0:
called_computation.4_lowered:
.L_overlay_start_0:
0x88: {  	s2 =	sld [smem:$0x3FD9]  }
0x89: {  	s3 =	sld [smem:$0x3FFE];
	_ =	sdelay $0x1  }
0x8a: {  	s1 =	srdreg.scid  }
0x8b: {  	s0 =	sand.u32 $0x1, s1  }
0x8c: {  	s16 =	sshll.u32 s0, $0xA;
	s2 =	sadd.s32 s3, s2  }
0x8d: {  	s2 =	sadd.s32 s2, s16  }
0x8e: {  	[smem:$0x3FAF] =	sst s2  }
0x8f: {  	_ = 	snop  }
0x90: {  	(tm) =	ssettm $0x1  }
0x91: {  	s17 =	sld [smem:$0x3FFB];
	_ =	sdelay $0x3  }
0x92: {  	_ =	strace s17  }
0x93: {  	s2 =	sld [smem:$0x3FFC];
	_ =	sdelay $0x3  }
0x94: {  	_ =	strace s2  }
0x95: {  	s2 =	sld [smem:$0x3FFD];
	_ =	sdelay $0x3  }
0x96: {  	_ =	strace s2  }
0x97: {  	_ =	strace $0x8FFFFFFF  }
0x98: {  	s18 =	sld [smem:$0x3FDB];
	_ =	sdelay $0x1  }
0x99: {  	s19 =	simm.s32 $_scs_section_size  }
0x9a: {  	s4 =	simm.s32 $_size__tile_overlayer_lowered;
	s5 =	simm.s32 $_tile_overlayer_lowered  }
0x9b: {  	s22 =	simm.s32 $0x1BFF;
	s21 =	sshll.u32 s5, $0x1;
	s2 =	sadd.s32 s19, s18  }
0x9c: {  	s6 =	simm.s32 $0x0;
	s20 =	sshll.u32 s4, $0x1;
	s4 =	sadd.s32 s21, s2  }
0x9d: {  	[timem:s6], [sflag:s22] =	dma.local [hbm:s4], s20  }
0x9e: {  	_ =	swait.ge [sflag:s22], s20  }
0x9f: {  	s3 =	ssub.s32 $0x0, s20;
	[sflag:s22] =	ssyncset.done $0x0  }
0xa0: {  	[sflag:s22] =	ssyncadd.s32 s3;
	_ =	sdelay $0x1  }
0xa1: {  	s23 =	simm.s32 $0x1B8B  }
0xa2: {  	_ =	swait.ge [sflag:s23], $0x1  }
0xa3: {  	[sflag:s23] =	ssyncset.done $0x0  }
0xa4: {  	s25 =	simm.s32 $0x1B8E;
	s24 =	sld [smem:$0x3FFE];
	[sflag:s23] =	ssyncadd.s32 $0xFFFFFFFF  }
0xa5: {  	s26 =	simm.s32 $execute0_lowered;
	[smem:$0x3FD2] =	sst s25  }
0xa6: {  	s4 =	sshll.u32 s26, $0x1;
	_ =	strace $0x80000052;
	[dreg:$0x1] =	wrdreg $0xFFFFFFFF  }
0xa7: {  	s28 =	simm.s32 $_size_execute0_lowered;
	s2 =	sadd.s32 s2, s4;
	[dreg:$0x0] =	wrdreg $0x0  }
0xa8: {  	s4 =	sshll.u32 s28, $0x1;
	[dreg:$0x2] =	wrdreg s2  }
0xa9: {  	[dreg:$0x3] =	wrdreg s4  }
0xaa: {  	[dreg:$0x4] =	wrdreg $0xC0  }
0xab: {  	_ =	task [dreg:s6], $0x5FFFF  }
0xac: {  	[dreg:$0x1] =	wrdreg $0xFFFFFFFF  }
0xad: {  	[dreg:$0x0] =	wrdreg $0x60  }
0xae: {  	[dreg:$0x2] =	wrdreg s24  }
0xaf: {  	[dreg:$0x3] =	wrdreg $0x9  }
0xb0: {  	_ =	task.clear_ibuf [dreg:s6], $0x4FFFF;
	_ =	strace $0x90000052  }
0xb1: {  	s29 =	simm.s32 $0x9;
	_ =	strace $0x80000054  }
0xb2: {  	_ =	swait.ge [sflag:s29], $0x1  }
0xb3: {  	[sflag:s29] =	ssyncadd.s32 $0xFFFFFFFF  }
0xb4: {  	_ =	strace $0x90000054  }
0xb5: {  	_ =	sfence  }
0xb6: {  	s30 =	sld [smem:$0x0];
	_ =	sdelay $0x2  }
0xb7: {  	s31 =	sshll.u32 s1, $0xD;
	s1 =	sshrl.u32 s1, $0x2  }
0xb8: {  	s3 =	sand.u32 $0x4000, s31;
	s1 =	sadd.s32 s1, s30  }
0xb9: {  	s0 =	sor.u32 s3, s0;
	s1 =	sshll.u32 s1, $0x11  }
0xba: {  	s0 =	sor.u32 s1, s0  }
0xbb: {  	s0 =	sadd.s32 $0x8F2B, s0  }
0xbc: {  	[sflag:s0] =	ssyncadd.remote.s32 $0x1  }
0xbd: {  	_ =	sfence.sel $0xFFFF  }
0xbe: {  	[dreg:$0x0] =	wrdreg $0xFFFFFFFF;
	(pc) =	sbr.abs _section_cstart, $3  }
0xbf: {  	[dreg:$0x1] =	wrdreg $0xFFFFFFFF  }
0xc0: {  	_ =	task.clear_ibuf [dreg:s6], $0x2FFFF;
	_ =	strace $0x9FFFFFFF  }
0xc1: {  	(tm) =	ssettm $0x7FFFFFFF  }
tec
execute0_lowered:
.L_overlay_start_1:
0x0: {  	(tag) =	ssettag $0x1  }
0x1: {  	s0 =	srdreg.scid  }
0x2: {  	s4 =	rddreg [dreg:$0x0];
	s1 =	stileid.u32;
	s2 =	simm.s32 $0x0  }
0x3: {  	s10 =	simm.s32 $0x1;
	s3 =	sand.u32 $0x1, s0;
	s0 =	rddreg [dreg:$0x1]  }
0x4: {  	s11 =	simm.s32 $0x0;
	[smem:$0x7FF] =	sst s2;
	s9 =	smul.u32 $0x2800, s1  }
0x5: {  	s5 =	sshll.u32 s3, $0x4;
	_ =	strace $0x80000053;
	s6 =	smul.u32 $0x28000, s3  }
0x6: {  	s7 =	ssub.s32 $0x2, s3;
	s3 =	sadd.s32 $0x5BE00, s4;
	s5 =	sor.u32 s1, s5  }
0x7: {  	s8 =	sshrl.u32 s7, $0x1;
	s5 =	smul.u32 $0x140, s5;
	s6 =	sadd.s32 s6, s4  }
0x8: {  	s7 =	ssub.s32 s7, s8;
	s8 =	simm.s32 $0x80;
	s6 =	sadd.s32 s9, s6  }
0x9: {  	s9 =	simm.s32 $0xA00;
	s5 =	sadd.s32 s5, s4;
	s6 =	sadd.s32 $0x1F5C00, s6  }
0xa: {  	s4 =	sadd.s32 $0x7A00, s5;
	s5 =	smax.u32 s7, $0x1;
	s7 =	simm.s32 $0x2  }
.LBB2_1:
0xb: {  	[tilespmem:s2], [sflag:$0x2] =	stream.linear.gather [hbm4b:s4+s2], $0xA00, $0x38;
	[tilespmem:$0x1A00] =	vst v63  }
0xc: {  	_ =	swait.ge [sflag:s7], $0xA00  }
0xd: {  	[sflag:s7] =	ssyncset.done $0x0  }
0xe: {  	s12 =	simm.s32 $0x0;
	[sflag:s7] =	ssyncadd.s32 $0xFFFFF600  }
0xf: {  	[tilespmem:s9], [sflag:$0x1] =	stream.indirect.gather [hbm4b:s3+s8], $0x20, s12, s8, $0xb8;
	[tilespmem:$0x1A00] =	vst v63  }
0x10: {  	_ =	swait.ge [sflag:s10], $0x1000  }
0x11: {  	[sflag:s10] =	ssyncset.done $0x0  }
0x12: {  	s31 =	sadd.s32 $0x0, s6;
	[sflag:s10] =	ssyncadd.s32 $0xFFFFF000  }
0x13: {  	[hbm4b:s31+s2] =	stream.linear.scatter [tilespmem:s9], [sflag:$0x2], $0x1000, $0x38;
	[tilespmem:$0x1A00] =	vst v63  }
0x14: {  	_ =	swait.ge [sflag:s7], $0x1000  }
0x15: {  	s13 =	simm.s32 $0x400;
	s12 =	simm.s32 $0x200;
	[sflag:s7] =	ssyncset.done $0x0  }
.LBB2_2:
0x16: {  	s14 =	sshra.s32 s12, $0x2  }
0x17: {  	[sflag:s7] =	ssyncadd.s32 $0xFFFFF000;
	s15 =	smov.u32 s13;
	s16 =	sadd.s32 $0x200, s13  }
0x18: {  	[tilespmem:s9], [sflag:$0x1] =	stream.indirect.gather [hbm4b:s3+s8], $0x20, s14, s8, $0xb8;
	[tilespmem:$0x1A00] =	vst v63  }
0x19: {  	p0 =	sne.s32 s13, $0x2600;
	_ =	swait.ge [sflag:s10], $0x1000  }
.Ltmp0:
0x1a: {  	[sflag:s10] =	ssyncset.done $0x0;
	(pc) =	sbr.rel @p0 .LBB2_2-.Ltmp0, $4  }
0x1b: {  	s13 =	sadd.s32 s12, s6;
	s12 =	smov.u32 s15;
	[sflag:s10] =	ssyncadd.s32 $0xFFFFF000  }
0x1c: {  	[hbm4b:s13+s2] =	stream.linear.scatter [tilespmem:s9], [sflag:$0x2], $0x1000, $0x38;
	[tilespmem:$0x1A00] =	vst v63  }
0x1d: {  	_ =	swait.ge [sflag:s7], $0x1000  }
0x1e: {  	s13 =	smov.u32 s16;
	[sflag:s7] =	ssyncset.done $0x0  }
0x1f: {  	s13 =	sshra.s32 s12, $0x2;
	[sflag:s7] =	ssyncadd.s32 $0xFFFFF000  }
0x20: {  	[tilespmem:s9], [sflag:$0x1] =	stream.indirect.gather [hbm4b:s3+s8], $0x20, s13, s8, $0xb8;
	[tilespmem:$0x1A00] =	vst v63  }
0x21: {  	s11 =	sadd.s32 $0x1, s11;
	_ =	swait.ge [sflag:s10], $0x1000  }
0x22: {  	p0 =	sne.s32 s11, s5;
	[sflag:s10] =	ssyncset.done $0x0  }
.Ltmp1:
0x23: {  	s31 =	sadd.s32 s12, s6;
	[sflag:s10] =	ssyncadd.s32 $0xFFFFF000;
	(pc) =	sbr.rel @p0 .LBB2_1-.Ltmp1, $4  }
0x24: {  	[hbm4b:s31+s2] =	stream.linear.scatter [tilespmem:s9], [sflag:$0x2], $0x1000, $0x38;
	[tilespmem:$0x1A00] =	vst v63  }
0x25: {  	_ =	swait.ge [sflag:s7], $0x1000  }
0x26: {  	[sflag:s7] =	ssyncset.done $0x0  }
0x27: {  	[sflag:s7] =	ssyncadd.s32 $0xFFFFF000  }
0x28: {  	_ =	sfence.sel $0x180000  }
0x29: {  	[bflag:$0x0] =	sbarrier.arrive $0xFFFF  }
0x2a: {  	p0 =	sne.s32 s1, $0x0;
	_ =	strace $0x90000053  }
0x2b: {  	s0 =	sadd.s32 @!p0 $0x100000, s0;
	[bflag:$0x2] =	sbarrier.arrive $0xFFFF  }
0x2c: {  	[sflag:s0] =	ssyncadd.tile.s32 @!p0 $0x1;
	_ =	shalt  }
.Lfunc_end2:
_tile_overlayer_lowered:
.L_overlay_start_2:
0x2d: {  	(tag) =	ssettag $0x2  }
0x2e: {  	s0 =	rddreg [dreg:$0x0];
	s2 =	stileid.u32  }
0x2f: {  	s1 =	rddreg [dreg:$0x1];
	p0 =	sne.s32 s2, $0x0  }
0x30: {  	s3 =	rddreg [dreg:$0x2];
	[bflag:$0x3] =	sbarrier.arrive $0xFFFF;
	s2 =	simm.s32 @!p0 $0x1C02  }
0x31: {  	[timem:s3], [sflag:s2] =	dma.local @!p0 [hbm:s0], s1  }
0x32: {  	s0 =	simm.s32 @!p0 $0x2  }
0x33: {  	_ =	swait.ge @!p0 [sflag:s0], s1  }
0x34: {  	s1 =	ssub.s32 @!p0 $0x0, s1;
	[sflag:s0] =	ssyncset.done @!p0 $0x0  }
0x35: {  	[sflag:s0] =	ssyncadd.s32 @!p0 s1  }
0x36: {  	[bflag:$0x3] =	sbarrier.arrive $0xFFFF  }
0x37: {  	_ =	shalt  }

// kernel: kernel.43.cloned.1.call-start
scs
__scs_entry_jumppad:
0x0: {  	(pc) =	sbr.rel $0x88, $3  }
0x1: {  	(tag) =	ssettag $0x0;
	lr =	simm.s32 $0x1  }
0x2: {  	[smem:$0x3F88] =	sst lr;
	_ =	strace $0xD0000000  }
0x3: {  	_ = 	snop  }
0x4: {  	_ = 	snop  }
0x5: {  	_ = 	snop  }
0x6: {  	_ = 	snop  }
0x7: {  	_ = 	snop  }
__scs_overlays_trampoline_lowered:
0x8: {  	[smem:$0x3F97] =	sst s0  }
0x9: {  	[smem:$0x3F98] =	sst s1  }
0xa: {  	[smem:$0x3F99] =	sst s2  }
0xb: {  	[smem:$0x3F9A] =	sst s3  }
0xc: {  	[smem:$0x3F9B] =	sst s4  }
0xd: {  	[smem:$0x3F9C] =	sst s5  }
0xe: {  	[smem:$0x3F9D] =	sst s6  }
0xf: {  	[smem:$0x3F9E] =	sst s7  }
0x10: {  	[smem:$0x3F9F] =	sst s8  }
0x11: {  	[smem:$0x3FA0] =	sst s9;
	s0 =	simm.s32 @!p0 $0x0  }
0x12: {  	s1 =	sld [smem:$0x3F86];
	s0 =	simm.s32 @p0 $0x1  }
0x13: {  	[smem:$0x3FA1] =	sst s0;
	s0 =	simm.s32 @!p1 $0x0  }
0x14: {  	s2 =	sld [smem:$0x3F85];
	s0 =	simm.s32 @p1 $0x1  }
0x15: {  	[smem:$0x3FA2] =	sst s0;
	s0 =	simm.s32 @!p2 $0x0  }
0x16: {  	s3 =	sld [smem:$0x3FDB];
	s0 =	simm.s32 @p2 $0x1  }
0x17: {  	s4 =	simm.s32 $0x1BF5;
	[smem:$0x3FA4] =	sst s0  }
0x18: {  	s0 =	sld [smem:$0x3F87];
	_ =	swait.ge [sflag:s4], $0x0  }
0x19: {  	s7 =	sld [smem:$0x3F88]  }
0x1a: {  	s8 =	sadd.s32 $0xFFFFE003, lr  }
0x1b: {  	s9 =	sadd.s32 $0xFFFFFEF7, lr;
	s5 =	simm.s32 $0xFFFFFFFF;
	p2 =	slt.u32 s8, $0xFFFFF086  }
0x1c: {  	p1 =	slt.u32 s9, $0xF7A;
	s5 =	simm.s32 @!p2 $0x0  }
0x1d: {  	s5 =	simm.s32 @p1 $0x1;
	p0 =	seq.s32 s7, s2  }
0x1e: {  	s7 =	smul.u32 @!p0 $0xF7A, s2;
	p2 =	seq.s32 @!p0 s5, $0x0  }
0x1f: {  	s9 =	smul.u32 $0xF7A, s1;
	s8 =	simm.s32 @!p0 $0x1BF5;
	p2 =	por !p2, p0  }
0x20: {  	[sflag:s8] =	ssyncset.s32 @!p0 $0xFFFFF086;
	s6 =	sadd.s32 @!p0 s3, s7;
	s7 =	simm.s32 @!p0 $0x108  }
0x21: {  	s3 =	sadd.s32 s3, s9;
	s6 =	sadd.s32 @!p0 $0x88, s6;
	s7 =	simm.s32 @p2 $0x1082  }
0x22: {  	[simem:s7], [sflag:s8] =	dma.local @!p0 [hbm:s6], $0xF7A  }
0x23: {  	s9 =	sor.u32 $0xD0000000, s2;
	s6 =	simm.s32 $0x108;
	_ =	swait.ge @!p0 [sflag:s8], $0x0  }
0x24: {  	s3 =	sadd.s32 $0x88, s3;
	s6 =	simm.s32 @!p1 $0x1082;
	[sflag:s4] =	ssyncset.s32 $0xFFFFF086  }
0x25: {  	[simem:s6], [sflag:s4] =	dma.local [hbm:s3], $0xF7A  }
0x26: {  	[smem:$0x3F88] =	sst s1;
	(tag) =	ssettag s2;
	_ =	strace s9  }
0x27: {  	s1 =	sld [smem:$0x3F98]  }
0x28: {  	s2 =	sld [smem:$0x3F99]  }
0x29: {  	s4 =	sld [smem:$0x3F9B]  }
0x2a: {  	p0 =	seq.s32 s5, $0x0;
	s5 =	sld [smem:$0x3F9C]  }
0x2b: {  	s6 =	sld [smem:$0x3F9D]  }
0x2c: {  	s7 =	sld [smem:$0x3F9E]  }
0x2d: {  	s3 =	simm.s32 $0x108;
	s8 =	sld [smem:$0x3F9F]  }
0x2e: {  	s3 =	simm.s32 @!p0 $0x1082;
	s9 =	sld [smem:$0x3FA0]  }
0x2f: {  	lr =	sadd.s32 s0, s3;
	s0 =	sld [smem:$0x3F97]  }
0x30: {  	s3 =	sld [smem:$0x3F9A]  }
0x31: {  	[smem:$0x3FA3] =	sst s10  }
0x32: {  	s10 =	sld [smem:$0x3FA1];
	_ =	sdelay $0x3  }
0x33: {  	p0 =	seq.s32 s10, $0x1;
	s10 =	sld [smem:$0x3FA3];
	_ =	sdelay $0x3  }
0x34: {  	[smem:$0x3FA3] =	sst s10  }
0x35: {  	s10 =	sld [smem:$0x3FA2];
	_ =	sdelay $0x3  }
0x36: {  	p1 =	seq.s32 s10, $0x1;
	s10 =	sld [smem:$0x3FA3];
	_ =	sdelay $0x3  }
0x37: {  	[smem:$0x3FA3] =	sst s10  }
0x38: {  	s10 =	sld [smem:$0x3FA4]  }
0x39: {  	_ = 	snop;
	(pc) =	sbr.ind lr, $3  }
0x3a: {  	_ = 	snop  }
0x3b: {  	_ = 	snop  }
0x3c: {  	p2 =	seq.s32 s10, $0x1;
	s10 =	sld [smem:$0x3FA3]  }
0x3d: {  	_ =	shalt  }
0x3e: {  	_ =	shalt  }
0x3f: {  	_ =	shalt  }
0x40: {  	_ =	shalt  }
0x41: {  	_ =	shalt  }
0x42: {  	_ =	shalt  }
0x43: {  	_ =	shalt  }
0x44: {  	_ =	shalt  }
0x45: {  	_ =	shalt  }
0x46: {  	_ =	shalt  }
0x47: {  	_ =	shalt  }
0x48: {  	_ =	shalt  }
0x49: {  	_ =	shalt  }
0x4a: {  	_ =	shalt  }
0x4b: {  	_ =	shalt  }
0x4c: {  	_ =	shalt  }
0x4d: {  	_ =	shalt  }
0x4e: {  	_ =	shalt  }
0x4f: {  	_ =	shalt  }
0x50: {  	_ =	shalt  }
0x51: {  	_ =	shalt  }
0x52: {  	_ =	shalt  }
0x53: {  	_ =	shalt  }
0x54: {  	_ =	shalt  }
0x55: {  	_ =	shalt  }
0x56: {  	_ =	shalt  }
0x57: {  	_ =	shalt  }
0x58: {  	_ =	shalt  }
0x59: {  	_ =	shalt  }
0x5a: {  	_ =	shalt  }
0x5b: {  	_ =	shalt  }
0x5c: {  	_ =	shalt  }
0x5d: {  	_ =	shalt  }
0x5e: {  	_ =	shalt  }
0x5f: {  	_ =	shalt  }
0x60: {  	_ =	shalt  }
0x61: {  	_ =	shalt  }
0x62: {  	_ =	shalt  }
0x63: {  	_ =	shalt  }
0x64: {  	_ =	shalt  }
0x65: {  	_ =	shalt  }
0x66: {  	_ =	shalt  }
0x67: {  	_ =	shalt  }
0x68: {  	_ =	shalt  }
0x69: {  	_ =	shalt  }
0x6a: {  	_ =	shalt  }
0x6b: {  	_ =	shalt  }
0x6c: {  	_ =	shalt  }
0x6d: {  	_ =	shalt  }
0x6e: {  	_ =	shalt  }
0x6f: {  	_ =	shalt  }
0x70: {  	_ =	shalt  }
0x71: {  	_ =	shalt  }
0x72: {  	_ =	shalt  }
0x73: {  	_ =	shalt  }
0x74: {  	_ =	shalt  }
0x75: {  	_ =	shalt  }
0x76: {  	_ =	shalt  }
0x77: {  	_ =	shalt  }
0x78: {  	_ =	shalt  }
0x79: {  	_ =	shalt  }
0x7a: {  	_ =	shalt  }
0x7b: {  	_ =	shalt  }
0x7c: {  	_ =	shalt  }
0x7d: {  	_ =	shalt  }
0x7e: {  	_ =	shalt  }
0x7f: {  	_ =	shalt  }
0x80: {  	_ =	shalt  }
0x81: {  	_ =	shalt  }
0x82: {  	_ =	shalt  }
0x83: {  	_ =	shalt  }
0x84: {  	_ =	shalt  }
0x85: {  	_ =	shalt  }
0x86: {  	_ =	shalt  }
0x87: {  	_ =	shalt  }
.Lfunc_end0:
.L_simem_size_0:
called_computation.5_lowered:
.L_overlay_start_0:
0x88: {  	s2 =	sld [smem:$0x3FD9]  }
0x89: {  	s3 =	sld [smem:$0x3FFE];
	_ =	sdelay $0x1  }
0x8a: {  	s1 =	srdreg.scid  }
0x8b: {  	s0 =	sand.u32 $0x1, s1  }
0x8c: {  	s16 =	sshll.u32 s0, $0xA;
	s2 =	sadd.s32 s3, s2  }
0x8d: {  	s2 =	sadd.s32 s2, s16  }
0x8e: {  	[smem:$0x3FAF] =	sst s2  }
0x8f: {  	_ = 	snop  }
0x90: {  	(tm) =	ssettm $0x1  }
0x91: {  	s17 =	sld [smem:$0x3FFB];
	_ =	sdelay $0x3  }
0x92: {  	_ =	strace s17  }
0x93: {  	s2 =	sld [smem:$0x3FFC];
	_ =	sdelay $0x3  }
0x94: {  	_ =	strace s2  }
0x95: {  	s2 =	sld [smem:$0x3FFD];
	_ =	sdelay $0x3  }
0x96: {  	_ =	strace s2  }
0x97: {  	_ =	strace $0x8FFFFFFF  }
0x98: {  	s18 =	sld [smem:$0x3FDB];
	_ =	sdelay $0x1  }
0x99: {  	s19 =	simm.s32 $_scs_section_size  }
0x9a: {  	s4 =	simm.s32 $_size__tile_overlayer_lowered;
	s5 =	simm.s32 $_tile_overlayer_lowered  }
0x9b: {  	s22 =	simm.s32 $0x1BFF;
	s21 =	sshll.u32 s5, $0x1;
	s2 =	sadd.s32 s19, s18  }
0x9c: {  	s6 =	simm.s32 $0x0;
	s20 =	sshll.u32 s4, $0x1;
	s4 =	sadd.s32 s21, s2  }
0x9d: {  	[timem:s6], [sflag:s22] =	dma.local [hbm:s4], s20  }
0x9e: {  	_ =	swait.ge [sflag:s22], s20  }
0x9f: {  	s3 =	ssub.s32 $0x0, s20;
	[sflag:s22] =	ssyncset.done $0x0  }
0xa0: {  	[sflag:s22] =	ssyncadd.s32 s3;
	_ =	sdelay $0x1  }
0xa1: {  	s23 =	simm.s32 $0x1B8B  }
0xa2: {  	_ =	swait.ge [sflag:s23], $0x1  }
0xa3: {  	[sflag:s23] =	ssyncset.done $0x0  }
0xa4: {  	s25 =	simm.s32 $0x1B8E;
	s24 =	sld [smem:$0x3FFE];
	[sflag:s23] =	ssyncadd.s32 $0xFFFFFFFF  }
0xa5: {  	s26 =	simm.s32 $execute0_lowered;
	[smem:$0x3FD2] =	sst s25  }
0xa6: {  	s4 =	sshll.u32 s26, $0x1;
	_ =	strace $0x80000055;
	[dreg:$0x1] =	wrdreg $0xFFFFFFFF  }
0xa7: {  	s28 =	simm.s32 $_size_execute0_lowered;
	s2 =	sadd.s32 s2, s4;
	[dreg:$0x0] =	wrdreg $0x0  }
0xa8: {  	s4 =	sshll.u32 s28, $0x1;
	[dreg:$0x2] =	wrdreg s2  }
0xa9: {  	[dreg:$0x3] =	wrdreg s4  }
0xaa: {  	[dreg:$0x4] =	wrdreg $0xC0  }
0xab: {  	_ =	task [dreg:s6], $0x5FFFF  }
0xac: {  	[dreg:$0x1] =	wrdreg $0xFFFFFFFF  }
0xad: {  	[dreg:$0x0] =	wrdreg $0x60  }
0xae: {  	[dreg:$0x2] =	wrdreg s24  }
0xaf: {  	[dreg:$0x3] =	wrdreg $0x1A000  }
0xb0: {  	[dreg:$0x4] =	wrdreg $0x9  }
0xb1: {  	_ =	task.clear_ibuf [dreg:s6], $0x5FFFF;
	_ =	strace $0x90000055  }
0xb2: {  	s29 =	simm.s32 $0x9;
	_ =	strace $0x80000057  }
0xb3: {  	_ =	swait.ge [sflag:s29], $0x1  }
0xb4: {  	[sflag:s29] =	ssyncadd.s32 $0xFFFFFFFF  }
0xb5: {  	_ =	strace $0x90000057  }
0xb6: {  	_ =	sfence  }
0xb7: {  	s30 =	sld [smem:$0x0];
	_ =	sdelay $0x2  }
0xb8: {  	s31 =	sshll.u32 s1, $0xD;
	s1 =	sshrl.u32 s1, $0x2  }
0xb9: {  	s3 =	sand.u32 $0x4000, s31;
	s1 =	sadd.s32 s1, s30  }
0xba: {  	s0 =	sor.u32 s3, s0;
	s1 =	sshll.u32 s1, $0x11  }
0xbb: {  	s0 =	sor.u32 s1, s0  }
0xbc: {  	s0 =	sadd.s32 $0x8F2B, s0  }
0xbd: {  	[sflag:s0] =	ssyncadd.remote.s32 $0x1  }
0xbe: {  	_ =	sfence.sel $0xFFFF  }
0xbf: {  	[dreg:$0x0] =	wrdreg $0xFFFFFFFF;
	(pc) =	sbr.abs _section_cstart, $3  }
0xc0: {  	[dreg:$0x1] =	wrdreg $0xFFFFFFFF  }
0xc1: {  	_ =	task.clear_ibuf [dreg:s6], $0x2FFFF;
	_ =	strace $0x9FFFFFFF  }
0xc2: {  	(tm) =	ssettm $0x7FFFFFFF  }
0xc3: {  	_ =	shalt  }
tec
execute0_lowered:
.L_overlay_start_1:
0x0: {  	(tag) =	ssettag $0x1  }
0x1: {  	s0 =	srdreg.scid;
	s5 =	rddreg [dreg:$0x0]  }
0x2: {  	s2 =	rddreg [dreg:$0x1];
	s4 =	sand.u32 $0x1, s0  }
0x3: {  	s3 =	simm.s32 $0x0;
	s0 =	stileid.u32;
	s6 =	smul.u32 $0x28000, s4  }
0x4: {  	s14 =	simm.s32 $0x0;
	[smem:$0x7FF] =	sst s3;
	s8 =	smul.u32 $0x4F00, s0  }
0x5: {  	s1 =	sshll.u32 s4, $0x4;
	s9 =	smul.u32 $0x4F000, s4;
	s4 =	ssub.s32 $0x2, s4  }
0x6: {  	s30 =	sshll.u32 s0, $0x6;
	s13 =	smul.u32 $0x2800, s0;
	s1 =	sor.u32 s0, s1  }
0x7: {  	s11 =	sshrl.u32 s4, $0x1;
	s7 =	smul.u32 $0x140, s1;
	s1 =	rddreg [dreg:$0x2]  }
0x8: {  	_ =	strace $0x80000056;
	s10 =	sadd.s32 s6, s5;
	s28 =	sadd.s32 s8, s9  }
0x9: {  	s29 =	sshrl.u32 s8, $0x3;
	s11 =	ssub.s32 s4, s11;
	s12 =	sadd.s32 s8, s2  }
0xa: {  	s9 =	sadd.s32 s29, s5;
	s8 =	smax.u32 s11, $0x1;
	s31 =	sadd.s32 s13, s10  }
0xb: {  	s10 =	sshrl.u32 s12, $0x3;
	s11 =	simm.s32 $0x1;
	s12 =	simm.s32 $0xA00  }
0xc: {  	s13 =	simm.s32 $0x80;
	s26 =	sadd.s32 s7, s5;
	s7 =	sshrl.u32 s28, $0x3  }
0xd: {  	s4 =	sadd.s32 $0xABE00, s9;
	s9 =	sadd.s32 $0x5BE00, s31;
	s7 =	sadd.s32 s7, s5  }
0xe: {  	s5 =	sor.u32 $0x1C01, s30;
	s6 =	sadd.s32 $0xA200, s26;
	s7 =	sadd.s32 $0x1F5C00, s7  }
.LBB2_1:
0xf: {  	[spmem:s10], [sflag:s5] =	dma.local [hbm:s4], $0x9E0  }
0x10: {  	_ =	swait.ge [sflag:s11], $0x9E0  }
0x11: {  	[sflag:s11] =	ssyncset.done $0x0  }
0x12: {  	[sflag:s11] =	ssyncadd.s32 $0xFFFFF620  }
0x13: {  	[tilespmem:s3], [sflag:$0x1] =	stream.linear.gather [hbm4b:s6+s3], $0xA00, $0x38;
	[tilespmem:$0x6900] =	vst v63  }
0x14: {  	_ =	swait.ge [sflag:s11], $0xA00  }
0x15: {  	[sflag:s11] =	ssyncset.done $0x0  }
0x16: {  	[sflag:s11] =	ssyncadd.s32 $0xFFFFF600  }
0x17: {  	s15 =	sadd.s32 $0x0, s9;
	[bflag:$0x0] =	sbarrier.arrive $0xFFFF  }
0x18: {  	[tilespmem:s12], [sflag:$0x1] =	stream.linear.gather [hbm4b:s15+s3], $0x1000, $0x38;
	[tilespmem:$0x6900] =	vst v63  }
0x19: {  	_ =	swait.ge [sflag:s11], $0x1000  }
0x1a: {  	[sflag:s11] =	ssyncset.done $0x0  }
0x1b: {  	s31 =	simm.s32 $0x0;
	[sflag:s11] =	ssyncadd.s32 $0xFFFFF000  }
0x1c: {  	[spmem:s2] =	stream.indirect.scatter.add.f32 [tilespmem:s12], [sflag:$0x1], $0x20, s31, s13, $0xb8;
	[tilespmem:$0x6900] =	vst v63  }
0x1d: {  	_ =	swait.ge [sflag:s11], $0x1000  }
0x1e: {  	s16 =	simm.s32 $0x400;
	s15 =	simm.s32 $0x200;
	[sflag:s11] =	ssyncset.done $0x0  }
.LBB2_2:
0x1f: {  	s17 =	sadd.s32 s15, s9  }
0x20: {  	[sflag:s11] =	ssyncadd.s32 $0xFFFFF000;
	s18 =	smov.u32 s16;
	s19 =	sadd.s32 $0x200, s16  }
0x21: {  	[tilespmem:s12], [sflag:$0x1] =	stream.linear.gather [hbm4b:s17+s3], $0x1000, $0x38;
	[tilespmem:$0x6900] =	vst v63  }
0x22: {  	p0 =	sne.s32 s16, $0x2600;
	_ =	swait.ge [sflag:s11], $0x1000  }
.Ltmp0:
0x23: {  	[sflag:s11] =	ssyncset.done $0x0;
	(pc) =	sbr.rel @p0 .LBB2_2-.Ltmp0, $4  }
0x24: {  	s16 =	sshra.s32 s15, $0x2;
	s15 =	smov.u32 s18;
	[sflag:s11] =	ssyncadd.s32 $0xFFFFF000  }
0x25: {  	[spmem:s2] =	stream.indirect.scatter.add.f32 [tilespmem:s12], [sflag:$0x1], $0x20, s16, s13, $0xb8;
	[tilespmem:$0x6900] =	vst v63  }
0x26: {  	_ =	swait.ge [sflag:s11], $0x1000  }
0x27: {  	s16 =	smov.u32 s19;
	[sflag:s11] =	ssyncset.done $0x0  }
0x28: {  	s16 =	sadd.s32 s15, s9;
	[sflag:s11] =	ssyncadd.s32 $0xFFFFF000  }
0x29: {  	[tilespmem:s12], [sflag:$0x1] =	stream.linear.gather [hbm4b:s16+s3], $0x1000, $0x38;
	[tilespmem:$0x6900] =	vst v63  }
0x2a: {  	_ =	swait.ge [sflag:s11], $0x1000  }
0x2b: {  	[sflag:s11] =	ssyncset.done $0x0  }
0x2c: {  	s31 =	sshra.s32 s15, $0x2;
	[sflag:s11] =	ssyncadd.s32 $0xFFFFF000  }
0x2d: {  	[spmem:s2] =	stream.indirect.scatter.add.f32 [tilespmem:s12], [sflag:$0x1], $0x20, s31, s13, $0xb8;
	[tilespmem:$0x6900] =	vst v63  }
0x2e: {  	_ =	swait.ge [sflag:s11], $0x1000  }
0x2f: {  	s14 =	sadd.s32 $0x1, s14;
	[sflag:s11] =	ssyncset.done $0x0  }
0x30: {  	p0 =	sne.s32 s14, s8;
	[sflag:s11] =	ssyncadd.s32 $0xFFFFF000  }
.Ltmp1:
0x31: {  	[bflag:$0x0] =	sbarrier.arrive $0xFFFF;
	(pc) =	sbr.rel @p0 .LBB2_1-.Ltmp1, $4  }
0x32: {  	[hbm:s7], [sflag:s5] =	dma.local [spmem:s10], $0x9E0  }
0x33: {  	_ =	swait.ge [sflag:s11], $0x9E0  }
0x34: {  	[sflag:s11] =	ssyncset.done $0x0  }
0x35: {  	[sflag:s11] =	ssyncadd.s32 $0xFFFFF620  }
0x36: {  	_ =	sfence.sel $0x180000  }
0x37: {  	[bflag:$0x0] =	sbarrier.arrive $0xFFFF  }
0x38: {  	p0 =	sne.s32 s0, $0x0;
	_ =	strace $0x90000056  }
0x39: {  	s0 =	sadd.s32 @!p0 $0x100000, s1;
	[bflag:$0x2] =	sbarrier.arrive $0xFFFF  }
0x3a: {  	[sflag:s0] =	ssyncadd.tile.s32 @!p0 $0x1;
	_ =	shalt  }
.Lfunc_end2:
_tile_overlayer_lowered:
.L_overlay_start_2:
0x3b: {  	(tag) =	ssettag $0x2  }
0x3c: {  	s0 =	rddreg [dreg:$0x0];
	s2 =	stileid.u32  }
0x3d: {  	s1 =	rddreg [dreg:$0x1];
	p0 =	sne.s32 s2, $0x0  }
0x3e: {  	s3 =	rddreg [dreg:$0x2];
	[bflag:$0x3] =	sbarrier.arrive $0xFFFF;
	s2 =	simm.s32 @!p0 $0x1C01  }
0x3f: {  	[timem:s3], [sflag:s2] =	dma.local @!p0 [hbm:s0], s1  }
0x40: {  	s0 =	simm.s32 @!p0 $0x1  }
0x41: {  	_ =	swait.ge @!p0 [sflag:s0], s1  }
0x42: {  	s1 =	ssub.s32 @!p0 $0x0, s1;
	[sflag:s0] =	ssyncset.done @!p0 $0x0  }
0x43: {  	[sflag:s0] =	ssyncadd.s32 @!p0 s1  }
0x44: {  	[bflag:$0x3] =	sbarrier.arrive $0xFFFF  }
0x45: {  	_ =	shalt  }

// kernel: kernel.46.cloned.1.call-start
scs
__scs_entry_jumppad:
0x0: {  	(pc) =	sbr.rel $0x88, $3  }
0x1: {  	(tag) =	ssettag $0x0;
	lr =	simm.s32 $0x1  }
0x2: {  	[smem:$0x3F88] =	sst lr;
	_ =	strace $0xD0000000  }
0x3: {  	_ = 	snop  }
0x4: {  	_ = 	snop  }
0x5: {  	_ = 	snop  }
0x6: {  	_ = 	snop  }
0x7: {  	_ = 	snop  }
__scs_overlays_trampoline_lowered:
0x8: {  	[smem:$0x3F97] =	sst s0  }
0x9: {  	[smem:$0x3F98] =	sst s1  }
0xa: {  	[smem:$0x3F99] =	sst s2  }
0xb: {  	[smem:$0x3F9A] =	sst s3  }
0xc: {  	[smem:$0x3F9B] =	sst s4  }
0xd: {  	[smem:$0x3F9C] =	sst s5  }
0xe: {  	[smem:$0x3F9D] =	sst s6  }
0xf: {  	[smem:$0x3F9E] =	sst s7  }
0x10: {  	[smem:$0x3F9F] =	sst s8  }
0x11: {  	[smem:$0x3FA0] =	sst s9;
	s0 =	simm.s32 @!p0 $0x0  }
0x12: {  	s1 =	sld [smem:$0x3F86];
	s0 =	simm.s32 @p0 $0x1  }
0x13: {  	[smem:$0x3FA1] =	sst s0;
	s0 =	simm.s32 @!p1 $0x0  }
0x14: {  	s2 =	sld [smem:$0x3F85];
	s0 =	simm.s32 @p1 $0x1  }
0x15: {  	[smem:$0x3FA2] =	sst s0;
	s0 =	simm.s32 @!p2 $0x0  }
0x16: {  	s3 =	sld [smem:$0x3FDB];
	s0 =	simm.s32 @p2 $0x1  }
0x17: {  	s4 =	simm.s32 $0x1BF5;
	[smem:$0x3FA4] =	sst s0  }
0x18: {  	s0 =	sld [smem:$0x3F87];
	_ =	swait.ge [sflag:s4], $0x0  }
0x19: {  	s7 =	sld [smem:$0x3F88]  }
0x1a: {  	s8 =	sadd.s32 $0xFFFFE003, lr  }
0x1b: {  	s9 =	sadd.s32 $0xFFFFFEF7, lr;
	s5 =	simm.s32 $0xFFFFFFFF;
	p2 =	slt.u32 s8, $0xFFFFF086  }
0x1c: {  	p1 =	slt.u32 s9, $0xF7A;
	s5 =	simm.s32 @!p2 $0x0  }
0x1d: {  	s5 =	simm.s32 @p1 $0x1;
	p0 =	seq.s32 s7, s2  }
0x1e: {  	s7 =	smul.u32 @!p0 $0xF7A, s2;
	p2 =	seq.s32 @!p0 s5, $0x0  }
0x1f: {  	s9 =	smul.u32 $0xF7A, s1;
	s8 =	simm.s32 @!p0 $0x1BF5;
	p2 =	por !p2, p0  }
0x20: {  	[sflag:s8] =	ssyncset.s32 @!p0 $0xFFFFF086;
	s6 =	sadd.s32 @!p0 s3, s7;
	s7 =	simm.s32 @!p0 $0x108  }
0x21: {  	s3 =	sadd.s32 s3, s9;
	s6 =	sadd.s32 @!p0 $0x88, s6;
	s7 =	simm.s32 @p2 $0x1082  }
0x22: {  	[simem:s7], [sflag:s8] =	dma.local @!p0 [hbm:s6], $0xF7A  }
0x23: {  	s9 =	sor.u32 $0xD0000000, s2;
	s6 =	simm.s32 $0x108;
	_ =	swait.ge @!p0 [sflag:s8], $0x0  }
0x24: {  	s3 =	sadd.s32 $0x88, s3;
	s6 =	simm.s32 @!p1 $0x1082;
	[sflag:s4] =	ssyncset.s32 $0xFFFFF086  }
0x25: {  	[simem:s6], [sflag:s4] =	dma.local [hbm:s3], $0xF7A  }
0x26: {  	[smem:$0x3F88] =	sst s1;
	(tag) =	ssettag s2;
	_ =	strace s9  }
0x27: {  	s1 =	sld [smem:$0x3F98]  }
0x28: {  	s2 =	sld [smem:$0x3F99]  }
0x29: {  	s4 =	sld [smem:$0x3F9B]  }
0x2a: {  	p0 =	seq.s32 s5, $0x0;
	s5 =	sld [smem:$0x3F9C]  }
0x2b: {  	s6 =	sld [smem:$0x3F9D]  }
0x2c: {  	s7 =	sld [smem:$0x3F9E]  }
0x2d: {  	s3 =	simm.s32 $0x108;
	s8 =	sld [smem:$0x3F9F]  }
0x2e: {  	s3 =	simm.s32 @!p0 $0x1082;
	s9 =	sld [smem:$0x3FA0]  }
0x2f: {  	lr =	sadd.s32 s0, s3;
	s0 =	sld [smem:$0x3F97]  }
0x30: {  	s3 =	sld [smem:$0x3F9A]  }
0x31: {  	[smem:$0x3FA3] =	sst s10  }
0x32: {  	s10 =	sld [smem:$0x3FA1];
	_ =	sdelay $0x3  }
0x33: {  	p0 =	seq.s32 s10, $0x1;
	s10 =	sld [smem:$0x3FA3];
	_ =	sdelay $0x3  }
0x34: {  	[smem:$0x3FA3] =	sst s10  }
0x35: {  	s10 =	sld [smem:$0x3FA2];
	_ =	sdelay $0x3  }
0x36: {  	p1 =	seq.s32 s10, $0x1;
	s10 =	sld [smem:$0x3FA3];
	_ =	sdelay $0x3  }
0x37: {  	[smem:$0x3FA3] =	sst s10  }
0x38: {  	s10 =	sld [smem:$0x3FA4]  }
0x39: {  	_ = 	snop;
	(pc) =	sbr.ind lr, $3  }
0x3a: {  	_ = 	snop  }
0x3b: {  	_ = 	snop  }
0x3c: {  	p2 =	seq.s32 s10, $0x1;
	s10 =	sld [smem:$0x3FA3]  }
0x3d: {  	_ =	shalt  }
0x3e: {  	_ =	shalt  }
0x3f: {  	_ =	shalt  }
0x40: {  	_ =	shalt  }
0x41: {  	_ =	shalt  }
0x42: {  	_ =	shalt  }
0x43: {  	_ =	shalt  }
0x44: {  	_ =	shalt  }
0x45: {  	_ =	shalt  }
0x46: {  	_ =	shalt  }
0x47: {  	_ =	shalt  }
0x48: {  	_ =	shalt  }
0x49: {  	_ =	shalt  }
0x4a: {  	_ =	shalt  }
0x4b: {  	_ =	shalt  }
0x4c: {  	_ =	shalt  }
0x4d: {  	_ =	shalt  }
0x4e: {  	_ =	shalt  }
0x4f: {  	_ =	shalt  }
0x50: {  	_ =	shalt  }
0x51: {  	_ =	shalt  }
0x52: {  	_ =	shalt  }
0x53: {  	_ =	shalt  }
0x54: {  	_ =	shalt  }
0x55: {  	_ =	shalt  }
0x56: {  	_ =	shalt  }
0x57: {  	_ =	shalt  }
0x58: {  	_ =	shalt  }
0x59: {  	_ =	shalt  }
0x5a: {  	_ =	shalt  }
0x5b: {  	_ =	shalt  }
0x5c: {  	_ =	shalt  }
0x5d: {  	_ =	shalt  }
0x5e: {  	_ =	shalt  }
0x5f: {  	_ =	shalt  }
0x60: {  	_ =	shalt  }
0x61: {  	_ =	shalt  }
0x62: {  	_ =	shalt  }
0x63: {  	_ =	shalt  }
0x64: {  	_ =	shalt  }
0x65: {  	_ =	shalt  }
0x66: {  	_ =	shalt  }
0x67: {  	_ =	shalt  }
0x68: {  	_ =	shalt  }
0x69: {  	_ =	shalt  }
0x6a: {  	_ =	shalt  }
0x6b: {  	_ =	shalt  }
0x6c: {  	_ =	shalt  }
0x6d: {  	_ =	shalt  }
0x6e: {  	_ =	shalt  }
0x6f: {  	_ =	shalt  }
0x70: {  	_ =	shalt  }
0x71: {  	_ =	shalt  }
0x72: {  	_ =	shalt  }
0x73: {  	_ =	shalt  }
0x74: {  	_ =	shalt  }
0x75: {  	_ =	shalt  }
0x76: {  	_ =	shalt  }
0x77: {  	_ =	shalt  }
0x78: {  	_ =	shalt  }
0x79: {  	_ =	shalt  }
0x7a: {  	_ =	shalt  }
0x7b: {  	_ =	shalt  }
0x7c: {  	_ =	shalt  }
0x7d: {  	_ =	shalt  }
0x7e: {  	_ =	shalt  }
0x7f: {  	_ =	shalt  }
0x80: {  	_ =	shalt  }
0x81: {  	_ =	shalt  }
0x82: {  	_ =	shalt  }
0x83: {  	_ =	shalt  }
0x84: {  	_ =	shalt  }
0x85: {  	_ =	shalt  }
0x86: {  	_ =	shalt  }
0x87: {  	_ =	shalt  }
.Lfunc_end0:
.L_simem_size_0:
called_computation.6_lowered:
.L_overlay_start_0:
0x88: {  	s2 =	sld [smem:$0x3FD9]  }
0x89: {  	s3 =	sld [smem:$0x3FFE];
	_ =	sdelay $0x1  }
0x8a: {  	s1 =	srdreg.scid  }
0x8b: {  	s0 =	sand.u32 $0x1, s1  }
0x8c: {  	s16 =	sshll.u32 s0, $0xA;
	s2 =	sadd.s32 s3, s2  }
0x8d: {  	s2 =	sadd.s32 s2, s16  }
0x8e: {  	[smem:$0x3FAF] =	sst s2  }
0x8f: {  	_ = 	snop  }
0x90: {  	(tm) =	ssettm $0x1  }
0x91: {  	s17 =	sld [smem:$0x3FFB];
	_ =	sdelay $0x3  }
0x92: {  	_ =	strace s17  }
0x93: {  	s2 =	sld [smem:$0x3FFC];
	_ =	sdelay $0x3  }
0x94: {  	_ =	strace s2  }
0x95: {  	s2 =	sld [smem:$0x3FFD];
	_ =	sdelay $0x3  }
0x96: {  	_ =	strace s2  }
0x97: {  	_ =	strace $0x8FFFFFFF  }
0x98: {  	s18 =	sld [smem:$0x3FDB];
	_ =	sdelay $0x1  }
0x99: {  	s19 =	simm.s32 $_scs_section_size  }
0x9a: {  	s4 =	simm.s32 $_size__tile_overlayer_lowered;
	s5 =	simm.s32 $_tile_overlayer_lowered  }
0x9b: {  	s22 =	simm.s32 $0x1BFF;
	s21 =	sshll.u32 s5, $0x1;
	s2 =	sadd.s32 s19, s18  }
0x9c: {  	s6 =	simm.s32 $0x0;
	s20 =	sshll.u32 s4, $0x1;
	s4 =	sadd.s32 s21, s2  }
0x9d: {  	[timem:s6], [sflag:s22] =	dma.local [hbm:s4], s20  }
0x9e: {  	_ =	swait.ge [sflag:s22], s20  }
0x9f: {  	s3 =	ssub.s32 $0x0, s20;
	[sflag:s22] =	ssyncset.done $0x0  }
0xa0: {  	[sflag:s22] =	ssyncadd.s32 s3;
	_ =	sdelay $0x1  }
0xa1: {  	s23 =	simm.s32 $0x1B8B  }
0xa2: {  	_ =	swait.ge [sflag:s23], $0x1  }
0xa3: {  	[sflag:s23] =	ssyncset.done $0x0  }
0xa4: {  	s25 =	simm.s32 $0x1B8E;
	s24 =	sld [smem:$0x3FFE];
	[sflag:s23] =	ssyncadd.s32 $0xFFFFFFFF  }
0xa5: {  	s26 =	simm.s32 $execute0_lowered;
	[smem:$0x3FD2] =	sst s25  }
0xa6: {  	s4 =	sshll.u32 s26, $0x1;
	_ =	strace $0x80000058;
	[dreg:$0x1] =	wrdreg $0xFFFFFFFF  }
0xa7: {  	s28 =	simm.s32 $_size_execute0_lowered;
	s2 =	sadd.s32 s2, s4;
	[dreg:$0x0] =	wrdreg $0x0  }
0xa8: {  	s4 =	sshll.u32 s28, $0x1;
	[dreg:$0x2] =	wrdreg s2  }
0xa9: {  	[dreg:$0x3] =	wrdreg s4  }
0xaa: {  	[dreg:$0x4] =	wrdreg $0xC0  }
0xab: {  	_ =	task [dreg:s6], $0x5FFFF  }
0xac: {  	[dreg:$0x1] =	wrdreg $0xFFFFFFFF  }
0xad: {  	[dreg:$0x0] =	wrdreg $0x60  }
0xae: {  	[dreg:$0x2] =	wrdreg s24  }
0xaf: {  	[dreg:$0x3] =	wrdreg $0x9  }
0xb0: {  	_ =	task.clear_ibuf [dreg:s6], $0x4FFFF;
	_ =	strace $0x90000058  }
0xb1: {  	s29 =	simm.s32 $0x9;
	_ =	strace $0x8000005A  }
0xb2: {  	_ =	swait.ge [sflag:s29], $0x1  }
0xb3: {  	[sflag:s29] =	ssyncadd.s32 $0xFFFFFFFF  }
0xb4: {  	_ =	strace $0x9000005A  }
0xb5: {  	_ =	sfence  }
0xb6: {  	s30 =	sld [smem:$0x0];
	_ =	sdelay $0x2  }
0xb7: {  	s31 =	sshll.u32 s1, $0xD;
	s1 =	sshrl.u32 s1, $0x2  }
0xb8: {  	s3 =	sand.u32 $0x4000, s31;
	s1 =	sadd.s32 s1, s30  }
0xb9: {  	s0 =	sor.u32 s3, s0;
	s1 =	sshll.u32 s1, $0x11  }
0xba: {  	s0 =	sor.u32 s1, s0  }
0xbb: {  	s0 =	sadd.s32 $0x8F2B, s0  }
0xbc: {  	[sflag:s0] =	ssyncadd.remote.s32 $0x1  }
0xbd: {  	_ =	sfence.sel $0xFFFF  }
0xbe: {  	[dreg:$0x0] =	wrdreg $0xFFFFFFFF;
	(pc) =	sbr.abs _section_cstart, $3  }
0xbf: {  	[dreg:$0x1] =	wrdreg $0xFFFFFFFF  }
0xc0: {  	_ =	task.clear_ibuf [dreg:s6], $0x2FFFF;
	_ =	strace $0x9FFFFFFF  }
0xc1: {  	(tm) =	ssettm $0x7FFFFFFF  }
tec
execute0_lowered:
.L_overlay_start_1:
0x0: {  	(tag) =	ssettag $0x1  }
0x1: {  	s0 =	srdreg.scid  }
0x2: {  	s4 =	rddreg [dreg:$0x0];
	s1 =	stileid.u32;
	s2 =	simm.s32 $0x0  }
0x3: {  	s10 =	simm.s32 $0x1;
	s3 =	sand.u32 $0x1, s0;
	s0 =	rddreg [dreg:$0x1]  }
0x4: {  	s11 =	simm.s32 $0x0;
	[smem:$0x7FF] =	sst s2;
	s9 =	smul.u32 $0x2800, s1  }
0x5: {  	s5 =	sshll.u32 s3, $0x4;
	_ =	strace $0x80000059;
	s6 =	smul.u32 $0x28000, s3  }
0x6: {  	s7 =	ssub.s32 $0x2, s3;
	s3 =	sadd.s32 $0xCA00, s4;
	s5 =	sor.u32 s1, s5  }
0x7: {  	s8 =	sshrl.u32 s7, $0x1;
	s5 =	smul.u32 $0x140, s5;
	s6 =	sadd.s32 s6, s4  }
0x8: {  	s7 =	ssub.s32 s7, s8;
	s8 =	simm.s32 $0x80;
	s6 =	sadd.s32 s9, s6  }
0x9: {  	s9 =	simm.s32 $0xA00;
	s5 =	sadd.s32 s5, s4;
	s6 =	sadd.s32 $0x5BE00, s6  }
0xa: {  	s4 =	sadd.s32 $0x7A00, s5;
	s5 =	smax.u32 s7, $0x1;
	s7 =	simm.s32 $0x2  }
.LBB2_1:
0xb: {  	[tilespmem:s2], [sflag:$0x2] =	stream.linear.gather [hbm4b:s4+s2], $0xA00, $0x38;
	[tilespmem:$0x1A00] =	vst v63  }
0xc: {  	_ =	swait.ge [sflag:s7], $0xA00  }
0xd: {  	[sflag:s7] =	ssyncset.done $0x0  }
0xe: {  	s12 =	simm.s32 $0x0;
	[sflag:s7] =	ssyncadd.s32 $0xFFFFF600  }
0xf: {  	[tilespmem:s9], [sflag:$0x1] =	stream.indirect.gather [hbm4b:s3+s8], $0x20, s12, s8, $0xb8;
	[tilespmem:$0x1A00] =	vst v63  }
0x10: {  	_ =	swait.ge [sflag:s10], $0x1000  }
0x11: {  	[sflag:s10] =	ssyncset.done $0x0  }
0x12: {  	s31 =	sadd.s32 $0x0, s6;
	[sflag:s10] =	ssyncadd.s32 $0xFFFFF000  }
0x13: {  	[hbm4b:s31+s2] =	stream.linear.scatter [tilespmem:s9], [sflag:$0x2], $0x1000, $0x38;
	[tilespmem:$0x1A00] =	vst v63  }
0x14: {  	_ =	swait.ge [sflag:s7], $0x1000  }
0x15: {  	s13 =	simm.s32 $0x400;
	s12 =	simm.s32 $0x200;
	[sflag:s7] =	ssyncset.done $0x0  }
.LBB2_2:
0x16: {  	s14 =	sshra.s32 s12, $0x2  }
0x17: {  	[sflag:s7] =	ssyncadd.s32 $0xFFFFF000;
	s15 =	smov.u32 s13;
	s16 =	sadd.s32 $0x200, s13  }
0x18: {  	[tilespmem:s9], [sflag:$0x1] =	stream.indirect.gather [hbm4b:s3+s8], $0x20, s14, s8, $0xb8;
	[tilespmem:$0x1A00] =	vst v63  }
0x19: {  	p0 =	sne.s32 s13, $0x2600;
	_ =	swait.ge [sflag:s10], $0x1000  }
.Ltmp0:
0x1a: {  	[sflag:s10] =	ssyncset.done $0x0;
	(pc) =	sbr.rel @p0 .LBB2_2-.Ltmp0, $4  }
0x1b: {  	s13 =	sadd.s32 s12, s6;
	s12 =	smov.u32 s15;
	[sflag:s10] =	ssyncadd.s32 $0xFFFFF000  }
0x1c: {  	[hbm4b:s13+s2] =	stream.linear.scatter [tilespmem:s9], [sflag:$0x2], $0x1000, $0x38;
	[tilespmem:$0x1A00] =	vst v63  }
0x1d: {  	_ =	swait.ge [sflag:s7], $0x1000  }
0x1e: {  	s13 =	smov.u32 s16;
	[sflag:s7] =	ssyncset.done $0x0  }
0x1f: {  	s13 =	sshra.s32 s12, $0x2;
	[sflag:s7] =	ssyncadd.s32 $0xFFFFF000  }
0x20: {  	[tilespmem:s9], [sflag:$0x1] =	stream.indirect.gather [hbm4b:s3+s8], $0x20, s13, s8, $0xb8;
	[tilespmem:$0x1A00] =	vst v63  }
0x21: {  	s11 =	sadd.s32 $0x1, s11;
	_ =	swait.ge [sflag:s10], $0x1000  }
0x22: {  	p0 =	sne.s32 s11, s5;
	[sflag:s10] =	ssyncset.done $0x0  }
.Ltmp1:
0x23: {  	s31 =	sadd.s32 s12, s6;
	[sflag:s10] =	ssyncadd.s32 $0xFFFFF000;
	(pc) =	sbr.rel @p0 .LBB2_1-.Ltmp1, $4  }
0x24: {  	[hbm4b:s31+s2] =	stream.linear.scatter [tilespmem:s9], [sflag:$0x2], $0x1000, $0x38;
	[tilespmem:$0x1A00] =	vst v63  }
0x25: {  	_ =	swait.ge [sflag:s7], $0x1000  }
0x26: {  	[sflag:s7] =	ssyncset.done $0x0  }
0x27: {  	[sflag:s7] =	ssyncadd.s32 $0xFFFFF000  }
0x28: {  	_ =	sfence.sel $0x180000  }
0x29: {  	[bflag:$0x0] =	sbarrier.arrive $0xFFFF  }
0x2a: {  	p0 =	sne.s32 s1, $0x0;
	_ =	strace $0x90000059  }
0x2b: {  	s0 =	sadd.s32 @!p0 $0x100000, s0;
	[bflag:$0x2] =	sbarrier.arrive $0xFFFF  }
0x2c: {  	[sflag:s0] =	ssyncadd.tile.s32 @!p0 $0x1;
	_ =	shalt  }
.Lfunc_end2:
_tile_overlayer_lowered:
.L_overlay_start_2:
0x2d: {  	(tag) =	ssettag $0x2  }
0x2e: {  	s0 =	rddreg [dreg:$0x0];
	s2 =	stileid.u32  }
0x2f: {  	s1 =	rddreg [dreg:$0x1];
	p0 =	sne.s32 s2, $0x0  }
0x30: {  	s3 =	rddreg [dreg:$0x2];
	[bflag:$0x3] =	sbarrier.arrive $0xFFFF;
	s2 =	simm.s32 @!p0 $0x1C02  }
0x31: {  	[timem:s3], [sflag:s2] =	dma.local @!p0 [hbm:s0], s1  }
0x32: {  	s0 =	simm.s32 @!p0 $0x2  }
0x33: {  	_ =	swait.ge @!p0 [sflag:s0], s1  }
0x34: {  	s1 =	ssub.s32 @!p0 $0x0, s1;
	[sflag:s0] =	ssyncset.done @!p0 $0x0  }
0x35: {  	[sflag:s0] =	ssyncadd.s32 @!p0 s1  }
0x36: {  	[bflag:$0x3] =	sbarrier.arrive $0xFFFF  }
0x37: {  	_ =	shalt  }

// kernel: kernel.49.cloned.1.call-start
scs
__scs_entry_jumppad:
0x0: {  	(pc) =	sbr.rel $0x88, $3  }
0x1: {  	(tag) =	ssettag $0x0;
	lr =	simm.s32 $0x1  }
0x2: {  	[smem:$0x3F88] =	sst lr;
	_ =	strace $0xD0000000  }
0x3: {  	_ = 	snop  }
0x4: {  	_ = 	snop  }
0x5: {  	_ = 	snop  }
0x6: {  	_ = 	snop  }
0x7: {  	_ = 	snop  }
__scs_overlays_trampoline_lowered:
0x8: {  	[smem:$0x3F97] =	sst s0  }
0x9: {  	[smem:$0x3F98] =	sst s1  }
0xa: {  	[smem:$0x3F99] =	sst s2  }
0xb: {  	[smem:$0x3F9A] =	sst s3  }
0xc: {  	[smem:$0x3F9B] =	sst s4  }
0xd: {  	[smem:$0x3F9C] =	sst s5  }
0xe: {  	[smem:$0x3F9D] =	sst s6  }
0xf: {  	[smem:$0x3F9E] =	sst s7  }
0x10: {  	[smem:$0x3F9F] =	sst s8  }
0x11: {  	[smem:$0x3FA0] =	sst s9;
	s0 =	simm.s32 @!p0 $0x0  }
0x12: {  	s1 =	sld [smem:$0x3F86];
	s0 =	simm.s32 @p0 $0x1  }
0x13: {  	[smem:$0x3FA1] =	sst s0;
	s0 =	simm.s32 @!p1 $0x0  }
0x14: {  	s2 =	sld [smem:$0x3F85];
	s0 =	simm.s32 @p1 $0x1  }
0x15: {  	[smem:$0x3FA2] =	sst s0;
	s0 =	simm.s32 @!p2 $0x0  }
0x16: {  	s3 =	sld [smem:$0x3FDB];
	s0 =	simm.s32 @p2 $0x1  }
0x17: {  	s4 =	simm.s32 $0x1BF5;
	[smem:$0x3FA4] =	sst s0  }
0x18: {  	s0 =	sld [smem:$0x3F87];
	_ =	swait.ge [sflag:s4], $0x0  }
0x19: {  	s7 =	sld [smem:$0x3F88]  }
0x1a: {  	s8 =	sadd.s32 $0xFFFFE003, lr  }
0x1b: {  	s9 =	sadd.s32 $0xFFFFFEF7, lr;
	s5 =	simm.s32 $0xFFFFFFFF;
	p2 =	slt.u32 s8, $0xFFFFF086  }
0x1c: {  	p1 =	slt.u32 s9, $0xF7A;
	s5 =	simm.s32 @!p2 $0x0  }
0x1d: {  	s5 =	simm.s32 @p1 $0x1;
	p0 =	seq.s32 s7, s2  }
0x1e: {  	s7 =	smul.u32 @!p0 $0xF7A, s2;
	p2 =	seq.s32 @!p0 s5, $0x0  }
0x1f: {  	s9 =	smul.u32 $0xF7A, s1;
	s8 =	simm.s32 @!p0 $0x1BF5;
	p2 =	por !p2, p0  }
0x20: {  	[sflag:s8] =	ssyncset.s32 @!p0 $0xFFFFF086;
	s6 =	sadd.s32 @!p0 s3, s7;
	s7 =	simm.s32 @!p0 $0x108  }
0x21: {  	s3 =	sadd.s32 s3, s9;
	s6 =	sadd.s32 @!p0 $0x88, s6;
	s7 =	simm.s32 @p2 $0x1082  }
0x22: {  	[simem:s7], [sflag:s8] =	dma.local @!p0 [hbm:s6], $0xF7A  }
0x23: {  	s9 =	sor.u32 $0xD0000000, s2;
	s6 =	simm.s32 $0x108;
	_ =	swait.ge @!p0 [sflag:s8], $0x0  }
0x24: {  	s3 =	sadd.s32 $0x88, s3;
	s6 =	simm.s32 @!p1 $0x1082;
	[sflag:s4] =	ssyncset.s32 $0xFFFFF086  }
0x25: {  	[simem:s6], [sflag:s4] =	dma.local [hbm:s3], $0xF7A  }
0x26: {  	[smem:$0x3F88] =	sst s1;
	(tag) =	ssettag s2;
	_ =	strace s9  }
0x27: {  	s1 =	sld [smem:$0x3F98]  }
0x28: {  	s2 =	sld [smem:$0x3F99]  }
0x29: {  	s4 =	sld [smem:$0x3F9B]  }
0x2a: {  	p0 =	seq.s32 s5, $0x0;
	s5 =	sld [smem:$0x3F9C]  }
0x2b: {  	s6 =	sld [smem:$0x3F9D]  }
0x2c: {  	s7 =	sld [smem:$0x3F9E]  }
0x2d: {  	s3 =	simm.s32 $0x108;
	s8 =	sld [smem:$0x3F9F]  }
0x2e: {  	s3 =	simm.s32 @!p0 $0x1082;
	s9 =	sld [smem:$0x3FA0]  }
0x2f: {  	lr =	sadd.s32 s0, s3;
	s0 =	sld [smem:$0x3F97]  }
0x30: {  	s3 =	sld [smem:$0x3F9A]  }
0x31: {  	[smem:$0x3FA3] =	sst s10  }
0x32: {  	s10 =	sld [smem:$0x3FA1];
	_ =	sdelay $0x3  }
0x33: {  	p0 =	seq.s32 s10, $0x1;
	s10 =	sld [smem:$0x3FA3];
	_ =	sdelay $0x3  }
0x34: {  	[smem:$0x3FA3] =	sst s10  }
0x35: {  	s10 =	sld [smem:$0x3FA2];
	_ =	sdelay $0x3  }
0x36: {  	p1 =	seq.s32 s10, $0x1;
	s10 =	sld [smem:$0x3FA3];
	_ =	sdelay $0x3  }
0x37: {  	[smem:$0x3FA3] =	sst s10  }
0x38: {  	s10 =	sld [smem:$0x3FA4]  }
0x39: {  	_ = 	snop;
	(pc) =	sbr.ind lr, $3  }
0x3a: {  	_ = 	snop  }
0x3b: {  	_ = 	snop  }
0x3c: {  	p2 =	seq.s32 s10, $0x1;
	s10 =	sld [smem:$0x3FA3]  }
0x3d: {  	_ =	shalt  }
0x3e: {  	_ =	shalt  }
0x3f: {  	_ =	shalt  }
0x40: {  	_ =	shalt  }
0x41: {  	_ =	shalt  }
0x42: {  	_ =	shalt  }
0x43: {  	_ =	shalt  }
0x44: {  	_ =	shalt  }
0x45: {  	_ =	shalt  }
0x46: {  	_ =	shalt  }
0x47: {  	_ =	shalt  }
0x48: {  	_ =	shalt  }
0x49: {  	_ =	shalt  }
0x4a: {  	_ =	shalt  }
0x4b: {  	_ =	shalt  }
0x4c: {  	_ =	shalt  }
0x4d: {  	_ =	shalt  }
0x4e: {  	_ =	shalt  }
0x4f: {  	_ =	shalt  }
0x50: {  	_ =	shalt  }
0x51: {  	_ =	shalt  }
0x52: {  	_ =	shalt  }
0x53: {  	_ =	shalt  }
0x54: {  	_ =	shalt  }
0x55: {  	_ =	shalt  }
0x56: {  	_ =	shalt  }
0x57: {  	_ =	shalt  }
0x58: {  	_ =	shalt  }
0x59: {  	_ =	shalt  }
0x5a: {  	_ =	shalt  }
0x5b: {  	_ =	shalt  }
0x5c: {  	_ =	shalt  }
0x5d: {  	_ =	shalt  }
0x5e: {  	_ =	shalt  }
0x5f: {  	_ =	shalt  }
0x60: {  	_ =	shalt  }
0x61: {  	_ =	shalt  }
0x62: {  	_ =	shalt  }
0x63: {  	_ =	shalt  }
0x64: {  	_ =	shalt  }
0x65: {  	_ =	shalt  }
0x66: {  	_ =	shalt  }
0x67: {  	_ =	shalt  }
0x68: {  	_ =	shalt  }
0x69: {  	_ =	shalt  }
0x6a: {  	_ =	shalt  }
0x6b: {  	_ =	shalt  }
0x6c: {  	_ =	shalt  }
0x6d: {  	_ =	shalt  }
0x6e: {  	_ =	shalt  }
0x6f: {  	_ =	shalt  }
0x70: {  	_ =	shalt  }
0x71: {  	_ =	shalt  }
0x72: {  	_ =	shalt  }
0x73: {  	_ =	shalt  }
0x74: {  	_ =	shalt  }
0x75: {  	_ =	shalt  }
0x76: {  	_ =	shalt  }
0x77: {  	_ =	shalt  }
0x78: {  	_ =	shalt  }
0x79: {  	_ =	shalt  }
0x7a: {  	_ =	shalt  }
0x7b: {  	_ =	shalt  }
0x7c: {  	_ =	shalt  }
0x7d: {  	_ =	shalt  }
0x7e: {  	_ =	shalt  }
0x7f: {  	_ =	shalt  }
0x80: {  	_ =	shalt  }
0x81: {  	_ =	shalt  }
0x82: {  	_ =	shalt  }
0x83: {  	_ =	shalt  }
0x84: {  	_ =	shalt  }
0x85: {  	_ =	shalt  }
0x86: {  	_ =	shalt  }
0x87: {  	_ =	shalt  }
.Lfunc_end0:
.L_simem_size_0:
called_computation.7_lowered:
.L_overlay_start_0:
0x88: {  	s2 =	sld [smem:$0x3FD9]  }
0x89: {  	s3 =	sld [smem:$0x3FFE];
	_ =	sdelay $0x1  }
0x8a: {  	s1 =	srdreg.scid  }
0x8b: {  	s0 =	sand.u32 $0x1, s1  }
0x8c: {  	s16 =	sshll.u32 s0, $0xA;
	s2 =	sadd.s32 s3, s2  }
0x8d: {  	s2 =	sadd.s32 s2, s16  }
0x8e: {  	[smem:$0x3FAF] =	sst s2  }
0x8f: {  	_ = 	snop  }
0x90: {  	(tm) =	ssettm $0x1  }
0x91: {  	s17 =	sld [smem:$0x3FFB];
	_ =	sdelay $0x3  }
0x92: {  	_ =	strace s17  }
0x93: {  	s2 =	sld [smem:$0x3FFC];
	_ =	sdelay $0x3  }
0x94: {  	_ =	strace s2  }
0x95: {  	s2 =	sld [smem:$0x3FFD];
	_ =	sdelay $0x3  }
0x96: {  	_ =	strace s2  }
0x97: {  	_ =	strace $0x8FFFFFFF  }
0x98: {  	s18 =	sld [smem:$0x3FDB];
	_ =	sdelay $0x1  }
0x99: {  	s19 =	simm.s32 $_scs_section_size  }
0x9a: {  	s4 =	simm.s32 $_size__tile_overlayer_lowered;
	s5 =	simm.s32 $_tile_overlayer_lowered  }
0x9b: {  	s22 =	simm.s32 $0x1BFF;
	s21 =	sshll.u32 s5, $0x1;
	s2 =	sadd.s32 s19, s18  }
0x9c: {  	s6 =	simm.s32 $0x0;
	s20 =	sshll.u32 s4, $0x1;
	s4 =	sadd.s32 s21, s2  }
0x9d: {  	[timem:s6], [sflag:s22] =	dma.local [hbm:s4], s20  }
0x9e: {  	_ =	swait.ge [sflag:s22], s20  }
0x9f: {  	s3 =	ssub.s32 $0x0, s20;
	[sflag:s22] =	ssyncset.done $0x0  }
0xa0: {  	[sflag:s22] =	ssyncadd.s32 s3;
	_ =	sdelay $0x1  }
0xa1: {  	s23 =	simm.s32 $0x1B8B  }
0xa2: {  	_ =	swait.ge [sflag:s23], $0x1  }
0xa3: {  	[sflag:s23] =	ssyncset.done $0x0  }
0xa4: {  	s25 =	simm.s32 $0x1B8E;
	s24 =	sld [smem:$0x3FFE];
	[sflag:s23] =	ssyncadd.s32 $0xFFFFFFFF  }
0xa5: {  	s26 =	simm.s32 $execute0_lowered;
	[smem:$0x3FD2] =	sst s25  }
0xa6: {  	s4 =	sshll.u32 s26, $0x1;
	_ =	strace $0x8000005B;
	[dreg:$0x1] =	wrdreg $0xFFFFFFFF  }
0xa7: {  	s28 =	simm.s32 $_size_execute0_lowered;
	s2 =	sadd.s32 s2, s4;
	[dreg:$0x0] =	wrdreg $0x0  }
0xa8: {  	s4 =	sshll.u32 s28, $0x1;
	[dreg:$0x2] =	wrdreg s2  }
0xa9: {  	[dreg:$0x3] =	wrdreg s4  }
0xaa: {  	[dreg:$0x4] =	wrdreg $0xC0  }
0xab: {  	_ =	task [dreg:s6], $0x5FFFF  }
0xac: {  	[dreg:$0x1] =	wrdreg $0xFFFFFFFF  }
0xad: {  	[dreg:$0x0] =	wrdreg $0x60  }
0xae: {  	[dreg:$0x2] =	wrdreg s24  }
0xaf: {  	[dreg:$0x3] =	wrdreg $0x1A000  }
0xb0: {  	[dreg:$0x4] =	wrdreg $0x9  }
0xb1: {  	_ =	task.clear_ibuf [dreg:s6], $0x5FFFF;
	_ =	strace $0x9000005B  }
0xb2: {  	s29 =	simm.s32 $0x9;
	_ =	strace $0x8000005D  }
0xb3: {  	_ =	swait.ge [sflag:s29], $0x1  }
0xb4: {  	[sflag:s29] =	ssyncadd.s32 $0xFFFFFFFF  }
0xb5: {  	_ =	strace $0x9000005D  }
0xb6: {  	_ =	sfence  }
0xb7: {  	s30 =	sld [smem:$0x0];
	_ =	sdelay $0x2  }
0xb8: {  	s31 =	sshll.u32 s1, $0xD;
	s1 =	sshrl.u32 s1, $0x2  }
0xb9: {  	s3 =	sand.u32 $0x4000, s31;
	s1 =	sadd.s32 s1, s30  }
0xba: {  	s0 =	sor.u32 s3, s0;
	s1 =	sshll.u32 s1, $0x11  }
0xbb: {  	s0 =	sor.u32 s1, s0  }
0xbc: {  	s0 =	sadd.s32 $0x8F2B, s0  }
0xbd: {  	[sflag:s0] =	ssyncadd.remote.s32 $0x1  }
0xbe: {  	_ =	sfence.sel $0xFFFF  }
0xbf: {  	[dreg:$0x0] =	wrdreg $0xFFFFFFFF;
	(pc) =	sbr.abs _section_cstart, $3  }
0xc0: {  	[dreg:$0x1] =	wrdreg $0xFFFFFFFF  }
0xc1: {  	_ =	task.clear_ibuf [dreg:s6], $0x2FFFF;
	_ =	strace $0x9FFFFFFF  }
0xc2: {  	(tm) =	ssettm $0x7FFFFFFF  }
0xc3: {  	_ =	shalt  }
tec
execute0_lowered:
.L_overlay_start_1:
0x0: {  	(tag) =	ssettag $0x1  }
0x1: {  	s0 =	srdreg.scid;
	s5 =	rddreg [dreg:$0x0]  }
0x2: {  	s2 =	rddreg [dreg:$0x1];
	s4 =	sand.u32 $0x1, s0  }
0x3: {  	s3 =	simm.s32 $0x0;
	s0 =	stileid.u32;
	s6 =	smul.u32 $0x28000, s4  }
0x4: {  	s14 =	simm.s32 $0x0;
	[smem:$0x7FF] =	sst s3;
	s8 =	smul.u32 $0x4F00, s0  }
0x5: {  	s1 =	sshll.u32 s4, $0x4;
	s9 =	smul.u32 $0x4F000, s4;
	s4 =	ssub.s32 $0x2, s4  }
0x6: {  	s30 =	sshll.u32 s0, $0x6;
	s13 =	smul.u32 $0x2800, s0;
	s1 =	sor.u32 s0, s1  }
0x7: {  	s11 =	sshrl.u32 s4, $0x1;
	s7 =	smul.u32 $0x140, s1;
	s1 =	rddreg [dreg:$0x2]  }
0x8: {  	_ =	strace $0x8000005C;
	s10 =	sadd.s32 s6, s5;
	s28 =	sadd.s32 s8, s9  }
0x9: {  	s29 =	sshrl.u32 s8, $0x3;
	s11 =	ssub.s32 s4, s11;
	s12 =	sadd.s32 s8, s2  }
0xa: {  	s9 =	sadd.s32 s29, s5;
	s8 =	smax.u32 s11, $0x1;
	s31 =	sadd.s32 s13, s10  }
0xb: {  	s10 =	sshrl.u32 s12, $0x3;
	s11 =	simm.s32 $0x1;
	s12 =	simm.s32 $0xA00  }
0xc: {  	s13 =	simm.s32 $0x80;
	s26 =	sadd.s32 s7, s5;
	s7 =	sshrl.u32 s28, $0x3  }
0xd: {  	s4 =	sadd.s32 $0xABE00, s9;
	s9 =	sadd.s32 $0x5BE00, s31;
	s7 =	sadd.s32 s7, s5  }
0xe: {  	s5 =	sor.u32 $0x1C01, s30;
	s6 =	sadd.s32 $0xA200, s26;
	s7 =	sadd.s32 $0xCA00, s7  }
.LBB2_1:
0xf: {  	[spmem:s10], [sflag:s5] =	dma.local [hbm:s4], $0x9E0  }
0x10: {  	_ =	swait.ge [sflag:s11], $0x9E0  }
0x11: {  	[sflag:s11] =	ssyncset.done $0x0  }
0x12: {  	[sflag:s11] =	ssyncadd.s32 $0xFFFFF620  }
0x13: {  	[tilespmem:s3], [sflag:$0x1] =	stream.linear.gather [hbm4b:s6+s3], $0xA00, $0x38;
	[tilespmem:$0x6900] =	vst v63  }
0x14: {  	_ =	swait.ge [sflag:s11], $0xA00  }
0x15: {  	[sflag:s11] =	ssyncset.done $0x0  }
0x16: {  	[sflag:s11] =	ssyncadd.s32 $0xFFFFF600  }
0x17: {  	s15 =	sadd.s32 $0x0, s9;
	[bflag:$0x0] =	sbarrier.arrive $0xFFFF  }
0x18: {  	[tilespmem:s12], [sflag:$0x1] =	stream.linear.gather [hbm4b:s15+s3], $0x1000, $0x38;
	[tilespmem:$0x6900] =	vst v63  }
0x19: {  	_ =	swait.ge [sflag:s11], $0x1000  }
0x1a: {  	[sflag:s11] =	ssyncset.done $0x0  }
0x1b: {  	s31 =	simm.s32 $0x0;
	[sflag:s11] =	ssyncadd.s32 $0xFFFFF000  }
0x1c: {  	[spmem:s2] =	stream.indirect.scatter.add.f32 [tilespmem:s12], [sflag:$0x1], $0x20, s31, s13, $0xb8;
	[tilespmem:$0x6900] =	vst v63  }
0x1d: {  	_ =	swait.ge [sflag:s11], $0x1000  }
0x1e: {  	s16 =	simm.s32 $0x400;
	s15 =	simm.s32 $0x200;
	[sflag:s11] =	ssyncset.done $0x0  }
.LBB2_2:
0x1f: {  	s17 =	sadd.s32 s15, s9  }
0x20: {  	[sflag:s11] =	ssyncadd.s32 $0xFFFFF000;
	s18 =	smov.u32 s16;
	s19 =	sadd.s32 $0x200, s16  }
0x21: {  	[tilespmem:s12], [sflag:$0x1] =	stream.linear.gather [hbm4b:s17+s3], $0x1000, $0x38;
	[tilespmem:$0x6900] =	vst v63  }
0x22: {  	p0 =	sne.s32 s16, $0x2600;
	_ =	swait.ge [sflag:s11], $0x1000  }
.Ltmp0:
0x23: {  	[sflag:s11] =	ssyncset.done $0x0;
	(pc) =	sbr.rel @p0 .LBB2_2-.Ltmp0, $4  }
0x24: {  	s16 =	sshra.s32 s15, $0x2;
	s15 =	smov.u32 s18;
	[sflag:s11] =	ssyncadd.s32 $0xFFFFF000  }
0x25: {  	[spmem:s2] =	stream.indirect.scatter.add.f32 [tilespmem:s12], [sflag:$0x1], $0x20, s16, s13, $0xb8;
	[tilespmem:$0x6900] =	vst v63  }
0x26: {  	_ =	swait.ge [sflag:s11], $0x1000  }
0x27: {  	s16 =	smov.u32 s19;
	[sflag:s11] =	ssyncset.done $0x0  }
0x28: {  	s16 =	sadd.s32 s15, s9;
	[sflag:s11] =	ssyncadd.s32 $0xFFFFF000  }
0x29: {  	[tilespmem:s12], [sflag:$0x1] =	stream.linear.gather [hbm4b:s16+s3], $0x1000, $0x38;
	[tilespmem:$0x6900] =	vst v63  }
0x2a: {  	_ =	swait.ge [sflag:s11], $0x1000  }
0x2b: {  	[sflag:s11] =	ssyncset.done $0x0  }
0x2c: {  	s31 =	sshra.s32 s15, $0x2;
	[sflag:s11] =	ssyncadd.s32 $0xFFFFF000  }
0x2d: {  	[spmem:s2] =	stream.indirect.scatter.add.f32 [tilespmem:s12], [sflag:$0x1], $0x20, s31, s13, $0xb8;
	[tilespmem:$0x6900] =	vst v63  }
0x2e: {  	_ =	swait.ge [sflag:s11], $0x1000  }
0x2f: {  	s14 =	sadd.s32 $0x1, s14;
	[sflag:s11] =	ssyncset.done $0x0  }
0x30: {  	p0 =	sne.s32 s14, s8;
	[sflag:s11] =	ssyncadd.s32 $0xFFFFF000  }
.Ltmp1:
0x31: {  	[bflag:$0x0] =	sbarrier.arrive $0xFFFF;
	(pc) =	sbr.rel @p0 .LBB2_1-.Ltmp1, $4  }
0x32: {  	[hbm:s7], [sflag:s5] =	dma.local [spmem:s10], $0x9E0  }
0x33: {  	_ =	swait.ge [sflag:s11], $0x9E0  }
0x34: {  	[sflag:s11] =	ssyncset.done $0x0  }
0x35: {  	[sflag:s11] =	ssyncadd.s32 $0xFFFFF620  }
0x36: {  	_ =	sfence.sel $0x180000  }
0x37: {  	[bflag:$0x0] =	sbarrier.arrive $0xFFFF  }
0x38: {  	p0 =	sne.s32 s0, $0x0;
	_ =	strace $0x9000005C  }
0x39: {  	s0 =	sadd.s32 @!p0 $0x100000, s1;
	[bflag:$0x2] =	sbarrier.arrive $0xFFFF  }
0x3a: {  	[sflag:s0] =	ssyncadd.tile.s32 @!p0 $0x1;
	_ =	shalt  }
.Lfunc_end2:
_tile_overlayer_lowered:
.L_overlay_start_2:
0x3b: {  	(tag) =	ssettag $0x2  }
0x3c: {  	s0 =	rddreg [dreg:$0x0];
	s2 =	stileid.u32  }
0x3d: {  	s1 =	rddreg [dreg:$0x1];
	p0 =	sne.s32 s2, $0x0  }
0x3e: {  	s3 =	rddreg [dreg:$0x2];
	[bflag:$0x3] =	sbarrier.arrive $0xFFFF;
	s2 =	simm.s32 @!p0 $0x1C01  }
0x3f: {  	[timem:s3], [sflag:s2] =	dma.local @!p0 [hbm:s0], s1  }
0x40: {  	s0 =	simm.s32 @!p0 $0x1  }
0x41: {  	_ =	swait.ge @!p0 [sflag:s0], s1  }
0x42: {  	s1 =	ssub.s32 @!p0 $0x0, s1;
	[sflag:s0] =	ssyncset.done @!p0 $0x0  }
0x43: {  	[sflag:s0] =	ssyncadd.s32 @!p0 s1  }
0x44: {  	[bflag:$0x3] =	sbarrier.arrive $0xFFFF  }
0x45: {  	_ =	shalt  }

// kernel: kernel.52.cloned.1.call-start
scs
__scs_entry_jumppad:
0x0: {  	(pc) =	sbr.rel $0x88, $3  }
0x1: {  	(tag) =	ssettag $0x0;
	lr =	simm.s32 $0x1  }
0x2: {  	[smem:$0x3F88] =	sst lr;
	_ =	strace $0xD0000000  }
0x3: {  	_ = 	snop  }
0x4: {  	_ = 	snop  }
0x5: {  	_ = 	snop  }
0x6: {  	_ = 	snop  }
0x7: {  	_ = 	snop  }
__scs_overlays_trampoline_lowered:
0x8: {  	[smem:$0x3F97] =	sst s0  }
0x9: {  	[smem:$0x3F98] =	sst s1  }
0xa: {  	[smem:$0x3F99] =	sst s2  }
0xb: {  	[smem:$0x3F9A] =	sst s3  }
0xc: {  	[smem:$0x3F9B] =	sst s4  }
0xd: {  	[smem:$0x3F9C] =	sst s5  }
0xe: {  	[smem:$0x3F9D] =	sst s6  }
0xf: {  	[smem:$0x3F9E] =	sst s7  }
0x10: {  	[smem:$0x3F9F] =	sst s8  }
0x11: {  	[smem:$0x3FA0] =	sst s9;
	s0 =	simm.s32 @!p0 $0x0  }
0x12: {  	s1 =	sld [smem:$0x3F86];
	s0 =	simm.s32 @p0 $0x1  }
0x13: {  	[smem:$0x3FA1] =	sst s0;
	s0 =	simm.s32 @!p1 $0x0  }
0x14: {  	s2 =	sld [smem:$0x3F85];
	s0 =	simm.s32 @p1 $0x1  }
0x15: {  	[smem:$0x3FA2] =	sst s0;
	s0 =	simm.s32 @!p2 $0x0  }
0x16: {  	s3 =	sld [smem:$0x3FDB];
	s0 =	simm.s32 @p2 $0x1  }
0x17: {  	s4 =	simm.s32 $0x1BF5;
	[smem:$0x3FA4] =	sst s0  }
0x18: {  	s0 =	sld [smem:$0x3F87];
	_ =	swait.ge [sflag:s4], $0x0  }
0x19: {  	s7 =	sld [smem:$0x3F88]  }
0x1a: {  	s8 =	sadd.s32 $0xFFFFE003, lr  }
0x1b: {  	s9 =	sadd.s32 $0xFFFFFEF7, lr;
	s5 =	simm.s32 $0xFFFFFFFF;
	p2 =	slt.u32 s8, $0xFFFFF086  }
0x1c: {  	p1 =	slt.u32 s9, $0xF7A;
	s5 =	simm.s32 @!p2 $0x0  }
0x1d: {  	s5 =	simm.s32 @p1 $0x1;
	p0 =	seq.s32 s7, s2  }
0x1e: {  	s7 =	smul.u32 @!p0 $0xF7A, s2;
	p2 =	seq.s32 @!p0 s5, $0x0  }
0x1f: {  	s9 =	smul.u32 $0xF7A, s1;
	s8 =	simm.s32 @!p0 $0x1BF5;
	p2 =	por !p2, p0  }
0x20: {  	[sflag:s8] =	ssyncset.s32 @!p0 $0xFFFFF086;
	s6 =	sadd.s32 @!p0 s3, s7;
	s7 =	simm.s32 @!p0 $0x108  }
0x21: {  	s3 =	sadd.s32 s3, s9;
	s6 =	sadd.s32 @!p0 $0x88, s6;
	s7 =	simm.s32 @p2 $0x1082  }
0x22: {  	[simem:s7], [sflag:s8] =	dma.local @!p0 [hbm:s6], $0xF7A  }
0x23: {  	s9 =	sor.u32 $0xD0000000, s2;
	s6 =	simm.s32 $0x108;
	_ =	swait.ge @!p0 [sflag:s8], $0x0  }
0x24: {  	s3 =	sadd.s32 $0x88, s3;
	s6 =	simm.s32 @!p1 $0x1082;
	[sflag:s4] =	ssyncset.s32 $0xFFFFF086  }
0x25: {  	[simem:s6], [sflag:s4] =	dma.local [hbm:s3], $0xF7A  }
0x26: {  	[smem:$0x3F88] =	sst s1;
	(tag) =	ssettag s2;
	_ =	strace s9  }
0x27: {  	s1 =	sld [smem:$0x3F98]  }
0x28: {  	s2 =	sld [smem:$0x3F99]  }
0x29: {  	s4 =	sld [smem:$0x3F9B]  }
0x2a: {  	p0 =	seq.s32 s5, $0x0;
	s5 =	sld [smem:$0x3F9C]  }
0x2b: {  	s6 =	sld [smem:$0x3F9D]  }
0x2c: {  	s7 =	sld [smem:$0x3F9E]  }
0x2d: {  	s3 =	simm.s32 $0x108;
	s8 =	sld [smem:$0x3F9F]  }
0x2e: {  	s3 =	simm.s32 @!p0 $0x1082;
	s9 =	sld [smem:$0x3FA0]  }
0x2f: {  	lr =	sadd.s32 s0, s3;
	s0 =	sld [smem:$0x3F97]  }
0x30: {  	s3 =	sld [smem:$0x3F9A]  }
0x31: {  	[smem:$0x3FA3] =	sst s10  }
0x32: {  	s10 =	sld [smem:$0x3FA1];
	_ =	sdelay $0x3  }
0x33: {  	p0 =	seq.s32 s10, $0x1;
	s10 =	sld [smem:$0x3FA3];
	_ =	sdelay $0x3  }
0x34: {  	[smem:$0x3FA3] =	sst s10  }
0x35: {  	s10 =	sld [smem:$0x3FA2];
	_ =	sdelay $0x3  }
0x36: {  	p1 =	seq.s32 s10, $0x1;
	s10 =	sld [smem:$0x3FA3];
	_ =	sdelay $0x3  }
0x37: {  	[smem:$0x3FA3] =	sst s10  }
0x38: {  	s10 =	sld [smem:$0x3FA4]  }
0x39: {  	_ = 	snop;
	(pc) =	sbr.ind lr, $3  }
0x3a: {  	_ = 	snop  }
0x3b: {  	_ = 	snop  }
0x3c: {  	p2 =	seq.s32 s10, $0x1;
	s10 =	sld [smem:$0x3FA3]  }
0x3d: {  	_ =	shalt  }
0x3e: {  	_ =	shalt  }
0x3f: {  	_ =	shalt  }
0x40: {  	_ =	shalt  }
0x41: {  	_ =	shalt  }
0x42: {  	_ =	shalt  }
0x43: {  	_ =	shalt  }
0x44: {  	_ =	shalt  }
0x45: {  	_ =	shalt  }
0x46: {  	_ =	shalt  }
0x47: {  	_ =	shalt  }
0x48: {  	_ =	shalt  }
0x49: {  	_ =	shalt  }
0x4a: {  	_ =	shalt  }
0x4b: {  	_ =	shalt  }
0x4c: {  	_ =	shalt  }
0x4d: {  	_ =	shalt  }
0x4e: {  	_ =	shalt  }
0x4f: {  	_ =	shalt  }
0x50: {  	_ =	shalt  }
0x51: {  	_ =	shalt  }
0x52: {  	_ =	shalt  }
0x53: {  	_ =	shalt  }
0x54: {  	_ =	shalt  }
0x55: {  	_ =	shalt  }
0x56: {  	_ =	shalt  }
0x57: {  	_ =	shalt  }
0x58: {  	_ =	shalt  }
0x59: {  	_ =	shalt  }
0x5a: {  	_ =	shalt  }
0x5b: {  	_ =	shalt  }
0x5c: {  	_ =	shalt  }
0x5d: {  	_ =	shalt  }
0x5e: {  	_ =	shalt  }
0x5f: {  	_ =	shalt  }
0x60: {  	_ =	shalt  }
0x61: {  	_ =	shalt  }
0x62: {  	_ =	shalt  }
0x63: {  	_ =	shalt  }
0x64: {  	_ =	shalt  }
0x65: {  	_ =	shalt  }
0x66: {  	_ =	shalt  }
0x67: {  	_ =	shalt  }
0x68: {  	_ =	shalt  }
0x69: {  	_ =	shalt  }
0x6a: {  	_ =	shalt  }
0x6b: {  	_ =	shalt  }
0x6c: {  	_ =	shalt  }
0x6d: {  	_ =	shalt  }
0x6e: {  	_ =	shalt  }
0x6f: {  	_ =	shalt  }
0x70: {  	_ =	shalt  }
0x71: {  	_ =	shalt  }
0x72: {  	_ =	shalt  }
0x73: {  	_ =	shalt  }
0x74: {  	_ =	shalt  }
0x75: {  	_ =	shalt  }
0x76: {  	_ =	shalt  }
0x77: {  	_ =	shalt  }
0x78: {  	_ =	shalt  }
0x79: {  	_ =	shalt  }
0x7a: {  	_ =	shalt  }
0x7b: {  	_ =	shalt  }
0x7c: {  	_ =	shalt  }
0x7d: {  	_ =	shalt  }
0x7e: {  	_ =	shalt  }
0x7f: {  	_ =	shalt  }
0x80: {  	_ =	shalt  }
0x81: {  	_ =	shalt  }
0x82: {  	_ =	shalt  }
0x83: {  	_ =	shalt  }
0x84: {  	_ =	shalt  }
0x85: {  	_ =	shalt  }
0x86: {  	_ =	shalt  }
0x87: {  	_ =	shalt  }
.Lfunc_end0:
.L_simem_size_0:
called_computation.8_lowered:
.L_overlay_start_0:
0x88: {  	s2 =	sld [smem:$0x3FD9]  }
0x89: {  	s3 =	sld [smem:$0x3FFE];
	_ =	sdelay $0x1  }
0x8a: {  	s1 =	srdreg.scid  }
0x8b: {  	s0 =	sand.u32 $0x1, s1  }
0x8c: {  	s16 =	sshll.u32 s0, $0xA;
	s2 =	sadd.s32 s3, s2  }
0x8d: {  	s2 =	sadd.s32 s2, s16  }
0x8e: {  	[smem:$0x3FAF] =	sst s2  }
0x8f: {  	_ = 	snop  }
0x90: {  	(tm) =	ssettm $0x1  }
0x91: {  	s17 =	sld [smem:$0x3FFB];
	_ =	sdelay $0x3  }
0x92: {  	_ =	strace s17  }
0x93: {  	s2 =	sld [smem:$0x3FFC];
	_ =	sdelay $0x3  }
0x94: {  	_ =	strace s2  }
0x95: {  	s2 =	sld [smem:$0x3FFD];
	_ =	sdelay $0x3  }
0x96: {  	_ =	strace s2  }
0x97: {  	_ =	strace $0x8FFFFFFF  }
0x98: {  	s18 =	sld [smem:$0x3FDB];
	_ =	sdelay $0x1  }
0x99: {  	s19 =	simm.s32 $_scs_section_size  }
0x9a: {  	s4 =	simm.s32 $_size__tile_overlayer_lowered;
	s5 =	simm.s32 $_tile_overlayer_lowered  }
0x9b: {  	s22 =	simm.s32 $0x1BFF;
	s21 =	sshll.u32 s5, $0x1;
	s2 =	sadd.s32 s19, s18  }
0x9c: {  	s6 =	simm.s32 $0x0;
	s20 =	sshll.u32 s4, $0x1;
	s4 =	sadd.s32 s21, s2  }
0x9d: {  	[timem:s6], [sflag:s22] =	dma.local [hbm:s4], s20  }
0x9e: {  	_ =	swait.ge [sflag:s22], s20  }
0x9f: {  	s3 =	ssub.s32 $0x0, s20;
	[sflag:s22] =	ssyncset.done $0x0  }
0xa0: {  	[sflag:s22] =	ssyncadd.s32 s3;
	_ =	sdelay $0x1  }
0xa1: {  	s23 =	simm.s32 $0x1B8B  }
0xa2: {  	_ =	swait.ge [sflag:s23], $0x1  }
0xa3: {  	[sflag:s23] =	ssyncset.done $0x0  }
0xa4: {  	s25 =	simm.s32 $0x1B8E;
	s24 =	sld [smem:$0x3FFE];
	[sflag:s23] =	ssyncadd.s32 $0xFFFFFFFF  }
0xa5: {  	s26 =	simm.s32 $execute0_lowered;
	[smem:$0x3FD2] =	sst s25  }
0xa6: {  	s4 =	sshll.u32 s26, $0x1;
	_ =	strace $0x8000005E;
	[dreg:$0x1] =	wrdreg $0xFFFFFFFF  }
0xa7: {  	s28 =	simm.s32 $_size_execute0_lowered;
	s2 =	sadd.s32 s2, s4;
	[dreg:$0x0] =	wrdreg $0x0  }
0xa8: {  	s4 =	sshll.u32 s28, $0x1;
	[dreg:$0x2] =	wrdreg s2  }
0xa9: {  	[dreg:$0x3] =	wrdreg s4  }
0xaa: {  	[dreg:$0x4] =	wrdreg $0xC0  }
0xab: {  	_ =	task [dreg:s6], $0x5FFFF  }
0xac: {  	[dreg:$0x1] =	wrdreg $0xFFFFFFFF  }
0xad: {  	[dreg:$0x0] =	wrdreg $0x60  }
0xae: {  	[dreg:$0x2] =	wrdreg s24  }
0xaf: {  	[dreg:$0x3] =	wrdreg $0x9  }
0xb0: {  	_ =	task.clear_ibuf [dreg:s6], $0x4FFFF;
	_ =	strace $0x9000005E  }
0xb1: {  	s29 =	simm.s32 $0x9;
	_ =	strace $0x80000060  }
0xb2: {  	_ =	swait.ge [sflag:s29], $0x1  }
0xb3: {  	[sflag:s29] =	ssyncadd.s32 $0xFFFFFFFF  }
0xb4: {  	_ =	strace $0x90000060  }
0xb5: {  	_ =	sfence  }
0xb6: {  	s30 =	sld [smem:$0x0];
	_ =	sdelay $0x2  }
0xb7: {  	s31 =	sshll.u32 s1, $0xD;
	s1 =	sshrl.u32 s1, $0x2  }
0xb8: {  	s3 =	sand.u32 $0x4000, s31;
	s1 =	sadd.s32 s1, s30  }
0xb9: {  	s0 =	sor.u32 s3, s0;
	s1 =	sshll.u32 s1, $0x11  }
0xba: {  	s0 =	sor.u32 s1, s0  }
0xbb: {  	s0 =	sadd.s32 $0x8F2B, s0  }
0xbc: {  	[sflag:s0] =	ssyncadd.remote.s32 $0x1  }
0xbd: {  	_ =	sfence.sel $0xFFFF  }
0xbe: {  	[dreg:$0x0] =	wrdreg $0xFFFFFFFF;
	(pc) =	sbr.abs _section_cstart, $3  }
0xbf: {  	[dreg:$0x1] =	wrdreg $0xFFFFFFFF  }
0xc0: {  	_ =	task.clear_ibuf [dreg:s6], $0x2FFFF;
	_ =	strace $0x9FFFFFFF  }
0xc1: {  	(tm) =	ssettm $0x7FFFFFFF  }
tec
execute0_lowered:
.L_overlay_start_1:
0x0: {  	(tag) =	ssettag $0x1  }
0x1: {  	s0 =	srdreg.scid  }
0x2: {  	s4 =	rddreg [dreg:$0x0];
	s1 =	stileid.u32;
	s2 =	simm.s32 $0x0  }
0x3: {  	s10 =	simm.s32 $0x1;
	s3 =	sand.u32 $0x1, s0;
	s0 =	rddreg [dreg:$0x1]  }
0x4: {  	s11 =	simm.s32 $0x0;
	[smem:$0x7FF] =	sst s2;
	s9 =	smul.u32 $0x2800, s1  }
0x5: {  	s5 =	sshll.u32 s3, $0x4;
	_ =	strace $0x8000005F;
	s6 =	smul.u32 $0x28000, s3  }
0x6: {  	s7 =	ssub.s32 $0x2, s3;
	s3 =	sadd.s32 $0x5BE00, s4;
	s5 =	sor.u32 s1, s5  }
0x7: {  	s8 =	sshrl.u32 s7, $0x1;
	s5 =	smul.u32 $0x140, s5;
	s6 =	sadd.s32 s6, s4  }
0x8: {  	s7 =	ssub.s32 s7, s8;
	s8 =	simm.s32 $0x80;
	s6 =	sadd.s32 s9, s6  }
0x9: {  	s9 =	simm.s32 $0xA00;
	s5 =	sadd.s32 s5, s4;
	s6 =	sadd.s32 $0x1F5C00, s6  }
0xa: {  	s4 =	sadd.s32 $0x7A00, s5;
	s5 =	smax.u32 s7, $0x1;
	s7 =	simm.s32 $0x2  }
.LBB2_1:
0xb: {  	[tilespmem:s2], [sflag:$0x2] =	stream.linear.gather [hbm4b:s4+s2], $0xA00, $0x38;
	[tilespmem:$0x1A00] =	vst v63  }
0xc: {  	_ =	swait.ge [sflag:s7], $0xA00  }
0xd: {  	[sflag:s7] =	ssyncset.done $0x0  }
0xe: {  	s12 =	simm.s32 $0x0;
	[sflag:s7] =	ssyncadd.s32 $0xFFFFF600  }
0xf: {  	[tilespmem:s9], [sflag:$0x1] =	stream.indirect.gather [hbm4b:s3+s8], $0x20, s12, s8, $0xb8;
	[tilespmem:$0x1A00] =	vst v63  }
0x10: {  	_ =	swait.ge [sflag:s10], $0x1000  }
0x11: {  	[sflag:s10] =	ssyncset.done $0x0  }
0x12: {  	s31 =	sadd.s32 $0x0, s6;
	[sflag:s10] =	ssyncadd.s32 $0xFFFFF000  }
0x13: {  	[hbm4b:s31+s2] =	stream.linear.scatter [tilespmem:s9], [sflag:$0x2], $0x1000, $0x38;
	[tilespmem:$0x1A00] =	vst v63  }
0x14: {  	_ =	swait.ge [sflag:s7], $0x1000  }
0x15: {  	s13 =	simm.s32 $0x400;
	s12 =	simm.s32 $0x200;
	[sflag:s7] =	ssyncset.done $0x0  }
.LBB2_2:
0x16: {  	s14 =	sshra.s32 s12, $0x2  }
0x17: {  	[sflag:s7] =	ssyncadd.s32 $0xFFFFF000;
	s15 =	smov.u32 s13;
	s16 =	sadd.s32 $0x200, s13  }
0x18: {  	[tilespmem:s9], [sflag:$0x1] =	stream.indirect.gather [hbm4b:s3+s8], $0x20, s14, s8, $0xb8;
	[tilespmem:$0x1A00] =	vst v63  }
0x19: {  	p0 =	sne.s32 s13, $0x2600;
	_ =	swait.ge [sflag:s10], $0x1000  }
.Ltmp0:
0x1a: {  	[sflag:s10] =	ssyncset.done $0x0;
	(pc) =	sbr.rel @p0 .LBB2_2-.Ltmp0, $4  }
0x1b: {  	s13 =	sadd.s32 s12, s6;
	s12 =	smov.u32 s15;
	[sflag:s10] =	ssyncadd.s32 $0xFFFFF000  }
0x1c: {  	[hbm4b:s13+s2] =	stream.linear.scatter [tilespmem:s9], [sflag:$0x2], $0x1000, $0x38;
	[tilespmem:$0x1A00] =	vst v63  }
0x1d: {  	_ =	swait.ge [sflag:s7], $0x1000  }
0x1e: {  	s13 =	smov.u32 s16;
	[sflag:s7] =	ssyncset.done $0x0  }
0x1f: {  	s13 =	sshra.s32 s12, $0x2;
	[sflag:s7] =	ssyncadd.s32 $0xFFFFF000  }
0x20: {  	[tilespmem:s9], [sflag:$0x1] =	stream.indirect.gather [hbm4b:s3+s8], $0x20, s13, s8, $0xb8;
	[tilespmem:$0x1A00] =	vst v63  }
0x21: {  	s11 =	sadd.s32 $0x1, s11;
	_ =	swait.ge [sflag:s10], $0x1000  }
0x22: {  	p0 =	sne.s32 s11, s5;
	[sflag:s10] =	ssyncset.done $0x0  }
.Ltmp1:
0x23: {  	s31 =	sadd.s32 s12, s6;
	[sflag:s10] =	ssyncadd.s32 $0xFFFFF000;
	(pc) =	sbr.rel @p0 .LBB2_1-.Ltmp1, $4  }
0x24: {  	[hbm4b:s31+s2] =	stream.linear.scatter [tilespmem:s9], [sflag:$0x2], $0x1000, $0x38;
	[tilespmem:$0x1A00] =	vst v63  }
0x25: {  	_ =	swait.ge [sflag:s7], $0x1000  }
0x26: {  	[sflag:s7] =	ssyncset.done $0x0  }
0x27: {  	[sflag:s7] =	ssyncadd.s32 $0xFFFFF000  }
0x28: {  	_ =	sfence.sel $0x180000  }
0x29: {  	[bflag:$0x0] =	sbarrier.arrive $0xFFFF  }
0x2a: {  	p0 =	sne.s32 s1, $0x0;
	_ =	strace $0x9000005F  }
0x2b: {  	s0 =	sadd.s32 @!p0 $0x100000, s0;
	[bflag:$0x2] =	sbarrier.arrive $0xFFFF  }
0x2c: {  	[sflag:s0] =	ssyncadd.tile.s32 @!p0 $0x1;
	_ =	shalt  }
.Lfunc_end2:
_tile_overlayer_lowered:
.L_overlay_start_2:
0x2d: {  	(tag) =	ssettag $0x2  }
0x2e: {  	s0 =	rddreg [dreg:$0x0];
	s2 =	stileid.u32  }
0x2f: {  	s1 =	rddreg [dreg:$0x1];
	p0 =	sne.s32 s2, $0x0  }
0x30: {  	s3 =	rddreg [dreg:$0x2];
	[bflag:$0x3] =	sbarrier.arrive $0xFFFF;
	s2 =	simm.s32 @!p0 $0x1C02  }
0x31: {  	[timem:s3], [sflag:s2] =	dma.local @!p0 [hbm:s0], s1  }
0x32: {  	s0 =	simm.s32 @!p0 $0x2  }
0x33: {  	_ =	swait.ge @!p0 [sflag:s0], s1  }
0x34: {  	s1 =	ssub.s32 @!p0 $0x0, s1;
	[sflag:s0] =	ssyncset.done @!p0 $0x0  }
0x35: {  	[sflag:s0] =	ssyncadd.s32 @!p0 s1  }
0x36: {  	[bflag:$0x3] =	sbarrier.arrive $0xFFFF  }
0x37: {  	_ =	shalt  }

// kernel: kernel.55.cloned.1.call-start
scs
__scs_entry_jumppad:
0x0: {  	(pc) =	sbr.rel $0x88, $3  }
0x1: {  	(tag) =	ssettag $0x0;
	lr =	simm.s32 $0x1  }
0x2: {  	[smem:$0x3F88] =	sst lr;
	_ =	strace $0xD0000000  }
0x3: {  	_ = 	snop  }
0x4: {  	_ = 	snop  }
0x5: {  	_ = 	snop  }
0x6: {  	_ = 	snop  }
0x7: {  	_ = 	snop  }
__scs_overlays_trampoline_lowered:
0x8: {  	[smem:$0x3F97] =	sst s0  }
0x9: {  	[smem:$0x3F98] =	sst s1  }
0xa: {  	[smem:$0x3F99] =	sst s2  }
0xb: {  	[smem:$0x3F9A] =	sst s3  }
0xc: {  	[smem:$0x3F9B] =	sst s4  }
0xd: {  	[smem:$0x3F9C] =	sst s5  }
0xe: {  	[smem:$0x3F9D] =	sst s6  }
0xf: {  	[smem:$0x3F9E] =	sst s7  }
0x10: {  	[smem:$0x3F9F] =	sst s8  }
0x11: {  	[smem:$0x3FA0] =	sst s9;
	s0 =	simm.s32 @!p0 $0x0  }
0x12: {  	s1 =	sld [smem:$0x3F86];
	s0 =	simm.s32 @p0 $0x1  }
0x13: {  	[smem:$0x3FA1] =	sst s0;
	s0 =	simm.s32 @!p1 $0x0  }
0x14: {  	s2 =	sld [smem:$0x3F85];
	s0 =	simm.s32 @p1 $0x1  }
0x15: {  	[smem:$0x3FA2] =	sst s0;
	s0 =	simm.s32 @!p2 $0x0  }
0x16: {  	s3 =	sld [smem:$0x3FDB];
	s0 =	simm.s32 @p2 $0x1  }
0x17: {  	s4 =	simm.s32 $0x1BF5;
	[smem:$0x3FA4] =	sst s0  }
0x18: {  	s0 =	sld [smem:$0x3F87];
	_ =	swait.ge [sflag:s4], $0x0  }
0x19: {  	s7 =	sld [smem:$0x3F88]  }
0x1a: {  	s8 =	sadd.s32 $0xFFFFE003, lr  }
0x1b: {  	s9 =	sadd.s32 $0xFFFFFEF7, lr;
	s5 =	simm.s32 $0xFFFFFFFF;
	p2 =	slt.u32 s8, $0xFFFFF086  }
0x1c: {  	p1 =	slt.u32 s9, $0xF7A;
	s5 =	simm.s32 @!p2 $0x0  }
0x1d: {  	s5 =	simm.s32 @p1 $0x1;
	p0 =	seq.s32 s7, s2  }
0x1e: {  	s7 =	smul.u32 @!p0 $0xF7A, s2;
	p2 =	seq.s32 @!p0 s5, $0x0  }
0x1f: {  	s9 =	smul.u32 $0xF7A, s1;
	s8 =	simm.s32 @!p0 $0x1BF5;
	p2 =	por !p2, p0  }
0x20: {  	[sflag:s8] =	ssyncset.s32 @!p0 $0xFFFFF086;
	s6 =	sadd.s32 @!p0 s3, s7;
	s7 =	simm.s32 @!p0 $0x108  }
0x21: {  	s3 =	sadd.s32 s3, s9;
	s6 =	sadd.s32 @!p0 $0x88, s6;
	s7 =	simm.s32 @p2 $0x1082  }
0x22: {  	[simem:s7], [sflag:s8] =	dma.local @!p0 [hbm:s6], $0xF7A  }
0x23: {  	s9 =	sor.u32 $0xD0000000, s2;
	s6 =	simm.s32 $0x108;
	_ =	swait.ge @!p0 [sflag:s8], $0x0  }
0x24: {  	s3 =	sadd.s32 $0x88, s3;
	s6 =	simm.s32 @!p1 $0x1082;
	[sflag:s4] =	ssyncset.s32 $0xFFFFF086  }
0x25: {  	[simem:s6], [sflag:s4] =	dma.local [hbm:s3], $0xF7A  }
0x26: {  	[smem:$0x3F88] =	sst s1;
	(tag) =	ssettag s2;
	_ =	strace s9  }
0x27: {  	s1 =	sld [smem:$0x3F98]  }
0x28: {  	s2 =	sld [smem:$0x3F99]  }
0x29: {  	s4 =	sld [smem:$0x3F9B]  }
0x2a: {  	p0 =	seq.s32 s5, $0x0;
	s5 =	sld [smem:$0x3F9C]  }
0x2b: {  	s6 =	sld [smem:$0x3F9D]  }
0x2c: {  	s7 =	sld [smem:$0x3F9E]  }
0x2d: {  	s3 =	simm.s32 $0x108;
	s8 =	sld [smem:$0x3F9F]  }
0x2e: {  	s3 =	simm.s32 @!p0 $0x1082;
	s9 =	sld [smem:$0x3FA0]  }
0x2f: {  	lr =	sadd.s32 s0, s3;
	s0 =	sld [smem:$0x3F97]  }
0x30: {  	s3 =	sld [smem:$0x3F9A]  }
0x31: {  	[smem:$0x3FA3] =	sst s10  }
0x32: {  	s10 =	sld [smem:$0x3FA1];
	_ =	sdelay $0x3  }
0x33: {  	p0 =	seq.s32 s10, $0x1;
	s10 =	sld [smem:$0x3FA3];
	_ =	sdelay $0x3  }
0x34: {  	[smem:$0x3FA3] =	sst s10  }
0x35: {  	s10 =	sld [smem:$0x3FA2];
	_ =	sdelay $0x3  }
0x36: {  	p1 =	seq.s32 s10, $0x1;
	s10 =	sld [smem:$0x3FA3];
	_ =	sdelay $0x3  }
0x37: {  	[smem:$0x3FA3] =	sst s10  }
0x38: {  	s10 =	sld [smem:$0x3FA4]  }
0x39: {  	_ = 	snop;
	(pc) =	sbr.ind lr, $3  }
0x3a: {  	_ = 	snop  }
0x3b: {  	_ = 	snop  }
0x3c: {  	p2 =	seq.s32 s10, $0x1;
	s10 =	sld [smem:$0x3FA3]  }
0x3d: {  	_ =	shalt  }
0x3e: {  	_ =	shalt  }
0x3f: {  	_ =	shalt  }
0x40: {  	_ =	shalt  }
0x41: {  	_ =	shalt  }
0x42: {  	_ =	shalt  }
0x43: {  	_ =	shalt  }
0x44: {  	_ =	shalt  }
0x45: {  	_ =	shalt  }
0x46: {  	_ =	shalt  }
0x47: {  	_ =	shalt  }
0x48: {  	_ =	shalt  }
0x49: {  	_ =	shalt  }
0x4a: {  	_ =	shalt  }
0x4b: {  	_ =	shalt  }
0x4c: {  	_ =	shalt  }
0x4d: {  	_ =	shalt  }
0x4e: {  	_ =	shalt  }
0x4f: {  	_ =	shalt  }
0x50: {  	_ =	shalt  }
0x51: {  	_ =	shalt  }
0x52: {  	_ =	shalt  }
0x53: {  	_ =	shalt  }
0x54: {  	_ =	shalt  }
0x55: {  	_ =	shalt  }
0x56: {  	_ =	shalt  }
0x57: {  	_ =	shalt  }
0x58: {  	_ =	shalt  }
0x59: {  	_ =	shalt  }
0x5a: {  	_ =	shalt  }
0x5b: {  	_ =	shalt  }
0x5c: {  	_ =	shalt  }
0x5d: {  	_ =	shalt  }
0x5e: {  	_ =	shalt  }
0x5f: {  	_ =	shalt  }
0x60: {  	_ =	shalt  }
0x61: {  	_ =	shalt  }
0x62: {  	_ =	shalt  }
0x63: {  	_ =	shalt  }
0x64: {  	_ =	shalt  }
0x65: {  	_ =	shalt  }
0x66: {  	_ =	shalt  }
0x67: {  	_ =	shalt  }
0x68: {  	_ =	shalt  }
0x69: {  	_ =	shalt  }
0x6a: {  	_ =	shalt  }
0x6b: {  	_ =	shalt  }
0x6c: {  	_ =	shalt  }
0x6d: {  	_ =	shalt  }
0x6e: {  	_ =	shalt  }
0x6f: {  	_ =	shalt  }
0x70: {  	_ =	shalt  }
0x71: {  	_ =	shalt  }
0x72: {  	_ =	shalt  }
0x73: {  	_ =	shalt  }
0x74: {  	_ =	shalt  }
0x75: {  	_ =	shalt  }
0x76: {  	_ =	shalt  }
0x77: {  	_ =	shalt  }
0x78: {  	_ =	shalt  }
0x79: {  	_ =	shalt  }
0x7a: {  	_ =	shalt  }
0x7b: {  	_ =	shalt  }
0x7c: {  	_ =	shalt  }
0x7d: {  	_ =	shalt  }
0x7e: {  	_ =	shalt  }
0x7f: {  	_ =	shalt  }
0x80: {  	_ =	shalt  }
0x81: {  	_ =	shalt  }
0x82: {  	_ =	shalt  }
0x83: {  	_ =	shalt  }
0x84: {  	_ =	shalt  }
0x85: {  	_ =	shalt  }
0x86: {  	_ =	shalt  }
0x87: {  	_ =	shalt  }
.Lfunc_end0:
.L_simem_size_0:
called_computation.9_lowered:
.L_overlay_start_0:
0x88: {  	s2 =	sld [smem:$0x3FD9]  }
0x89: {  	s3 =	sld [smem:$0x3FFE];
	_ =	sdelay $0x1  }
0x8a: {  	s1 =	srdreg.scid  }
0x8b: {  	s0 =	sand.u32 $0x1, s1  }
0x8c: {  	s16 =	sshll.u32 s0, $0xA;
	s2 =	sadd.s32 s3, s2  }
0x8d: {  	s2 =	sadd.s32 s2, s16  }
0x8e: {  	[smem:$0x3FAF] =	sst s2  }
0x8f: {  	_ = 	snop  }
0x90: {  	(tm) =	ssettm $0x1  }
0x91: {  	s17 =	sld [smem:$0x3FFB];
	_ =	sdelay $0x3  }
0x92: {  	_ =	strace s17  }
0x93: {  	s2 =	sld [smem:$0x3FFC];
	_ =	sdelay $0x3  }
0x94: {  	_ =	strace s2  }
0x95: {  	s2 =	sld [smem:$0x3FFD];
	_ =	sdelay $0x3  }
0x96: {  	_ =	strace s2  }
0x97: {  	_ =	strace $0x8FFFFFFF  }
0x98: {  	s18 =	sld [smem:$0x3FDB];
	_ =	sdelay $0x1  }
0x99: {  	s19 =	simm.s32 $_scs_section_size  }
0x9a: {  	s4 =	simm.s32 $_size__tile_overlayer_lowered;
	s5 =	simm.s32 $_tile_overlayer_lowered  }
0x9b: {  	s22 =	simm.s32 $0x1BFF;
	s21 =	sshll.u32 s5, $0x1;
	s2 =	sadd.s32 s19, s18  }
0x9c: {  	s6 =	simm.s32 $0x0;
	s20 =	sshll.u32 s4, $0x1;
	s4 =	sadd.s32 s21, s2  }
0x9d: {  	[timem:s6], [sflag:s22] =	dma.local [hbm:s4], s20  }
0x9e: {  	_ =	swait.ge [sflag:s22], s20  }
0x9f: {  	s3 =	ssub.s32 $0x0, s20;
	[sflag:s22] =	ssyncset.done $0x0  }
0xa0: {  	[sflag:s22] =	ssyncadd.s32 s3;
	_ =	sdelay $0x1  }
0xa1: {  	s23 =	simm.s32 $0x1B8B  }
0xa2: {  	_ =	swait.ge [sflag:s23], $0x1  }
0xa3: {  	[sflag:s23] =	ssyncset.done $0x0  }
0xa4: {  	s25 =	simm.s32 $0x1B8E;
	s24 =	sld [smem:$0x3FFE];
	[sflag:s23] =	ssyncadd.s32 $0xFFFFFFFF  }
0xa5: {  	s26 =	simm.s32 $execute0_lowered;
	[smem:$0x3FD2] =	sst s25  }
0xa6: {  	s4 =	sshll.u32 s26, $0x1;
	_ =	strace $0x80000061;
	[dreg:$0x1] =	wrdreg $0xFFFFFFFF  }
0xa7: {  	s28 =	simm.s32 $_size_execute0_lowered;
	s2 =	sadd.s32 s2, s4;
	[dreg:$0x0] =	wrdreg $0x0  }
0xa8: {  	s4 =	sshll.u32 s28, $0x1;
	[dreg:$0x2] =	wrdreg s2  }
0xa9: {  	[dreg:$0x3] =	wrdreg s4  }
0xaa: {  	[dreg:$0x4] =	wrdreg $0xC0  }
0xab: {  	_ =	task [dreg:s6], $0x5FFFF  }
0xac: {  	[dreg:$0x1] =	wrdreg $0xFFFFFFFF  }
0xad: {  	[dreg:$0x0] =	wrdreg $0x60  }
0xae: {  	[dreg:$0x2] =	wrdreg s24  }
0xaf: {  	[dreg:$0x3] =	wrdreg $0x1A000  }
0xb0: {  	[dreg:$0x4] =	wrdreg $0x9  }
0xb1: {  	_ =	task.clear_ibuf [dreg:s6], $0x5FFFF;
	_ =	strace $0x90000061  }
0xb2: {  	s29 =	simm.s32 $0x9;
	_ =	strace $0x80000063  }
0xb3: {  	_ =	swait.ge [sflag:s29], $0x1  }
0xb4: {  	[sflag:s29] =	ssyncadd.s32 $0xFFFFFFFF  }
0xb5: {  	_ =	strace $0x90000063  }
0xb6: {  	_ =	sfence  }
0xb7: {  	s30 =	sld [smem:$0x0];
	_ =	sdelay $0x2  }
0xb8: {  	s31 =	sshll.u32 s1, $0xD;
	s1 =	sshrl.u32 s1, $0x2  }
0xb9: {  	s3 =	sand.u32 $0x4000, s31;
	s1 =	sadd.s32 s1, s30  }
0xba: {  	s0 =	sor.u32 s3, s0;
	s1 =	sshll.u32 s1, $0x11  }
0xbb: {  	s0 =	sor.u32 s1, s0  }
0xbc: {  	s0 =	sadd.s32 $0x8F2B, s0  }
0xbd: {  	[sflag:s0] =	ssyncadd.remote.s32 $0x1  }
0xbe: {  	_ =	sfence.sel $0xFFFF  }
0xbf: {  	[dreg:$0x0] =	wrdreg $0xFFFFFFFF;
	(pc) =	sbr.abs _section_cstart, $3  }
0xc0: {  	[dreg:$0x1] =	wrdreg $0xFFFFFFFF  }
0xc1: {  	_ =	task.clear_ibuf [dreg:s6], $0x2FFFF;
	_ =	strace $0x9FFFFFFF  }
0xc2: {  	(tm) =	ssettm $0x7FFFFFFF  }
0xc3: {  	_ =	shalt  }
tec
execute0_lowered:
.L_overlay_start_1:
0x0: {  	(tag) =	ssettag $0x1  }
0x1: {  	s0 =	srdreg.scid;
	s5 =	rddreg [dreg:$0x0]  }
0x2: {  	s2 =	rddreg [dreg:$0x1];
	s4 =	sand.u32 $0x1, s0  }
0x3: {  	s3 =	simm.s32 $0x0;
	s0 =	stileid.u32;
	s6 =	smul.u32 $0x28000, s4  }
0x4: {  	s14 =	simm.s32 $0x0;
	[smem:$0x7FF] =	sst s3;
	s8 =	smul.u32 $0x4F00, s0  }
0x5: {  	s1 =	sshll.u32 s4, $0x4;
	s9 =	smul.u32 $0x4F000, s4;
	s4 =	ssub.s32 $0x2, s4  }
0x6: {  	s30 =	sshll.u32 s0, $0x6;
	s13 =	smul.u32 $0x2800, s0;
	s1 =	sor.u32 s0, s1  }
0x7: {  	s11 =	sshrl.u32 s4, $0x1;
	s7 =	smul.u32 $0x140, s1;
	s1 =	rddreg [dreg:$0x2]  }
0x8: {  	_ =	strace $0x80000062;
	s10 =	sadd.s32 s6, s5;
	s28 =	sadd.s32 s8, s9  }
0x9: {  	s29 =	sshrl.u32 s8, $0x3;
	s11 =	ssub.s32 s4, s11;
	s12 =	sadd.s32 s8, s2  }
0xa: {  	s9 =	sadd.s32 s29, s5;
	s8 =	smax.u32 s11, $0x1;
	s31 =	sadd.s32 s13, s10  }
0xb: {  	s10 =	sshrl.u32 s12, $0x3;
	s11 =	simm.s32 $0x1;
	s12 =	simm.s32 $0xA00  }
0xc: {  	s13 =	simm.s32 $0x80;
	s26 =	sadd.s32 s7, s5;
	s7 =	sshrl.u32 s28, $0x3  }
0xd: {  	s4 =	sadd.s32 $0xABE00, s9;
	s9 =	sadd.s32 $0x5BE00, s31;
	s7 =	sadd.s32 s7, s5  }
0xe: {  	s5 =	sor.u32 $0x1C01, s30;
	s6 =	sadd.s32 $0xA200, s26;
	s7 =	sadd.s32 $0x1F5C00, s7  }
.LBB2_1:
0xf: {  	[spmem:s10], [sflag:s5] =	dma.local [hbm:s4], $0x9E0  }
0x10: {  	_ =	swait.ge [sflag:s11], $0x9E0  }
0x11: {  	[sflag:s11] =	ssyncset.done $0x0  }
0x12: {  	[sflag:s11] =	ssyncadd.s32 $0xFFFFF620  }
0x13: {  	[tilespmem:s3], [sflag:$0x1] =	stream.linear.gather [hbm4b:s6+s3], $0xA00, $0x38;
	[tilespmem:$0x6900] =	vst v63  }
0x14: {  	_ =	swait.ge [sflag:s11], $0xA00  }
0x15: {  	[sflag:s11] =	ssyncset.done $0x0  }
0x16: {  	[sflag:s11] =	ssyncadd.s32 $0xFFFFF600  }
0x17: {  	s15 =	sadd.s32 $0x0, s9;
	[bflag:$0x0] =	sbarrier.arrive $0xFFFF  }
0x18: {  	[tilespmem:s12], [sflag:$0x1] =	stream.linear.gather [hbm4b:s15+s3], $0x1000, $0x38;
	[tilespmem:$0x6900] =	vst v63  }
0x19: {  	_ =	swait.ge [sflag:s11], $0x1000  }
0x1a: {  	[sflag:s11] =	ssyncset.done $0x0  }
0x1b: {  	s31 =	simm.s32 $0x0;
	[sflag:s11] =	ssyncadd.s32 $0xFFFFF000  }
0x1c: {  	[spmem:s2] =	stream.indirect.scatter.add.f32 [tilespmem:s12], [sflag:$0x1], $0x20, s31, s13, $0xb8;
	[tilespmem:$0x6900] =	vst v63  }
0x1d: {  	_ =	swait.ge [sflag:s11], $0x1000  }
0x1e: {  	s16 =	simm.s32 $0x400;
	s15 =	simm.s32 $0x200;
	[sflag:s11] =	ssyncset.done $0x0  }
.LBB2_2:
0x1f: {  	s17 =	sadd.s32 s15, s9  }
0x20: {  	[sflag:s11] =	ssyncadd.s32 $0xFFFFF000;
	s18 =	smov.u32 s16;
	s19 =	sadd.s32 $0x200, s16  }
0x21: {  	[tilespmem:s12], [sflag:$0x1] =	stream.linear.gather [hbm4b:s17+s3], $0x1000, $0x38;
	[tilespmem:$0x6900] =	vst v63  }
0x22: {  	p0 =	sne.s32 s16, $0x2600;
	_ =	swait.ge [sflag:s11], $0x1000  }
.Ltmp0:
0x23: {  	[sflag:s11] =	ssyncset.done $0x0;
	(pc) =	sbr.rel @p0 .LBB2_2-.Ltmp0, $4  }
0x24: {  	s16 =	sshra.s32 s15, $0x2;
	s15 =	smov.u32 s18;
	[sflag:s11] =	ssyncadd.s32 $0xFFFFF000  }
0x25: {  	[spmem:s2] =	stream.indirect.scatter.add.f32 [tilespmem:s12], [sflag:$0x1], $0x20, s16, s13, $0xb8;
	[tilespmem:$0x6900] =	vst v63  }
0x26: {  	_ =	swait.ge [sflag:s11], $0x1000  }
0x27: {  	s16 =	smov.u32 s19;
	[sflag:s11] =	ssyncset.done $0x0  }
0x28: {  	s16 =	sadd.s32 s15, s9;
	[sflag:s11] =	ssyncadd.s32 $0xFFFFF000  }
0x29: {  	[tilespmem:s12], [sflag:$0x1] =	stream.linear.gather [hbm4b:s16+s3], $0x1000, $0x38;
	[tilespmem:$0x6900] =	vst v63  }
0x2a: {  	_ =	swait.ge [sflag:s11], $0x1000  }
0x2b: {  	[sflag:s11] =	ssyncset.done $0x0  }
0x2c: {  	s31 =	sshra.s32 s15, $0x2;
	[sflag:s11] =	ssyncadd.s32 $0xFFFFF000  }
0x2d: {  	[spmem:s2] =	stream.indirect.scatter.add.f32 [tilespmem:s12], [sflag:$0x1], $0x20, s31, s13, $0xb8;
	[tilespmem:$0x6900] =	vst v63  }
0x2e: {  	_ =	swait.ge [sflag:s11], $0x1000  }
0x2f: {  	s14 =	sadd.s32 $0x1, s14;
	[sflag:s11] =	ssyncset.done $0x0  }
0x30: {  	p0 =	sne.s32 s14, s8;
	[sflag:s11] =	ssyncadd.s32 $0xFFFFF000  }
.Ltmp1:
0x31: {  	[bflag:$0x0] =	sbarrier.arrive $0xFFFF;
	(pc) =	sbr.rel @p0 .LBB2_1-.Ltmp1, $4  }
0x32: {  	[hbm:s7], [sflag:s5] =	dma.local [spmem:s10], $0x9E0  }
0x33: {  	_ =	swait.ge [sflag:s11], $0x9E0  }
0x34: {  	[sflag:s11] =	ssyncset.done $0x0  }
0x35: {  	[sflag:s11] =	ssyncadd.s32 $0xFFFFF620  }
0x36: {  	_ =	sfence.sel $0x180000  }
0x37: {  	[bflag:$0x0] =	sbarrier.arrive $0xFFFF  }
0x38: {  	p0 =	sne.s32 s0, $0x0;
	_ =	strace $0x90000062  }
0x39: {  	s0 =	sadd.s32 @!p0 $0x100000, s1;
	[bflag:$0x2] =	sbarrier.arrive $0xFFFF  }
0x3a: {  	[sflag:s0] =	ssyncadd.tile.s32 @!p0 $0x1;
	_ =	shalt  }
.Lfunc_end2:
_tile_overlayer_lowered:
.L_overlay_start_2:
0x3b: {  	(tag) =	ssettag $0x2  }
0x3c: {  	s0 =	rddreg [dreg:$0x0];
	s2 =	stileid.u32  }
0x3d: {  	s1 =	rddreg [dreg:$0x1];
	p0 =	sne.s32 s2, $0x0  }
0x3e: {  	s3 =	rddreg [dreg:$0x2];
	[bflag:$0x3] =	sbarrier.arrive $0xFFFF;
	s2 =	simm.s32 @!p0 $0x1C01  }
0x3f: {  	[timem:s3], [sflag:s2] =	dma.local @!p0 [hbm:s0], s1  }
0x40: {  	s0 =	simm.s32 @!p0 $0x1  }
0x41: {  	_ =	swait.ge @!p0 [sflag:s0], s1  }
0x42: {  	s1 =	ssub.s32 @!p0 $0x0, s1;
	[sflag:s0] =	ssyncset.done @!p0 $0x0  }
0x43: {  	[sflag:s0] =	ssyncadd.s32 @!p0 s1  }
0x44: {  	[bflag:$0x3] =	sbarrier.arrive $0xFFFF  }
0x45: {  	_ =	shalt  }

// kernel: kernel.58.cloned.1.call-start
scs
__scs_entry_jumppad:
0x0: {  	(pc) =	sbr.rel $0x88, $3  }
0x1: {  	(tag) =	ssettag $0x0;
	lr =	simm.s32 $0x1  }
0x2: {  	[smem:$0x3F88] =	sst lr;
	_ =	strace $0xD0000000  }
0x3: {  	_ = 	snop  }
0x4: {  	_ = 	snop  }
0x5: {  	_ = 	snop  }
0x6: {  	_ = 	snop  }
0x7: {  	_ = 	snop  }
__scs_overlays_trampoline_lowered:
0x8: {  	[smem:$0x3F97] =	sst s0  }
0x9: {  	[smem:$0x3F98] =	sst s1  }
0xa: {  	[smem:$0x3F99] =	sst s2  }
0xb: {  	[smem:$0x3F9A] =	sst s3  }
0xc: {  	[smem:$0x3F9B] =	sst s4  }
0xd: {  	[smem:$0x3F9C] =	sst s5  }
0xe: {  	[smem:$0x3F9D] =	sst s6  }
0xf: {  	[smem:$0x3F9E] =	sst s7  }
0x10: {  	[smem:$0x3F9F] =	sst s8  }
0x11: {  	[smem:$0x3FA0] =	sst s9;
	s0 =	simm.s32 @!p0 $0x0  }
0x12: {  	s1 =	sld [smem:$0x3F86];
	s0 =	simm.s32 @p0 $0x1  }
0x13: {  	[smem:$0x3FA1] =	sst s0;
	s0 =	simm.s32 @!p1 $0x0  }
0x14: {  	s2 =	sld [smem:$0x3F85];
	s0 =	simm.s32 @p1 $0x1  }
0x15: {  	[smem:$0x3FA2] =	sst s0;
	s0 =	simm.s32 @!p2 $0x0  }
0x16: {  	s3 =	sld [smem:$0x3FDB];
	s0 =	simm.s32 @p2 $0x1  }
0x17: {  	s4 =	simm.s32 $0x1BF5;
	[smem:$0x3FA4] =	sst s0  }
0x18: {  	s0 =	sld [smem:$0x3F87];
	_ =	swait.ge [sflag:s4], $0x0  }
0x19: {  	s7 =	sld [smem:$0x3F88]  }
0x1a: {  	s8 =	sadd.s32 $0xFFFFE003, lr  }
0x1b: {  	s9 =	sadd.s32 $0xFFFFFEF7, lr;
	s5 =	simm.s32 $0xFFFFFFFF;
	p2 =	slt.u32 s8, $0xFFFFF086  }
0x1c: {  	p1 =	slt.u32 s9, $0xF7A;
	s5 =	simm.s32 @!p2 $0x0  }
0x1d: {  	s5 =	simm.s32 @p1 $0x1;
	p0 =	seq.s32 s7, s2  }
0x1e: {  	s7 =	smul.u32 @!p0 $0xF7A, s2;
	p2 =	seq.s32 @!p0 s5, $0x0  }
0x1f: {  	s9 =	smul.u32 $0xF7A, s1;
	s8 =	simm.s32 @!p0 $0x1BF5;
	p2 =	por !p2, p0  }
0x20: {  	[sflag:s8] =	ssyncset.s32 @!p0 $0xFFFFF086;
	s6 =	sadd.s32 @!p0 s3, s7;
	s7 =	simm.s32 @!p0 $0x108  }
0x21: {  	s3 =	sadd.s32 s3, s9;
	s6 =	sadd.s32 @!p0 $0x88, s6;
	s7 =	simm.s32 @p2 $0x1082  }
0x22: {  	[simem:s7], [sflag:s8] =	dma.local @!p0 [hbm:s6], $0xF7A  }
0x23: {  	s9 =	sor.u32 $0xD0000000, s2;
	s6 =	simm.s32 $0x108;
	_ =	swait.ge @!p0 [sflag:s8], $0x0  }
0x24: {  	s3 =	sadd.s32 $0x88, s3;
	s6 =	simm.s32 @!p1 $0x1082;
	[sflag:s4] =	ssyncset.s32 $0xFFFFF086  }
0x25: {  	[simem:s6], [sflag:s4] =	dma.local [hbm:s3], $0xF7A  }
0x26: {  	[smem:$0x3F88] =	sst s1;
	(tag) =	ssettag s2;
	_ =	strace s9  }
0x27: {  	s1 =	sld [smem:$0x3F98]  }
0x28: {  	s2 =	sld [smem:$0x3F99]  }
0x29: {  	s4 =	sld [smem:$0x3F9B]  }
0x2a: {  	p0 =	seq.s32 s5, $0x0;
	s5 =	sld [smem:$0x3F9C]  }
0x2b: {  	s6 =	sld [smem:$0x3F9D]  }
0x2c: {  	s7 =	sld [smem:$0x3F9E]  }
0x2d: {  	s3 =	simm.s32 $0x108;
	s8 =	sld [smem:$0x3F9F]  }
0x2e: {  	s3 =	simm.s32 @!p0 $0x1082;
	s9 =	sld [smem:$0x3FA0]  }
0x2f: {  	lr =	sadd.s32 s0, s3;
	s0 =	sld [smem:$0x3F97]  }
0x30: {  	s3 =	sld [smem:$0x3F9A]  }
0x31: {  	[smem:$0x3FA3] =	sst s10  }
0x32: {  	s10 =	sld [smem:$0x3FA1];
	_ =	sdelay $0x3  }
0x33: {  	p0 =	seq.s32 s10, $0x1;
	s10 =	sld [smem:$0x3FA3];
	_ =	sdelay $0x3  }
0x34: {  	[smem:$0x3FA3] =	sst s10  }
0x35: {  	s10 =	sld [smem:$0x3FA2];
	_ =	sdelay $0x3  }
0x36: {  	p1 =	seq.s32 s10, $0x1;
	s10 =	sld [smem:$0x3FA3];
	_ =	sdelay $0x3  }
0x37: {  	[smem:$0x3FA3] =	sst s10  }
0x38: {  	s10 =	sld [smem:$0x3FA4]  }
0x39: {  	_ = 	snop;
	(pc) =	sbr.ind lr, $3  }
0x3a: {  	_ = 	snop  }
0x3b: {  	_ = 	snop  }
0x3c: {  	p2 =	seq.s32 s10, $0x1;
	s10 =	sld [smem:$0x3FA3]  }
0x3d: {  	_ =	shalt  }
0x3e: {  	_ =	shalt  }
0x3f: {  	_ =	shalt  }
0x40: {  	_ =	shalt  }
0x41: {  	_ =	shalt  }
0x42: {  	_ =	shalt  }
0x43: {  	_ =	shalt  }
0x44: {  	_ =	shalt  }
0x45: {  	_ =	shalt  }
0x46: {  	_ =	shalt  }
0x47: {  	_ =	shalt  }
0x48: {  	_ =	shalt  }
0x49: {  	_ =	shalt  }
0x4a: {  	_ =	shalt  }
0x4b: {  	_ =	shalt  }
0x4c: {  	_ =	shalt  }
0x4d: {  	_ =	shalt  }
0x4e: {  	_ =	shalt  }
0x4f: {  	_ =	shalt  }
0x50: {  	_ =	shalt  }
0x51: {  	_ =	shalt  }
0x52: {  	_ =	shalt  }
0x53: {  	_ =	shalt  }
0x54: {  	_ =	shalt  }
0x55: {  	_ =	shalt  }
0x56: {  	_ =	shalt  }
0x57: {  	_ =	shalt  }
0x58: {  	_ =	shalt  }
0x59: {  	_ =	shalt  }
0x5a: {  	_ =	shalt  }
0x5b: {  	_ =	shalt  }
0x5c: {  	_ =	shalt  }
0x5d: {  	_ =	shalt  }
0x5e: {  	_ =	shalt  }
0x5f: {  	_ =	shalt  }
0x60: {  	_ =	shalt  }
0x61: {  	_ =	shalt  }
0x62: {  	_ =	shalt  }
0x63: {  	_ =	shalt  }
0x64: {  	_ =	shalt  }
0x65: {  	_ =	shalt  }
0x66: {  	_ =	shalt  }
0x67: {  	_ =	shalt  }
0x68: {  	_ =	shalt  }
0x69: {  	_ =	shalt  }
0x6a: {  	_ =	shalt  }
0x6b: {  	_ =	shalt  }
0x6c: {  	_ =	shalt  }
0x6d: {  	_ =	shalt  }
0x6e: {  	_ =	shalt  }
0x6f: {  	_ =	shalt  }
0x70: {  	_ =	shalt  }
0x71: {  	_ =	shalt  }
0x72: {  	_ =	shalt  }
0x73: {  	_ =	shalt  }
0x74: {  	_ =	shalt  }
0x75: {  	_ =	shalt  }
0x76: {  	_ =	shalt  }
0x77: {  	_ =	shalt  }
0x78: {  	_ =	shalt  }
0x79: {  	_ =	shalt  }
0x7a: {  	_ =	shalt  }
0x7b: {  	_ =	shalt  }
0x7c: {  	_ =	shalt  }
0x7d: {  	_ =	shalt  }
0x7e: {  	_ =	shalt  }
0x7f: {  	_ =	shalt  }
0x80: {  	_ =	shalt  }
0x81: {  	_ =	shalt  }
0x82: {  	_ =	shalt  }
0x83: {  	_ =	shalt  }
0x84: {  	_ =	shalt  }
0x85: {  	_ =	shalt  }
0x86: {  	_ =	shalt  }
0x87: {  	_ =	shalt  }
.Lfunc_end0:
.L_simem_size_0:
called_computation.10_lowered:
.L_overlay_start_0:
0x88: {  	s2 =	sld [smem:$0x3FD9]  }
0x89: {  	s3 =	sld [smem:$0x3FFE];
	_ =	sdelay $0x1  }
0x8a: {  	s1 =	srdreg.scid  }
0x8b: {  	s0 =	sand.u32 $0x1, s1  }
0x8c: {  	s16 =	sshll.u32 s0, $0xA;
	s2 =	sadd.s32 s3, s2  }
0x8d: {  	s2 =	sadd.s32 s2, s16  }
0x8e: {  	[smem:$0x3FAF] =	sst s2  }
0x8f: {  	_ = 	snop  }
0x90: {  	(tm) =	ssettm $0x1  }
0x91: {  	s17 =	sld [smem:$0x3FFB];
	_ =	sdelay $0x3  }
0x92: {  	_ =	strace s17  }
0x93: {  	s2 =	sld [smem:$0x3FFC];
	_ =	sdelay $0x3  }
0x94: {  	_ =	strace s2  }
0x95: {  	s2 =	sld [smem:$0x3FFD];
	_ =	sdelay $0x3  }
0x96: {  	_ =	strace s2  }
0x97: {  	_ =	strace $0x8FFFFFFF  }
0x98: {  	s18 =	sld [smem:$0x3FDB];
	_ =	sdelay $0x1  }
0x99: {  	s19 =	simm.s32 $_scs_section_size  }
0x9a: {  	s4 =	simm.s32 $_size__tile_overlayer_lowered;
	s5 =	simm.s32 $_tile_overlayer_lowered  }
0x9b: {  	s22 =	simm.s32 $0x1BFF;
	s21 =	sshll.u32 s5, $0x1;
	s2 =	sadd.s32 s19, s18  }
0x9c: {  	s6 =	simm.s32 $0x0;
	s20 =	sshll.u32 s4, $0x1;
	s4 =	sadd.s32 s21, s2  }
0x9d: {  	[timem:s6], [sflag:s22] =	dma.local [hbm:s4], s20  }
0x9e: {  	_ =	swait.ge [sflag:s22], s20  }
0x9f: {  	s3 =	ssub.s32 $0x0, s20;
	[sflag:s22] =	ssyncset.done $0x0  }
0xa0: {  	[sflag:s22] =	ssyncadd.s32 s3;
	_ =	sdelay $0x1  }
0xa1: {  	s23 =	simm.s32 $0x1B8B  }
0xa2: {  	_ =	swait.ge [sflag:s23], $0x1  }
0xa3: {  	[sflag:s23] =	ssyncset.done $0x0  }
0xa4: {  	s25 =	simm.s32 $0x1B8E;
	s24 =	sld [smem:$0x3FFE];
	[sflag:s23] =	ssyncadd.s32 $0xFFFFFFFF  }
0xa5: {  	s26 =	simm.s32 $execute0_lowered;
	[smem:$0x3FD2] =	sst s25  }
0xa6: {  	s4 =	sshll.u32 s26, $0x1;
	_ =	strace $0x80000064;
	[dreg:$0x1] =	wrdreg $0xFFFFFFFF  }
0xa7: {  	s28 =	simm.s32 $_size_execute0_lowered;
	s2 =	sadd.s32 s2, s4;
	[dreg:$0x0] =	wrdreg $0x0  }
0xa8: {  	s4 =	sshll.u32 s28, $0x1;
	[dreg:$0x2] =	wrdreg s2  }
0xa9: {  	[dreg:$0x3] =	wrdreg s4  }
0xaa: {  	[dreg:$0x4] =	wrdreg $0xC0  }
0xab: {  	_ =	task [dreg:s6], $0x5FFFF  }
0xac: {  	[dreg:$0x1] =	wrdreg $0xFFFFFFFF  }
0xad: {  	[dreg:$0x0] =	wrdreg $0x60  }
0xae: {  	[dreg:$0x2] =	wrdreg s24  }
0xaf: {  	[dreg:$0x3] =	wrdreg $0x9  }
0xb0: {  	_ =	task.clear_ibuf [dreg:s6], $0x4FFFF;
	_ =	strace $0x90000064  }
0xb1: {  	s29 =	simm.s32 $0x9;
	_ =	strace $0x80000066  }
0xb2: {  	_ =	swait.ge [sflag:s29], $0x1  }
0xb3: {  	[sflag:s29] =	ssyncadd.s32 $0xFFFFFFFF  }
0xb4: {  	_ =	strace $0x90000066  }
0xb5: {  	_ =	sfence  }
0xb6: {  	s30 =	sld [smem:$0x0];
	_ =	sdelay $0x2  }
0xb7: {  	s31 =	sshll.u32 s1, $0xD;
	s1 =	sshrl.u32 s1, $0x2  }
0xb8: {  	s3 =	sand.u32 $0x4000, s31;
	s1 =	sadd.s32 s1, s30  }
0xb9: {  	s0 =	sor.u32 s3, s0;
	s1 =	sshll.u32 s1, $0x11  }
0xba: {  	s0 =	sor.u32 s1, s0  }
0xbb: {  	s0 =	sadd.s32 $0x8F2B, s0  }
0xbc: {  	[sflag:s0] =	ssyncadd.remote.s32 $0x1  }
0xbd: {  	_ =	sfence.sel $0xFFFF  }
0xbe: {  	[dreg:$0x0] =	wrdreg $0xFFFFFFFF;
	(pc) =	sbr.abs _section_cstart, $3  }
0xbf: {  	[dreg:$0x1] =	wrdreg $0xFFFFFFFF  }
0xc0: {  	_ =	task.clear_ibuf [dreg:s6], $0x2FFFF;
	_ =	strace $0x9FFFFFFF  }
0xc1: {  	(tm) =	ssettm $0x7FFFFFFF  }
tec
execute0_lowered:
.L_overlay_start_1:
0x0: {  	(tag) =	ssettag $0x1  }
0x1: {  	s0 =	srdreg.scid  }
0x2: {  	s4 =	rddreg [dreg:$0x0];
	s1 =	stileid.u32;
	s2 =	simm.s32 $0x0  }
0x3: {  	s10 =	simm.s32 $0x1;
	s3 =	sand.u32 $0x1, s0;
	s0 =	rddreg [dreg:$0x1]  }
0x4: {  	s11 =	simm.s32 $0x0;
	[smem:$0x7FF] =	sst s2;
	s9 =	smul.u32 $0x2800, s1  }
0x5: {  	s5 =	sshll.u32 s3, $0x4;
	_ =	strace $0x80000065;
	s6 =	smul.u32 $0x28000, s3  }
0x6: {  	s7 =	ssub.s32 $0x2, s3;
	s3 =	sadd.s32 $0xCA00, s4;
	s5 =	sor.u32 s1, s5  }
0x7: {  	s8 =	sshrl.u32 s7, $0x1;
	s5 =	smul.u32 $0x140, s5;
	s6 =	sadd.s32 s6, s4  }
0x8: {  	s7 =	ssub.s32 s7, s8;
	s8 =	simm.s32 $0x80;
	s6 =	sadd.s32 s9, s6  }
0x9: {  	s9 =	simm.s32 $0xA00;
	s5 =	sadd.s32 s5, s4;
	s6 =	sadd.s32 $0x5BE00, s6  }
0xa: {  	s4 =	sadd.s32 $0x7A00, s5;
	s5 =	smax.u32 s7, $0x1;
	s7 =	simm.s32 $0x2  }
.LBB2_1:
0xb: {  	[tilespmem:s2], [sflag:$0x2] =	stream.linear.gather [hbm4b:s4+s2], $0xA00, $0x38;
	[tilespmem:$0x1A00] =	vst v63  }
0xc: {  	_ =	swait.ge [sflag:s7], $0xA00  }
0xd: {  	[sflag:s7] =	ssyncset.done $0x0  }
0xe: {  	s12 =	simm.s32 $0x0;
	[sflag:s7] =	ssyncadd.s32 $0xFFFFF600  }
0xf: {  	[tilespmem:s9], [sflag:$0x1] =	stream.indirect.gather [hbm4b:s3+s8], $0x20, s12, s8, $0xb8;
	[tilespmem:$0x1A00] =	vst v63  }
0x10: {  	_ =	swait.ge [sflag:s10], $0x1000  }
0x11: {  	[sflag:s10] =	ssyncset.done $0x0  }
0x12: {  	s31 =	sadd.s32 $0x0, s6;
	[sflag:s10] =	ssyncadd.s32 $0xFFFFF000  }
0x13: {  	[hbm4b:s31+s2] =	stream.linear.scatter [tilespmem:s9], [sflag:$0x2], $0x1000, $0x38;
	[tilespmem:$0x1A00] =	vst v63  }
0x14: {  	_ =	swait.ge [sflag:s7], $0x1000  }
0x15: {  	s13 =	simm.s32 $0x400;
	s12 =	simm.s32 $0x200;
	[sflag:s7] =	ssyncset.done $0x0  }
.LBB2_2:
0x16: {  	s14 =	sshra.s32 s12, $0x2  }
0x17: {  	[sflag:s7] =	ssyncadd.s32 $0xFFFFF000;
	s15 =	smov.u32 s13;
	s16 =	sadd.s32 $0x200, s13  }
0x18: {  	[tilespmem:s9], [sflag:$0x1] =	stream.indirect.gather [hbm4b:s3+s8], $0x20, s14, s8, $0xb8;
	[tilespmem:$0x1A00] =	vst v63  }
0x19: {  	p0 =	sne.s32 s13, $0x2600;
	_ =	swait.ge [sflag:s10], $0x1000  }
.Ltmp0:
0x1a: {  	[sflag:s10] =	ssyncset.done $0x0;
	(pc) =	sbr.rel @p0 .LBB2_2-.Ltmp0, $4  }
0x1b: {  	s13 =	sadd.s32 s12, s6;
	s12 =	smov.u32 s15;
	[sflag:s10] =	ssyncadd.s32 $0xFFFFF000  }
0x1c: {  	[hbm4b:s13+s2] =	stream.linear.scatter [tilespmem:s9], [sflag:$0x2], $0x1000, $0x38;
	[tilespmem:$0x1A00] =	vst v63  }
0x1d: {  	_ =	swait.ge [sflag:s7], $0x1000  }
0x1e: {  	s13 =	smov.u32 s16;
	[sflag:s7] =	ssyncset.done $0x0  }
0x1f: {  	s13 =	sshra.s32 s12, $0x2;
	[sflag:s7] =	ssyncadd.s32 $0xFFFFF000  }
0x20: {  	[tilespmem:s9], [sflag:$0x1] =	stream.indirect.gather [hbm4b:s3+s8], $0x20, s13, s8, $0xb8;
	[tilespmem:$0x1A00] =	vst v63  }
0x21: {  	s11 =	sadd.s32 $0x1, s11;
	_ =	swait.ge [sflag:s10], $0x1000  }
0x22: {  	p0 =	sne.s32 s11, s5;
	[sflag:s10] =	ssyncset.done $0x0  }
.Ltmp1:
0x23: {  	s31 =	sadd.s32 s12, s6;
	[sflag:s10] =	ssyncadd.s32 $0xFFFFF000;
	(pc) =	sbr.rel @p0 .LBB2_1-.Ltmp1, $4  }
0x24: {  	[hbm4b:s31+s2] =	stream.linear.scatter [tilespmem:s9], [sflag:$0x2], $0x1000, $0x38;
	[tilespmem:$0x1A00] =	vst v63  }
0x25: {  	_ =	swait.ge [sflag:s7], $0x1000  }
0x26: {  	[sflag:s7] =	ssyncset.done $0x0  }
0x27: {  	[sflag:s7] =	ssyncadd.s32 $0xFFFFF000  }
0x28: {  	_ =	sfence.sel $0x180000  }
0x29: {  	[bflag:$0x0] =	sbarrier.arrive $0xFFFF  }
0x2a: {  	p0 =	sne.s32 s1, $0x0;
	_ =	strace $0x90000065  }
0x2b: {  	s0 =	sadd.s32 @!p0 $0x100000, s0;
	[bflag:$0x2] =	sbarrier.arrive $0xFFFF  }
0x2c: {  	[sflag:s0] =	ssyncadd.tile.s32 @!p0 $0x1;
	_ =	shalt  }
.Lfunc_end2:
_tile_overlayer_lowered:
.L_overlay_start_2:
0x2d: {  	(tag) =	ssettag $0x2  }
0x2e: {  	s0 =	rddreg [dreg:$0x0];
	s2 =	stileid.u32  }
0x2f: {  	s1 =	rddreg [dreg:$0x1];
	p0 =	sne.s32 s2, $0x0  }
0x30: {  	s3 =	rddreg [dreg:$0x2];
	[bflag:$0x3] =	sbarrier.arrive $0xFFFF;
	s2 =	simm.s32 @!p0 $0x1C02  }
0x31: {  	[timem:s3], [sflag:s2] =	dma.local @!p0 [hbm:s0], s1  }
0x32: {  	s0 =	simm.s32 @!p0 $0x2  }
0x33: {  	_ =	swait.ge @!p0 [sflag:s0], s1  }
0x34: {  	s1 =	ssub.s32 @!p0 $0x0, s1;
	[sflag:s0] =	ssyncset.done @!p0 $0x0  }
0x35: {  	[sflag:s0] =	ssyncadd.s32 @!p0 s1  }
0x36: {  	[bflag:$0x3] =	sbarrier.arrive $0xFFFF  }
0x37: {  	_ =	shalt  }

// kernel: kernel.61.cloned.1.call-start
scs
__scs_entry_jumppad:
0x0: {  	(pc) =	sbr.rel $0x88, $3  }
0x1: {  	(tag) =	ssettag $0x0;
	lr =	simm.s32 $0x1  }
0x2: {  	[smem:$0x3F88] =	sst lr;
	_ =	strace $0xD0000000  }
0x3: {  	_ = 	snop  }
0x4: {  	_ = 	snop  }
0x5: {  	_ = 	snop  }
0x6: {  	_ = 	snop  }
0x7: {  	_ = 	snop  }
__scs_overlays_trampoline_lowered:
0x8: {  	[smem:$0x3F97] =	sst s0  }
0x9: {  	[smem:$0x3F98] =	sst s1  }
0xa: {  	[smem:$0x3F99] =	sst s2  }
0xb: {  	[smem:$0x3F9A] =	sst s3  }
0xc: {  	[smem:$0x3F9B] =	sst s4  }
0xd: {  	[smem:$0x3F9C] =	sst s5  }
0xe: {  	[smem:$0x3F9D] =	sst s6  }
0xf: {  	[smem:$0x3F9E] =	sst s7  }
0x10: {  	[smem:$0x3F9F] =	sst s8  }
0x11: {  	[smem:$0x3FA0] =	sst s9;
	s0 =	simm.s32 @!p0 $0x0  }
0x12: {  	s1 =	sld [smem:$0x3F86];
	s0 =	simm.s32 @p0 $0x1  }
0x13: {  	[smem:$0x3FA1] =	sst s0;
	s0 =	simm.s32 @!p1 $0x0  }
0x14: {  	s2 =	sld [smem:$0x3F85];
	s0 =	simm.s32 @p1 $0x1  }
0x15: {  	[smem:$0x3FA2] =	sst s0;
	s0 =	simm.s32 @!p2 $0x0  }
0x16: {  	s3 =	sld [smem:$0x3FDB];
	s0 =	simm.s32 @p2 $0x1  }
0x17: {  	s4 =	simm.s32 $0x1BF5;
	[smem:$0x3FA4] =	sst s0  }
0x18: {  	s0 =	sld [smem:$0x3F87];
	_ =	swait.ge [sflag:s4], $0x0  }
0x19: {  	s7 =	sld [smem:$0x3F88]  }
0x1a: {  	s8 =	sadd.s32 $0xFFFFE003, lr  }
0x1b: {  	s9 =	sadd.s32 $0xFFFFFEF7, lr;
	s5 =	simm.s32 $0xFFFFFFFF;
	p2 =	slt.u32 s8, $0xFFFFF086  }
0x1c: {  	p1 =	slt.u32 s9, $0xF7A;
	s5 =	simm.s32 @!p2 $0x0  }
0x1d: {  	s5 =	simm.s32 @p1 $0x1;
	p0 =	seq.s32 s7, s2  }
0x1e: {  	s7 =	smul.u32 @!p0 $0xF7A, s2;
	p2 =	seq.s32 @!p0 s5, $0x0  }
0x1f: {  	s9 =	smul.u32 $0xF7A, s1;
	s8 =	simm.s32 @!p0 $0x1BF5;
	p2 =	por !p2, p0  }
0x20: {  	[sflag:s8] =	ssyncset.s32 @!p0 $0xFFFFF086;
	s6 =	sadd.s32 @!p0 s3, s7;
	s7 =	simm.s32 @!p0 $0x108  }
0x21: {  	s3 =	sadd.s32 s3, s9;
	s6 =	sadd.s32 @!p0 $0x88, s6;
	s7 =	simm.s32 @p2 $0x1082  }
0x22: {  	[simem:s7], [sflag:s8] =	dma.local @!p0 [hbm:s6], $0xF7A  }
0x23: {  	s9 =	sor.u32 $0xD0000000, s2;
	s6 =	simm.s32 $0x108;
	_ =	swait.ge @!p0 [sflag:s8], $0x0  }
0x24: {  	s3 =	sadd.s32 $0x88, s3;
	s6 =	simm.s32 @!p1 $0x1082;
	[sflag:s4] =	ssyncset.s32 $0xFFFFF086  }
0x25: {  	[simem:s6], [sflag:s4] =	dma.local [hbm:s3], $0xF7A  }
0x26: {  	[smem:$0x3F88] =	sst s1;
	(tag) =	ssettag s2;
	_ =	strace s9  }
0x27: {  	s1 =	sld [smem:$0x3F98]  }
0x28: {  	s2 =	sld [smem:$0x3F99]  }
0x29: {  	s4 =	sld [smem:$0x3F9B]  }
0x2a: {  	p0 =	seq.s32 s5, $0x0;
	s5 =	sld [smem:$0x3F9C]  }
0x2b: {  	s6 =	sld [smem:$0x3F9D]  }
0x2c: {  	s7 =	sld [smem:$0x3F9E]  }
0x2d: {  	s3 =	simm.s32 $0x108;
	s8 =	sld [smem:$0x3F9F]  }
0x2e: {  	s3 =	simm.s32 @!p0 $0x1082;
	s9 =	sld [smem:$0x3FA0]  }
0x2f: {  	lr =	sadd.s32 s0, s3;
	s0 =	sld [smem:$0x3F97]  }
0x30: {  	s3 =	sld [smem:$0x3F9A]  }
0x31: {  	[smem:$0x3FA3] =	sst s10  }
0x32: {  	s10 =	sld [smem:$0x3FA1];
	_ =	sdelay $0x3  }
0x33: {  	p0 =	seq.s32 s10, $0x1;
	s10 =	sld [smem:$0x3FA3];
	_ =	sdelay $0x3  }
0x34: {  	[smem:$0x3FA3] =	sst s10  }
0x35: {  	s10 =	sld [smem:$0x3FA2];
	_ =	sdelay $0x3  }
0x36: {  	p1 =	seq.s32 s10, $0x1;
	s10 =	sld [smem:$0x3FA3];
	_ =	sdelay $0x3  }
0x37: {  	[smem:$0x3FA3] =	sst s10  }
0x38: {  	s10 =	sld [smem:$0x3FA4]  }
0x39: {  	_ = 	snop;
	(pc) =	sbr.ind lr, $3  }
0x3a: {  	_ = 	snop  }
0x3b: {  	_ = 	snop  }
0x3c: {  	p2 =	seq.s32 s10, $0x1;
	s10 =	sld [smem:$0x3FA3]  }
0x3d: {  	_ =	shalt  }
0x3e: {  	_ =	shalt  }
0x3f: {  	_ =	shalt  }
0x40: {  	_ =	shalt  }
0x41: {  	_ =	shalt  }
0x42: {  	_ =	shalt  }
0x43: {  	_ =	shalt  }
0x44: {  	_ =	shalt  }
0x45: {  	_ =	shalt  }
0x46: {  	_ =	shalt  }
0x47: {  	_ =	shalt  }
0x48: {  	_ =	shalt  }
0x49: {  	_ =	shalt  }
0x4a: {  	_ =	shalt  }
0x4b: {  	_ =	shalt  }
0x4c: {  	_ =	shalt  }
0x4d: {  	_ =	shalt  }
0x4e: {  	_ =	shalt  }
0x4f: {  	_ =	shalt  }
0x50: {  	_ =	shalt  }
0x51: {  	_ =	shalt  }
0x52: {  	_ =	shalt  }
0x53: {  	_ =	shalt  }
0x54: {  	_ =	shalt  }
0x55: {  	_ =	shalt  }
0x56: {  	_ =	shalt  }
0x57: {  	_ =	shalt  }
0x58: {  	_ =	shalt  }
0x59: {  	_ =	shalt  }
0x5a: {  	_ =	shalt  }
0x5b: {  	_ =	shalt  }
0x5c: {  	_ =	shalt  }
0x5d: {  	_ =	shalt  }
0x5e: {  	_ =	shalt  }
0x5f: {  	_ =	shalt  }
0x60: {  	_ =	shalt  }
0x61: {  	_ =	shalt  }
0x62: {  	_ =	shalt  }
0x63: {  	_ =	shalt  }
0x64: {  	_ =	shalt  }
0x65: {  	_ =	shalt  }
0x66: {  	_ =	shalt  }
0x67: {  	_ =	shalt  }
0x68: {  	_ =	shalt  }
0x69: {  	_ =	shalt  }
0x6a: {  	_ =	shalt  }
0x6b: {  	_ =	shalt  }
0x6c: {  	_ =	shalt  }
0x6d: {  	_ =	shalt  }
0x6e: {  	_ =	shalt  }
0x6f: {  	_ =	shalt  }
0x70: {  	_ =	shalt  }
0x71: {  	_ =	shalt  }
0x72: {  	_ =	shalt  }
0x73: {  	_ =	shalt  }
0x74: {  	_ =	shalt  }
0x75: {  	_ =	shalt  }
0x76: {  	_ =	shalt  }
0x77: {  	_ =	shalt  }
0x78: {  	_ =	shalt  }
0x79: {  	_ =	shalt  }
0x7a: {  	_ =	shalt  }
0x7b: {  	_ =	shalt  }
0x7c: {  	_ =	shalt  }
0x7d: {  	_ =	shalt  }
0x7e: {  	_ =	shalt  }
0x7f: {  	_ =	shalt  }
0x80: {  	_ =	shalt  }
0x81: {  	_ =	shalt  }
0x82: {  	_ =	shalt  }
0x83: {  	_ =	shalt  }
0x84: {  	_ =	shalt  }
0x85: {  	_ =	shalt  }
0x86: {  	_ =	shalt  }
0x87: {  	_ =	shalt  }
.Lfunc_end0:
.L_simem_size_0:
called_computation.11_lowered:
.L_overlay_start_0:
0x88: {  	s2 =	sld [smem:$0x3FD9]  }
0x89: {  	s3 =	sld [smem:$0x3FFE];
	_ =	sdelay $0x1  }
0x8a: {  	s1 =	srdreg.scid  }
0x8b: {  	s0 =	sand.u32 $0x1, s1  }
0x8c: {  	s16 =	sshll.u32 s0, $0xA;
	s2 =	sadd.s32 s3, s2  }
0x8d: {  	s2 =	sadd.s32 s2, s16  }
0x8e: {  	[smem:$0x3FAF] =	sst s2  }
0x8f: {  	_ = 	snop  }
0x90: {  	(tm) =	ssettm $0x1  }
0x91: {  	s17 =	sld [smem:$0x3FFB];
	_ =	sdelay $0x3  }
0x92: {  	_ =	strace s17  }
0x93: {  	s2 =	sld [smem:$0x3FFC];
	_ =	sdelay $0x3  }
0x94: {  	_ =	strace s2  }
0x95: {  	s2 =	sld [smem:$0x3FFD];
	_ =	sdelay $0x3  }
0x96: {  	_ =	strace s2  }
0x97: {  	_ =	strace $0x8FFFFFFF  }
0x98: {  	s18 =	sld [smem:$0x3FDB];
	_ =	sdelay $0x1  }
0x99: {  	s19 =	simm.s32 $_scs_section_size  }
0x9a: {  	s4 =	simm.s32 $_size__tile_overlayer_lowered;
	s5 =	simm.s32 $_tile_overlayer_lowered  }
0x9b: {  	s22 =	simm.s32 $0x1BFF;
	s21 =	sshll.u32 s5, $0x1;
	s2 =	sadd.s32 s19, s18  }
0x9c: {  	s6 =	simm.s32 $0x0;
	s20 =	sshll.u32 s4, $0x1;
	s4 =	sadd.s32 s21, s2  }
0x9d: {  	[timem:s6], [sflag:s22] =	dma.local [hbm:s4], s20  }
0x9e: {  	_ =	swait.ge [sflag:s22], s20  }
0x9f: {  	s3 =	ssub.s32 $0x0, s20;
	[sflag:s22] =	ssyncset.done $0x0  }
0xa0: {  	[sflag:s22] =	ssyncadd.s32 s3;
	_ =	sdelay $0x1  }
0xa1: {  	s23 =	simm.s32 $0x1B8B  }
0xa2: {  	_ =	swait.ge [sflag:s23], $0x1  }
0xa3: {  	[sflag:s23] =	ssyncset.done $0x0  }
0xa4: {  	s25 =	simm.s32 $0x1B8E;
	s24 =	sld [smem:$0x3FFE];
	[sflag:s23] =	ssyncadd.s32 $0xFFFFFFFF  }
0xa5: {  	s26 =	simm.s32 $execute0_lowered;
	[smem:$0x3FD2] =	sst s25  }
0xa6: {  	s4 =	sshll.u32 s26, $0x1;
	_ =	strace $0x80000067;
	[dreg:$0x1] =	wrdreg $0xFFFFFFFF  }
0xa7: {  	s28 =	simm.s32 $_size_execute0_lowered;
	s2 =	sadd.s32 s2, s4;
	[dreg:$0x0] =	wrdreg $0x0  }
0xa8: {  	s4 =	sshll.u32 s28, $0x1;
	[dreg:$0x2] =	wrdreg s2  }
0xa9: {  	[dreg:$0x3] =	wrdreg s4  }
0xaa: {  	[dreg:$0x4] =	wrdreg $0xC0  }
0xab: {  	_ =	task [dreg:s6], $0x5FFFF  }
0xac: {  	[dreg:$0x1] =	wrdreg $0xFFFFFFFF  }
0xad: {  	[dreg:$0x0] =	wrdreg $0x60  }
0xae: {  	[dreg:$0x2] =	wrdreg s24  }
0xaf: {  	[dreg:$0x3] =	wrdreg $0x1A000  }
0xb0: {  	[dreg:$0x4] =	wrdreg $0x9  }
0xb1: {  	_ =	task.clear_ibuf [dreg:s6], $0x5FFFF;
	_ =	strace $0x90000067  }
0xb2: {  	s29 =	simm.s32 $0x9;
	_ =	strace $0x80000069  }
0xb3: {  	_ =	swait.ge [sflag:s29], $0x1  }
0xb4: {  	[sflag:s29] =	ssyncadd.s32 $0xFFFFFFFF  }
0xb5: {  	_ =	strace $0x90000069  }
0xb6: {  	_ =	sfence  }
0xb7: {  	s30 =	sld [smem:$0x0];
	_ =	sdelay $0x2  }
0xb8: {  	s31 =	sshll.u32 s1, $0xD;
	s1 =	sshrl.u32 s1, $0x2  }
0xb9: {  	s3 =	sand.u32 $0x4000, s31;
	s1 =	sadd.s32 s1, s30  }
0xba: {  	s0 =	sor.u32 s3, s0;
	s1 =	sshll.u32 s1, $0x11  }
0xbb: {  	s0 =	sor.u32 s1, s0  }
0xbc: {  	s0 =	sadd.s32 $0x8F2B, s0  }
0xbd: {  	[sflag:s0] =	ssyncadd.remote.s32 $0x1  }
0xbe: {  	_ =	sfence.sel $0xFFFF  }
0xbf: {  	[dreg:$0x0] =	wrdreg $0xFFFFFFFF;
	(pc) =	sbr.abs _section_cstart, $3  }
0xc0: {  	[dreg:$0x1] =	wrdreg $0xFFFFFFFF  }
0xc1: {  	_ =	task.clear_ibuf [dreg:s6], $0x2FFFF;
	_ =	strace $0x9FFFFFFF  }
0xc2: {  	(tm) =	ssettm $0x7FFFFFFF  }
0xc3: {  	_ =	shalt  }
tec
execute0_lowered:
.L_overlay_start_1:
0x0: {  	(tag) =	ssettag $0x1  }
0x1: {  	s0 =	srdreg.scid;
	s5 =	rddreg [dreg:$0x0]  }
0x2: {  	s2 =	rddreg [dreg:$0x1];
	s4 =	sand.u32 $0x1, s0  }
0x3: {  	s3 =	simm.s32 $0x0;
	s0 =	stileid.u32;
	s6 =	smul.u32 $0x28000, s4  }
0x4: {  	s14 =	simm.s32 $0x0;
	[smem:$0x7FF] =	sst s3;
	s8 =	smul.u32 $0x4F00, s0  }
0x5: {  	s1 =	sshll.u32 s4, $0x4;
	s9 =	smul.u32 $0x4F000, s4;
	s4 =	ssub.s32 $0x2, s4  }
0x6: {  	s30 =	sshll.u32 s0, $0x6;
	s13 =	smul.u32 $0x2800, s0;
	s1 =	sor.u32 s0, s1  }
0x7: {  	s11 =	sshrl.u32 s4, $0x1;
	s7 =	smul.u32 $0x140, s1;
	s1 =	rddreg [dreg:$0x2]  }
0x8: {  	_ =	strace $0x80000068;
	s10 =	sadd.s32 s6, s5;
	s28 =	sadd.s32 s8, s9  }
0x9: {  	s29 =	sshrl.u32 s8, $0x3;
	s11 =	ssub.s32 s4, s11;
	s12 =	sadd.s32 s8, s2  }
0xa: {  	s9 =	sadd.s32 s29, s5;
	s8 =	smax.u32 s11, $0x1;
	s31 =	sadd.s32 s13, s10  }
0xb: {  	s10 =	sshrl.u32 s12, $0x3;
	s11 =	simm.s32 $0x1;
	s12 =	simm.s32 $0xA00  }
0xc: {  	s13 =	simm.s32 $0x80;
	s26 =	sadd.s32 s7, s5;
	s7 =	sshrl.u32 s28, $0x3  }
0xd: {  	s4 =	sadd.s32 $0xABE00, s9;
	s9 =	sadd.s32 $0x5BE00, s31;
	s7 =	sadd.s32 s7, s5  }
0xe: {  	s5 =	sor.u32 $0x1C01, s30;
	s6 =	sadd.s32 $0xA200, s26;
	s7 =	sadd.s32 $0xCA00, s7  }
.LBB2_1:
0xf: {  	[spmem:s10], [sflag:s5] =	dma.local [hbm:s4], $0x9E0  }
0x10: {  	_ =	swait.ge [sflag:s11], $0x9E0  }
0x11: {  	[sflag:s11] =	ssyncset.done $0x0  }
0x12: {  	[sflag:s11] =	ssyncadd.s32 $0xFFFFF620  }
0x13: {  	[tilespmem:s3], [sflag:$0x1] =	stream.linear.gather [hbm4b:s6+s3], $0xA00, $0x38;
	[tilespmem:$0x6900] =	vst v63  }
0x14: {  	_ =	swait.ge [sflag:s11], $0xA00  }
0x15: {  	[sflag:s11] =	ssyncset.done $0x0  }
0x16: {  	[sflag:s11] =	ssyncadd.s32 $0xFFFFF600  }
0x17: {  	s15 =	sadd.s32 $0x0, s9;
	[bflag:$0x0] =	sbarrier.arrive $0xFFFF  }
0x18: {  	[tilespmem:s12], [sflag:$0x1] =	stream.linear.gather [hbm4b:s15+s3], $0x1000, $0x38;
	[tilespmem:$0x6900] =	vst v63  }
0x19: {  	_ =	swait.ge [sflag:s11], $0x1000  }
0x1a: {  	[sflag:s11] =	ssyncset.done $0x0  }
0x1b: {  	s31 =	simm.s32 $0x0;
	[sflag:s11] =	ssyncadd.s32 $0xFFFFF000  }
0x1c: {  	[spmem:s2] =	stream.indirect.scatter.add.f32 [tilespmem:s12], [sflag:$0x1], $0x20, s31, s13, $0xb8;
	[tilespmem:$0x6900] =	vst v63  }
0x1d: {  	_ =	swait.ge [sflag:s11], $0x1000  }
0x1e: {  	s16 =	simm.s32 $0x400;
	s15 =	simm.s32 $0x200;
	[sflag:s11] =	ssyncset.done $0x0  }
.LBB2_2:
0x1f: {  	s17 =	sadd.s32 s15, s9  }
0x20: {  	[sflag:s11] =	ssyncadd.s32 $0xFFFFF000;
	s18 =	smov.u32 s16;
	s19 =	sadd.s32 $0x200, s16  }
0x21: {  	[tilespmem:s12], [sflag:$0x1] =	stream.linear.gather [hbm4b:s17+s3], $0x1000, $0x38;
	[tilespmem:$0x6900] =	vst v63  }
0x22: {  	p0 =	sne.s32 s16, $0x2600;
	_ =	swait.ge [sflag:s11], $0x1000  }
.Ltmp0:
0x23: {  	[sflag:s11] =	ssyncset.done $0x0;
	(pc) =	sbr.rel @p0 .LBB2_2-.Ltmp0, $4  }
0x24: {  	s16 =	sshra.s32 s15, $0x2;
	s15 =	smov.u32 s18;
	[sflag:s11] =	ssyncadd.s32 $0xFFFFF000  }
0x25: {  	[spmem:s2] =	stream.indirect.scatter.add.f32 [tilespmem:s12], [sflag:$0x1], $0x20, s16, s13, $0xb8;
	[tilespmem:$0x6900] =	vst v63  }
0x26: {  	_ =	swait.ge [sflag:s11], $0x1000  }
0x27: {  	s16 =	smov.u32 s19;
	[sflag:s11] =	ssyncset.done $0x0  }
0x28: {  	s16 =	sadd.s32 s15, s9;
	[sflag:s11] =	ssyncadd.s32 $0xFFFFF000  }
0x29: {  	[tilespmem:s12], [sflag:$0x1] =	stream.linear.gather [hbm4b:s16+s3], $0x1000, $0x38;
	[tilespmem:$0x6900] =	vst v63  }
0x2a: {  	_ =	swait.ge [sflag:s11], $0x1000  }
0x2b: {  	[sflag:s11] =	ssyncset.done $0x0  }
0x2c: {  	s31 =	sshra.s32 s15, $0x2;
	[sflag:s11] =	ssyncadd.s32 $0xFFFFF000  }
0x2d: {  	[spmem:s2] =	stream.indirect.scatter.add.f32 [tilespmem:s12], [sflag:$0x1], $0x20, s31, s13, $0xb8;
	[tilespmem:$0x6900] =	vst v63  }
0x2e: {  	_ =	swait.ge [sflag:s11], $0x1000  }
0x2f: {  	s14 =	sadd.s32 $0x1, s14;
	[sflag:s11] =	ssyncset.done $0x0  }
0x30: {  	p0 =	sne.s32 s14, s8;
	[sflag:s11] =	ssyncadd.s32 $0xFFFFF000  }
.Ltmp1:
0x31: {  	[bflag:$0x0] =	sbarrier.arrive $0xFFFF;
	(pc) =	sbr.rel @p0 .LBB2_1-.Ltmp1, $4  }
0x32: {  	[hbm:s7], [sflag:s5] =	dma.local [spmem:s10], $0x9E0  }
0x33: {  	_ =	swait.ge [sflag:s11], $0x9E0  }
0x34: {  	[sflag:s11] =	ssyncset.done $0x0  }
0x35: {  	[sflag:s11] =	ssyncadd.s32 $0xFFFFF620  }
0x36: {  	_ =	sfence.sel $0x180000  }
0x37: {  	[bflag:$0x0] =	sbarrier.arrive $0xFFFF  }
0x38: {  	p0 =	sne.s32 s0, $0x0;
	_ =	strace $0x90000068  }
0x39: {  	s0 =	sadd.s32 @!p0 $0x100000, s1;
	[bflag:$0x2] =	sbarrier.arrive $0xFFFF  }
0x3a: {  	[sflag:s0] =	ssyncadd.tile.s32 @!p0 $0x1;
	_ =	shalt  }
.Lfunc_end2:
_tile_overlayer_lowered:
.L_overlay_start_2:
0x3b: {  	(tag) =	ssettag $0x2  }
0x3c: {  	s0 =	rddreg [dreg:$0x0];
	s2 =	stileid.u32  }
0x3d: {  	s1 =	rddreg [dreg:$0x1];
	p0 =	sne.s32 s2, $0x0  }
0x3e: {  	s3 =	rddreg [dreg:$0x2];
	[bflag:$0x3] =	sbarrier.arrive $0xFFFF;
	s2 =	simm.s32 @!p0 $0x1C01  }
0x3f: {  	[timem:s3], [sflag:s2] =	dma.local @!p0 [hbm:s0], s1  }
0x40: {  	s0 =	simm.s32 @!p0 $0x1  }
0x41: {  	_ =	swait.ge @!p0 [sflag:s0], s1  }
0x42: {  	s1 =	ssub.s32 @!p0 $0x0, s1;
	[sflag:s0] =	ssyncset.done @!p0 $0x0  }
0x43: {  	[sflag:s0] =	ssyncadd.s32 @!p0 s1  }
0x44: {  	[bflag:$0x3] =	sbarrier.arrive $0xFFFF  }
0x45: {  	_ =	shalt  }

</sc_bundles>
